<compile_context>
chip_gen: v7x
topology: tpu7x:2x2x1
jax: 0.10.2.dev20260603
libtpu: 0.0.44.dev20260713+nightly
codegen_flags: <defaults>
</compile_context>

<pallas_src>
import jax
import jax.numpy as jnp
from jax.experimental import pallas as pl
from jax.experimental.pallas import tpu as pltpu
from jax.experimental.pallas import tpu_sc as plsc

BS = 1024
NC = 200
NCU = 50
ED = 128
T = 128

G = 16
SC_WORKERS = 32
BPW = BS // SC_WORKERS


def _tc_body(cs_ref, task_ref, dyn_ref, mf_ref, nd_ref, nm_ref, d_ref, dmf_ref):
    i = pl.program_id(0)

    nd_ref[:, :T, :] = dyn_ref[...]
    nm_ref[:, :T, :] = mf_ref[...]

    lane = jax.lax.broadcasted_iota(jnp.int32, (1, NC), 1)
    sub = jax.lax.broadcasted_iota(jnp.int32, (NC, 1), 0)

    for g in range(G):
        b = i * G + g
        cs = cs_ref[b]
        task = task_ref[b].astype(jnp.float32)

        onehot_row = (lane == cs)
        nd_ref[g, T:T + 1, :] = jnp.where(onehot_row, task, 0.0)
        nm_ref[g, T:T + 1, :] = jnp.where(onehot_row, 0.0, -jnp.inf)

        onehot_col = (sub == cs).astype(jnp.float32)
        d_ref[g, :, :] = jax.lax.dot(
            dyn_ref[g], onehot_col,
            precision=jax.lax.Precision.HIGHEST,
            preferred_element_type=jnp.float32)
        dmf_ref[g, :, :] = jax.lax.dot(
            mf_ref[g], onehot_col,
            precision=jax.lax.Precision.HIGHEST,
            preferred_element_type=jnp.float32)


def _sc_gather_body(cs_hbm, st_hbm, sth_hbm, mfs_hbm, s_out, sh_out, mfs_out,
                    cs_v, idx_v, r_s, r_sh, r_mfs, sem, sem2):
    c = jax.lax.axis_index("c")
    s = jax.lax.axis_index("s")
    wid = s * 2 + c
    base = wid * BPW

    pltpu.sync_copy(cs_hbm.at[pl.ds(base, BPW)], cs_v)
    for j in range(BPW // 16):
        off = base + j * 16
        iota = jax.lax.broadcasted_iota(jnp.int32, (16,), 0)
        idx_v[pl.ds(j * 16, 16)] = cs_v[pl.ds(j * 16, 16)] + (iota + off) * NC

    sh_dma = pltpu.async_copy(sth_hbm.at[idx_v], r_sh, sem)

    fired = []
    for j16 in range(BPW // 16):
        vec = idx_v[pl.ds(j16 * 16, 16)]
        for l in range(16):
            j = j16 * 16 + l
            row = vec[l]
            fired.append(pltpu.async_copy(
                st_hbm.at[pl.ds(row, 1)], r_s.at[pl.ds(j, 1)], sem2))
            fired.append(pltpu.async_copy(
                mfs_hbm.at[pl.ds(row, 1)], r_mfs.at[pl.ds(j, 1)], sem2))
    sh_dma.wait()
    for dma in fired:
        dma.wait()

    pltpu.sync_copy(r_s, s_out.at[pl.ds(base, BPW)])
    pltpu.sync_copy(r_sh, sh_out.at[pl.ds(base, BPW)])
    pltpu.sync_copy(r_mfs, mfs_out.at[pl.ds(base, BPW)])


def kernel(static, static_h, dynamic, mask_f, mask_fs, couriers_selected,
           sensingtask_selected):
    bs = static.shape[0]
    cs_flat = couriers_selected[:, 0]
    task_flat = sensingtask_selected[:, 0]

    def at_b(i, cs_r, task_r):
        return (i, 0, 0)

    grid_spec = pltpu.PrefetchScalarGridSpec(
        num_scalar_prefetch=2,
        grid=(bs // G,),
        in_specs=[
            pl.BlockSpec((G, T, NC), at_b),
            pl.BlockSpec((G, T, NC), at_b),
        ],
        out_specs=[
            pl.BlockSpec((G, T + 1, NC), at_b),
            pl.BlockSpec((G, T + 1, NC), at_b),
            pl.BlockSpec((G, T, 1), at_b),
            pl.BlockSpec((G, T, 1), at_b),
        ],
    )

    nd, nm, d, mf = pl.pallas_call(
        _tc_body,
        grid_spec=grid_spec,
        out_shape=[
            jax.ShapeDtypeStruct((bs, T + 1, NC), jnp.float32),
            jax.ShapeDtypeStruct((bs, T + 1, NC), jnp.float32),
            jax.ShapeDtypeStruct((bs, T, 1), jnp.float32),
            jax.ShapeDtypeStruct((bs, T, 1), jnp.float32),
        ],
    )(cs_flat, task_flat, dynamic, mask_f)

    sc_call = pl.kernel(
        _sc_gather_body,
        out_type=[
            jax.ShapeDtypeStruct((bs, 2 * NCU), jnp.float32),
            jax.ShapeDtypeStruct((bs, ED), jnp.float32),
            jax.ShapeDtypeStruct((bs, NCU), jnp.float32),
        ],
        mesh=plsc.VectorSubcoreMesh(core_axis_name="c", subcore_axis_name="s",
                                    num_cores=2, num_subcores=16),
        scratch_types=[
            pltpu.VMEM((BPW,), jnp.int32),
            pltpu.VMEM((BPW,), jnp.int32),
            pltpu.VMEM((BPW, 2 * NCU), jnp.float32),
            pltpu.VMEM((BPW, ED), jnp.float32),
            pltpu.VMEM((BPW, NCU), jnp.float32),
            pltpu.SemaphoreType.DMA,
            pltpu.SemaphoreType.DMA,
        ],
    )
    s_f, sh_f, mfs_f = sc_call(
        cs_flat,
        static.reshape(bs * NC, 2 * NCU),
        static_h.reshape(bs * NC, ED),
        mask_fs.reshape(bs * NC, NCU),
    )

    return (s_f[:, None, :], sh_f[:, None, :], d, mf, mfs_f[:, None, :], nd, nm)

# --- scband reference (transcript-rebuilt; emitter-appended) ---
"""Pipeline reference for scband-drl-22162031247575 (READ-ONLY COPY).

The authoritative reference and input builder live on the scoring server;
editing this copy changes nothing except your own understanding.
"""

import jax, jax.numpy as jnp
import numpy as np

BS = 1024   # batch_size
NC = 200    # max_n_couriers
NCU = 50    # max_n_customers
ED = 128    # embed_dim
T = 128     # accumulated time steps in dynamic / mask_f
NST = 4000  # n_sensingtasks (grid_size * n_timeslots)


def setup_inputs(seed: int = 0) -> dict:
    key = jax.random.key(seed)
    ks = jax.random.split(key, 7)
    return {
        "static": jax.random.normal(ks[0], (BS, NC, 2 * NCU), dtype=jnp.float32),
        "static_h": jax.random.normal(ks[1], (BS, NC, ED), dtype=jnp.float32),
        "dynamic": jax.random.normal(ks[2], (BS, T, NC), dtype=jnp.float32),
        "mask_f": jax.random.normal(ks[3], (BS, T, NC), dtype=jnp.float32),
        "mask_fs": jax.random.normal(ks[4], (BS, NC, NCU), dtype=jnp.float32),
        "couriers_selected": jax.random.randint(ks[5], (BS, 1), 0, NC, dtype=jnp.int32),
        "sensingtask_selected": jax.random.randint(ks[6], (BS, 1), 0, NST, dtype=jnp.int32),
    }


def reference(static, static_h, dynamic, mask_f, mask_fs, couriers_selected, sensingtask_selected):
    # Faithful translation of TaskSelectingState.init (gathers by selected courier)
    # followed by CourierSelectingState.update (scatter into new time-step slice + concat).
    bs = static.shape[0]
    cs = couriers_selected  # [bs, 1]
    idx3 = cs[:, :, None]   # [bs, 1, 1]

    # torch.gather(static, dim=1, index=cs[...,None].repeat(1,1,2*NCU))
    s = jnp.take_along_axis(static, jnp.broadcast_to(idx3, (bs, 1, static.shape[2])), axis=1)
    # torch.gather(static_h, dim=1, index=cs[...,None].repeat(1,1,ED))
    sh = jnp.take_along_axis(static_h, jnp.broadcast_to(idx3, (bs, 1, static_h.shape[2])), axis=1)
    # torch.gather(dynamic, dim=2, index=cs[...,None].repeat(1,T,1))
    t = dynamic.shape[1]
    idx_d = jnp.broadcast_to(cs[:, None, :], (bs, t, 1))
    d = jnp.take_along_axis(dynamic, idx_d, axis=2)
    # torch.gather(mask_f, dim=2, index=cs[...,None].repeat(1,T,1))
    mf = jnp.take_along_axis(mask_f, idx_d, axis=2)
    # torch.gather(mask_fs, dim=1, index=cs[...,None].repeat(1,1,NCU))
    mfs = jnp.take_along_axis(mask_fs, jnp.broadcast_to(idx3, (bs, 1, mask_fs.shape[2])), axis=1)

    # CourierSelectingState.update: scatter then concat along time dim
    b_idx = jnp.arange(bs)
    nco = dynamic.shape[2]
    # add_state[...] = 0; add_state.scatter_(2, cs, sensingtask_selected)
    add_state = jnp.zeros((bs, nco), dtype=dynamic.dtype)
    add_state = add_state.at[b_idx, cs[:, 0]].set(sensingtask_selected[:, 0].astype(dynamic.dtype))
    # add_mask_f[...] = -inf; add_mask_f.scatter_(2, cs, 0)
    add_mask_f = jnp.full((bs, nco), -jnp.inf, dtype=mask_f.dtype)
    add_mask_f = add_mask_f.at[b_idx, cs[:, 0]].set(0.0)

    new_dynamic = jnp.concatenate([dynamic, add_state[:, None, :]], axis=1)
    new_mask_f = jnp.concatenate([mask_f, add_mask_f[:, None, :]], axis=1)
    return (s, sh, d, mf, mfs, new_dynamic, new_mask_f)

if __name__ == "__main__":
    import jax
    _d = setup_inputs()
    print(jax.jit(kernel)(*tuple(_d.values())))

</pallas_src>

<mosaic_0001>
#map = affine_map<(d0, d1) -> (0)>
#map1 = affine_map<(d0, d1) -> (0, 0)>
module attributes {stable_mosaic.version = 14 : i64} {
  func.func @_sc_gather_body(%arg0: i32, %arg1: i32, %arg2: memref<1024xi32, #tpu.memory_space<hbm>>, %arg3: memref<204800x100xf32, #tpu.memory_space<hbm>>, %arg4: memref<204800x128xf32, #tpu.memory_space<hbm>>, %arg5: memref<204800x50xf32, #tpu.memory_space<hbm>>, %arg6: memref<1024x100xf32, #tpu.memory_space<hbm>>, %arg7: memref<1024x128xf32, #tpu.memory_space<hbm>>, %arg8: memref<1024x50xf32, #tpu.memory_space<hbm>>, %arg9: memref<32xi32, #tpu.memory_space<vmem>>, %arg10: memref<32xi32, #tpu.memory_space<vmem>>, %arg11: memref<32x100xf32, #tpu.memory_space<vmem>>, %arg12: memref<32x128xf32, #tpu.memory_space<vmem>>, %arg13: memref<32x50xf32, #tpu.memory_space<vmem>>, %arg14: memref<!tpu.dma_semaphore, #tpu.memory_space<semaphore_mem>>, %arg15: memref<!tpu.dma_semaphore, #tpu.memory_space<semaphore_mem>>) attributes {dimension_semantics = [#tpu.dimension_semantics<core_parallel>, #tpu.dimension_semantics<subcore_parallel>], iteration_bounds = array<i64: 2, 16>, scalar_prefetch = 0 : i64, scratch_operands = 7 : i64, tpu.core_type = #tpu.core_type<sc_vector_subcore>, window_params = [{transform_indices = #map}, {transform_indices = #map1}, {transform_indices = #map1}, {transform_indices = #map1}, {transform_indices = #map1}, {transform_indices = #map1}, {transform_indices = #map1}]} {
    %mul3A = arith.constant 2 : i32
    %mul3A_0 = arith.muli %arg1, %mul3A : i32
    %add3A = arith.addi %mul3A_0, %arg0 : i32
    %mul3A_1 = arith.constant 32 : i32
    %mul3A_2 = arith.muli %add3A, %mul3A_1 : i32
    "tpu.region"() ({
      %run_scoped3A = tpu.sem_alloc : memref<!tpu.dma_semaphore, #tpu.memory_space<semaphore_mem>>
      %dma_start3A_1384 = tpu.memref_slice %arg2[%mul3A_2] : memref<1024xi32, #tpu.memory_space<hbm>> -> memref<32xi32, #tpu.memory_space<hbm>>
      %dma_start3A_1385 = tpu.memref_slice %arg2[%mul3A_2] : memref<1024xi32, #tpu.memory_space<hbm>> -> memref<32xi32, #tpu.memory_space<hbm>>
      tpu.enqueue_dma source(%dma_start3A_1385 : memref<32xi32, #tpu.memory_space<hbm>>) target(%arg9 : memref<32xi32, #tpu.memory_space<vmem>>) target_semaphore(%run_scoped3A : memref<!tpu.dma_semaphore, #tpu.memory_space<semaphore_mem>>)
      %dma_wait3A_1386 = tpu.memref_slice %arg2[%mul3A_2] : memref<1024xi32, #tpu.memory_space<hbm>> -> memref<32xi32, #tpu.memory_space<hbm>>
      %dma_wait3A_1387 = tpu.memref_slice %arg2[%mul3A_2] : memref<1024xi32, #tpu.memory_space<hbm>> -> memref<32xi32, #tpu.memory_space<hbm>>
      tpu.wait_dma2 semaphore(%run_scoped3A : memref<!tpu.dma_semaphore, #tpu.memory_space<semaphore_mem>>) src(%dma_wait3A_1387 : memref<32xi32, #tpu.memory_space<hbm>>) dst(%arg9 : memref<32xi32, #tpu.memory_space<vmem>>)
      tpu.yield
    }) : () -> ()
    %add3A_3 = arith.constant 0 : i32
    %add3A_4 = arith.addi %mul3A_2, %add3A_3 : i32
    %iota3A = tpu.iota {dimensions = array<i32: 0>} : vector<16xi32>
    %get3A = arith.constant 0 : index
    %get3A_5 = tpu.vector_load %arg9[%get3A] {strides = array<i32>} : memref<32xi32, #tpu.memory_space<vmem>>, vector<16xi32>,
    %get3A_6 = vector.shape_cast %get3A_5 : vector<16xi32> to vector<16xi32>
    %add3A_7 = vector.broadcast %add3A_4 : i32 to vector<16xi32>
    %add3A_8 = arith.addi %iota3A, %add3A_7 : vector<16xi32>
    %mul3A_9 = arith.constant 200 : i32
    %mul3A_10 = vector.broadcast %mul3A_9 : i32 to vector<16xi32>
    %mul3A_11 = arith.muli %add3A_8, %mul3A_10 : vector<16xi32>
    %add3A_12 = arith.addi %get3A_6, %mul3A_11 : vector<16xi32>
    %swap3A = arith.constant 0 : index
    %swap3A_13 = tpu.vector_load %arg10[%swap3A] {strides = array<i32>} : memref<32xi32, #tpu.memory_space<vmem>>, vector<16xi32>,
    %swap3A_14 = vector.shape_cast %swap3A_13 : vector<16xi32> to vector<16xi32>
    %swap3A_15 = vector.shape_cast %add3A_12 : vector<16xi32> to vector<16xi32>
    tpu.vector_store %arg10[%swap3A], %swap3A_15 {strides = array<i32>} : memref<32xi32, #tpu.memory_space<vmem>>, vector<16xi32>,
    %add3A_16 = arith.constant 16 : i32
    %add3A_17 = arith.addi %mul3A_2, %add3A_16 : i32
    %iota3A_18 = tpu.iota {dimensions = array<i32: 0>} : vector<16xi32>
    %get3A_19 = arith.constant 16 : index
    %get3A_20 = tpu.vector_load %arg9[%get3A_19] {strides = array<i32>} : memref<32xi32, #tpu.memory_space<vmem>>, vector<16xi32>,
    %get3A_21 = vector.shape_cast %get3A_20 : vector<16xi32> to vector<16xi32>
    %add3A_22 = vector.broadcast %add3A_17 : i32 to vector<16xi32>
    %add3A_23 = arith.addi %iota3A_18, %add3A_22 : vector<16xi32>
    %mul3A_24 = arith.constant 200 : i32
    %mul3A_25 = vector.broadcast %mul3A_24 : i32 to vector<16xi32>
    %mul3A_26 = arith.muli %add3A_23, %mul3A_25 : vector<16xi32>
    %add3A_27 = arith.addi %get3A_21, %mul3A_26 : vector<16xi32>
    %swap3A_28 = arith.constant 16 : index
    %swap3A_29 = tpu.vector_load %arg10[%swap3A_28] {strides = array<i32>} : memref<32xi32, #tpu.memory_space<vmem>>, vector<16xi32>,
    %swap3A_30 = vector.shape_cast %swap3A_29 : vector<16xi32> to vector<16xi32>
    %swap3A_31 = vector.shape_cast %add3A_27 : vector<16xi32> to vector<16xi32>
    tpu.vector_store %arg10[%swap3A_28], %swap3A_31 {strides = array<i32>} : memref<32xi32, #tpu.memory_space<vmem>>, vector<16xi32>,
    %dma_start3A = arith.constant 0 : i32
    %dma_start3A_32 = arith.constant 0 : i32
    %dma_start3A_33 = tpu.memref_slice %arg4[%dma_start3A, %dma_start3A_32] : memref<204800x128xf32, #tpu.memory_space<hbm>> -> memref<204800x128xf32, #tpu.memory_space<hbm>>
    tpu.enqueue_indirect_dma source(%dma_start3A_33 : memref<204800x128xf32, #tpu.memory_space<hbm>>) target(%arg12 : memref<32x128xf32, #tpu.memory_space<vmem>>) offsets(%arg10 : memref<32xi32, #tpu.memory_space<vmem>>) semaphore(%arg14 : memref<!tpu.dma_semaphore, #tpu.memory_space<semaphore_mem>>)
    %get3A_34 = arith.constant 0 : index
    %get3A_35 = tpu.vector_load %arg10[%get3A_34] {strides = array<i32>} : memref<32xi32, #tpu.memory_space<vmem>>, vector<16xi32>,
    %get3A_36 = vector.shape_cast %get3A_35 : vector<16xi32> to vector<16xi32>
    %slice3A = vector.extract_strided_slice %get3A_36 {offsets = [0], sizes = [1], strides = [1]} : vector<16xi32> to vector<1xi32>
    %squeeze3A = vector.extract %slice3A[0] : i32 from vector<1xi32>
    %dma_start3A_37 = arith.constant 0 : i32
    %dma_start3A_38 = arith.constant 0 : i32
    %dma_start3A_39 = tpu.memref_slice %arg11[%dma_start3A_37, %dma_start3A_38] : memref<32x100xf32, #tpu.memory_space<vmem>> -> memref<1x100xf32, #tpu.memory_space<vmem>>
    %dma_start3A_40 = arith.constant 0 : i32
    %dma_start3A_41 = tpu.memref_slice %arg3[%squeeze3A, %dma_start3A_40] : memref<204800x100xf32, #tpu.memory_space<hbm>> -> memref<1x100xf32, #tpu.memory_space<hbm>>
    %dma_start3A_42 = arith.constant 0 : i32
    %dma_start3A_43 = arith.constant 0 : i32
    %dma_start3A_44 = tpu.memref_slice %arg11[%dma_start3A_42, %dma_start3A_43] : memref<32x100xf32, #tpu.memory_space<vmem>> -> memref<1x100xf32, #tpu.memory_space<vmem>>
    %dma_start3A_45 = arith.constant 0 : i32
    %dma_start3A_46 = tpu.memref_slice %arg3[%squeeze3A, %dma_start3A_45] : memref<204800x100xf32, #tpu.memory_space<hbm>> -> memref<1x100xf32, #tpu.memory_space<hbm>>
    tpu.enqueue_dma source(%dma_start3A_46 : memref<1x100xf32, #tpu.memory_space<hbm>>) target(%dma_start3A_44 : memref<1x100xf32, #tpu.memory_space<vmem>>) target_semaphore(%arg15 : memref<!tpu.dma_semaphore, #tpu.memory_space<semaphore_mem>>)
    %dma_start3A_47 = arith.constant 0 : i32
    %dma_start3A_48 = arith.constant 0 : i32
    %dma_start3A_49 = tpu.memref_slice %arg13[%dma_start3A_47, %dma_start3A_48] : memref<32x50xf32, #tpu.memory_space<vmem>> -> memref<1x50xf32, #tpu.memory_space<vmem>>
    %dma_start3A_50 = arith.constant 0 : i32
    %dma_start3A_51 = tpu.memref_slice %arg5[%squeeze3A, %dma_start3A_50] : memref<204800x50xf32, #tpu.memory_space<hbm>> -> memref<1x50xf32, #tpu.memory_space<hbm>>
    %dma_start3A_52 = arith.constant 0 : i32
    %dma_start3A_53 = arith.constant 0 : i32
    %dma_start3A_54 = tpu.memref_slice %arg13[%dma_start3A_52, %dma_start3A_53] : memref<32x50xf32, #tpu.memory_space<vmem>> -> memref<1x50xf32, #tpu.memory_space<vmem>>
    %dma_start3A_55 = arith.constant 0 : i32
    %dma_start3A_56 = tpu.memref_slice %arg5[%squeeze3A, %dma_start3A_55] : memref<204800x50xf32, #tpu.memory_space<hbm>> -> memref<1x50xf32, #tpu.memory_space<hbm>>
    tpu.enqueue_dma source(%dma_start3A_56 : memref<1x50xf32, #tpu.memory_space<hbm>>) target(%dma_start3A_54 : memref<1x50xf32, #tpu.memory_space<vmem>>) target_semaphore(%arg15 : memref<!tpu.dma_semaphore, #tpu.memory_space<semaphore_mem>>)
    %slice3A_57 = vector.extract_strided_slice %get3A_36 {offsets = [1], sizes = [1], strides = [1]} : vector<16xi32> to vector<1xi32>
    %squeeze3A_58 = vector.extract %slice3A_57[0] : i32 from vector<1xi32>
    %dma_start3A_59 = arith.constant 1 : i32
    %dma_start3A_60 = arith.constant 0 : i32
    %dma_start3A_61 = tpu.memref_slice %arg11[%dma_start3A_59, %dma_start3A_60] : memref<32x100xf32, #tpu.memory_space<vmem>> -> memref<1x100xf32, #tpu.memory_space<vmem>>
    %dma_start3A_62 = arith.constant 0 : i32
    %dma_start3A_63 = tpu.memref_slice %arg3[%squeeze3A_58, %dma_start3A_62] : memref<204800x100xf32, #tpu.memory_space<hbm>> -> memref<1x100xf32, #tpu.memory_space<hbm>>
    %dma_start3A_64 = arith.constant 1 : i32
    %dma_start3A_65 = arith.constant 0 : i32
    %dma_start3A_66 = tpu.memref_slice %arg11[%dma_start3A_64, %dma_start3A_65] : memref<32x100xf32, #tpu.memory_space<vmem>> -> memref<1x100xf32, #tpu.memory_space<vmem>>
    %dma_start3A_67 = arith.constant 0 : i32
    %dma_start3A_68 = tpu.memref_slice %arg3[%squeeze3A_58, %dma_start3A_67] : memref<204800x100xf32, #tpu.memory_space<hbm>> -> memref<1x100xf32, #tpu.memory_space<hbm>>
    tpu.enqueue_dma source(%dma_start3A_68 : memref<1x100xf32, #tpu.memory_space<hbm>>) target(%dma_start3A_66 : memref<1x100xf32, #tpu.memory_space<vmem>>) target_semaphore(%arg15 : memref<!tpu.dma_semaphore, #tpu.memory_space<semaphore_mem>>)
    %dma_start3A_69 = arith.constant 1 : i32
    %dma_start3A_70 = arith.constant 0 : i32
    %dma_start3A_71 = tpu.memref_slice %arg13[%dma_start3A_69, %dma_start3A_70] : memref<32x50xf32, #tpu.memory_space<vmem>> -> memref<1x50xf32, #tpu.memory_space<vmem>>
    %dma_start3A_72 = arith.constant 0 : i32
    %dma_start3A_73 = tpu.memref_slice %arg5[%squeeze3A_58, %dma_start3A_72] : memref<204800x50xf32, #tpu.memory_space<hbm>> -> memref<1x50xf32, #tpu.memory_space<hbm>>
    %dma_start3A_74 = arith.constant 1 : i32
    %dma_start3A_75 = arith.constant 0 : i32
    %dma_start3A_76 = tpu.memref_slice %arg13[%dma_start3A_74, %dma_start3A_75] : memref<32x50xf32, #tpu.memory_space<vmem>> -> memref<1x50xf32, #tpu.memory_space<vmem>>
    %dma_start3A_77 = arith.constant 0 : i32
    %dma_start3A_78 = tpu.memref_slice %arg5[%squeeze3A_58, %dma_start3A_77] : memref<204800x50xf32, #tpu.memory_space<hbm>> -> memref<1x50xf32, #tpu.memory_space<hbm>>
    tpu.enqueue_dma source(%dma_start3A_78 : memref<1x50xf32, #tpu.memory_space<hbm>>) target(%dma_start3A_76 : memref<1x50xf32, #tpu.memory_space<vmem>>) target_semaphore(%arg15 : memref<!tpu.dma_semaphore, #tpu.memory_space<semaphore_mem>>)
    %slice3A_79 = vector.extract_strided_slice %get3A_36 {offsets = [2], sizes = [1], strides = [1]} : vector<16xi32> to vector<1xi32>
    %squeeze3A_80 = vector.extract %slice3A_79[0] : i32 from vector<1xi32>
    %dma_start3A_81 = arith.constant 2 : i32
    %dma_start3A_82 = arith.constant 0 : i32
    %dma_start3A_83 = tpu.memref_slice %arg11[%dma_start3A_81, %dma_start3A_82] : memref<32x100xf32, #tpu.memory_space<vmem>> -> memref<1x100xf32, #tpu.memory_space<vmem>>
    %dma_start3A_84 = arith.constant 0 : i32
    %dma_start3A_85 = tpu.memref_slice %arg3[%squeeze3A_80, %dma_start3A_84] : memref<204800x100xf32, #tpu.memory_space<hbm>> -> memref<1x100xf32, #tpu.memory_space<hbm>>
    %dma_start3A_86 = arith.constant 2 : i32
    %dma_start3A_87 = arith.constant 0 : i32
    %dma_start3A_88 = tpu.memref_slice %arg11[%dma_start3A_86, %dma_start3A_87] : memref<32x100xf32, #tpu.memory_space<vmem>> -> memref<1x100xf32, #tpu.memory_space<vmem>>
    %dma_start3A_89 = arith.constant 0 : i32
    %dma_start3A_90 = tpu.memref_slice %arg3[%squeeze3A_80, %dma_start3A_89] : memref<204800x100xf32, #tpu.memory_space<hbm>> -> memref<1x100xf32, #tpu.memory_space<hbm>>
    tpu.enqueue_dma source(%dma_start3A_90 : memref<1x100xf32, #tpu.memory_space<hbm>>) target(%dma_start3A_88 : memref<1x100xf32, #tpu.memory_space<vmem>>) target_semaphore(%arg15 : memref<!tpu.dma_semaphore, #tpu.memory_space<semaphore_mem>>)
    %dma_start3A_91 = arith.constant 2 : i32
    %dma_start3A_92 = arith.constant 0 : i32
    %dma_start3A_93 = tpu.memref_slice %arg13[%dma_start3A_91, %dma_start3A_92] : memref<32x50xf32, #tpu.memory_space<vmem>> -> memref<1x50xf32, #tpu.memory_space<vmem>>
    %dma_start3A_94 = arith.constant 0 : i32
    %dma_start3A_95 = tpu.memref_slice %arg5[%squeeze3A_80, %dma_start3A_94] : memref<204800x50xf32, #tpu.memory_space<hbm>> -> memref<1x50xf32, #tpu.memory_space<hbm>>
    %dma_start3A_96 = arith.constant 2 : i32
    %dma_start3A_97 = arith.constant 0 : i32
    %dma_start3A_98 = tpu.memref_slice %arg13[%dma_start3A_96, %dma_start3A_97] : memref<32x50xf32, #tpu.memory_space<vmem>> -> memref<1x50xf32, #tpu.memory_space<vmem>>
    %dma_start3A_99 = arith.constant 0 : i32
    %dma_start3A_100 = tpu.memref_slice %arg5[%squeeze3A_80, %dma_start3A_99] : memref<204800x50xf32, #tpu.memory_space<hbm>> -> memref<1x50xf32, #tpu.memory_space<hbm>>
    tpu.enqueue_dma source(%dma_start3A_100 : memref<1x50xf32, #tpu.memory_space<hbm>>) target(%dma_start3A_98 : memref<1x50xf32, #tpu.memory_space<vmem>>) target_semaphore(%arg15 : memref<!tpu.dma_semaphore, #tpu.memory_space<semaphore_mem>>)
    %slice3A_101 = vector.extract_strided_slice %get3A_36 {offsets = [3], sizes = [1], strides = [1]} : vector<16xi32> to vector<1xi32>
    %squeeze3A_102 = vector.extract %slice3A_101[0] : i32 from vector<1xi32>
    %dma_start3A_103 = arith.constant 3 : i32
    %dma_start3A_104 = arith.constant 0 : i32
    %dma_start3A_105 = tpu.memref_slice %arg11[%dma_start3A_103, %dma_start3A_104] : memref<32x100xf32, #tpu.memory_space<vmem>> -> memref<1x100xf32, #tpu.memory_space<vmem>>
    %dma_start3A_106 = arith.constant 0 : i32
    %dma_start3A_107 = tpu.memref_slice %arg3[%squeeze3A_102, %dma_start3A_106] : memref<204800x100xf32, #tpu.memory_space<hbm>> -> memref<1x100xf32, #tpu.memory_space<hbm>>
    %dma_start3A_108 = arith.constant 3 : i32
    %dma_start3A_109 = arith.constant 0 : i32
    %dma_start3A_110 = tpu.memref_slice %arg11[%dma_start3A_108, %dma_start3A_109] : memref<32x100xf32, #tpu.memory_space<vmem>> -> memref<1x100xf32, #tpu.memory_space<vmem>>
    %dma_start3A_111 = arith.constant 0 : i32
    %dma_start3A_112 = tpu.memref_slice %arg3[%squeeze3A_102, %dma_start3A_111] : memref<204800x100xf32, #tpu.memory_space<hbm>> -> memref<1x100xf32, #tpu.memory_space<hbm>>
    tpu.enqueue_dma source(%dma_start3A_112 : memref<1x100xf32, #tpu.memory_space<hbm>>) target(%dma_start3A_110 : memref<1x100xf32, #tpu.memory_space<vmem>>) target_semaphore(%arg15 : memref<!tpu.dma_semaphore, #tpu.memory_space<semaphore_mem>>)
    %dma_start3A_113 = arith.constant 3 : i32
    %dma_start3A_114 = arith.constant 0 : i32
    %dma_start3A_115 = tpu.memref_slice %arg13[%dma_start3A_113, %dma_start3A_114] : memref<32x50xf32, #tpu.memory_space<vmem>> -> memref<1x50xf32, #tpu.memory_space<vmem>>
    %dma_start3A_116 = arith.constant 0 : i32
    %dma_start3A_117 = tpu.memref_slice %arg5[%squeeze3A_102, %dma_start3A_116] : memref<204800x50xf32, #tpu.memory_space<hbm>> -> memref<1x50xf32, #tpu.memory_space<hbm>>
    %dma_start3A_118 = arith.constant 3 : i32
    %dma_start3A_119 = arith.constant 0 : i32
    %dma_start3A_120 = tpu.memref_slice %arg13[%dma_start3A_118, %dma_start3A_119] : memref<32x50xf32, #tpu.memory_space<vmem>> -> memref<1x50xf32, #tpu.memory_space<vmem>>
    %dma_start3A_121 = arith.constant 0 : i32
    %dma_start3A_122 = tpu.memref_slice %arg5[%squeeze3A_102, %dma_start3A_121] : memref<204800x50xf32, #tpu.memory_space<hbm>> -> memref<1x50xf32, #tpu.memory_space<hbm>>
    tpu.enqueue_dma source(%dma_start3A_122 : memref<1x50xf32, #tpu.memory_space<hbm>>) target(%dma_start3A_120 : memref<1x50xf32, #tpu.memory_space<vmem>>) target_semaphore(%arg15 : memref<!tpu.dma_semaphore, #tpu.memory_space<semaphore_mem>>)
    %slice3A_123 = vector.extract_strided_slice %get3A_36 {offsets = [4], sizes = [1], strides = [1]} : vector<16xi32> to vector<1xi32>
    %squeeze3A_124 = vector.extract %slice3A_123[0] : i32 from vector<1xi32>
    %dma_start3A_125 = arith.constant 4 : i32
    %dma_start3A_126 = arith.constant 0 : i32
    %dma_start3A_127 = tpu.memref_slice %arg11[%dma_start3A_125, %dma_start3A_126] : memref<32x100xf32, #tpu.memory_space<vmem>> -> memref<1x100xf32, #tpu.memory_space<vmem>>
    %dma_start3A_128 = arith.constant 0 : i32
    %dma_start3A_129 = tpu.memref_slice %arg3[%squeeze3A_124, %dma_start3A_128] : memref<204800x100xf32, #tpu.memory_space<hbm>> -> memref<1x100xf32, #tpu.memory_space<hbm>>
    %dma_start3A_130 = arith.constant 4 : i32
    %dma_start3A_131 = arith.constant 0 : i32
    %dma_start3A_132 = tpu.memref_slice %arg11[%dma_start3A_130, %dma_start3A_131] : memref<32x100xf32, #tpu.memory_space<vmem>> -> memref<1x100xf32, #tpu.memory_space<vmem>>
    %dma_start3A_133 = arith.constant 0 : i32
    %dma_start3A_134 = tpu.memref_slice %arg3[%squeeze3A_124, %dma_start3A_133] : memref<204800x100xf32, #tpu.memory_space<hbm>> -> memref<1x100xf32, #tpu.memory_space<hbm>>
    tpu.enqueue_dma source(%dma_start3A_134 : memref<1x100xf32, #tpu.memory_space<hbm>>) target(%dma_start3A_132 : memref<1x100xf32, #tpu.memory_space<vmem>>) target_semaphore(%arg15 : memref<!tpu.dma_semaphore, #tpu.memory_space<semaphore_mem>>)
    %dma_start3A_135 = arith.constant 4 : i32
    %dma_start3A_136 = arith.constant 0 : i32
    %dma_start3A_137 = tpu.memref_slice %arg13[%dma_start3A_135, %dma_start3A_136] : memref<32x50xf32, #tpu.memory_space<vmem>> -> memref<1x50xf32, #tpu.memory_space<vmem>>
    %dma_start3A_138 = arith.constant 0 : i32
    %dma_start3A_139 = tpu.memref_slice %arg5[%squeeze3A_124, %dma_start3A_138] : memref<204800x50xf32, #tpu.memory_space<hbm>> -> memref<1x50xf32, #tpu.memory_space<hbm>>
    %dma_start3A_140 = arith.constant 4 : i32
    %dma_start3A_141 = arith.constant 0 : i32
    %dma_start3A_142 = tpu.memref_slice %arg13[%dma_start3A_140, %dma_start3A_141] : memref<32x50xf32, #tpu.memory_space<vmem>> -> memref<1x50xf32, #tpu.memory_space<vmem>>
    %dma_start3A_143 = arith.constant 0 : i32
    %dma_start3A_144 = tpu.memref_slice %arg5[%squeeze3A_124, %dma_start3A_143] : memref<204800x50xf32, #tpu.memory_space<hbm>> -> memref<1x50xf32, #tpu.memory_space<hbm>>
    tpu.enqueue_dma source(%dma_start3A_144 : memref<1x50xf32, #tpu.memory_space<hbm>>) target(%dma_start3A_142 : memref<1x50xf32, #tpu.memory_space<vmem>>) target_semaphore(%arg15 : memref<!tpu.dma_semaphore, #tpu.memory_space<semaphore_mem>>)
    %slice3A_145 = vector.extract_strided_slice %get3A_36 {offsets = [5], sizes = [1], strides = [1]} : vector<16xi32> to vector<1xi32>
    %squeeze3A_146 = vector.extract %slice3A_145[0] : i32 from vector<1xi32>
    %dma_start3A_147 = arith.constant 5 : i32
    %dma_start3A_148 = arith.constant 0 : i32
    %dma_start3A_149 = tpu.memref_slice %arg11[%dma_start3A_147, %dma_start3A_148] : memref<32x100xf32, #tpu.memory_space<vmem>> -> memref<1x100xf32, #tpu.memory_space<vmem>>
    %dma_start3A_150 = arith.constant 0 : i32
    %dma_start3A_151 = tpu.memref_slice %arg3[%squeeze3A_146, %dma_start3A_150] : memref<204800x100xf32, #tpu.memory_space<hbm>> -> memref<1x100xf32, #tpu.memory_space<hbm>>
    %dma_start3A_152 = arith.constant 5 : i32
    %dma_start3A_153 = arith.constant 0 : i32
    %dma_start3A_154 = tpu.memref_slice %arg11[%dma_start3A_152, %dma_start3A_153] : memref<32x100xf32, #tpu.memory_space<vmem>> -> memref<1x100xf32, #tpu.memory_space<vmem>>
    %dma_start3A_155 = arith.constant 0 : i32
    %dma_start3A_156 = tpu.memref_slice %arg3[%squeeze3A_146, %dma_start3A_155] : memref<204800x100xf32, #tpu.memory_space<hbm>> -> memref<1x100xf32, #tpu.memory_space<hbm>>
    tpu.enqueue_dma source(%dma_start3A_156 : memref<1x100xf32, #tpu.memory_space<hbm>>) target(%dma_start3A_154 : memref<1x100xf32, #tpu.memory_space<vmem>>) target_semaphore(%arg15 : memref<!tpu.dma_semaphore, #tpu.memory_space<semaphore_mem>>)
    %dma_start3A_157 = arith.constant 5 : i32
    %dma_start3A_158 = arith.constant 0 : i32
    %dma_start3A_159 = tpu.memref_slice %arg13[%dma_start3A_157, %dma_start3A_158] : memref<32x50xf32, #tpu.memory_space<vmem>> -> memref<1x50xf32, #tpu.memory_space<vmem>>
    %dma_start3A_160 = arith.constant 0 : i32
    %dma_start3A_161 = tpu.memref_slice %arg5[%squeeze3A_146, %dma_start3A_160] : memref<204800x50xf32, #tpu.memory_space<hbm>> -> memref<1x50xf32, #tpu.memory_space<hbm>>
    %dma_start3A_162 = arith.constant 5 : i32
    %dma_start3A_163 = arith.constant 0 : i32
    %dma_start3A_164 = tpu.memref_slice %arg13[%dma_start3A_162, %dma_start3A_163] : memref<32x50xf32, #tpu.memory_space<vmem>> -> memref<1x50xf32, #tpu.memory_space<vmem>>
    %dma_start3A_165 = arith.constant 0 : i32
    %dma_start3A_166 = tpu.memref_slice %arg5[%squeeze3A_146, %dma_start3A_165] : memref<204800x50xf32, #tpu.memory_space<hbm>> -> memref<1x50xf32, #tpu.memory_space<hbm>>
    tpu.enqueue_dma source(%dma_start3A_166 : memref<1x50xf32, #tpu.memory_space<hbm>>) target(%dma_start3A_164 : memref<1x50xf32, #tpu.memory_space<vmem>>) target_semaphore(%arg15 : memref<!tpu.dma_semaphore, #tpu.memory_space<semaphore_mem>>)
    %slice3A_167 = vector.extract_strided_slice %get3A_36 {offsets = [6], sizes = [1], strides = [1]} : vector<16xi32> to vector<1xi32>
    %squeeze3A_168 = vector.extract %slice3A_167[0] : i32 from vector<1xi32>
    %dma_start3A_169 = arith.constant 6 : i32
    %dma_start3A_170 = arith.constant 0 : i32
    %dma_start3A_171 = tpu.memref_slice %arg11[%dma_start3A_169, %dma_start3A_170] : memref<32x100xf32, #tpu.memory_space<vmem>> -> memref<1x100xf32, #tpu.memory_space<vmem>>
    %dma_start3A_172 = arith.constant 0 : i32
    %dma_start3A_173 = tpu.memref_slice %arg3[%squeeze3A_168, %dma_start3A_172] : memref<204800x100xf32, #tpu.memory_space<hbm>> -> memref<1x100xf32, #tpu.memory_space<hbm>>
    %dma_start3A_174 = arith.constant 6 : i32
    %dma_start3A_175 = arith.constant 0 : i32
    %dma_start3A_176 = tpu.memref_slice %arg11[%dma_start3A_174, %dma_start3A_175] : memref<32x100xf32, #tpu.memory_space<vmem>> -> memref<1x100xf32, #tpu.memory_space<vmem>>
    %dma_start3A_177 = arith.constant 0 : i32
    %dma_start3A_178 = tpu.memref_slice %arg3[%squeeze3A_168, %dma_start3A_177] : memref<204800x100xf32, #tpu.memory_space<hbm>> -> memref<1x100xf32, #tpu.memory_space<hbm>>
    tpu.enqueue_dma source(%dma_start3A_178 : memref<1x100xf32, #tpu.memory_space<hbm>>) target(%dma_start3A_176 : memref<1x100xf32, #tpu.memory_space<vmem>>) target_semaphore(%arg15 : memref<!tpu.dma_semaphore, #tpu.memory_space<semaphore_mem>>)
    %dma_start3A_179 = arith.constant 6 : i32
    %dma_start3A_180 = arith.constant 0 : i32
    %dma_start3A_181 = tpu.memref_slice %arg13[%dma_start3A_179, %dma_start3A_180] : memref<32x50xf32, #tpu.memory_space<vmem>> -> memref<1x50xf32, #tpu.memory_space<vmem>>
    %dma_start3A_182 = arith.constant 0 : i32
    %dma_start3A_183 = tpu.memref_slice %arg5[%squeeze3A_168, %dma_start3A_182] : memref<204800x50xf32, #tpu.memory_space<hbm>> -> memref<1x50xf32, #tpu.memory_space<hbm>>
    %dma_start3A_184 = arith.constant 6 : i32
    %dma_start3A_185 = arith.constant 0 : i32
    %dma_start3A_186 = tpu.memref_slice %arg13[%dma_start3A_184, %dma_start3A_185] : memref<32x50xf32, #tpu.memory_space<vmem>> -> memref<1x50xf32, #tpu.memory_space<vmem>>
    %dma_start3A_187 = arith.constant 0 : i32
    %dma_start3A_188 = tpu.memref_slice %arg5[%squeeze3A_168, %dma_start3A_187] : memref<204800x50xf32, #tpu.memory_space<hbm>> -> memref<1x50xf32, #tpu.memory_space<hbm>>
    tpu.enqueue_dma source(%dma_start3A_188 : memref<1x50xf32, #tpu.memory_space<hbm>>) target(%dma_start3A_186 : memref<1x50xf32, #tpu.memory_space<vmem>>) target_semaphore(%arg15 : memref<!tpu.dma_semaphore, #tpu.memory_space<semaphore_mem>>)
    %slice3A_189 = vector.extract_strided_slice %get3A_36 {offsets = [7], sizes = [1], strides = [1]} : vector<16xi32> to vector<1xi32>
    %squeeze3A_190 = vector.extract %slice3A_189[0] : i32 from vector<1xi32>
    %dma_start3A_191 = arith.constant 7 : i32
    %dma_start3A_192 = arith.constant 0 : i32
    %dma_start3A_193 = tpu.memref_slice %arg11[%dma_start3A_191, %dma_start3A_192] : memref<32x100xf32, #tpu.memory_space<vmem>> -> memref<1x100xf32, #tpu.memory_space<vmem>>
    %dma_start3A_194 = arith.constant 0 : i32
    %dma_start3A_195 = tpu.memref_slice %arg3[%squeeze3A_190, %dma_start3A_194] : memref<204800x100xf32, #tpu.memory_space<hbm>> -> memref<1x100xf32, #tpu.memory_space<hbm>>
    %dma_start3A_196 = arith.constant 7 : i32
    %dma_start3A_197 = arith.constant 0 : i32
    %dma_start3A_198 = tpu.memref_slice %arg11[%dma_start3A_196, %dma_start3A_197] : memref<32x100xf32, #tpu.memory_space<vmem>> -> memref<1x100xf32, #tpu.memory_space<vmem>>
    %dma_start3A_199 = arith.constant 0 : i32
    %dma_start3A_200 = tpu.memref_slice %arg3[%squeeze3A_190, %dma_start3A_199] : memref<204800x100xf32, #tpu.memory_space<hbm>> -> memref<1x100xf32, #tpu.memory_space<hbm>>
    tpu.enqueue_dma source(%dma_start3A_200 : memref<1x100xf32, #tpu.memory_space<hbm>>) target(%dma_start3A_198 : memref<1x100xf32, #tpu.memory_space<vmem>>) target_semaphore(%arg15 : memref<!tpu.dma_semaphore, #tpu.memory_space<semaphore_mem>>)
    %dma_start3A_201 = arith.constant 7 : i32
    %dma_start3A_202 = arith.constant 0 : i32
    %dma_start3A_203 = tpu.memref_slice %arg13[%dma_start3A_201, %dma_start3A_202] : memref<32x50xf32, #tpu.memory_space<vmem>> -> memref<1x50xf32, #tpu.memory_space<vmem>>
    %dma_start3A_204 = arith.constant 0 : i32
    %dma_start3A_205 = tpu.memref_slice %arg5[%squeeze3A_190, %dma_start3A_204] : memref<204800x50xf32, #tpu.memory_space<hbm>> -> memref<1x50xf32, #tpu.memory_space<hbm>>
    %dma_start3A_206 = arith.constant 7 : i32
    %dma_start3A_207 = arith.constant 0 : i32
    %dma_start3A_208 = tpu.memref_slice %arg13[%dma_start3A_206, %dma_start3A_207] : memref<32x50xf32, #tpu.memory_space<vmem>> -> memref<1x50xf32, #tpu.memory_space<vmem>>
    %dma_start3A_209 = arith.constant 0 : i32
    %dma_start3A_210 = tpu.memref_slice %arg5[%squeeze3A_190, %dma_start3A_209] : memref<204800x50xf32, #tpu.memory_space<hbm>> -> memref<1x50xf32, #tpu.memory_space<hbm>>
    tpu.enqueue_dma source(%dma_start3A_210 : memref<1x50xf32, #tpu.memory_space<hbm>>) target(%dma_start3A_208 : memref<1x50xf32, #tpu.memory_space<vmem>>) target_semaphore(%arg15 : memref<!tpu.dma_semaphore, #tpu.memory_space<semaphore_mem>>)
    %slice3A_211 = vector.extract_strided_slice %get3A_36 {offsets = [8], sizes = [1], strides = [1]} : vector<16xi32> to vector<1xi32>
    %squeeze3A_212 = vector.extract %slice3A_211[0] : i32 from vector<1xi32>
    %dma_start3A_213 = arith.constant 8 : i32
    %dma_start3A_214 = arith.constant 0 : i32
    %dma_start3A_215 = tpu.memref_slice %arg11[%dma_start3A_213, %dma_start3A_214] : memref<32x100xf32, #tpu.memory_space<vmem>> -> memref<1x100xf32, #tpu.memory_space<vmem>>
    %dma_start3A_216 = arith.constant 0 : i32
    %dma_start3A_217 = tpu.memref_slice %arg3[%squeeze3A_212, %dma_start3A_216] : memref<204800x100xf32, #tpu.memory_space<hbm>> -> memref<1x100xf32, #tpu.memory_space<hbm>>
    %dma_start3A_218 = arith.constant 8 : i32
    %dma_start3A_219 = arith.constant 0 : i32
    %dma_start3A_220 = tpu.memref_slice %arg11[%dma_start3A_218, %dma_start3A_219] : memref<32x100xf32, #tpu.memory_space<vmem>> -> memref<1x100xf32, #tpu.memory_space<vmem>>
    %dma_start3A_221 = arith.constant 0 : i32
    %dma_start3A_222 = tpu.memref_slice %arg3[%squeeze3A_212, %dma_start3A_221] : memref<204800x100xf32, #tpu.memory_space<hbm>> -> memref<1x100xf32, #tpu.memory_space<hbm>>
    tpu.enqueue_dma source(%dma_start3A_222 : memref<1x100xf32, #tpu.memory_space<hbm>>) target(%dma_start3A_220 : memref<1x100xf32, #tpu.memory_space<vmem>>) target_semaphore(%arg15 : memref<!tpu.dma_semaphore, #tpu.memory_space<semaphore_mem>>)
    %dma_start3A_223 = arith.constant 8 : i32
    %dma_start3A_224 = arith.constant 0 : i32
    %dma_start3A_225 = tpu.memref_slice %arg13[%dma_start3A_223, %dma_start3A_224] : memref<32x50xf32, #tpu.memory_space<vmem>> -> memref<1x50xf32, #tpu.memory_space<vmem>>
    %dma_start3A_226 = arith.constant 0 : i32
    %dma_start3A_227 = tpu.memref_slice %arg5[%squeeze3A_212, %dma_start3A_226] : memref<204800x50xf32, #tpu.memory_space<hbm>> -> memref<1x50xf32, #tpu.memory_space<hbm>>
    %dma_start3A_228 = arith.constant 8 : i32
    %dma_start3A_229 = arith.constant 0 : i32
    %dma_start3A_230 = tpu.memref_slice %arg13[%dma_start3A_228, %dma_start3A_229] : memref<32x50xf32, #tpu.memory_space<vmem>> -> memref<1x50xf32, #tpu.memory_space<vmem>>
    %dma_start3A_231 = arith.constant 0 : i32
    %dma_start3A_232 = tpu.memref_slice %arg5[%squeeze3A_212, %dma_start3A_231] : memref<204800x50xf32, #tpu.memory_space<hbm>> -> memref<1x50xf32, #tpu.memory_space<hbm>>
    tpu.enqueue_dma source(%dma_start3A_232 : memref<1x50xf32, #tpu.memory_space<hbm>>) target(%dma_start3A_230 : memref<1x50xf32, #tpu.memory_space<vmem>>) target_semaphore(%arg15 : memref<!tpu.dma_semaphore, #tpu.memory_space<semaphore_mem>>)
    %slice3A_233 = vector.extract_strided_slice %get3A_36 {offsets = [9], sizes = [1], strides = [1]} : vector<16xi32> to vector<1xi32>
    %squeeze3A_234 = vector.extract %slice3A_233[0] : i32 from vector<1xi32>
    %dma_start3A_235 = arith.constant 9 : i32
    %dma_start3A_236 = arith.constant 0 : i32
    %dma_start3A_237 = tpu.memref_slice %arg11[%dma_start3A_235, %dma_start3A_236] : memref<32x100xf32, #tpu.memory_space<vmem>> -> memref<1x100xf32, #tpu.memory_space<vmem>>
    %dma_start3A_238 = arith.constant 0 : i32
    %dma_start3A_239 = tpu.memref_slice %arg3[%squeeze3A_234, %dma_start3A_238] : memref<204800x100xf32, #tpu.memory_space<hbm>> -> memref<1x100xf32, #tpu.memory_space<hbm>>
    %dma_start3A_240 = arith.constant 9 : i32
    %dma_start3A_241 = arith.constant 0 : i32
    %dma_start3A_242 = tpu.memref_slice %arg11[%dma_start3A_240, %dma_start3A_241] : memref<32x100xf32, #tpu.memory_space<vmem>> -> memref<1x100xf32, #tpu.memory_space<vmem>>
    %dma_start3A_243 = arith.constant 0 : i32
    %dma_start3A_244 = tpu.memref_slice %arg3[%squeeze3A_234, %dma_start3A_243] : memref<204800x100xf32, #tpu.memory_space<hbm>> -> memref<1x100xf32, #tpu.memory_space<hbm>>
    tpu.enqueue_dma source(%dma_start3A_244 : memref<1x100xf32, #tpu.memory_space<hbm>>) target(%dma_start3A_242 : memref<1x100xf32, #tpu.memory_space<vmem>>) target_semaphore(%arg15 : memref<!tpu.dma_semaphore, #tpu.memory_space<semaphore_mem>>)
    %dma_start3A_245 = arith.constant 9 : i32
    %dma_start3A_246 = arith.constant 0 : i32
    %dma_start3A_247 = tpu.memref_slice %arg13[%dma_start3A_245, %dma_start3A_246] : memref<32x50xf32, #tpu.memory_space<vmem>> -> memref<1x50xf32, #tpu.memory_space<vmem>>
    %dma_start3A_248 = arith.constant 0 : i32
    %dma_start3A_249 = tpu.memref_slice %arg5[%squeeze3A_234, %dma_start3A_248] : memref<204800x50xf32, #tpu.memory_space<hbm>> -> memref<1x50xf32, #tpu.memory_space<hbm>>
    %dma_start3A_250 = arith.constant 9 : i32
    %dma_start3A_251 = arith.constant 0 : i32
    %dma_start3A_252 = tpu.memref_slice %arg13[%dma_start3A_250, %dma_start3A_251] : memref<32x50xf32, #tpu.memory_space<vmem>> -> memref<1x50xf32, #tpu.memory_space<vmem>>
    %dma_start3A_253 = arith.constant 0 : i32
    %dma_start3A_254 = tpu.memref_slice %arg5[%squeeze3A_234, %dma_start3A_253] : memref<204800x50xf32, #tpu.memory_space<hbm>> -> memref<1x50xf32, #tpu.memory_space<hbm>>
    tpu.enqueue_dma source(%dma_start3A_254 : memref<1x50xf32, #tpu.memory_space<hbm>>) target(%dma_start3A_252 : memref<1x50xf32, #tpu.memory_space<vmem>>) target_semaphore(%arg15 : memref<!tpu.dma_semaphore, #tpu.memory_space<semaphore_mem>>)
    %slice3A_255 = vector.extract_strided_slice %get3A_36 {offsets = [10], sizes = [1], strides = [1]} : vector<16xi32> to vector<1xi32>
    %squeeze3A_256 = vector.extract %slice3A_255[0] : i32 from vector<1xi32>
    %dma_start3A_257 = arith.constant 10 : i32
    %dma_start3A_258 = arith.constant 0 : i32
    %dma_start3A_259 = tpu.memref_slice %arg11[%dma_start3A_257, %dma_start3A_258] : memref<32x100xf32, #tpu.memory_space<vmem>> -> memref<1x100xf32, #tpu.memory_space<vmem>>
    %dma_start3A_260 = arith.constant 0 : i32
    %dma_start3A_261 = tpu.memref_slice %arg3[%squeeze3A_256, %dma_start3A_260] : memref<204800x100xf32, #tpu.memory_space<hbm>> -> memref<1x100xf32, #tpu.memory_space<hbm>>
    %dma_start3A_262 = arith.constant 10 : i32
    %dma_start3A_263 = arith.constant 0 : i32
    %dma_start3A_264 = tpu.memref_slice %arg11[%dma_start3A_262, %dma_start3A_263] : memref<32x100xf32, #tpu.memory_space<vmem>> -> memref<1x100xf32, #tpu.memory_space<vmem>>
    %dma_start3A_265 = arith.constant 0 : i32
    %dma_start3A_266 = tpu.memref_slice %arg3[%squeeze3A_256, %dma_start3A_265] : memref<204800x100xf32, #tpu.memory_space<hbm>> -> memref<1x100xf32, #tpu.memory_space<hbm>>
    tpu.enqueue_dma source(%dma_start3A_266 : memref<1x100xf32, #tpu.memory_space<hbm>>) target(%dma_start3A_264 : memref<1x100xf32, #tpu.memory_space<vmem>>) target_semaphore(%arg15 : memref<!tpu.dma_semaphore, #tpu.memory_space<semaphore_mem>>)
    %dma_start3A_267 = arith.constant 10 : i32
    %dma_start3A_268 = arith.constant 0 : i32
    %dma_start3A_269 = tpu.memref_slice %arg13[%dma_start3A_267, %dma_start3A_268] : memref<32x50xf32, #tpu.memory_space<vmem>> -> memref<1x50xf32, #tpu.memory_space<vmem>>
    %dma_start3A_270 = arith.constant 0 : i32
    %dma_start3A_271 = tpu.memref_slice %arg5[%squeeze3A_256, %dma_start3A_270] : memref<204800x50xf32, #tpu.memory_space<hbm>> -> memref<1x50xf32, #tpu.memory_space<hbm>>
    %dma_start3A_272 = arith.constant 10 : i32
    %dma_start3A_273 = arith.constant 0 : i32
    %dma_start3A_274 = tpu.memref_slice %arg13[%dma_start3A_272, %dma_start3A_273] : memref<32x50xf32, #tpu.memory_space<vmem>> -> memref<1x50xf32, #tpu.memory_space<vmem>>
    %dma_start3A_275 = arith.constant 0 : i32
    %dma_start3A_276 = tpu.memref_slice %arg5[%squeeze3A_256, %dma_start3A_275] : memref<204800x50xf32, #tpu.memory_space<hbm>> -> memref<1x50xf32, #tpu.memory_space<hbm>>
    tpu.enqueue_dma source(%dma_start3A_276 : memref<1x50xf32, #tpu.memory_space<hbm>>) target(%dma_start3A_274 : memref<1x50xf32, #tpu.memory_space<vmem>>) target_semaphore(%arg15 : memref<!tpu.dma_semaphore, #tpu.memory_space<semaphore_mem>>)
    %slice3A_277 = vector.extract_strided_slice %get3A_36 {offsets = [11], sizes = [1], strides = [1]} : vector<16xi32> to vector<1xi32>
    %squeeze3A_278 = vector.extract %slice3A_277[0] : i32 from vector<1xi32>
    %dma_start3A_279 = arith.constant 11 : i32
    %dma_start3A_280 = arith.constant 0 : i32
    %dma_start3A_281 = tpu.memref_slice %arg11[%dma_start3A_279, %dma_start3A_280] : memref<32x100xf32, #tpu.memory_space<vmem>> -> memref<1x100xf32, #tpu.memory_space<vmem>>
    %dma_start3A_282 = arith.constant 0 : i32
    %dma_start3A_283 = tpu.memref_slice %arg3[%squeeze3A_278, %dma_start3A_282] : memref<204800x100xf32, #tpu.memory_space<hbm>> -> memref<1x100xf32, #tpu.memory_space<hbm>>
    %dma_start3A_284 = arith.constant 11 : i32
    %dma_start3A_285 = arith.constant 0 : i32
    %dma_start3A_286 = tpu.memref_slice %arg11[%dma_start3A_284, %dma_start3A_285] : memref<32x100xf32, #tpu.memory_space<vmem>> -> memref<1x100xf32, #tpu.memory_space<vmem>>
    %dma_start3A_287 = arith.constant 0 : i32
    %dma_start3A_288 = tpu.memref_slice %arg3[%squeeze3A_278, %dma_start3A_287] : memref<204800x100xf32, #tpu.memory_space<hbm>> -> memref<1x100xf32, #tpu.memory_space<hbm>>
    tpu.enqueue_dma source(%dma_start3A_288 : memref<1x100xf32, #tpu.memory_space<hbm>>) target(%dma_start3A_286 : memref<1x100xf32, #tpu.memory_space<vmem>>) target_semaphore(%arg15 : memref<!tpu.dma_semaphore, #tpu.memory_space<semaphore_mem>>)
    %dma_start3A_289 = arith.constant 11 : i32
    %dma_start3A_290 = arith.constant 0 : i32
    %dma_start3A_291 = tpu.memref_slice %arg13[%dma_start3A_289, %dma_start3A_290] : memref<32x50xf32, #tpu.memory_space<vmem>> -> memref<1x50xf32, #tpu.memory_space<vmem>>
    %dma_start3A_292 = arith.constant 0 : i32
    %dma_start3A_293 = tpu.memref_slice %arg5[%squeeze3A_278, %dma_start3A_292] : memref<204800x50xf32, #tpu.memory_space<hbm>> -> memref<1x50xf32, #tpu.memory_space<hbm>>
    %dma_start3A_294 = arith.constant 11 : i32
    %dma_start3A_295 = arith.constant 0 : i32
    %dma_start3A_296 = tpu.memref_slice %arg13[%dma_start3A_294, %dma_start3A_295] : memref<32x50xf32, #tpu.memory_space<vmem>> -> memref<1x50xf32, #tpu.memory_space<vmem>>
    %dma_start3A_297 = arith.constant 0 : i32
    %dma_start3A_298 = tpu.memref_slice %arg5[%squeeze3A_278, %dma_start3A_297] : memref<204800x50xf32, #tpu.memory_space<hbm>> -> memref<1x50xf32, #tpu.memory_space<hbm>>
    tpu.enqueue_dma source(%dma_start3A_298 : memref<1x50xf32, #tpu.memory_space<hbm>>) target(%dma_start3A_296 : memref<1x50xf32, #tpu.memory_space<vmem>>) target_semaphore(%arg15 : memref<!tpu.dma_semaphore, #tpu.memory_space<semaphore_mem>>)
    %slice3A_299 = vector.extract_strided_slice %get3A_36 {offsets = [12], sizes = [1], strides = [1]} : vector<16xi32> to vector<1xi32>
    %squeeze3A_300 = vector.extract %slice3A_299[0] : i32 from vector<1xi32>
    %dma_start3A_301 = arith.constant 12 : i32
    %dma_start3A_302 = arith.constant 0 : i32
    %dma_start3A_303 = tpu.memref_slice %arg11[%dma_start3A_301, %dma_start3A_302] : memref<32x100xf32, #tpu.memory_space<vmem>> -> memref<1x100xf32, #tpu.memory_space<vmem>>
    %dma_start3A_304 = arith.constant 0 : i32
    %dma_start3A_305 = tpu.memref_slice %arg3[%squeeze3A_300, %dma_start3A_304] : memref<204800x100xf32, #tpu.memory_space<hbm>> -> memref<1x100xf32, #tpu.memory_space<hbm>>
    %dma_start3A_306 = arith.constant 12 : i32
    %dma_start3A_307 = arith.constant 0 : i32
    %dma_start3A_308 = tpu.memref_slice %arg11[%dma_start3A_306, %dma_start3A_307] : memref<32x100xf32, #tpu.memory_space<vmem>> -> memref<1x100xf32, #tpu.memory_space<vmem>>
    %dma_start3A_309 = arith.constant 0 : i32
    %dma_start3A_310 = tpu.memref_slice %arg3[%squeeze3A_300, %dma_start3A_309] : memref<204800x100xf32, #tpu.memory_space<hbm>> -> memref<1x100xf32, #tpu.memory_space<hbm>>
    tpu.enqueue_dma source(%dma_start3A_310 : memref<1x100xf32, #tpu.memory_space<hbm>>) target(%dma_start3A_308 : memref<1x100xf32, #tpu.memory_space<vmem>>) target_semaphore(%arg15 : memref<!tpu.dma_semaphore, #tpu.memory_space<semaphore_mem>>)
    %dma_start3A_311 = arith.constant 12 : i32
    %dma_start3A_312 = arith.constant 0 : i32
    %dma_start3A_313 = tpu.memref_slice %arg13[%dma_start3A_311, %dma_start3A_312] : memref<32x50xf32, #tpu.memory_space<vmem>> -> memref<1x50xf32, #tpu.memory_space<vmem>>
    %dma_start3A_314 = arith.constant 0 : i32
    %dma_start3A_315 = tpu.memref_slice %arg5[%squeeze3A_300, %dma_start3A_314] : memref<204800x50xf32, #tpu.memory_space<hbm>> -> memref<1x50xf32, #tpu.memory_space<hbm>>
    %dma_start3A_316 = arith.constant 12 : i32
    %dma_start3A_317 = arith.constant 0 : i32
    %dma_start3A_318 = tpu.memref_slice %arg13[%dma_start3A_316, %dma_start3A_317] : memref<32x50xf32, #tpu.memory_space<vmem>> -> memref<1x50xf32, #tpu.memory_space<vmem>>
    %dma_start3A_319 = arith.constant 0 : i32
    %dma_start3A_320 = tpu.memref_slice %arg5[%squeeze3A_300, %dma_start3A_319] : memref<204800x50xf32, #tpu.memory_space<hbm>> -> memref<1x50xf32, #tpu.memory_space<hbm>>
    tpu.enqueue_dma source(%dma_start3A_320 : memref<1x50xf32, #tpu.memory_space<hbm>>) target(%dma_start3A_318 : memref<1x50xf32, #tpu.memory_space<vmem>>) target_semaphore(%arg15 : memref<!tpu.dma_semaphore, #tpu.memory_space<semaphore_mem>>)
    %slice3A_321 = vector.extract_strided_slice %get3A_36 {offsets = [13], sizes = [1], strides = [1]} : vector<16xi32> to vector<1xi32>
    %squeeze3A_322 = vector.extract %slice3A_321[0] : i32 from vector<1xi32>
    %dma_start3A_323 = arith.constant 13 : i32
    %dma_start3A_324 = arith.constant 0 : i32
    %dma_start3A_325 = tpu.memref_slice %arg11[%dma_start3A_323, %dma_start3A_324] : memref<32x100xf32, #tpu.memory_space<vmem>> -> memref<1x100xf32, #tpu.memory_space<vmem>>
    %dma_start3A_326 = arith.constant 0 : i32
    %dma_start3A_327 = tpu.memref_slice %arg3[%squeeze3A_322, %dma_start3A_326] : memref<204800x100xf32, #tpu.memory_space<hbm>> -> memref<1x100xf32, #tpu.memory_space<hbm>>
    %dma_start3A_328 = arith.constant 13 : i32
    %dma_start3A_329 = arith.constant 0 : i32
    %dma_start3A_330 = tpu.memref_slice %arg11[%dma_start3A_328, %dma_start3A_329] : memref<32x100xf32, #tpu.memory_space<vmem>> -> memref<1x100xf32, #tpu.memory_space<vmem>>
    %dma_start3A_331 = arith.constant 0 : i32
    %dma_start3A_332 = tpu.memref_slice %arg3[%squeeze3A_322, %dma_start3A_331] : memref<204800x100xf32, #tpu.memory_space<hbm>> -> memref<1x100xf32, #tpu.memory_space<hbm>>
    tpu.enqueue_dma source(%dma_start3A_332 : memref<1x100xf32, #tpu.memory_space<hbm>>) target(%dma_start3A_330 : memref<1x100xf32, #tpu.memory_space<vmem>>) target_semaphore(%arg15 : memref<!tpu.dma_semaphore, #tpu.memory_space<semaphore_mem>>)
    %dma_start3A_333 = arith.constant 13 : i32
    %dma_start3A_334 = arith.constant 0 : i32
    %dma_start3A_335 = tpu.memref_slice %arg13[%dma_start3A_333, %dma_start3A_334] : memref<32x50xf32, #tpu.memory_space<vmem>> -> memref<1x50xf32, #tpu.memory_space<vmem>>
    %dma_start3A_336 = arith.constant 0 : i32
    %dma_start3A_337 = tpu.memref_slice %arg5[%squeeze3A_322, %dma_start3A_336] : memref<204800x50xf32, #tpu.memory_space<hbm>> -> memref<1x50xf32, #tpu.memory_space<hbm>>
    %dma_start3A_338 = arith.constant 13 : i32
    %dma_start3A_339 = arith.constant 0 : i32
    %dma_start3A_340 = tpu.memref_slice %arg13[%dma_start3A_338, %dma_start3A_339] : memref<32x50xf32, #tpu.memory_space<vmem>> -> memref<1x50xf32, #tpu.memory_space<vmem>>
    %dma_start3A_341 = arith.constant 0 : i32
    %dma_start3A_342 = tpu.memref_slice %arg5[%squeeze3A_322, %dma_start3A_341] : memref<204800x50xf32, #tpu.memory_space<hbm>> -> memref<1x50xf32, #tpu.memory_space<hbm>>
    tpu.enqueue_dma source(%dma_start3A_342 : memref<1x50xf32, #tpu.memory_space<hbm>>) target(%dma_start3A_340 : memref<1x50xf32, #tpu.memory_space<vmem>>) target_semaphore(%arg15 : memref<!tpu.dma_semaphore, #tpu.memory_space<semaphore_mem>>)
    %slice3A_343 = vector.extract_strided_slice %get3A_36 {offsets = [14], sizes = [1], strides = [1]} : vector<16xi32> to vector<1xi32>
    %squeeze3A_344 = vector.extract %slice3A_343[0] : i32 from vector<1xi32>
    %dma_start3A_345 = arith.constant 14 : i32
    %dma_start3A_346 = arith.constant 0 : i32
    %dma_start3A_347 = tpu.memref_slice %arg11[%dma_start3A_345, %dma_start3A_346] : memref<32x100xf32, #tpu.memory_space<vmem>> -> memref<1x100xf32, #tpu.memory_space<vmem>>
    %dma_start3A_348 = arith.constant 0 : i32
    %dma_start3A_349 = tpu.memref_slice %arg3[%squeeze3A_344, %dma_start3A_348] : memref<204800x100xf32, #tpu.memory_space<hbm>> -> memref<1x100xf32, #tpu.memory_space<hbm>>
    %dma_start3A_350 = arith.constant 14 : i32
    %dma_start3A_351 = arith.constant 0 : i32
    %dma_start3A_352 = tpu.memref_slice %arg11[%dma_start3A_350, %dma_start3A_351] : memref<32x100xf32, #tpu.memory_space<vmem>> -> memref<1x100xf32, #tpu.memory_space<vmem>>
    %dma_start3A_353 = arith.constant 0 : i32
    %dma_start3A_354 = tpu.memref_slice %arg3[%squeeze3A_344, %dma_start3A_353] : memref<204800x100xf32, #tpu.memory_space<hbm>> -> memref<1x100xf32, #tpu.memory_space<hbm>>
    tpu.enqueue_dma source(%dma_start3A_354 : memref<1x100xf32, #tpu.memory_space<hbm>>) target(%dma_start3A_352 : memref<1x100xf32, #tpu.memory_space<vmem>>) target_semaphore(%arg15 : memref<!tpu.dma_semaphore, #tpu.memory_space<semaphore_mem>>)
    %dma_start3A_355 = arith.constant 14 : i32
    %dma_start3A_356 = arith.constant 0 : i32
    %dma_start3A_357 = tpu.memref_slice %arg13[%dma_start3A_355, %dma_start3A_356] : memref<32x50xf32, #tpu.memory_space<vmem>> -> memref<1x50xf32, #tpu.memory_space<vmem>>
    %dma_start3A_358 = arith.constant 0 : i32
    %dma_start3A_359 = tpu.memref_slice %arg5[%squeeze3A_344, %dma_start3A_358] : memref<204800x50xf32, #tpu.memory_space<hbm>> -> memref<1x50xf32, #tpu.memory_space<hbm>>
    %dma_start3A_360 = arith.constant 14 : i32
    %dma_start3A_361 = arith.constant 0 : i32
    %dma_start3A_362 = tpu.memref_slice %arg13[%dma_start3A_360, %dma_start3A_361] : memref<32x50xf32, #tpu.memory_space<vmem>> -> memref<1x50xf32, #tpu.memory_space<vmem>>
    %dma_start3A_363 = arith.constant 0 : i32
    %dma_start3A_364 = tpu.memref_slice %arg5[%squeeze3A_344, %dma_start3A_363] : memref<204800x50xf32, #tpu.memory_space<hbm>> -> memref<1x50xf32, #tpu.memory_space<hbm>>
    tpu.enqueue_dma source(%dma_start3A_364 : memref<1x50xf32, #tpu.memory_space<hbm>>) target(%dma_start3A_362 : memref<1x50xf32, #tpu.memory_space<vmem>>) target_semaphore(%arg15 : memref<!tpu.dma_semaphore, #tpu.memory_space<semaphore_mem>>)
    %slice3A_365 = vector.extract_strided_slice %get3A_36 {offsets = [15], sizes = [1], strides = [1]} : vector<16xi32> to vector<1xi32>
    %squeeze3A_366 = vector.extract %slice3A_365[0] : i32 from vector<1xi32>
    %dma_start3A_367 = arith.constant 15 : i32
    %dma_start3A_368 = arith.constant 0 : i32
    %dma_start3A_369 = tpu.memref_slice %arg11[%dma_start3A_367, %dma_start3A_368] : memref<32x100xf32, #tpu.memory_space<vmem>> -> memref<1x100xf32, #tpu.memory_space<vmem>>
    %dma_start3A_370 = arith.constant 0 : i32
    %dma_start3A_371 = tpu.memref_slice %arg3[%squeeze3A_366, %dma_start3A_370] : memref<204800x100xf32, #tpu.memory_space<hbm>> -> memref<1x100xf32, #tpu.memory_space<hbm>>
    %dma_start3A_372 = arith.constant 15 : i32
    %dma_start3A_373 = arith.constant 0 : i32
    %dma_start3A_374 = tpu.memref_slice %arg11[%dma_start3A_372, %dma_start3A_373] : memref<32x100xf32, #tpu.memory_space<vmem>> -> memref<1x100xf32, #tpu.memory_space<vmem>>
    %dma_start3A_375 = arith.constant 0 : i32
    %dma_start3A_376 = tpu.memref_slice %arg3[%squeeze3A_366, %dma_start3A_375] : memref<204800x100xf32, #tpu.memory_space<hbm>> -> memref<1x100xf32, #tpu.memory_space<hbm>>
    tpu.enqueue_dma source(%dma_start3A_376 : memref<1x100xf32, #tpu.memory_space<hbm>>) target(%dma_start3A_374 : memref<1x100xf32, #tpu.memory_space<vmem>>) target_semaphore(%arg15 : memref<!tpu.dma_semaphore, #tpu.memory_space<semaphore_mem>>)
    %dma_start3A_377 = arith.constant 15 : i32
    %dma_start3A_378 = arith.constant 0 : i32
    %dma_start3A_379 = tpu.memref_slice %arg13[%dma_start3A_377, %dma_start3A_378] : memref<32x50xf32, #tpu.memory_space<vmem>> -> memref<1x50xf32, #tpu.memory_space<vmem>>
    %dma_start3A_380 = arith.constant 0 : i32
    %dma_start3A_381 = tpu.memref_slice %arg5[%squeeze3A_366, %dma_start3A_380] : memref<204800x50xf32, #tpu.memory_space<hbm>> -> memref<1x50xf32, #tpu.memory_space<hbm>>
    %dma_start3A_382 = arith.constant 15 : i32
    %dma_start3A_383 = arith.constant 0 : i32
    %dma_start3A_384 = tpu.memref_slice %arg13[%dma_start3A_382, %dma_start3A_383] : memref<32x50xf32, #tpu.memory_space<vmem>> -> memref<1x50xf32, #tpu.memory_space<vmem>>
    %dma_start3A_385 = arith.constant 0 : i32
    %dma_start3A_386 = tpu.memref_slice %arg5[%squeeze3A_366, %dma_start3A_385] : memref<204800x50xf32, #tpu.memory_space<hbm>> -> memref<1x50xf32, #tpu.memory_space<hbm>>
    tpu.enqueue_dma source(%dma_start3A_386 : memref<1x50xf32, #tpu.memory_space<hbm>>) target(%dma_start3A_384 : memref<1x50xf32, #tpu.memory_space<vmem>>) target_semaphore(%arg15 : memref<!tpu.dma_semaphore, #tpu.memory_space<semaphore_mem>>)
    %get3A_387 = arith.constant 16 : index
    %get3A_388 = tpu.vector_load %arg10[%get3A_387] {strides = array<i32>} : memref<32xi32, #tpu.memory_space<vmem>>, vector<16xi32>,
    %get3A_389 = vector.shape_cast %get3A_388 : vector<16xi32> to vector<16xi32>
    %slice3A_390 = vector.extract_strided_slice %get3A_389 {offsets = [0], sizes = [1], strides = [1]} : vector<16xi32> to vector<1xi32>
    %squeeze3A_391 = vector.extract %slice3A_390[0] : i32 from vector<1xi32>
    %dma_start3A_392 = arith.constant 16 : i32
    %dma_start3A_393 = arith.constant 0 : i32
    %dma_start3A_394 = tpu.memref_slice %arg11[%dma_start3A_392, %dma_start3A_393] : memref<32x100xf32, #tpu.memory_space<vmem>> -> memref<1x100xf32, #tpu.memory_space<vmem>>
    %dma_start3A_395 = arith.constant 0 : i32
    %dma_start3A_396 = tpu.memref_slice %arg3[%squeeze3A_391, %dma_start3A_395] : memref<204800x100xf32, #tpu.memory_space<hbm>> -> memref<1x100xf32, #tpu.memory_space<hbm>>
    %dma_start3A_397 = arith.constant 16 : i32
    %dma_start3A_398 = arith.constant 0 : i32
    %dma_start3A_399 = tpu.memref_slice %arg11[%dma_start3A_397, %dma_start3A_398] : memref<32x100xf32, #tpu.memory_space<vmem>> -> memref<1x100xf32, #tpu.memory_space<vmem>>
    %dma_start3A_400 = arith.constant 0 : i32
    %dma_start3A_401 = tpu.memref_slice %arg3[%squeeze3A_391, %dma_start3A_400] : memref<204800x100xf32, #tpu.memory_space<hbm>> -> memref<1x100xf32, #tpu.memory_space<hbm>>
    tpu.enqueue_dma source(%dma_start3A_401 : memref<1x100xf32, #tpu.memory_space<hbm>>) target(%dma_start3A_399 : memref<1x100xf32, #tpu.memory_space<vmem>>) target_semaphore(%arg15 : memref<!tpu.dma_semaphore, #tpu.memory_space<semaphore_mem>>)
    %dma_start3A_402 = arith.constant 16 : i32
    %dma_start3A_403 = arith.constant 0 : i32
    %dma_start3A_404 = tpu.memref_slice %arg13[%dma_start3A_402, %dma_start3A_403] : memref<32x50xf32, #tpu.memory_space<vmem>> -> memref<1x50xf32, #tpu.memory_space<vmem>>
    %dma_start3A_405 = arith.constant 0 : i32
    %dma_start3A_406 = tpu.memref_slice %arg5[%squeeze3A_391, %dma_start3A_405] : memref<204800x50xf32, #tpu.memory_space<hbm>> -> memref<1x50xf32, #tpu.memory_space<hbm>>
    %dma_start3A_407 = arith.constant 16 : i32
    %dma_start3A_408 = arith.constant 0 : i32
    %dma_start3A_409 = tpu.memref_slice %arg13[%dma_start3A_407, %dma_start3A_408] : memref<32x50xf32, #tpu.memory_space<vmem>> -> memref<1x50xf32, #tpu.memory_space<vmem>>
    %dma_start3A_410 = arith.constant 0 : i32
    %dma_start3A_411 = tpu.memref_slice %arg5[%squeeze3A_391, %dma_start3A_410] : memref<204800x50xf32, #tpu.memory_space<hbm>> -> memref<1x50xf32, #tpu.memory_space<hbm>>
    tpu.enqueue_dma source(%dma_start3A_411 : memref<1x50xf32, #tpu.memory_space<hbm>>) target(%dma_start3A_409 : memref<1x50xf32, #tpu.memory_space<vmem>>) target_semaphore(%arg15 : memref<!tpu.dma_semaphore, #tpu.memory_space<semaphore_mem>>)
    %slice3A_412 = vector.extract_strided_slice %get3A_389 {offsets = [1], sizes = [1], strides = [1]} : vector<16xi32> to vector<1xi32>
    %squeeze3A_413 = vector.extract %slice3A_412[0] : i32 from vector<1xi32>
    %dma_start3A_414 = arith.constant 17 : i32
    %dma_start3A_415 = arith.constant 0 : i32
    %dma_start3A_416 = tpu.memref_slice %arg11[%dma_start3A_414, %dma_start3A_415] : memref<32x100xf32, #tpu.memory_space<vmem>> -> memref<1x100xf32, #tpu.memory_space<vmem>>
    %dma_start3A_417 = arith.constant 0 : i32
    %dma_start3A_418 = tpu.memref_slice %arg3[%squeeze3A_413, %dma_start3A_417] : memref<204800x100xf32, #tpu.memory_space<hbm>> -> memref<1x100xf32, #tpu.memory_space<hbm>>
    %dma_start3A_419 = arith.constant 17 : i32
    %dma_start3A_420 = arith.constant 0 : i32
    %dma_start3A_421 = tpu.memref_slice %arg11[%dma_start3A_419, %dma_start3A_420] : memref<32x100xf32, #tpu.memory_space<vmem>> -> memref<1x100xf32, #tpu.memory_space<vmem>>
    %dma_start3A_422 = arith.constant 0 : i32
    %dma_start3A_423 = tpu.memref_slice %arg3[%squeeze3A_413, %dma_start3A_422] : memref<204800x100xf32, #tpu.memory_space<hbm>> -> memref<1x100xf32, #tpu.memory_space<hbm>>
    tpu.enqueue_dma source(%dma_start3A_423 : memref<1x100xf32, #tpu.memory_space<hbm>>) target(%dma_start3A_421 : memref<1x100xf32, #tpu.memory_space<vmem>>) target_semaphore(%arg15 : memref<!tpu.dma_semaphore, #tpu.memory_space<semaphore_mem>>)
    %dma_start3A_424 = arith.constant 17 : i32
    %dma_start3A_425 = arith.constant 0 : i32
    %dma_start3A_426 = tpu.memref_slice %arg13[%dma_start3A_424, %dma_start3A_425] : memref<32x50xf32, #tpu.memory_space<vmem>> -> memref<1x50xf32, #tpu.memory_space<vmem>>
    %dma_start3A_427 = arith.constant 0 : i32
    %dma_start3A_428 = tpu.memref_slice %arg5[%squeeze3A_413, %dma_start3A_427] : memref<204800x50xf32, #tpu.memory_space<hbm>> -> memref<1x50xf32, #tpu.memory_space<hbm>>
    %dma_start3A_429 = arith.constant 17 : i32
    %dma_start3A_430 = arith.constant 0 : i32
    %dma_start3A_431 = tpu.memref_slice %arg13[%dma_start3A_429, %dma_start3A_430] : memref<32x50xf32, #tpu.memory_space<vmem>> -> memref<1x50xf32, #tpu.memory_space<vmem>>
    %dma_start3A_432 = arith.constant 0 : i32
    %dma_start3A_433 = tpu.memref_slice %arg5[%squeeze3A_413, %dma_start3A_432] : memref<204800x50xf32, #tpu.memory_space<hbm>> -> memref<1x50xf32, #tpu.memory_space<hbm>>
    tpu.enqueue_dma source(%dma_start3A_433 : memref<1x50xf32, #tpu.memory_space<hbm>>) target(%dma_start3A_431 : memref<1x50xf32, #tpu.memory_space<vmem>>) target_semaphore(%arg15 : memref<!tpu.dma_semaphore, #tpu.memory_space<semaphore_mem>>)
    %slice3A_434 = vector.extract_strided_slice %get3A_389 {offsets = [2], sizes = [1], strides = [1]} : vector<16xi32> to vector<1xi32>
    %squeeze3A_435 = vector.extract %slice3A_434[0] : i32 from vector<1xi32>
    %dma_start3A_436 = arith.constant 18 : i32
    %dma_start3A_437 = arith.constant 0 : i32
    %dma_start3A_438 = tpu.memref_slice %arg11[%dma_start3A_436, %dma_start3A_437] : memref<32x100xf32, #tpu.memory_space<vmem>> -> memref<1x100xf32, #tpu.memory_space<vmem>>
    %dma_start3A_439 = arith.constant 0 : i32
    %dma_start3A_440 = tpu.memref_slice %arg3[%squeeze3A_435, %dma_start3A_439] : memref<204800x100xf32, #tpu.memory_space<hbm>> -> memref<1x100xf32, #tpu.memory_space<hbm>>
    %dma_start3A_441 = arith.constant 18 : i32
    %dma_start3A_442 = arith.constant 0 : i32
    %dma_start3A_443 = tpu.memref_slice %arg11[%dma_start3A_441, %dma_start3A_442] : memref<32x100xf32, #tpu.memory_space<vmem>> -> memref<1x100xf32, #tpu.memory_space<vmem>>
    %dma_start3A_444 = arith.constant 0 : i32
    %dma_start3A_445 = tpu.memref_slice %arg3[%squeeze3A_435, %dma_start3A_444] : memref<204800x100xf32, #tpu.memory_space<hbm>> -> memref<1x100xf32, #tpu.memory_space<hbm>>
    tpu.enqueue_dma source(%dma_start3A_445 : memref<1x100xf32, #tpu.memory_space<hbm>>) target(%dma_start3A_443 : memref<1x100xf32, #tpu.memory_space<vmem>>) target_semaphore(%arg15 : memref<!tpu.dma_semaphore, #tpu.memory_space<semaphore_mem>>)
    %dma_start3A_446 = arith.constant 18 : i32
    %dma_start3A_447 = arith.constant 0 : i32
    %dma_start3A_448 = tpu.memref_slice %arg13[%dma_start3A_446, %dma_start3A_447] : memref<32x50xf32, #tpu.memory_space<vmem>> -> memref<1x50xf32, #tpu.memory_space<vmem>>
    %dma_start3A_449 = arith.constant 0 : i32
    %dma_start3A_450 = tpu.memref_slice %arg5[%squeeze3A_435, %dma_start3A_449] : memref<204800x50xf32, #tpu.memory_space<hbm>> -> memref<1x50xf32, #tpu.memory_space<hbm>>
    %dma_start3A_451 = arith.constant 18 : i32
    %dma_start3A_452 = arith.constant 0 : i32
    %dma_start3A_453 = tpu.memref_slice %arg13[%dma_start3A_451, %dma_start3A_452] : memref<32x50xf32, #tpu.memory_space<vmem>> -> memref<1x50xf32, #tpu.memory_space<vmem>>
    %dma_start3A_454 = arith.constant 0 : i32
    %dma_start3A_455 = tpu.memref_slice %arg5[%squeeze3A_435, %dma_start3A_454] : memref<204800x50xf32, #tpu.memory_space<hbm>> -> memref<1x50xf32, #tpu.memory_space<hbm>>
    tpu.enqueue_dma source(%dma_start3A_455 : memref<1x50xf32, #tpu.memory_space<hbm>>) target(%dma_start3A_453 : memref<1x50xf32, #tpu.memory_space<vmem>>) target_semaphore(%arg15 : memref<!tpu.dma_semaphore, #tpu.memory_space<semaphore_mem>>)
    %slice3A_456 = vector.extract_strided_slice %get3A_389 {offsets = [3], sizes = [1], strides = [1]} : vector<16xi32> to vector<1xi32>
    %squeeze3A_457 = vector.extract %slice3A_456[0] : i32 from vector<1xi32>
    %dma_start3A_458 = arith.constant 19 : i32
    %dma_start3A_459 = arith.constant 0 : i32
    %dma_start3A_460 = tpu.memref_slice %arg11[%dma_start3A_458, %dma_start3A_459] : memref<32x100xf32, #tpu.memory_space<vmem>> -> memref<1x100xf32, #tpu.memory_space<vmem>>
    %dma_start3A_461 = arith.constant 0 : i32
    %dma_start3A_462 = tpu.memref_slice %arg3[%squeeze3A_457, %dma_start3A_461] : memref<204800x100xf32, #tpu.memory_space<hbm>> -> memref<1x100xf32, #tpu.memory_space<hbm>>
    %dma_start3A_463 = arith.constant 19 : i32
    %dma_start3A_464 = arith.constant 0 : i32
    %dma_start3A_465 = tpu.memref_slice %arg11[%dma_start3A_463, %dma_start3A_464] : memref<32x100xf32, #tpu.memory_space<vmem>> -> memref<1x100xf32, #tpu.memory_space<vmem>>
    %dma_start3A_466 = arith.constant 0 : i32
    %dma_start3A_467 = tpu.memref_slice %arg3[%squeeze3A_457, %dma_start3A_466] : memref<204800x100xf32, #tpu.memory_space<hbm>> -> memref<1x100xf32, #tpu.memory_space<hbm>>
    tpu.enqueue_dma source(%dma_start3A_467 : memref<1x100xf32, #tpu.memory_space<hbm>>) target(%dma_start3A_465 : memref<1x100xf32, #tpu.memory_space<vmem>>) target_semaphore(%arg15 : memref<!tpu.dma_semaphore, #tpu.memory_space<semaphore_mem>>)
    %dma_start3A_468 = arith.constant 19 : i32
    %dma_start3A_469 = arith.constant 0 : i32
    %dma_start3A_470 = tpu.memref_slice %arg13[%dma_start3A_468, %dma_start3A_469] : memref<32x50xf32, #tpu.memory_space<vmem>> -> memref<1x50xf32, #tpu.memory_space<vmem>>
    %dma_start3A_471 = arith.constant 0 : i32
    %dma_start3A_472 = tpu.memref_slice %arg5[%squeeze3A_457, %dma_start3A_471] : memref<204800x50xf32, #tpu.memory_space<hbm>> -> memref<1x50xf32, #tpu.memory_space<hbm>>
    %dma_start3A_473 = arith.constant 19 : i32
    %dma_start3A_474 = arith.constant 0 : i32
    %dma_start3A_475 = tpu.memref_slice %arg13[%dma_start3A_473, %dma_start3A_474] : memref<32x50xf32, #tpu.memory_space<vmem>> -> memref<1x50xf32, #tpu.memory_space<vmem>>
    %dma_start3A_476 = arith.constant 0 : i32
    %dma_start3A_477 = tpu.memref_slice %arg5[%squeeze3A_457, %dma_start3A_476] : memref<204800x50xf32, #tpu.memory_space<hbm>> -> memref<1x50xf32, #tpu.memory_space<hbm>>
    tpu.enqueue_dma source(%dma_start3A_477 : memref<1x50xf32, #tpu.memory_space<hbm>>) target(%dma_start3A_475 : memref<1x50xf32, #tpu.memory_space<vmem>>) target_semaphore(%arg15 : memref<!tpu.dma_semaphore, #tpu.memory_space<semaphore_mem>>)
    %slice3A_478 = vector.extract_strided_slice %get3A_389 {offsets = [4], sizes = [1], strides = [1]} : vector<16xi32> to vector<1xi32>
    %squeeze3A_479 = vector.extract %slice3A_478[0] : i32 from vector<1xi32>
    %dma_start3A_480 = arith.constant 20 : i32
    %dma_start3A_481 = arith.constant 0 : i32
    %dma_start3A_482 = tpu.memref_slice %arg11[%dma_start3A_480, %dma_start3A_481] : memref<32x100xf32, #tpu.memory_space<vmem>> -> memref<1x100xf32, #tpu.memory_space<vmem>>
    %dma_start3A_483 = arith.constant 0 : i32
    %dma_start3A_484 = tpu.memref_slice %arg3[%squeeze3A_479, %dma_start3A_483] : memref<204800x100xf32, #tpu.memory_space<hbm>> -> memref<1x100xf32, #tpu.memory_space<hbm>>
    %dma_start3A_485 = arith.constant 20 : i32
    %dma_start3A_486 = arith.constant 0 : i32
    %dma_start3A_487 = tpu.memref_slice %arg11[%dma_start3A_485, %dma_start3A_486] : memref<32x100xf32, #tpu.memory_space<vmem>> -> memref<1x100xf32, #tpu.memory_space<vmem>>
    %dma_start3A_488 = arith.constant 0 : i32
    %dma_start3A_489 = tpu.memref_slice %arg3[%squeeze3A_479, %dma_start3A_488] : memref<204800x100xf32, #tpu.memory_space<hbm>> -> memref<1x100xf32, #tpu.memory_space<hbm>>
    tpu.enqueue_dma source(%dma_start3A_489 : memref<1x100xf32, #tpu.memory_space<hbm>>) target(%dma_start3A_487 : memref<1x100xf32, #tpu.memory_space<vmem>>) target_semaphore(%arg15 : memref<!tpu.dma_semaphore, #tpu.memory_space<semaphore_mem>>)
    %dma_start3A_490 = arith.constant 20 : i32
    %dma_start3A_491 = arith.constant 0 : i32
    %dma_start3A_492 = tpu.memref_slice %arg13[%dma_start3A_490, %dma_start3A_491] : memref<32x50xf32, #tpu.memory_space<vmem>> -> memref<1x50xf32, #tpu.memory_space<vmem>>
    %dma_start3A_493 = arith.constant 0 : i32
    %dma_start3A_494 = tpu.memref_slice %arg5[%squeeze3A_479, %dma_start3A_493] : memref<204800x50xf32, #tpu.memory_space<hbm>> -> memref<1x50xf32, #tpu.memory_space<hbm>>
    %dma_start3A_495 = arith.constant 20 : i32
    %dma_start3A_496 = arith.constant 0 : i32
    %dma_start3A_497 = tpu.memref_slice %arg13[%dma_start3A_495, %dma_start3A_496] : memref<32x50xf32, #tpu.memory_space<vmem>> -> memref<1x50xf32, #tpu.memory_space<vmem>>
    %dma_start3A_498 = arith.constant 0 : i32
    %dma_start3A_499 = tpu.memref_slice %arg5[%squeeze3A_479, %dma_start3A_498] : memref<204800x50xf32, #tpu.memory_space<hbm>> -> memref<1x50xf32, #tpu.memory_space<hbm>>
    tpu.enqueue_dma source(%dma_start3A_499 : memref<1x50xf32, #tpu.memory_space<hbm>>) target(%dma_start3A_497 : memref<1x50xf32, #tpu.memory_space<vmem>>) target_semaphore(%arg15 : memref<!tpu.dma_semaphore, #tpu.memory_space<semaphore_mem>>)
    %slice3A_500 = vector.extract_strided_slice %get3A_389 {offsets = [5], sizes = [1], strides = [1]} : vector<16xi32> to vector<1xi32>
    %squeeze3A_501 = vector.extract %slice3A_500[0] : i32 from vector<1xi32>
    %dma_start3A_502 = arith.constant 21 : i32
    %dma_start3A_503 = arith.constant 0 : i32
    %dma_start3A_504 = tpu.memref_slice %arg11[%dma_start3A_502, %dma_start3A_503] : memref<32x100xf32, #tpu.memory_space<vmem>> -> memref<1x100xf32, #tpu.memory_space<vmem>>
    %dma_start3A_505 = arith.constant 0 : i32
    %dma_start3A_506 = tpu.memref_slice %arg3[%squeeze3A_501, %dma_start3A_505] : memref<204800x100xf32, #tpu.memory_space<hbm>> -> memref<1x100xf32, #tpu.memory_space<hbm>>
    %dma_start3A_507 = arith.constant 21 : i32
    %dma_start3A_508 = arith.constant 0 : i32
    %dma_start3A_509 = tpu.memref_slice %arg11[%dma_start3A_507, %dma_start3A_508] : memref<32x100xf32, #tpu.memory_space<vmem>> -> memref<1x100xf32, #tpu.memory_space<vmem>>
    %dma_start3A_510 = arith.constant 0 : i32
    %dma_start3A_511 = tpu.memref_slice %arg3[%squeeze3A_501, %dma_start3A_510] : memref<204800x100xf32, #tpu.memory_space<hbm>> -> memref<1x100xf32, #tpu.memory_space<hbm>>
    tpu.enqueue_dma source(%dma_start3A_511 : memref<1x100xf32, #tpu.memory_space<hbm>>) target(%dma_start3A_509 : memref<1x100xf32, #tpu.memory_space<vmem>>) target_semaphore(%arg15 : memref<!tpu.dma_semaphore, #tpu.memory_space<semaphore_mem>>)
    %dma_start3A_512 = arith.constant 21 : i32
    %dma_start3A_513 = arith.constant 0 : i32
    %dma_start3A_514 = tpu.memref_slice %arg13[%dma_start3A_512, %dma_start3A_513] : memref<32x50xf32, #tpu.memory_space<vmem>> -> memref<1x50xf32, #tpu.memory_space<vmem>>
    %dma_start3A_515 = arith.constant 0 : i32
    %dma_start3A_516 = tpu.memref_slice %arg5[%squeeze3A_501, %dma_start3A_515] : memref<204800x50xf32, #tpu.memory_space<hbm>> -> memref<1x50xf32, #tpu.memory_space<hbm>>
    %dma_start3A_517 = arith.constant 21 : i32
    %dma_start3A_518 = arith.constant 0 : i32
    %dma_start3A_519 = tpu.memref_slice %arg13[%dma_start3A_517, %dma_start3A_518] : memref<32x50xf32, #tpu.memory_space<vmem>> -> memref<1x50xf32, #tpu.memory_space<vmem>>
    %dma_start3A_520 = arith.constant 0 : i32
    %dma_start3A_521 = tpu.memref_slice %arg5[%squeeze3A_501, %dma_start3A_520] : memref<204800x50xf32, #tpu.memory_space<hbm>> -> memref<1x50xf32, #tpu.memory_space<hbm>>
    tpu.enqueue_dma source(%dma_start3A_521 : memref<1x50xf32, #tpu.memory_space<hbm>>) target(%dma_start3A_519 : memref<1x50xf32, #tpu.memory_space<vmem>>) target_semaphore(%arg15 : memref<!tpu.dma_semaphore, #tpu.memory_space<semaphore_mem>>)
    %slice3A_522 = vector.extract_strided_slice %get3A_389 {offsets = [6], sizes = [1], strides = [1]} : vector<16xi32> to vector<1xi32>
    %squeeze3A_523 = vector.extract %slice3A_522[0] : i32 from vector<1xi32>
    %dma_start3A_524 = arith.constant 22 : i32
    %dma_start3A_525 = arith.constant 0 : i32
    %dma_start3A_526 = tpu.memref_slice %arg11[%dma_start3A_524, %dma_start3A_525] : memref<32x100xf32, #tpu.memory_space<vmem>> -> memref<1x100xf32, #tpu.memory_space<vmem>>
    %dma_start3A_527 = arith.constant 0 : i32
    %dma_start3A_528 = tpu.memref_slice %arg3[%squeeze3A_523, %dma_start3A_527] : memref<204800x100xf32, #tpu.memory_space<hbm>> -> memref<1x100xf32, #tpu.memory_space<hbm>>
    %dma_start3A_529 = arith.constant 22 : i32
    %dma_start3A_530 = arith.constant 0 : i32
    %dma_start3A_531 = tpu.memref_slice %arg11[%dma_start3A_529, %dma_start3A_530] : memref<32x100xf32, #tpu.memory_space<vmem>> -> memref<1x100xf32, #tpu.memory_space<vmem>>
    %dma_start3A_532 = arith.constant 0 : i32
    %dma_start3A_533 = tpu.memref_slice %arg3[%squeeze3A_523, %dma_start3A_532] : memref<204800x100xf32, #tpu.memory_space<hbm>> -> memref<1x100xf32, #tpu.memory_space<hbm>>
    tpu.enqueue_dma source(%dma_start3A_533 : memref<1x100xf32, #tpu.memory_space<hbm>>) target(%dma_start3A_531 : memref<1x100xf32, #tpu.memory_space<vmem>>) target_semaphore(%arg15 : memref<!tpu.dma_semaphore, #tpu.memory_space<semaphore_mem>>)
    %dma_start3A_534 = arith.constant 22 : i32
    %dma_start3A_535 = arith.constant 0 : i32
    %dma_start3A_536 = tpu.memref_slice %arg13[%dma_start3A_534, %dma_start3A_535] : memref<32x50xf32, #tpu.memory_space<vmem>> -> memref<1x50xf32, #tpu.memory_space<vmem>>
    %dma_start3A_537 = arith.constant 0 : i32
    %dma_start3A_538 = tpu.memref_slice %arg5[%squeeze3A_523, %dma_start3A_537] : memref<204800x50xf32, #tpu.memory_space<hbm>> -> memref<1x50xf32, #tpu.memory_space<hbm>>
    %dma_start3A_539 = arith.constant 22 : i32
    %dma_start3A_540 = arith.constant 0 : i32
    %dma_start3A_541 = tpu.memref_slice %arg13[%dma_start3A_539, %dma_start3A_540] : memref<32x50xf32, #tpu.memory_space<vmem>> -> memref<1x50xf32, #tpu.memory_space<vmem>>
    %dma_start3A_542 = arith.constant 0 : i32
    %dma_start3A_543 = tpu.memref_slice %arg5[%squeeze3A_523, %dma_start3A_542] : memref<204800x50xf32, #tpu.memory_space<hbm>> -> memref<1x50xf32, #tpu.memory_space<hbm>>
    tpu.enqueue_dma source(%dma_start3A_543 : memref<1x50xf32, #tpu.memory_space<hbm>>) target(%dma_start3A_541 : memref<1x50xf32, #tpu.memory_space<vmem>>) target_semaphore(%arg15 : memref<!tpu.dma_semaphore, #tpu.memory_space<semaphore_mem>>)
    %slice3A_544 = vector.extract_strided_slice %get3A_389 {offsets = [7], sizes = [1], strides = [1]} : vector<16xi32> to vector<1xi32>
    %squeeze3A_545 = vector.extract %slice3A_544[0] : i32 from vector<1xi32>
    %dma_start3A_546 = arith.constant 23 : i32
    %dma_start3A_547 = arith.constant 0 : i32
    %dma_start3A_548 = tpu.memref_slice %arg11[%dma_start3A_546, %dma_start3A_547] : memref<32x100xf32, #tpu.memory_space<vmem>> -> memref<1x100xf32, #tpu.memory_space<vmem>>
    %dma_start3A_549 = arith.constant 0 : i32
    %dma_start3A_550 = tpu.memref_slice %arg3[%squeeze3A_545, %dma_start3A_549] : memref<204800x100xf32, #tpu.memory_space<hbm>> -> memref<1x100xf32, #tpu.memory_space<hbm>>
    %dma_start3A_551 = arith.constant 23 : i32
    %dma_start3A_552 = arith.constant 0 : i32
    %dma_start3A_553 = tpu.memref_slice %arg11[%dma_start3A_551, %dma_start3A_552] : memref<32x100xf32, #tpu.memory_space<vmem>> -> memref<1x100xf32, #tpu.memory_space<vmem>>
    %dma_start3A_554 = arith.constant 0 : i32
    %dma_start3A_555 = tpu.memref_slice %arg3[%squeeze3A_545, %dma_start3A_554] : memref<204800x100xf32, #tpu.memory_space<hbm>> -> memref<1x100xf32, #tpu.memory_space<hbm>>
    tpu.enqueue_dma source(%dma_start3A_555 : memref<1x100xf32, #tpu.memory_space<hbm>>) target(%dma_start3A_553 : memref<1x100xf32, #tpu.memory_space<vmem>>) target_semaphore(%arg15 : memref<!tpu.dma_semaphore, #tpu.memory_space<semaphore_mem>>)
    %dma_start3A_556 = arith.constant 23 : i32
    %dma_start3A_557 = arith.constant 0 : i32
    %dma_start3A_558 = tpu.memref_slice %arg13[%dma_start3A_556, %dma_start3A_557] : memref<32x50xf32, #tpu.memory_space<vmem>> -> memref<1x50xf32, #tpu.memory_space<vmem>>
    %dma_start3A_559 = arith.constant 0 : i32
    %dma_start3A_560 = tpu.memref_slice %arg5[%squeeze3A_545, %dma_start3A_559] : memref<204800x50xf32, #tpu.memory_space<hbm>> -> memref<1x50xf32, #tpu.memory_space<hbm>>
    %dma_start3A_561 = arith.constant 23 : i32
    %dma_start3A_562 = arith.constant 0 : i32
    %dma_start3A_563 = tpu.memref_slice %arg13[%dma_start3A_561, %dma_start3A_562] : memref<32x50xf32, #tpu.memory_space<vmem>> -> memref<1x50xf32, #tpu.memory_space<vmem>>
    %dma_start3A_564 = arith.constant 0 : i32
    %dma_start3A_565 = tpu.memref_slice %arg5[%squeeze3A_545, %dma_start3A_564] : memref<204800x50xf32, #tpu.memory_space<hbm>> -> memref<1x50xf32, #tpu.memory_space<hbm>>
    tpu.enqueue_dma source(%dma_start3A_565 : memref<1x50xf32, #tpu.memory_space<hbm>>) target(%dma_start3A_563 : memref<1x50xf32, #tpu.memory_space<vmem>>) target_semaphore(%arg15 : memref<!tpu.dma_semaphore, #tpu.memory_space<semaphore_mem>>)
    %slice3A_566 = vector.extract_strided_slice %get3A_389 {offsets = [8], sizes = [1], strides = [1]} : vector<16xi32> to vector<1xi32>
    %squeeze3A_567 = vector.extract %slice3A_566[0] : i32 from vector<1xi32>
    %dma_start3A_568 = arith.constant 24 : i32
    %dma_start3A_569 = arith.constant 0 : i32
    %dma_start3A_570 = tpu.memref_slice %arg11[%dma_start3A_568, %dma_start3A_569] : memref<32x100xf32, #tpu.memory_space<vmem>> -> memref<1x100xf32, #tpu.memory_space<vmem>>
    %dma_start3A_571 = arith.constant 0 : i32
    %dma_start3A_572 = tpu.memref_slice %arg3[%squeeze3A_567, %dma_start3A_571] : memref<204800x100xf32, #tpu.memory_space<hbm>> -> memref<1x100xf32, #tpu.memory_space<hbm>>
    %dma_start3A_573 = arith.constant 24 : i32
    %dma_start3A_574 = arith.constant 0 : i32
    %dma_start3A_575 = tpu.memref_slice %arg11[%dma_start3A_573, %dma_start3A_574] : memref<32x100xf32, #tpu.memory_space<vmem>> -> memref<1x100xf32, #tpu.memory_space<vmem>>
    %dma_start3A_576 = arith.constant 0 : i32
    %dma_start3A_577 = tpu.memref_slice %arg3[%squeeze3A_567, %dma_start3A_576] : memref<204800x100xf32, #tpu.memory_space<hbm>> -> memref<1x100xf32, #tpu.memory_space<hbm>>
    tpu.enqueue_dma source(%dma_start3A_577 : memref<1x100xf32, #tpu.memory_space<hbm>>) target(%dma_start3A_575 : memref<1x100xf32, #tpu.memory_space<vmem>>) target_semaphore(%arg15 : memref<!tpu.dma_semaphore, #tpu.memory_space<semaphore_mem>>)
    %dma_start3A_578 = arith.constant 24 : i32
    %dma_start3A_579 = arith.constant 0 : i32
    %dma_start3A_580 = tpu.memref_slice %arg13[%dma_start3A_578, %dma_start3A_579] : memref<32x50xf32, #tpu.memory_space<vmem>> -> memref<1x50xf32, #tpu.memory_space<vmem>>
    %dma_start3A_581 = arith.constant 0 : i32
    %dma_start3A_582 = tpu.memref_slice %arg5[%squeeze3A_567, %dma_start3A_581] : memref<204800x50xf32, #tpu.memory_space<hbm>> -> memref<1x50xf32, #tpu.memory_space<hbm>>
    %dma_start3A_583 = arith.constant 24 : i32
    %dma_start3A_584 = arith.constant 0 : i32
    %dma_start3A_585 = tpu.memref_slice %arg13[%dma_start3A_583, %dma_start3A_584] : memref<32x50xf32, #tpu.memory_space<vmem>> -> memref<1x50xf32, #tpu.memory_space<vmem>>
    %dma_start3A_586 = arith.constant 0 : i32
    %dma_start3A_587 = tpu.memref_slice %arg5[%squeeze3A_567, %dma_start3A_586] : memref<204800x50xf32, #tpu.memory_space<hbm>> -> memref<1x50xf32, #tpu.memory_space<hbm>>
    tpu.enqueue_dma source(%dma_start3A_587 : memref<1x50xf32, #tpu.memory_space<hbm>>) target(%dma_start3A_585 : memref<1x50xf32, #tpu.memory_space<vmem>>) target_semaphore(%arg15 : memref<!tpu.dma_semaphore, #tpu.memory_space<semaphore_mem>>)
    %slice3A_588 = vector.extract_strided_slice %get3A_389 {offsets = [9], sizes = [1], strides = [1]} : vector<16xi32> to vector<1xi32>
    %squeeze3A_589 = vector.extract %slice3A_588[0] : i32 from vector<1xi32>
    %dma_start3A_590 = arith.constant 25 : i32
    %dma_start3A_591 = arith.constant 0 : i32
    %dma_start3A_592 = tpu.memref_slice %arg11[%dma_start3A_590, %dma_start3A_591] : memref<32x100xf32, #tpu.memory_space<vmem>> -> memref<1x100xf32, #tpu.memory_space<vmem>>
    %dma_start3A_593 = arith.constant 0 : i32
    %dma_start3A_594 = tpu.memref_slice %arg3[%squeeze3A_589, %dma_start3A_593] : memref<204800x100xf32, #tpu.memory_space<hbm>> -> memref<1x100xf32, #tpu.memory_space<hbm>>
    %dma_start3A_595 = arith.constant 25 : i32
    %dma_start3A_596 = arith.constant 0 : i32
    %dma_start3A_597 = tpu.memref_slice %arg11[%dma_start3A_595, %dma_start3A_596] : memref<32x100xf32, #tpu.memory_space<vmem>> -> memref<1x100xf32, #tpu.memory_space<vmem>>
    %dma_start3A_598 = arith.constant 0 : i32
    %dma_start3A_599 = tpu.memref_slice %arg3[%squeeze3A_589, %dma_start3A_598] : memref<204800x100xf32, #tpu.memory_space<hbm>> -> memref<1x100xf32, #tpu.memory_space<hbm>>
    tpu.enqueue_dma source(%dma_start3A_599 : memref<1x100xf32, #tpu.memory_space<hbm>>) target(%dma_start3A_597 : memref<1x100xf32, #tpu.memory_space<vmem>>) target_semaphore(%arg15 : memref<!tpu.dma_semaphore, #tpu.memory_space<semaphore_mem>>)
    %dma_start3A_600 = arith.constant 25 : i32
    %dma_start3A_601 = arith.constant 0 : i32
    %dma_start3A_602 = tpu.memref_slice %arg13[%dma_start3A_600, %dma_start3A_601] : memref<32x50xf32, #tpu.memory_space<vmem>> -> memref<1x50xf32, #tpu.memory_space<vmem>>
    %dma_start3A_603 = arith.constant 0 : i32
    %dma_start3A_604 = tpu.memref_slice %arg5[%squeeze3A_589, %dma_start3A_603] : memref<204800x50xf32, #tpu.memory_space<hbm>> -> memref<1x50xf32, #tpu.memory_space<hbm>>
    %dma_start3A_605 = arith.constant 25 : i32
    %dma_start3A_606 = arith.constant 0 : i32
    %dma_start3A_607 = tpu.memref_slice %arg13[%dma_start3A_605, %dma_start3A_606] : memref<32x50xf32, #tpu.memory_space<vmem>> -> memref<1x50xf32, #tpu.memory_space<vmem>>
    %dma_start3A_608 = arith.constant 0 : i32
    %dma_start3A_609 = tpu.memref_slice %arg5[%squeeze3A_589, %dma_start3A_608] : memref<204800x50xf32, #tpu.memory_space<hbm>> -> memref<1x50xf32, #tpu.memory_space<hbm>>
    tpu.enqueue_dma source(%dma_start3A_609 : memref<1x50xf32, #tpu.memory_space<hbm>>) target(%dma_start3A_607 : memref<1x50xf32, #tpu.memory_space<vmem>>) target_semaphore(%arg15 : memref<!tpu.dma_semaphore, #tpu.memory_space<semaphore_mem>>)
    %slice3A_610 = vector.extract_strided_slice %get3A_389 {offsets = [10], sizes = [1], strides = [1]} : vector<16xi32> to vector<1xi32>
    %squeeze3A_611 = vector.extract %slice3A_610[0] : i32 from vector<1xi32>
    %dma_start3A_612 = arith.constant 26 : i32
    %dma_start3A_613 = arith.constant 0 : i32
    %dma_start3A_614 = tpu.memref_slice %arg11[%dma_start3A_612, %dma_start3A_613] : memref<32x100xf32, #tpu.memory_space<vmem>> -> memref<1x100xf32, #tpu.memory_space<vmem>>
    %dma_start3A_615 = arith.constant 0 : i32
    %dma_start3A_616 = tpu.memref_slice %arg3[%squeeze3A_611, %dma_start3A_615] : memref<204800x100xf32, #tpu.memory_space<hbm>> -> memref<1x100xf32, #tpu.memory_space<hbm>>
    %dma_start3A_617 = arith.constant 26 : i32
    %dma_start3A_618 = arith.constant 0 : i32
    %dma_start3A_619 = tpu.memref_slice %arg11[%dma_start3A_617, %dma_start3A_618] : memref<32x100xf32, #tpu.memory_space<vmem>> -> memref<1x100xf32, #tpu.memory_space<vmem>>
    %dma_start3A_620 = arith.constant 0 : i32
    %dma_start3A_621 = tpu.memref_slice %arg3[%squeeze3A_611, %dma_start3A_620] : memref<204800x100xf32, #tpu.memory_space<hbm>> -> memref<1x100xf32, #tpu.memory_space<hbm>>
    tpu.enqueue_dma source(%dma_start3A_621 : memref<1x100xf32, #tpu.memory_space<hbm>>) target(%dma_start3A_619 : memref<1x100xf32, #tpu.memory_space<vmem>>) target_semaphore(%arg15 : memref<!tpu.dma_semaphore, #tpu.memory_space<semaphore_mem>>)
    %dma_start3A_622 = arith.constant 26 : i32
    %dma_start3A_623 = arith.constant 0 : i32
    %dma_start3A_624 = tpu.memref_slice %arg13[%dma_start3A_622, %dma_start3A_623] : memref<32x50xf32, #tpu.memory_space<vmem>> -> memref<1x50xf32, #tpu.memory_space<vmem>>
    %dma_start3A_625 = arith.constant 0 : i32
    %dma_start3A_626 = tpu.memref_slice %arg5[%squeeze3A_611, %dma_start3A_625] : memref<204800x50xf32, #tpu.memory_space<hbm>> -> memref<1x50xf32, #tpu.memory_space<hbm>>
    %dma_start3A_627 = arith.constant 26 : i32
    %dma_start3A_628 = arith.constant 0 : i32
    %dma_start3A_629 = tpu.memref_slice %arg13[%dma_start3A_627, %dma_start3A_628] : memref<32x50xf32, #tpu.memory_space<vmem>> -> memref<1x50xf32, #tpu.memory_space<vmem>>
    %dma_start3A_630 = arith.constant 0 : i32
    %dma_start3A_631 = tpu.memref_slice %arg5[%squeeze3A_611, %dma_start3A_630] : memref<204800x50xf32, #tpu.memory_space<hbm>> -> memref<1x50xf32, #tpu.memory_space<hbm>>
    tpu.enqueue_dma source(%dma_start3A_631 : memref<1x50xf32, #tpu.memory_space<hbm>>) target(%dma_start3A_629 : memref<1x50xf32, #tpu.memory_space<vmem>>) target_semaphore(%arg15 : memref<!tpu.dma_semaphore, #tpu.memory_space<semaphore_mem>>)
    %slice3A_632 = vector.extract_strided_slice %get3A_389 {offsets = [11], sizes = [1], strides = [1]} : vector<16xi32> to vector<1xi32>
    %squeeze3A_633 = vector.extract %slice3A_632[0] : i32 from vector<1xi32>
    %dma_start3A_634 = arith.constant 27 : i32
    %dma_start3A_635 = arith.constant 0 : i32
    %dma_start3A_636 = tpu.memref_slice %arg11[%dma_start3A_634, %dma_start3A_635] : memref<32x100xf32, #tpu.memory_space<vmem>> -> memref<1x100xf32, #tpu.memory_space<vmem>>
    %dma_start3A_637 = arith.constant 0 : i32
    %dma_start3A_638 = tpu.memref_slice %arg3[%squeeze3A_633, %dma_start3A_637] : memref<204800x100xf32, #tpu.memory_space<hbm>> -> memref<1x100xf32, #tpu.memory_space<hbm>>
    %dma_start3A_639 = arith.constant 27 : i32
    %dma_start3A_640 = arith.constant 0 : i32
    %dma_start3A_641 = tpu.memref_slice %arg11[%dma_start3A_639, %dma_start3A_640] : memref<32x100xf32, #tpu.memory_space<vmem>> -> memref<1x100xf32, #tpu.memory_space<vmem>>
    %dma_start3A_642 = arith.constant 0 : i32
    %dma_start3A_643 = tpu.memref_slice %arg3[%squeeze3A_633, %dma_start3A_642] : memref<204800x100xf32, #tpu.memory_space<hbm>> -> memref<1x100xf32, #tpu.memory_space<hbm>>
    tpu.enqueue_dma source(%dma_start3A_643 : memref<1x100xf32, #tpu.memory_space<hbm>>) target(%dma_start3A_641 : memref<1x100xf32, #tpu.memory_space<vmem>>) target_semaphore(%arg15 : memref<!tpu.dma_semaphore, #tpu.memory_space<semaphore_mem>>)
    %dma_start3A_644 = arith.constant 27 : i32
    %dma_start3A_645 = arith.constant 0 : i32
    %dma_start3A_646 = tpu.memref_slice %arg13[%dma_start3A_644, %dma_start3A_645] : memref<32x50xf32, #tpu.memory_space<vmem>> -> memref<1x50xf32, #tpu.memory_space<vmem>>
    %dma_start3A_647 = arith.constant 0 : i32
    %dma_start3A_648 = tpu.memref_slice %arg5[%squeeze3A_633, %dma_start3A_647] : memref<204800x50xf32, #tpu.memory_space<hbm>> -> memref<1x50xf32, #tpu.memory_space<hbm>>
    %dma_start3A_649 = arith.constant 27 : i32
    %dma_start3A_650 = arith.constant 0 : i32
    %dma_start3A_651 = tpu.memref_slice %arg13[%dma_start3A_649, %dma_start3A_650] : memref<32x50xf32, #tpu.memory_space<vmem>> -> memref<1x50xf32, #tpu.memory_space<vmem>>
    %dma_start3A_652 = arith.constant 0 : i32
    %dma_start3A_653 = tpu.memref_slice %arg5[%squeeze3A_633, %dma_start3A_652] : memref<204800x50xf32, #tpu.memory_space<hbm>> -> memref<1x50xf32, #tpu.memory_space<hbm>>
    tpu.enqueue_dma source(%dma_start3A_653 : memref<1x50xf32, #tpu.memory_space<hbm>>) target(%dma_start3A_651 : memref<1x50xf32, #tpu.memory_space<vmem>>) target_semaphore(%arg15 : memref<!tpu.dma_semaphore, #tpu.memory_space<semaphore_mem>>)
    %slice3A_654 = vector.extract_strided_slice %get3A_389 {offsets = [12], sizes = [1], strides = [1]} : vector<16xi32> to vector<1xi32>
    %squeeze3A_655 = vector.extract %slice3A_654[0] : i32 from vector<1xi32>
    %dma_start3A_656 = arith.constant 28 : i32
    %dma_start3A_657 = arith.constant 0 : i32
    %dma_start3A_658 = tpu.memref_slice %arg11[%dma_start3A_656, %dma_start3A_657] : memref<32x100xf32, #tpu.memory_space<vmem>> -> memref<1x100xf32, #tpu.memory_space<vmem>>
    %dma_start3A_659 = arith.constant 0 : i32
    %dma_start3A_660 = tpu.memref_slice %arg3[%squeeze3A_655, %dma_start3A_659] : memref<204800x100xf32, #tpu.memory_space<hbm>> -> memref<1x100xf32, #tpu.memory_space<hbm>>
    %dma_start3A_661 = arith.constant 28 : i32
    %dma_start3A_662 = arith.constant 0 : i32
    %dma_start3A_663 = tpu.memref_slice %arg11[%dma_start3A_661, %dma_start3A_662] : memref<32x100xf32, #tpu.memory_space<vmem>> -> memref<1x100xf32, #tpu.memory_space<vmem>>
    %dma_start3A_664 = arith.constant 0 : i32
    %dma_start3A_665 = tpu.memref_slice %arg3[%squeeze3A_655, %dma_start3A_664] : memref<204800x100xf32, #tpu.memory_space<hbm>> -> memref<1x100xf32, #tpu.memory_space<hbm>>
    tpu.enqueue_dma source(%dma_start3A_665 : memref<1x100xf32, #tpu.memory_space<hbm>>) target(%dma_start3A_663 : memref<1x100xf32, #tpu.memory_space<vmem>>) target_semaphore(%arg15 : memref<!tpu.dma_semaphore, #tpu.memory_space<semaphore_mem>>)
    %dma_start3A_666 = arith.constant 28 : i32
    %dma_start3A_667 = arith.constant 0 : i32
    %dma_start3A_668 = tpu.memref_slice %arg13[%dma_start3A_666, %dma_start3A_667] : memref<32x50xf32, #tpu.memory_space<vmem>> -> memref<1x50xf32, #tpu.memory_space<vmem>>
    %dma_start3A_669 = arith.constant 0 : i32
    %dma_start3A_670 = tpu.memref_slice %arg5[%squeeze3A_655, %dma_start3A_669] : memref<204800x50xf32, #tpu.memory_space<hbm>> -> memref<1x50xf32, #tpu.memory_space<hbm>>
    %dma_start3A_671 = arith.constant 28 : i32
    %dma_start3A_672 = arith.constant 0 : i32
    %dma_start3A_673 = tpu.memref_slice %arg13[%dma_start3A_671, %dma_start3A_672] : memref<32x50xf32, #tpu.memory_space<vmem>> -> memref<1x50xf32, #tpu.memory_space<vmem>>
    %dma_start3A_674 = arith.constant 0 : i32
    %dma_start3A_675 = tpu.memref_slice %arg5[%squeeze3A_655, %dma_start3A_674] : memref<204800x50xf32, #tpu.memory_space<hbm>> -> memref<1x50xf32, #tpu.memory_space<hbm>>
    tpu.enqueue_dma source(%dma_start3A_675 : memref<1x50xf32, #tpu.memory_space<hbm>>) target(%dma_start3A_673 : memref<1x50xf32, #tpu.memory_space<vmem>>) target_semaphore(%arg15 : memref<!tpu.dma_semaphore, #tpu.memory_space<semaphore_mem>>)
    %slice3A_676 = vector.extract_strided_slice %get3A_389 {offsets = [13], sizes = [1], strides = [1]} : vector<16xi32> to vector<1xi32>
    %squeeze3A_677 = vector.extract %slice3A_676[0] : i32 from vector<1xi32>
    %dma_start3A_678 = arith.constant 29 : i32
    %dma_start3A_679 = arith.constant 0 : i32
    %dma_start3A_680 = tpu.memref_slice %arg11[%dma_start3A_678, %dma_start3A_679] : memref<32x100xf32, #tpu.memory_space<vmem>> -> memref<1x100xf32, #tpu.memory_space<vmem>>
    %dma_start3A_681 = arith.constant 0 : i32
    %dma_start3A_682 = tpu.memref_slice %arg3[%squeeze3A_677, %dma_start3A_681] : memref<204800x100xf32, #tpu.memory_space<hbm>> -> memref<1x100xf32, #tpu.memory_space<hbm>>
    %dma_start3A_683 = arith.constant 29 : i32
    %dma_start3A_684 = arith.constant 0 : i32
    %dma_start3A_685 = tpu.memref_slice %arg11[%dma_start3A_683, %dma_start3A_684] : memref<32x100xf32, #tpu.memory_space<vmem>> -> memref<1x100xf32, #tpu.memory_space<vmem>>
    %dma_start3A_686 = arith.constant 0 : i32
    %dma_start3A_687 = tpu.memref_slice %arg3[%squeeze3A_677, %dma_start3A_686] : memref<204800x100xf32, #tpu.memory_space<hbm>> -> memref<1x100xf32, #tpu.memory_space<hbm>>
    tpu.enqueue_dma source(%dma_start3A_687 : memref<1x100xf32, #tpu.memory_space<hbm>>) target(%dma_start3A_685 : memref<1x100xf32, #tpu.memory_space<vmem>>) target_semaphore(%arg15 : memref<!tpu.dma_semaphore, #tpu.memory_space<semaphore_mem>>)
    %dma_start3A_688 = arith.constant 29 : i32
    %dma_start3A_689 = arith.constant 0 : i32
    %dma_start3A_690 = tpu.memref_slice %arg13[%dma_start3A_688, %dma_start3A_689] : memref<32x50xf32, #tpu.memory_space<vmem>> -> memref<1x50xf32, #tpu.memory_space<vmem>>
    %dma_start3A_691 = arith.constant 0 : i32
    %dma_start3A_692 = tpu.memref_slice %arg5[%squeeze3A_677, %dma_start3A_691] : memref<204800x50xf32, #tpu.memory_space<hbm>> -> memref<1x50xf32, #tpu.memory_space<hbm>>
    %dma_start3A_693 = arith.constant 29 : i32
    %dma_start3A_694 = arith.constant 0 : i32
    %dma_start3A_695 = tpu.memref_slice %arg13[%dma_start3A_693, %dma_start3A_694] : memref<32x50xf32, #tpu.memory_space<vmem>> -> memref<1x50xf32, #tpu.memory_space<vmem>>
    %dma_start3A_696 = arith.constant 0 : i32
    %dma_start3A_697 = tpu.memref_slice %arg5[%squeeze3A_677, %dma_start3A_696] : memref<204800x50xf32, #tpu.memory_space<hbm>> -> memref<1x50xf32, #tpu.memory_space<hbm>>
    tpu.enqueue_dma source(%dma_start3A_697 : memref<1x50xf32, #tpu.memory_space<hbm>>) target(%dma_start3A_695 : memref<1x50xf32, #tpu.memory_space<vmem>>) target_semaphore(%arg15 : memref<!tpu.dma_semaphore, #tpu.memory_space<semaphore_mem>>)
    %slice3A_698 = vector.extract_strided_slice %get3A_389 {offsets = [14], sizes = [1], strides = [1]} : vector<16xi32> to vector<1xi32>
    %squeeze3A_699 = vector.extract %slice3A_698[0] : i32 from vector<1xi32>
    %dma_start3A_700 = arith.constant 30 : i32
    %dma_start3A_701 = arith.constant 0 : i32
    %dma_start3A_702 = tpu.memref_slice %arg11[%dma_start3A_700, %dma_start3A_701] : memref<32x100xf32, #tpu.memory_space<vmem>> -> memref<1x100xf32, #tpu.memory_space<vmem>>
    %dma_start3A_703 = arith.constant 0 : i32
    %dma_start3A_704 = tpu.memref_slice %arg3[%squeeze3A_699, %dma_start3A_703] : memref<204800x100xf32, #tpu.memory_space<hbm>> -> memref<1x100xf32, #tpu.memory_space<hbm>>
    %dma_start3A_705 = arith.constant 30 : i32
    %dma_start3A_706 = arith.constant 0 : i32
    %dma_start3A_707 = tpu.memref_slice %arg11[%dma_start3A_705, %dma_start3A_706] : memref<32x100xf32, #tpu.memory_space<vmem>> -> memref<1x100xf32, #tpu.memory_space<vmem>>
    %dma_start3A_708 = arith.constant 0 : i32
    %dma_start3A_709 = tpu.memref_slice %arg3[%squeeze3A_699, %dma_start3A_708] : memref<204800x100xf32, #tpu.memory_space<hbm>> -> memref<1x100xf32, #tpu.memory_space<hbm>>
    tpu.enqueue_dma source(%dma_start3A_709 : memref<1x100xf32, #tpu.memory_space<hbm>>) target(%dma_start3A_707 : memref<1x100xf32, #tpu.memory_space<vmem>>) target_semaphore(%arg15 : memref<!tpu.dma_semaphore, #tpu.memory_space<semaphore_mem>>)
    %dma_start3A_710 = arith.constant 30 : i32
    %dma_start3A_711 = arith.constant 0 : i32
    %dma_start3A_712 = tpu.memref_slice %arg13[%dma_start3A_710, %dma_start3A_711] : memref<32x50xf32, #tpu.memory_space<vmem>> -> memref<1x50xf32, #tpu.memory_space<vmem>>
    %dma_start3A_713 = arith.constant 0 : i32
    %dma_start3A_714 = tpu.memref_slice %arg5[%squeeze3A_699, %dma_start3A_713] : memref<204800x50xf32, #tpu.memory_space<hbm>> -> memref<1x50xf32, #tpu.memory_space<hbm>>
    %dma_start3A_715 = arith.constant 30 : i32
    %dma_start3A_716 = arith.constant 0 : i32
    %dma_start3A_717 = tpu.memref_slice %arg13[%dma_start3A_715, %dma_start3A_716] : memref<32x50xf32, #tpu.memory_space<vmem>> -> memref<1x50xf32, #tpu.memory_space<vmem>>
    %dma_start3A_718 = arith.constant 0 : i32
    %dma_start3A_719 = tpu.memref_slice %arg5[%squeeze3A_699, %dma_start3A_718] : memref<204800x50xf32, #tpu.memory_space<hbm>> -> memref<1x50xf32, #tpu.memory_space<hbm>>
    tpu.enqueue_dma source(%dma_start3A_719 : memref<1x50xf32, #tpu.memory_space<hbm>>) target(%dma_start3A_717 : memref<1x50xf32, #tpu.memory_space<vmem>>) target_semaphore(%arg15 : memref<!tpu.dma_semaphore, #tpu.memory_space<semaphore_mem>>)
    %slice3A_720 = vector.extract_strided_slice %get3A_389 {offsets = [15], sizes = [1], strides = [1]} : vector<16xi32> to vector<1xi32>
    %squeeze3A_721 = vector.extract %slice3A_720[0] : i32 from vector<1xi32>
    %dma_start3A_722 = arith.constant 31 : i32
    %dma_start3A_723 = arith.constant 0 : i32
    %dma_start3A_724 = tpu.memref_slice %arg11[%dma_start3A_722, %dma_start3A_723] : memref<32x100xf32, #tpu.memory_space<vmem>> -> memref<1x100xf32, #tpu.memory_space<vmem>>
    %dma_start3A_725 = arith.constant 0 : i32
    %dma_start3A_726 = tpu.memref_slice %arg3[%squeeze3A_721, %dma_start3A_725] : memref<204800x100xf32, #tpu.memory_space<hbm>> -> memref<1x100xf32, #tpu.memory_space<hbm>>
    %dma_start3A_727 = arith.constant 31 : i32
    %dma_start3A_728 = arith.constant 0 : i32
    %dma_start3A_729 = tpu.memref_slice %arg11[%dma_start3A_727, %dma_start3A_728] : memref<32x100xf32, #tpu.memory_space<vmem>> -> memref<1x100xf32, #tpu.memory_space<vmem>>
    %dma_start3A_730 = arith.constant 0 : i32
    %dma_start3A_731 = tpu.memref_slice %arg3[%squeeze3A_721, %dma_start3A_730] : memref<204800x100xf32, #tpu.memory_space<hbm>> -> memref<1x100xf32, #tpu.memory_space<hbm>>
    tpu.enqueue_dma source(%dma_start3A_731 : memref<1x100xf32, #tpu.memory_space<hbm>>) target(%dma_start3A_729 : memref<1x100xf32, #tpu.memory_space<vmem>>) target_semaphore(%arg15 : memref<!tpu.dma_semaphore, #tpu.memory_space<semaphore_mem>>)
    %dma_start3A_732 = arith.constant 31 : i32
    %dma_start3A_733 = arith.constant 0 : i32
    %dma_start3A_734 = tpu.memref_slice %arg13[%dma_start3A_732, %dma_start3A_733] : memref<32x50xf32, #tpu.memory_space<vmem>> -> memref<1x50xf32, #tpu.memory_space<vmem>>
    %dma_start3A_735 = arith.constant 0 : i32
    %dma_start3A_736 = tpu.memref_slice %arg5[%squeeze3A_721, %dma_start3A_735] : memref<204800x50xf32, #tpu.memory_space<hbm>> -> memref<1x50xf32, #tpu.memory_space<hbm>>
    %dma_start3A_737 = arith.constant 31 : i32
    %dma_start3A_738 = arith.constant 0 : i32
    %dma_start3A_739 = tpu.memref_slice %arg13[%dma_start3A_737, %dma_start3A_738] : memref<32x50xf32, #tpu.memory_space<vmem>> -> memref<1x50xf32, #tpu.memory_space<vmem>>
    %dma_start3A_740 = arith.constant 0 : i32
    %dma_start3A_741 = tpu.memref_slice %arg5[%squeeze3A_721, %dma_start3A_740] : memref<204800x50xf32, #tpu.memory_space<hbm>> -> memref<1x50xf32, #tpu.memory_space<hbm>>
    tpu.enqueue_dma source(%dma_start3A_741 : memref<1x50xf32, #tpu.memory_space<hbm>>) target(%dma_start3A_739 : memref<1x50xf32, #tpu.memory_space<vmem>>) target_semaphore(%arg15 : memref<!tpu.dma_semaphore, #tpu.memory_space<semaphore_mem>>)
    %dma_wait3A = arith.constant 0 : i32
    %dma_wait3A_742 = arith.constant 0 : i32
    %dma_wait3A_743 = tpu.memref_slice %arg4[%dma_wait3A, %dma_wait3A_742] : memref<204800x128xf32, #tpu.memory_space<hbm>> -> memref<204800x128xf32, #tpu.memory_space<hbm>>
    tpu.wait_indirect_dma semaphore(%arg14 : memref<!tpu.dma_semaphore, #tpu.memory_space<semaphore_mem>>) src(%dma_wait3A_743 : memref<204800x128xf32, #tpu.memory_space<hbm>>) dst(%arg12 : memref<32x128xf32, #tpu.memory_space<vmem>>)
    %dma_wait3A_744 = arith.constant 0 : i32
    %dma_wait3A_745 = arith.constant 0 : i32
    %dma_wait3A_746 = tpu.memref_slice %arg11[%dma_wait3A_744, %dma_wait3A_745] : memref<32x100xf32, #tpu.memory_space<vmem>> -> memref<1x100xf32, #tpu.memory_space<vmem>>
    %dma_wait3A_747 = arith.constant 0 : i32
    %dma_wait3A_748 = tpu.memref_slice %arg3[%squeeze3A, %dma_wait3A_747] : memref<204800x100xf32, #tpu.memory_space<hbm>> -> memref<1x100xf32, #tpu.memory_space<hbm>>
    %dma_wait3A_749 = arith.constant 0 : i32
    %dma_wait3A_750 = arith.constant 0 : i32
    %dma_wait3A_751 = tpu.memref_slice %arg11[%dma_wait3A_749, %dma_wait3A_750] : memref<32x100xf32, #tpu.memory_space<vmem>> -> memref<1x100xf32, #tpu.memory_space<vmem>>
    %dma_wait3A_752 = arith.constant 0 : i32
    %dma_wait3A_753 = tpu.memref_slice %arg3[%squeeze3A, %dma_wait3A_752] : memref<204800x100xf32, #tpu.memory_space<hbm>> -> memref<1x100xf32, #tpu.memory_space<hbm>>
    tpu.wait_dma2 semaphore(%arg15 : memref<!tpu.dma_semaphore, #tpu.memory_space<semaphore_mem>>) src(%dma_wait3A_753 : memref<1x100xf32, #tpu.memory_space<hbm>>) dst(%dma_wait3A_751 : memref<1x100xf32, #tpu.memory_space<vmem>>)
    %dma_wait3A_754 = arith.constant 0 : i32
    %dma_wait3A_755 = arith.constant 0 : i32
    %dma_wait3A_756 = tpu.memref_slice %arg13[%dma_wait3A_754, %dma_wait3A_755] : memref<32x50xf32, #tpu.memory_space<vmem>> -> memref<1x50xf32, #tpu.memory_space<vmem>>
    %dma_wait3A_757 = arith.constant 0 : i32
    %dma_wait3A_758 = tpu.memref_slice %arg5[%squeeze3A, %dma_wait3A_757] : memref<204800x50xf32, #tpu.memory_space<hbm>> -> memref<1x50xf32, #tpu.memory_space<hbm>>
    %dma_wait3A_759 = arith.constant 0 : i32
    %dma_wait3A_760 = arith.constant 0 : i32
    %dma_wait3A_761 = tpu.memref_slice %arg13[%dma_wait3A_759, %dma_wait3A_760] : memref<32x50xf32, #tpu.memory_space<vmem>> -> memref<1x50xf32, #tpu.memory_space<vmem>>
    %dma_wait3A_762 = arith.constant 0 : i32
    %dma_wait3A_763 = tpu.memref_slice %arg5[%squeeze3A, %dma_wait3A_762] : memref<204800x50xf32, #tpu.memory_space<hbm>> -> memref<1x50xf32, #tpu.memory_space<hbm>>
    tpu.wait_dma2 semaphore(%arg15 : memref<!tpu.dma_semaphore, #tpu.memory_space<semaphore_mem>>) src(%dma_wait3A_763 : memref<1x50xf32, #tpu.memory_space<hbm>>) dst(%dma_wait3A_761 : memref<1x50xf32, #tpu.memory_space<vmem>>)
    %dma_wait3A_764 = arith.constant 1 : i32
    %dma_wait3A_765 = arith.constant 0 : i32
    %dma_wait3A_766 = tpu.memref_slice %arg11[%dma_wait3A_764, %dma_wait3A_765] : memref<32x100xf32, #tpu.memory_space<vmem>> -> memref<1x100xf32, #tpu.memory_space<vmem>>
    %dma_wait3A_767 = arith.constant 0 : i32
    %dma_wait3A_768 = tpu.memref_slice %arg3[%squeeze3A_58, %dma_wait3A_767] : memref<204800x100xf32, #tpu.memory_space<hbm>> -> memref<1x100xf32, #tpu.memory_space<hbm>>
    %dma_wait3A_769 = arith.constant 1 : i32
    %dma_wait3A_770 = arith.constant 0 : i32
    %dma_wait3A_771 = tpu.memref_slice %arg11[%dma_wait3A_769, %dma_wait3A_770] : memref<32x100xf32, #tpu.memory_space<vmem>> -> memref<1x100xf32, #tpu.memory_space<vmem>>
    %dma_wait3A_772 = arith.constant 0 : i32
    %dma_wait3A_773 = tpu.memref_slice %arg3[%squeeze3A_58, %dma_wait3A_772] : memref<204800x100xf32, #tpu.memory_space<hbm>> -> memref<1x100xf32, #tpu.memory_space<hbm>>
    tpu.wait_dma2 semaphore(%arg15 : memref<!tpu.dma_semaphore, #tpu.memory_space<semaphore_mem>>) src(%dma_wait3A_773 : memref<1x100xf32, #tpu.memory_space<hbm>>) dst(%dma_wait3A_771 : memref<1x100xf32, #tpu.memory_space<vmem>>)
    %dma_wait3A_774 = arith.constant 1 : i32
    %dma_wait3A_775 = arith.constant 0 : i32
    %dma_wait3A_776 = tpu.memref_slice %arg13[%dma_wait3A_774, %dma_wait3A_775] : memref<32x50xf32, #tpu.memory_space<vmem>> -> memref<1x50xf32, #tpu.memory_space<vmem>>
    %dma_wait3A_777 = arith.constant 0 : i32
    %dma_wait3A_778 = tpu.memref_slice %arg5[%squeeze3A_58, %dma_wait3A_777] : memref<204800x50xf32, #tpu.memory_space<hbm>> -> memref<1x50xf32, #tpu.memory_space<hbm>>
    %dma_wait3A_779 = arith.constant 1 : i32
    %dma_wait3A_780 = arith.constant 0 : i32
    %dma_wait3A_781 = tpu.memref_slice %arg13[%dma_wait3A_779, %dma_wait3A_780] : memref<32x50xf32, #tpu.memory_space<vmem>> -> memref<1x50xf32, #tpu.memory_space<vmem>>
    %dma_wait3A_782 = arith.constant 0 : i32
    %dma_wait3A_783 = tpu.memref_slice %arg5[%squeeze3A_58, %dma_wait3A_782] : memref<204800x50xf32, #tpu.memory_space<hbm>> -> memref<1x50xf32, #tpu.memory_space<hbm>>
    tpu.wait_dma2 semaphore(%arg15 : memref<!tpu.dma_semaphore, #tpu.memory_space<semaphore_mem>>) src(%dma_wait3A_783 : memref<1x50xf32, #tpu.memory_space<hbm>>) dst(%dma_wait3A_781 : memref<1x50xf32, #tpu.memory_space<vmem>>)
    %dma_wait3A_784 = arith.constant 2 : i32
    %dma_wait3A_785 = arith.constant 0 : i32
    %dma_wait3A_786 = tpu.memref_slice %arg11[%dma_wait3A_784, %dma_wait3A_785] : memref<32x100xf32, #tpu.memory_space<vmem>> -> memref<1x100xf32, #tpu.memory_space<vmem>>
    %dma_wait3A_787 = arith.constant 0 : i32
    %dma_wait3A_788 = tpu.memref_slice %arg3[%squeeze3A_80, %dma_wait3A_787] : memref<204800x100xf32, #tpu.memory_space<hbm>> -> memref<1x100xf32, #tpu.memory_space<hbm>>
    %dma_wait3A_789 = arith.constant 2 : i32
    %dma_wait3A_790 = arith.constant 0 : i32
    %dma_wait3A_791 = tpu.memref_slice %arg11[%dma_wait3A_789, %dma_wait3A_790] : memref<32x100xf32, #tpu.memory_space<vmem>> -> memref<1x100xf32, #tpu.memory_space<vmem>>
    %dma_wait3A_792 = arith.constant 0 : i32
    %dma_wait3A_793 = tpu.memref_slice %arg3[%squeeze3A_80, %dma_wait3A_792] : memref<204800x100xf32, #tpu.memory_space<hbm>> -> memref<1x100xf32, #tpu.memory_space<hbm>>
    tpu.wait_dma2 semaphore(%arg15 : memref<!tpu.dma_semaphore, #tpu.memory_space<semaphore_mem>>) src(%dma_wait3A_793 : memref<1x100xf32, #tpu.memory_space<hbm>>) dst(%dma_wait3A_791 : memref<1x100xf32, #tpu.memory_space<vmem>>)
    %dma_wait3A_794 = arith.constant 2 : i32
    %dma_wait3A_795 = arith.constant 0 : i32
    %dma_wait3A_796 = tpu.memref_slice %arg13[%dma_wait3A_794, %dma_wait3A_795] : memref<32x50xf32, #tpu.memory_space<vmem>> -> memref<1x50xf32, #tpu.memory_space<vmem>>
    %dma_wait3A_797 = arith.constant 0 : i32
    %dma_wait3A_798 = tpu.memref_slice %arg5[%squeeze3A_80, %dma_wait3A_797] : memref<204800x50xf32, #tpu.memory_space<hbm>> -> memref<1x50xf32, #tpu.memory_space<hbm>>
    %dma_wait3A_799 = arith.constant 2 : i32
    %dma_wait3A_800 = arith.constant 0 : i32
    %dma_wait3A_801 = tpu.memref_slice %arg13[%dma_wait3A_799, %dma_wait3A_800] : memref<32x50xf32, #tpu.memory_space<vmem>> -> memref<1x50xf32, #tpu.memory_space<vmem>>
    %dma_wait3A_802 = arith.constant 0 : i32
    %dma_wait3A_803 = tpu.memref_slice %arg5[%squeeze3A_80, %dma_wait3A_802] : memref<204800x50xf32, #tpu.memory_space<hbm>> -> memref<1x50xf32, #tpu.memory_space<hbm>>
    tpu.wait_dma2 semaphore(%arg15 : memref<!tpu.dma_semaphore, #tpu.memory_space<semaphore_mem>>) src(%dma_wait3A_803 : memref<1x50xf32, #tpu.memory_space<hbm>>) dst(%dma_wait3A_801 : memref<1x50xf32, #tpu.memory_space<vmem>>)
    %dma_wait3A_804 = arith.constant 3 : i32
    %dma_wait3A_805 = arith.constant 0 : i32
    %dma_wait3A_806 = tpu.memref_slice %arg11[%dma_wait3A_804, %dma_wait3A_805] : memref<32x100xf32, #tpu.memory_space<vmem>> -> memref<1x100xf32, #tpu.memory_space<vmem>>
    %dma_wait3A_807 = arith.constant 0 : i32
    %dma_wait3A_808 = tpu.memref_slice %arg3[%squeeze3A_102, %dma_wait3A_807] : memref<204800x100xf32, #tpu.memory_space<hbm>> -> memref<1x100xf32, #tpu.memory_space<hbm>>
    %dma_wait3A_809 = arith.constant 3 : i32
    %dma_wait3A_810 = arith.constant 0 : i32
    %dma_wait3A_811 = tpu.memref_slice %arg11[%dma_wait3A_809, %dma_wait3A_810] : memref<32x100xf32, #tpu.memory_space<vmem>> -> memref<1x100xf32, #tpu.memory_space<vmem>>
    %dma_wait3A_812 = arith.constant 0 : i32
    %dma_wait3A_813 = tpu.memref_slice %arg3[%squeeze3A_102, %dma_wait3A_812] : memref<204800x100xf32, #tpu.memory_space<hbm>> -> memref<1x100xf32, #tpu.memory_space<hbm>>
    tpu.wait_dma2 semaphore(%arg15 : memref<!tpu.dma_semaphore, #tpu.memory_space<semaphore_mem>>) src(%dma_wait3A_813 : memref<1x100xf32, #tpu.memory_space<hbm>>) dst(%dma_wait3A_811 : memref<1x100xf32, #tpu.memory_space<vmem>>)
    %dma_wait3A_814 = arith.constant 3 : i32
    %dma_wait3A_815 = arith.constant 0 : i32
    %dma_wait3A_816 = tpu.memref_slice %arg13[%dma_wait3A_814, %dma_wait3A_815] : memref<32x50xf32, #tpu.memory_space<vmem>> -> memref<1x50xf32, #tpu.memory_space<vmem>>
    %dma_wait3A_817 = arith.constant 0 : i32
    %dma_wait3A_818 = tpu.memref_slice %arg5[%squeeze3A_102, %dma_wait3A_817] : memref<204800x50xf32, #tpu.memory_space<hbm>> -> memref<1x50xf32, #tpu.memory_space<hbm>>
    %dma_wait3A_819 = arith.constant 3 : i32
    %dma_wait3A_820 = arith.constant 0 : i32
    %dma_wait3A_821 = tpu.memref_slice %arg13[%dma_wait3A_819, %dma_wait3A_820] : memref<32x50xf32, #tpu.memory_space<vmem>> -> memref<1x50xf32, #tpu.memory_space<vmem>>
    %dma_wait3A_822 = arith.constant 0 : i32
    %dma_wait3A_823 = tpu.memref_slice %arg5[%squeeze3A_102, %dma_wait3A_822] : memref<204800x50xf32, #tpu.memory_space<hbm>> -> memref<1x50xf32, #tpu.memory_space<hbm>>
    tpu.wait_dma2 semaphore(%arg15 : memref<!tpu.dma_semaphore, #tpu.memory_space<semaphore_mem>>) src(%dma_wait3A_823 : memref<1x50xf32, #tpu.memory_space<hbm>>) dst(%dma_wait3A_821 : memref<1x50xf32, #tpu.memory_space<vmem>>)
    %dma_wait3A_824 = arith.constant 4 : i32
    %dma_wait3A_825 = arith.constant 0 : i32
    %dma_wait3A_826 = tpu.memref_slice %arg11[%dma_wait3A_824, %dma_wait3A_825] : memref<32x100xf32, #tpu.memory_space<vmem>> -> memref<1x100xf32, #tpu.memory_space<vmem>>
    %dma_wait3A_827 = arith.constant 0 : i32
    %dma_wait3A_828 = tpu.memref_slice %arg3[%squeeze3A_124, %dma_wait3A_827] : memref<204800x100xf32, #tpu.memory_space<hbm>> -> memref<1x100xf32, #tpu.memory_space<hbm>>
    %dma_wait3A_829 = arith.constant 4 : i32
    %dma_wait3A_830 = arith.constant 0 : i32
    %dma_wait3A_831 = tpu.memref_slice %arg11[%dma_wait3A_829, %dma_wait3A_830] : memref<32x100xf32, #tpu.memory_space<vmem>> -> memref<1x100xf32, #tpu.memory_space<vmem>>
    %dma_wait3A_832 = arith.constant 0 : i32
    %dma_wait3A_833 = tpu.memref_slice %arg3[%squeeze3A_124, %dma_wait3A_832] : memref<204800x100xf32, #tpu.memory_space<hbm>> -> memref<1x100xf32, #tpu.memory_space<hbm>>
    tpu.wait_dma2 semaphore(%arg15 : memref<!tpu.dma_semaphore, #tpu.memory_space<semaphore_mem>>) src(%dma_wait3A_833 : memref<1x100xf32, #tpu.memory_space<hbm>>) dst(%dma_wait3A_831 : memref<1x100xf32, #tpu.memory_space<vmem>>)
    %dma_wait3A_834 = arith.constant 4 : i32
    %dma_wait3A_835 = arith.constant 0 : i32
    %dma_wait3A_836 = tpu.memref_slice %arg13[%dma_wait3A_834, %dma_wait3A_835] : memref<32x50xf32, #tpu.memory_space<vmem>> -> memref<1x50xf32, #tpu.memory_space<vmem>>
    %dma_wait3A_837 = arith.constant 0 : i32
    %dma_wait3A_838 = tpu.memref_slice %arg5[%squeeze3A_124, %dma_wait3A_837] : memref<204800x50xf32, #tpu.memory_space<hbm>> -> memref<1x50xf32, #tpu.memory_space<hbm>>
    %dma_wait3A_839 = arith.constant 4 : i32
    %dma_wait3A_840 = arith.constant 0 : i32
    %dma_wait3A_841 = tpu.memref_slice %arg13[%dma_wait3A_839, %dma_wait3A_840] : memref<32x50xf32, #tpu.memory_space<vmem>> -> memref<1x50xf32, #tpu.memory_space<vmem>>
    %dma_wait3A_842 = arith.constant 0 : i32
    %dma_wait3A_843 = tpu.memref_slice %arg5[%squeeze3A_124, %dma_wait3A_842] : memref<204800x50xf32, #tpu.memory_space<hbm>> -> memref<1x50xf32, #tpu.memory_space<hbm>>
    tpu.wait_dma2 semaphore(%arg15 : memref<!tpu.dma_semaphore, #tpu.memory_space<semaphore_mem>>) src(%dma_wait3A_843 : memref<1x50xf32, #tpu.memory_space<hbm>>) dst(%dma_wait3A_841 : memref<1x50xf32, #tpu.memory_space<vmem>>)
    %dma_wait3A_844 = arith.constant 5 : i32
    %dma_wait3A_845 = arith.constant 0 : i32
    %dma_wait3A_846 = tpu.memref_slice %arg11[%dma_wait3A_844, %dma_wait3A_845] : memref<32x100xf32, #tpu.memory_space<vmem>> -> memref<1x100xf32, #tpu.memory_space<vmem>>
    %dma_wait3A_847 = arith.constant 0 : i32
    %dma_wait3A_848 = tpu.memref_slice %arg3[%squeeze3A_146, %dma_wait3A_847] : memref<204800x100xf32, #tpu.memory_space<hbm>> -> memref<1x100xf32, #tpu.memory_space<hbm>>
    %dma_wait3A_849 = arith.constant 5 : i32
    %dma_wait3A_850 = arith.constant 0 : i32
    %dma_wait3A_851 = tpu.memref_slice %arg11[%dma_wait3A_849, %dma_wait3A_850] : memref<32x100xf32, #tpu.memory_space<vmem>> -> memref<1x100xf32, #tpu.memory_space<vmem>>
    %dma_wait3A_852 = arith.constant 0 : i32
    %dma_wait3A_853 = tpu.memref_slice %arg3[%squeeze3A_146, %dma_wait3A_852] : memref<204800x100xf32, #tpu.memory_space<hbm>> -> memref<1x100xf32, #tpu.memory_space<hbm>>
    tpu.wait_dma2 semaphore(%arg15 : memref<!tpu.dma_semaphore, #tpu.memory_space<semaphore_mem>>) src(%dma_wait3A_853 : memref<1x100xf32, #tpu.memory_space<hbm>>) dst(%dma_wait3A_851 : memref<1x100xf32, #tpu.memory_space<vmem>>)
    %dma_wait3A_854 = arith.constant 5 : i32
    %dma_wait3A_855 = arith.constant 0 : i32
    %dma_wait3A_856 = tpu.memref_slice %arg13[%dma_wait3A_854, %dma_wait3A_855] : memref<32x50xf32, #tpu.memory_space<vmem>> -> memref<1x50xf32, #tpu.memory_space<vmem>>
    %dma_wait3A_857 = arith.constant 0 : i32
    %dma_wait3A_858 = tpu.memref_slice %arg5[%squeeze3A_146, %dma_wait3A_857] : memref<204800x50xf32, #tpu.memory_space<hbm>> -> memref<1x50xf32, #tpu.memory_space<hbm>>
    %dma_wait3A_859 = arith.constant 5 : i32
    %dma_wait3A_860 = arith.constant 0 : i32
    %dma_wait3A_861 = tpu.memref_slice %arg13[%dma_wait3A_859, %dma_wait3A_860] : memref<32x50xf32, #tpu.memory_space<vmem>> -> memref<1x50xf32, #tpu.memory_space<vmem>>
    %dma_wait3A_862 = arith.constant 0 : i32
    %dma_wait3A_863 = tpu.memref_slice %arg5[%squeeze3A_146, %dma_wait3A_862] : memref<204800x50xf32, #tpu.memory_space<hbm>> -> memref<1x50xf32, #tpu.memory_space<hbm>>
    tpu.wait_dma2 semaphore(%arg15 : memref<!tpu.dma_semaphore, #tpu.memory_space<semaphore_mem>>) src(%dma_wait3A_863 : memref<1x50xf32, #tpu.memory_space<hbm>>) dst(%dma_wait3A_861 : memref<1x50xf32, #tpu.memory_space<vmem>>)
    %dma_wait3A_864 = arith.constant 6 : i32
    %dma_wait3A_865 = arith.constant 0 : i32
    %dma_wait3A_866 = tpu.memref_slice %arg11[%dma_wait3A_864, %dma_wait3A_865] : memref<32x100xf32, #tpu.memory_space<vmem>> -> memref<1x100xf32, #tpu.memory_space<vmem>>
    %dma_wait3A_867 = arith.constant 0 : i32
    %dma_wait3A_868 = tpu.memref_slice %arg3[%squeeze3A_168, %dma_wait3A_867] : memref<204800x100xf32, #tpu.memory_space<hbm>> -> memref<1x100xf32, #tpu.memory_space<hbm>>
    %dma_wait3A_869 = arith.constant 6 : i32
    %dma_wait3A_870 = arith.constant 0 : i32
    %dma_wait3A_871 = tpu.memref_slice %arg11[%dma_wait3A_869, %dma_wait3A_870] : memref<32x100xf32, #tpu.memory_space<vmem>> -> memref<1x100xf32, #tpu.memory_space<vmem>>
    %dma_wait3A_872 = arith.constant 0 : i32
    %dma_wait3A_873 = tpu.memref_slice %arg3[%squeeze3A_168, %dma_wait3A_872] : memref<204800x100xf32, #tpu.memory_space<hbm>> -> memref<1x100xf32, #tpu.memory_space<hbm>>
    tpu.wait_dma2 semaphore(%arg15 : memref<!tpu.dma_semaphore, #tpu.memory_space<semaphore_mem>>) src(%dma_wait3A_873 : memref<1x100xf32, #tpu.memory_space<hbm>>) dst(%dma_wait3A_871 : memref<1x100xf32, #tpu.memory_space<vmem>>)
    %dma_wait3A_874 = arith.constant 6 : i32
    %dma_wait3A_875 = arith.constant 0 : i32
    %dma_wait3A_876 = tpu.memref_slice %arg13[%dma_wait3A_874, %dma_wait3A_875] : memref<32x50xf32, #tpu.memory_space<vmem>> -> memref<1x50xf32, #tpu.memory_space<vmem>>
    %dma_wait3A_877 = arith.constant 0 : i32
    %dma_wait3A_878 = tpu.memref_slice %arg5[%squeeze3A_168, %dma_wait3A_877] : memref<204800x50xf32, #tpu.memory_space<hbm>> -> memref<1x50xf32, #tpu.memory_space<hbm>>
    %dma_wait3A_879 = arith.constant 6 : i32
    %dma_wait3A_880 = arith.constant 0 : i32
    %dma_wait3A_881 = tpu.memref_slice %arg13[%dma_wait3A_879, %dma_wait3A_880] : memref<32x50xf32, #tpu.memory_space<vmem>> -> memref<1x50xf32, #tpu.memory_space<vmem>>
    %dma_wait3A_882 = arith.constant 0 : i32
    %dma_wait3A_883 = tpu.memref_slice %arg5[%squeeze3A_168, %dma_wait3A_882] : memref<204800x50xf32, #tpu.memory_space<hbm>> -> memref<1x50xf32, #tpu.memory_space<hbm>>
    tpu.wait_dma2 semaphore(%arg15 : memref<!tpu.dma_semaphore, #tpu.memory_space<semaphore_mem>>) src(%dma_wait3A_883 : memref<1x50xf32, #tpu.memory_space<hbm>>) dst(%dma_wait3A_881 : memref<1x50xf32, #tpu.memory_space<vmem>>)
    %dma_wait3A_884 = arith.constant 7 : i32
    %dma_wait3A_885 = arith.constant 0 : i32
    %dma_wait3A_886 = tpu.memref_slice %arg11[%dma_wait3A_884, %dma_wait3A_885] : memref<32x100xf32, #tpu.memory_space<vmem>> -> memref<1x100xf32, #tpu.memory_space<vmem>>
    %dma_wait3A_887 = arith.constant 0 : i32
    %dma_wait3A_888 = tpu.memref_slice %arg3[%squeeze3A_190, %dma_wait3A_887] : memref<204800x100xf32, #tpu.memory_space<hbm>> -> memref<1x100xf32, #tpu.memory_space<hbm>>
    %dma_wait3A_889 = arith.constant 7 : i32
    %dma_wait3A_890 = arith.constant 0 : i32
    %dma_wait3A_891 = tpu.memref_slice %arg11[%dma_wait3A_889, %dma_wait3A_890] : memref<32x100xf32, #tpu.memory_space<vmem>> -> memref<1x100xf32, #tpu.memory_space<vmem>>
    %dma_wait3A_892 = arith.constant 0 : i32
    %dma_wait3A_893 = tpu.memref_slice %arg3[%squeeze3A_190, %dma_wait3A_892] : memref<204800x100xf32, #tpu.memory_space<hbm>> -> memref<1x100xf32, #tpu.memory_space<hbm>>
    tpu.wait_dma2 semaphore(%arg15 : memref<!tpu.dma_semaphore, #tpu.memory_space<semaphore_mem>>) src(%dma_wait3A_893 : memref<1x100xf32, #tpu.memory_space<hbm>>) dst(%dma_wait3A_891 : memref<1x100xf32, #tpu.memory_space<vmem>>)
    %dma_wait3A_894 = arith.constant 7 : i32
    %dma_wait3A_895 = arith.constant 0 : i32
    %dma_wait3A_896 = tpu.memref_slice %arg13[%dma_wait3A_894, %dma_wait3A_895] : memref<32x50xf32, #tpu.memory_space<vmem>> -> memref<1x50xf32, #tpu.memory_space<vmem>>
    %dma_wait3A_897 = arith.constant 0 : i32
    %dma_wait3A_898 = tpu.memref_slice %arg5[%squeeze3A_190, %dma_wait3A_897] : memref<204800x50xf32, #tpu.memory_space<hbm>> -> memref<1x50xf32, #tpu.memory_space<hbm>>
    %dma_wait3A_899 = arith.constant 7 : i32
    %dma_wait3A_900 = arith.constant 0 : i32
    %dma_wait3A_901 = tpu.memref_slice %arg13[%dma_wait3A_899, %dma_wait3A_900] : memref<32x50xf32, #tpu.memory_space<vmem>> -> memref<1x50xf32, #tpu.memory_space<vmem>>
    %dma_wait3A_902 = arith.constant 0 : i32
    %dma_wait3A_903 = tpu.memref_slice %arg5[%squeeze3A_190, %dma_wait3A_902] : memref<204800x50xf32, #tpu.memory_space<hbm>> -> memref<1x50xf32, #tpu.memory_space<hbm>>
    tpu.wait_dma2 semaphore(%arg15 : memref<!tpu.dma_semaphore, #tpu.memory_space<semaphore_mem>>) src(%dma_wait3A_903 : memref<1x50xf32, #tpu.memory_space<hbm>>) dst(%dma_wait3A_901 : memref<1x50xf32, #tpu.memory_space<vmem>>)
    %dma_wait3A_904 = arith.constant 8 : i32
    %dma_wait3A_905 = arith.constant 0 : i32
    %dma_wait3A_906 = tpu.memref_slice %arg11[%dma_wait3A_904, %dma_wait3A_905] : memref<32x100xf32, #tpu.memory_space<vmem>> -> memref<1x100xf32, #tpu.memory_space<vmem>>
    %dma_wait3A_907 = arith.constant 0 : i32
    %dma_wait3A_908 = tpu.memref_slice %arg3[%squeeze3A_212, %dma_wait3A_907] : memref<204800x100xf32, #tpu.memory_space<hbm>> -> memref<1x100xf32, #tpu.memory_space<hbm>>
    %dma_wait3A_909 = arith.constant 8 : i32
    %dma_wait3A_910 = arith.constant 0 : i32
    %dma_wait3A_911 = tpu.memref_slice %arg11[%dma_wait3A_909, %dma_wait3A_910] : memref<32x100xf32, #tpu.memory_space<vmem>> -> memref<1x100xf32, #tpu.memory_space<vmem>>
    %dma_wait3A_912 = arith.constant 0 : i32
    %dma_wait3A_913 = tpu.memref_slice %arg3[%squeeze3A_212, %dma_wait3A_912] : memref<204800x100xf32, #tpu.memory_space<hbm>> -> memref<1x100xf32, #tpu.memory_space<hbm>>
    tpu.wait_dma2 semaphore(%arg15 : memref<!tpu.dma_semaphore, #tpu.memory_space<semaphore_mem>>) src(%dma_wait3A_913 : memref<1x100xf32, #tpu.memory_space<hbm>>) dst(%dma_wait3A_911 : memref<1x100xf32, #tpu.memory_space<vmem>>)
    %dma_wait3A_914 = arith.constant 8 : i32
    %dma_wait3A_915 = arith.constant 0 : i32
    %dma_wait3A_916 = tpu.memref_slice %arg13[%dma_wait3A_914, %dma_wait3A_915] : memref<32x50xf32, #tpu.memory_space<vmem>> -> memref<1x50xf32, #tpu.memory_space<vmem>>
    %dma_wait3A_917 = arith.constant 0 : i32
    %dma_wait3A_918 = tpu.memref_slice %arg5[%squeeze3A_212, %dma_wait3A_917] : memref<204800x50xf32, #tpu.memory_space<hbm>> -> memref<1x50xf32, #tpu.memory_space<hbm>>
    %dma_wait3A_919 = arith.constant 8 : i32
    %dma_wait3A_920 = arith.constant 0 : i32
    %dma_wait3A_921 = tpu.memref_slice %arg13[%dma_wait3A_919, %dma_wait3A_920] : memref<32x50xf32, #tpu.memory_space<vmem>> -> memref<1x50xf32, #tpu.memory_space<vmem>>
    %dma_wait3A_922 = arith.constant 0 : i32
    %dma_wait3A_923 = tpu.memref_slice %arg5[%squeeze3A_212, %dma_wait3A_922] : memref<204800x50xf32, #tpu.memory_space<hbm>> -> memref<1x50xf32, #tpu.memory_space<hbm>>
    tpu.wait_dma2 semaphore(%arg15 : memref<!tpu.dma_semaphore, #tpu.memory_space<semaphore_mem>>) src(%dma_wait3A_923 : memref<1x50xf32, #tpu.memory_space<hbm>>) dst(%dma_wait3A_921 : memref<1x50xf32, #tpu.memory_space<vmem>>)
    %dma_wait3A_924 = arith.constant 9 : i32
    %dma_wait3A_925 = arith.constant 0 : i32
    %dma_wait3A_926 = tpu.memref_slice %arg11[%dma_wait3A_924, %dma_wait3A_925] : memref<32x100xf32, #tpu.memory_space<vmem>> -> memref<1x100xf32, #tpu.memory_space<vmem>>
    %dma_wait3A_927 = arith.constant 0 : i32
    %dma_wait3A_928 = tpu.memref_slice %arg3[%squeeze3A_234, %dma_wait3A_927] : memref<204800x100xf32, #tpu.memory_space<hbm>> -> memref<1x100xf32, #tpu.memory_space<hbm>>
    %dma_wait3A_929 = arith.constant 9 : i32
    %dma_wait3A_930 = arith.constant 0 : i32
    %dma_wait3A_931 = tpu.memref_slice %arg11[%dma_wait3A_929, %dma_wait3A_930] : memref<32x100xf32, #tpu.memory_space<vmem>> -> memref<1x100xf32, #tpu.memory_space<vmem>>
    %dma_wait3A_932 = arith.constant 0 : i32
    %dma_wait3A_933 = tpu.memref_slice %arg3[%squeeze3A_234, %dma_wait3A_932] : memref<204800x100xf32, #tpu.memory_space<hbm>> -> memref<1x100xf32, #tpu.memory_space<hbm>>
    tpu.wait_dma2 semaphore(%arg15 : memref<!tpu.dma_semaphore, #tpu.memory_space<semaphore_mem>>) src(%dma_wait3A_933 : memref<1x100xf32, #tpu.memory_space<hbm>>) dst(%dma_wait3A_931 : memref<1x100xf32, #tpu.memory_space<vmem>>)
    %dma_wait3A_934 = arith.constant 9 : i32
    %dma_wait3A_935 = arith.constant 0 : i32
    %dma_wait3A_936 = tpu.memref_slice %arg13[%dma_wait3A_934, %dma_wait3A_935] : memref<32x50xf32, #tpu.memory_space<vmem>> -> memref<1x50xf32, #tpu.memory_space<vmem>>
    %dma_wait3A_937 = arith.constant 0 : i32
    %dma_wait3A_938 = tpu.memref_slice %arg5[%squeeze3A_234, %dma_wait3A_937] : memref<204800x50xf32, #tpu.memory_space<hbm>> -> memref<1x50xf32, #tpu.memory_space<hbm>>
    %dma_wait3A_939 = arith.constant 9 : i32
    %dma_wait3A_940 = arith.constant 0 : i32
    %dma_wait3A_941 = tpu.memref_slice %arg13[%dma_wait3A_939, %dma_wait3A_940] : memref<32x50xf32, #tpu.memory_space<vmem>> -> memref<1x50xf32, #tpu.memory_space<vmem>>
    %dma_wait3A_942 = arith.constant 0 : i32
    %dma_wait3A_943 = tpu.memref_slice %arg5[%squeeze3A_234, %dma_wait3A_942] : memref<204800x50xf32, #tpu.memory_space<hbm>> -> memref<1x50xf32, #tpu.memory_space<hbm>>
    tpu.wait_dma2 semaphore(%arg15 : memref<!tpu.dma_semaphore, #tpu.memory_space<semaphore_mem>>) src(%dma_wait3A_943 : memref<1x50xf32, #tpu.memory_space<hbm>>) dst(%dma_wait3A_941 : memref<1x50xf32, #tpu.memory_space<vmem>>)
    %dma_wait3A_944 = arith.constant 10 : i32
    %dma_wait3A_945 = arith.constant 0 : i32
    %dma_wait3A_946 = tpu.memref_slice %arg11[%dma_wait3A_944, %dma_wait3A_945] : memref<32x100xf32, #tpu.memory_space<vmem>> -> memref<1x100xf32, #tpu.memory_space<vmem>>
    %dma_wait3A_947 = arith.constant 0 : i32
    %dma_wait3A_948 = tpu.memref_slice %arg3[%squeeze3A_256, %dma_wait3A_947] : memref<204800x100xf32, #tpu.memory_space<hbm>> -> memref<1x100xf32, #tpu.memory_space<hbm>>
    %dma_wait3A_949 = arith.constant 10 : i32
    %dma_wait3A_950 = arith.constant 0 : i32
    %dma_wait3A_951 = tpu.memref_slice %arg11[%dma_wait3A_949, %dma_wait3A_950] : memref<32x100xf32, #tpu.memory_space<vmem>> -> memref<1x100xf32, #tpu.memory_space<vmem>>
    %dma_wait3A_952 = arith.constant 0 : i32
    %dma_wait3A_953 = tpu.memref_slice %arg3[%squeeze3A_256, %dma_wait3A_952] : memref<204800x100xf32, #tpu.memory_space<hbm>> -> memref<1x100xf32, #tpu.memory_space<hbm>>
    tpu.wait_dma2 semaphore(%arg15 : memref<!tpu.dma_semaphore, #tpu.memory_space<semaphore_mem>>) src(%dma_wait3A_953 : memref<1x100xf32, #tpu.memory_space<hbm>>) dst(%dma_wait3A_951 : memref<1x100xf32, #tpu.memory_space<vmem>>)
    %dma_wait3A_954 = arith.constant 10 : i32
    %dma_wait3A_955 = arith.constant 0 : i32
    %dma_wait3A_956 = tpu.memref_slice %arg13[%dma_wait3A_954, %dma_wait3A_955] : memref<32x50xf32, #tpu.memory_space<vmem>> -> memref<1x50xf32, #tpu.memory_space<vmem>>
    %dma_wait3A_957 = arith.constant 0 : i32
    %dma_wait3A_958 = tpu.memref_slice %arg5[%squeeze3A_256, %dma_wait3A_957] : memref<204800x50xf32, #tpu.memory_space<hbm>> -> memref<1x50xf32, #tpu.memory_space<hbm>>
    %dma_wait3A_959 = arith.constant 10 : i32
    %dma_wait3A_960 = arith.constant 0 : i32
    %dma_wait3A_961 = tpu.memref_slice %arg13[%dma_wait3A_959, %dma_wait3A_960] : memref<32x50xf32, #tpu.memory_space<vmem>> -> memref<1x50xf32, #tpu.memory_space<vmem>>
    %dma_wait3A_962 = arith.constant 0 : i32
    %dma_wait3A_963 = tpu.memref_slice %arg5[%squeeze3A_256, %dma_wait3A_962] : memref<204800x50xf32, #tpu.memory_space<hbm>> -> memref<1x50xf32, #tpu.memory_space<hbm>>
    tpu.wait_dma2 semaphore(%arg15 : memref<!tpu.dma_semaphore, #tpu.memory_space<semaphore_mem>>) src(%dma_wait3A_963 : memref<1x50xf32, #tpu.memory_space<hbm>>) dst(%dma_wait3A_961 : memref<1x50xf32, #tpu.memory_space<vmem>>)
    %dma_wait3A_964 = arith.constant 11 : i32
    %dma_wait3A_965 = arith.constant 0 : i32
    %dma_wait3A_966 = tpu.memref_slice %arg11[%dma_wait3A_964, %dma_wait3A_965] : memref<32x100xf32, #tpu.memory_space<vmem>> -> memref<1x100xf32, #tpu.memory_space<vmem>>
    %dma_wait3A_967 = arith.constant 0 : i32
    %dma_wait3A_968 = tpu.memref_slice %arg3[%squeeze3A_278, %dma_wait3A_967] : memref<204800x100xf32, #tpu.memory_space<hbm>> -> memref<1x100xf32, #tpu.memory_space<hbm>>
    %dma_wait3A_969 = arith.constant 11 : i32
    %dma_wait3A_970 = arith.constant 0 : i32
    %dma_wait3A_971 = tpu.memref_slice %arg11[%dma_wait3A_969, %dma_wait3A_970] : memref<32x100xf32, #tpu.memory_space<vmem>> -> memref<1x100xf32, #tpu.memory_space<vmem>>
    %dma_wait3A_972 = arith.constant 0 : i32
    %dma_wait3A_973 = tpu.memref_slice %arg3[%squeeze3A_278, %dma_wait3A_972] : memref<204800x100xf32, #tpu.memory_space<hbm>> -> memref<1x100xf32, #tpu.memory_space<hbm>>
    tpu.wait_dma2 semaphore(%arg15 : memref<!tpu.dma_semaphore, #tpu.memory_space<semaphore_mem>>) src(%dma_wait3A_973 : memref<1x100xf32, #tpu.memory_space<hbm>>) dst(%dma_wait3A_971 : memref<1x100xf32, #tpu.memory_space<vmem>>)
    %dma_wait3A_974 = arith.constant 11 : i32
    %dma_wait3A_975 = arith.constant 0 : i32
    %dma_wait3A_976 = tpu.memref_slice %arg13[%dma_wait3A_974, %dma_wait3A_975] : memref<32x50xf32, #tpu.memory_space<vmem>> -> memref<1x50xf32, #tpu.memory_space<vmem>>
    %dma_wait3A_977 = arith.constant 0 : i32
    %dma_wait3A_978 = tpu.memref_slice %arg5[%squeeze3A_278, %dma_wait3A_977] : memref<204800x50xf32, #tpu.memory_space<hbm>> -> memref<1x50xf32, #tpu.memory_space<hbm>>
    %dma_wait3A_979 = arith.constant 11 : i32
    %dma_wait3A_980 = arith.constant 0 : i32
    %dma_wait3A_981 = tpu.memref_slice %arg13[%dma_wait3A_979, %dma_wait3A_980] : memref<32x50xf32, #tpu.memory_space<vmem>> -> memref<1x50xf32, #tpu.memory_space<vmem>>
    %dma_wait3A_982 = arith.constant 0 : i32
    %dma_wait3A_983 = tpu.memref_slice %arg5[%squeeze3A_278, %dma_wait3A_982] : memref<204800x50xf32, #tpu.memory_space<hbm>> -> memref<1x50xf32, #tpu.memory_space<hbm>>
    tpu.wait_dma2 semaphore(%arg15 : memref<!tpu.dma_semaphore, #tpu.memory_space<semaphore_mem>>) src(%dma_wait3A_983 : memref<1x50xf32, #tpu.memory_space<hbm>>) dst(%dma_wait3A_981 : memref<1x50xf32, #tpu.memory_space<vmem>>)
    %dma_wait3A_984 = arith.constant 12 : i32
    %dma_wait3A_985 = arith.constant 0 : i32
    %dma_wait3A_986 = tpu.memref_slice %arg11[%dma_wait3A_984, %dma_wait3A_985] : memref<32x100xf32, #tpu.memory_space<vmem>> -> memref<1x100xf32, #tpu.memory_space<vmem>>
    %dma_wait3A_987 = arith.constant 0 : i32
    %dma_wait3A_988 = tpu.memref_slice %arg3[%squeeze3A_300, %dma_wait3A_987] : memref<204800x100xf32, #tpu.memory_space<hbm>> -> memref<1x100xf32, #tpu.memory_space<hbm>>
    %dma_wait3A_989 = arith.constant 12 : i32
    %dma_wait3A_990 = arith.constant 0 : i32
    %dma_wait3A_991 = tpu.memref_slice %arg11[%dma_wait3A_989, %dma_wait3A_990] : memref<32x100xf32, #tpu.memory_space<vmem>> -> memref<1x100xf32, #tpu.memory_space<vmem>>
    %dma_wait3A_992 = arith.constant 0 : i32
    %dma_wait3A_993 = tpu.memref_slice %arg3[%squeeze3A_300, %dma_wait3A_992] : memref<204800x100xf32, #tpu.memory_space<hbm>> -> memref<1x100xf32, #tpu.memory_space<hbm>>
    tpu.wait_dma2 semaphore(%arg15 : memref<!tpu.dma_semaphore, #tpu.memory_space<semaphore_mem>>) src(%dma_wait3A_993 : memref<1x100xf32, #tpu.memory_space<hbm>>) dst(%dma_wait3A_991 : memref<1x100xf32, #tpu.memory_space<vmem>>)
    %dma_wait3A_994 = arith.constant 12 : i32
    %dma_wait3A_995 = arith.constant 0 : i32
    %dma_wait3A_996 = tpu.memref_slice %arg13[%dma_wait3A_994, %dma_wait3A_995] : memref<32x50xf32, #tpu.memory_space<vmem>> -> memref<1x50xf32, #tpu.memory_space<vmem>>
    %dma_wait3A_997 = arith.constant 0 : i32
    %dma_wait3A_998 = tpu.memref_slice %arg5[%squeeze3A_300, %dma_wait3A_997] : memref<204800x50xf32, #tpu.memory_space<hbm>> -> memref<1x50xf32, #tpu.memory_space<hbm>>
    %dma_wait3A_999 = arith.constant 12 : i32
    %dma_wait3A_1000 = arith.constant 0 : i32
    %dma_wait3A_1001 = tpu.memref_slice %arg13[%dma_wait3A_999, %dma_wait3A_1000] : memref<32x50xf32, #tpu.memory_space<vmem>> -> memref<1x50xf32, #tpu.memory_space<vmem>>
    %dma_wait3A_1002 = arith.constant 0 : i32
    %dma_wait3A_1003 = tpu.memref_slice %arg5[%squeeze3A_300, %dma_wait3A_1002] : memref<204800x50xf32, #tpu.memory_space<hbm>> -> memref<1x50xf32, #tpu.memory_space<hbm>>
    tpu.wait_dma2 semaphore(%arg15 : memref<!tpu.dma_semaphore, #tpu.memory_space<semaphore_mem>>) src(%dma_wait3A_1003 : memref<1x50xf32, #tpu.memory_space<hbm>>) dst(%dma_wait3A_1001 : memref<1x50xf32, #tpu.memory_space<vmem>>)
    %dma_wait3A_1004 = arith.constant 13 : i32
    %dma_wait3A_1005 = arith.constant 0 : i32
    %dma_wait3A_1006 = tpu.memref_slice %arg11[%dma_wait3A_1004, %dma_wait3A_1005] : memref<32x100xf32, #tpu.memory_space<vmem>> -> memref<1x100xf32, #tpu.memory_space<vmem>>
    %dma_wait3A_1007 = arith.constant 0 : i32
    %dma_wait3A_1008 = tpu.memref_slice %arg3[%squeeze3A_322, %dma_wait3A_1007] : memref<204800x100xf32, #tpu.memory_space<hbm>> -> memref<1x100xf32, #tpu.memory_space<hbm>>
    %dma_wait3A_1009 = arith.constant 13 : i32
    %dma_wait3A_1010 = arith.constant 0 : i32
    %dma_wait3A_1011 = tpu.memref_slice %arg11[%dma_wait3A_1009, %dma_wait3A_1010] : memref<32x100xf32, #tpu.memory_space<vmem>> -> memref<1x100xf32, #tpu.memory_space<vmem>>
    %dma_wait3A_1012 = arith.constant 0 : i32
    %dma_wait3A_1013 = tpu.memref_slice %arg3[%squeeze3A_322, %dma_wait3A_1012] : memref<204800x100xf32, #tpu.memory_space<hbm>> -> memref<1x100xf32, #tpu.memory_space<hbm>>
    tpu.wait_dma2 semaphore(%arg15 : memref<!tpu.dma_semaphore, #tpu.memory_space<semaphore_mem>>) src(%dma_wait3A_1013 : memref<1x100xf32, #tpu.memory_space<hbm>>) dst(%dma_wait3A_1011 : memref<1x100xf32, #tpu.memory_space<vmem>>)
    %dma_wait3A_1014 = arith.constant 13 : i32
    %dma_wait3A_1015 = arith.constant 0 : i32
    %dma_wait3A_1016 = tpu.memref_slice %arg13[%dma_wait3A_1014, %dma_wait3A_1015] : memref<32x50xf32, #tpu.memory_space<vmem>> -> memref<1x50xf32, #tpu.memory_space<vmem>>
    %dma_wait3A_1017 = arith.constant 0 : i32
    %dma_wait3A_1018 = tpu.memref_slice %arg5[%squeeze3A_322, %dma_wait3A_1017] : memref<204800x50xf32, #tpu.memory_space<hbm>> -> memref<1x50xf32, #tpu.memory_space<hbm>>
    %dma_wait3A_1019 = arith.constant 13 : i32
    %dma_wait3A_1020 = arith.constant 0 : i32
    %dma_wait3A_1021 = tpu.memref_slice %arg13[%dma_wait3A_1019, %dma_wait3A_1020] : memref<32x50xf32, #tpu.memory_space<vmem>> -> memref<1x50xf32, #tpu.memory_space<vmem>>
    %dma_wait3A_1022 = arith.constant 0 : i32
    %dma_wait3A_1023 = tpu.memref_slice %arg5[%squeeze3A_322, %dma_wait3A_1022] : memref<204800x50xf32, #tpu.memory_space<hbm>> -> memref<1x50xf32, #tpu.memory_space<hbm>>
    tpu.wait_dma2 semaphore(%arg15 : memref<!tpu.dma_semaphore, #tpu.memory_space<semaphore_mem>>) src(%dma_wait3A_1023 : memref<1x50xf32, #tpu.memory_space<hbm>>) dst(%dma_wait3A_1021 : memref<1x50xf32, #tpu.memory_space<vmem>>)
    %dma_wait3A_1024 = arith.constant 14 : i32
    %dma_wait3A_1025 = arith.constant 0 : i32
    %dma_wait3A_1026 = tpu.memref_slice %arg11[%dma_wait3A_1024, %dma_wait3A_1025] : memref<32x100xf32, #tpu.memory_space<vmem>> -> memref<1x100xf32, #tpu.memory_space<vmem>>
    %dma_wait3A_1027 = arith.constant 0 : i32
    %dma_wait3A_1028 = tpu.memref_slice %arg3[%squeeze3A_344, %dma_wait3A_1027] : memref<204800x100xf32, #tpu.memory_space<hbm>> -> memref<1x100xf32, #tpu.memory_space<hbm>>
    %dma_wait3A_1029 = arith.constant 14 : i32
    %dma_wait3A_1030 = arith.constant 0 : i32
    %dma_wait3A_1031 = tpu.memref_slice %arg11[%dma_wait3A_1029, %dma_wait3A_1030] : memref<32x100xf32, #tpu.memory_space<vmem>> -> memref<1x100xf32, #tpu.memory_space<vmem>>
    %dma_wait3A_1032 = arith.constant 0 : i32
    %dma_wait3A_1033 = tpu.memref_slice %arg3[%squeeze3A_344, %dma_wait3A_1032] : memref<204800x100xf32, #tpu.memory_space<hbm>> -> memref<1x100xf32, #tpu.memory_space<hbm>>
    tpu.wait_dma2 semaphore(%arg15 : memref<!tpu.dma_semaphore, #tpu.memory_space<semaphore_mem>>) src(%dma_wait3A_1033 : memref<1x100xf32, #tpu.memory_space<hbm>>) dst(%dma_wait3A_1031 : memref<1x100xf32, #tpu.memory_space<vmem>>)
    %dma_wait3A_1034 = arith.constant 14 : i32
    %dma_wait3A_1035 = arith.constant 0 : i32
    %dma_wait3A_1036 = tpu.memref_slice %arg13[%dma_wait3A_1034, %dma_wait3A_1035] : memref<32x50xf32, #tpu.memory_space<vmem>> -> memref<1x50xf32, #tpu.memory_space<vmem>>
    %dma_wait3A_1037 = arith.constant 0 : i32
    %dma_wait3A_1038 = tpu.memref_slice %arg5[%squeeze3A_344, %dma_wait3A_1037] : memref<204800x50xf32, #tpu.memory_space<hbm>> -> memref<1x50xf32, #tpu.memory_space<hbm>>
    %dma_wait3A_1039 = arith.constant 14 : i32
    %dma_wait3A_1040 = arith.constant 0 : i32
    %dma_wait3A_1041 = tpu.memref_slice %arg13[%dma_wait3A_1039, %dma_wait3A_1040] : memref<32x50xf32, #tpu.memory_space<vmem>> -> memref<1x50xf32, #tpu.memory_space<vmem>>
    %dma_wait3A_1042 = arith.constant 0 : i32
    %dma_wait3A_1043 = tpu.memref_slice %arg5[%squeeze3A_344, %dma_wait3A_1042] : memref<204800x50xf32, #tpu.memory_space<hbm>> -> memref<1x50xf32, #tpu.memory_space<hbm>>
    tpu.wait_dma2 semaphore(%arg15 : memref<!tpu.dma_semaphore, #tpu.memory_space<semaphore_mem>>) src(%dma_wait3A_1043 : memref<1x50xf32, #tpu.memory_space<hbm>>) dst(%dma_wait3A_1041 : memref<1x50xf32, #tpu.memory_space<vmem>>)
    %dma_wait3A_1044 = arith.constant 15 : i32
    %dma_wait3A_1045 = arith.constant 0 : i32
    %dma_wait3A_1046 = tpu.memref_slice %arg11[%dma_wait3A_1044, %dma_wait3A_1045] : memref<32x100xf32, #tpu.memory_space<vmem>> -> memref<1x100xf32, #tpu.memory_space<vmem>>
    %dma_wait3A_1047 = arith.constant 0 : i32
    %dma_wait3A_1048 = tpu.memref_slice %arg3[%squeeze3A_366, %dma_wait3A_1047] : memref<204800x100xf32, #tpu.memory_space<hbm>> -> memref<1x100xf32, #tpu.memory_space<hbm>>
    %dma_wait3A_1049 = arith.constant 15 : i32
    %dma_wait3A_1050 = arith.constant 0 : i32
    %dma_wait3A_1051 = tpu.memref_slice %arg11[%dma_wait3A_1049, %dma_wait3A_1050] : memref<32x100xf32, #tpu.memory_space<vmem>> -> memref<1x100xf32, #tpu.memory_space<vmem>>
    %dma_wait3A_1052 = arith.constant 0 : i32
    %dma_wait3A_1053 = tpu.memref_slice %arg3[%squeeze3A_366, %dma_wait3A_1052] : memref<204800x100xf32, #tpu.memory_space<hbm>> -> memref<1x100xf32, #tpu.memory_space<hbm>>
    tpu.wait_dma2 semaphore(%arg15 : memref<!tpu.dma_semaphore, #tpu.memory_space<semaphore_mem>>) src(%dma_wait3A_1053 : memref<1x100xf32, #tpu.memory_space<hbm>>) dst(%dma_wait3A_1051 : memref<1x100xf32, #tpu.memory_space<vmem>>)
    %dma_wait3A_1054 = arith.constant 15 : i32
    %dma_wait3A_1055 = arith.constant 0 : i32
    %dma_wait3A_1056 = tpu.memref_slice %arg13[%dma_wait3A_1054, %dma_wait3A_1055] : memref<32x50xf32, #tpu.memory_space<vmem>> -> memref<1x50xf32, #tpu.memory_space<vmem>>
    %dma_wait3A_1057 = arith.constant 0 : i32
    %dma_wait3A_1058 = tpu.memref_slice %arg5[%squeeze3A_366, %dma_wait3A_1057] : memref<204800x50xf32, #tpu.memory_space<hbm>> -> memref<1x50xf32, #tpu.memory_space<hbm>>
    %dma_wait3A_1059 = arith.constant 15 : i32
    %dma_wait3A_1060 = arith.constant 0 : i32
    %dma_wait3A_1061 = tpu.memref_slice %arg13[%dma_wait3A_1059, %dma_wait3A_1060] : memref<32x50xf32, #tpu.memory_space<vmem>> -> memref<1x50xf32, #tpu.memory_space<vmem>>
    %dma_wait3A_1062 = arith.constant 0 : i32
    %dma_wait3A_1063 = tpu.memref_slice %arg5[%squeeze3A_366, %dma_wait3A_1062] : memref<204800x50xf32, #tpu.memory_space<hbm>> -> memref<1x50xf32, #tpu.memory_space<hbm>>
    tpu.wait_dma2 semaphore(%arg15 : memref<!tpu.dma_semaphore, #tpu.memory_space<semaphore_mem>>) src(%dma_wait3A_1063 : memref<1x50xf32, #tpu.memory_space<hbm>>) dst(%dma_wait3A_1061 : memref<1x50xf32, #tpu.memory_space<vmem>>)
    %dma_wait3A_1064 = arith.constant 16 : i32
    %dma_wait3A_1065 = arith.constant 0 : i32
    %dma_wait3A_1066 = tpu.memref_slice %arg11[%dma_wait3A_1064, %dma_wait3A_1065] : memref<32x100xf32, #tpu.memory_space<vmem>> -> memref<1x100xf32, #tpu.memory_space<vmem>>
    %dma_wait3A_1067 = arith.constant 0 : i32
    %dma_wait3A_1068 = tpu.memref_slice %arg3[%squeeze3A_391, %dma_wait3A_1067] : memref<204800x100xf32, #tpu.memory_space<hbm>> -> memref<1x100xf32, #tpu.memory_space<hbm>>
    %dma_wait3A_1069 = arith.constant 16 : i32
    %dma_wait3A_1070 = arith.constant 0 : i32
    %dma_wait3A_1071 = tpu.memref_slice %arg11[%dma_wait3A_1069, %dma_wait3A_1070] : memref<32x100xf32, #tpu.memory_space<vmem>> -> memref<1x100xf32, #tpu.memory_space<vmem>>
    %dma_wait3A_1072 = arith.constant 0 : i32
    %dma_wait3A_1073 = tpu.memref_slice %arg3[%squeeze3A_391, %dma_wait3A_1072] : memref<204800x100xf32, #tpu.memory_space<hbm>> -> memref<1x100xf32, #tpu.memory_space<hbm>>
    tpu.wait_dma2 semaphore(%arg15 : memref<!tpu.dma_semaphore, #tpu.memory_space<semaphore_mem>>) src(%dma_wait3A_1073 : memref<1x100xf32, #tpu.memory_space<hbm>>) dst(%dma_wait3A_1071 : memref<1x100xf32, #tpu.memory_space<vmem>>)
    %dma_wait3A_1074 = arith.constant 16 : i32
    %dma_wait3A_1075 = arith.constant 0 : i32
    %dma_wait3A_1076 = tpu.memref_slice %arg13[%dma_wait3A_1074, %dma_wait3A_1075] : memref<32x50xf32, #tpu.memory_space<vmem>> -> memref<1x50xf32, #tpu.memory_space<vmem>>
    %dma_wait3A_1077 = arith.constant 0 : i32
    %dma_wait3A_1078 = tpu.memref_slice %arg5[%squeeze3A_391, %dma_wait3A_1077] : memref<204800x50xf32, #tpu.memory_space<hbm>> -> memref<1x50xf32, #tpu.memory_space<hbm>>
    %dma_wait3A_1079 = arith.constant 16 : i32
    %dma_wait3A_1080 = arith.constant 0 : i32
    %dma_wait3A_1081 = tpu.memref_slice %arg13[%dma_wait3A_1079, %dma_wait3A_1080] : memref<32x50xf32, #tpu.memory_space<vmem>> -> memref<1x50xf32, #tpu.memory_space<vmem>>
    %dma_wait3A_1082 = arith.constant 0 : i32
    %dma_wait3A_1083 = tpu.memref_slice %arg5[%squeeze3A_391, %dma_wait3A_1082] : memref<204800x50xf32, #tpu.memory_space<hbm>> -> memref<1x50xf32, #tpu.memory_space<hbm>>
    tpu.wait_dma2 semaphore(%arg15 : memref<!tpu.dma_semaphore, #tpu.memory_space<semaphore_mem>>) src(%dma_wait3A_1083 : memref<1x50xf32, #tpu.memory_space<hbm>>) dst(%dma_wait3A_1081 : memref<1x50xf32, #tpu.memory_space<vmem>>)
    %dma_wait3A_1084 = arith.constant 17 : i32
    %dma_wait3A_1085 = arith.constant 0 : i32
    %dma_wait3A_1086 = tpu.memref_slice %arg11[%dma_wait3A_1084, %dma_wait3A_1085] : memref<32x100xf32, #tpu.memory_space<vmem>> -> memref<1x100xf32, #tpu.memory_space<vmem>>
    %dma_wait3A_1087 = arith.constant 0 : i32
    %dma_wait3A_1088 = tpu.memref_slice %arg3[%squeeze3A_413, %dma_wait3A_1087] : memref<204800x100xf32, #tpu.memory_space<hbm>> -> memref<1x100xf32, #tpu.memory_space<hbm>>
    %dma_wait3A_1089 = arith.constant 17 : i32
    %dma_wait3A_1090 = arith.constant 0 : i32
    %dma_wait3A_1091 = tpu.memref_slice %arg11[%dma_wait3A_1089, %dma_wait3A_1090] : memref<32x100xf32, #tpu.memory_space<vmem>> -> memref<1x100xf32, #tpu.memory_space<vmem>>
    %dma_wait3A_1092 = arith.constant 0 : i32
    %dma_wait3A_1093 = tpu.memref_slice %arg3[%squeeze3A_413, %dma_wait3A_1092] : memref<204800x100xf32, #tpu.memory_space<hbm>> -> memref<1x100xf32, #tpu.memory_space<hbm>>
    tpu.wait_dma2 semaphore(%arg15 : memref<!tpu.dma_semaphore, #tpu.memory_space<semaphore_mem>>) src(%dma_wait3A_1093 : memref<1x100xf32, #tpu.memory_space<hbm>>) dst(%dma_wait3A_1091 : memref<1x100xf32, #tpu.memory_space<vmem>>)
    %dma_wait3A_1094 = arith.constant 17 : i32
    %dma_wait3A_1095 = arith.constant 0 : i32
    %dma_wait3A_1096 = tpu.memref_slice %arg13[%dma_wait3A_1094, %dma_wait3A_1095] : memref<32x50xf32, #tpu.memory_space<vmem>> -> memref<1x50xf32, #tpu.memory_space<vmem>>
    %dma_wait3A_1097 = arith.constant 0 : i32
    %dma_wait3A_1098 = tpu.memref_slice %arg5[%squeeze3A_413, %dma_wait3A_1097] : memref<204800x50xf32, #tpu.memory_space<hbm>> -> memref<1x50xf32, #tpu.memory_space<hbm>>
    %dma_wait3A_1099 = arith.constant 17 : i32
    %dma_wait3A_1100 = arith.constant 0 : i32
    %dma_wait3A_1101 = tpu.memref_slice %arg13[%dma_wait3A_1099, %dma_wait3A_1100] : memref<32x50xf32, #tpu.memory_space<vmem>> -> memref<1x50xf32, #tpu.memory_space<vmem>>
    %dma_wait3A_1102 = arith.constant 0 : i32
    %dma_wait3A_1103 = tpu.memref_slice %arg5[%squeeze3A_413, %dma_wait3A_1102] : memref<204800x50xf32, #tpu.memory_space<hbm>> -> memref<1x50xf32, #tpu.memory_space<hbm>>
    tpu.wait_dma2 semaphore(%arg15 : memref<!tpu.dma_semaphore, #tpu.memory_space<semaphore_mem>>) src(%dma_wait3A_1103 : memref<1x50xf32, #tpu.memory_space<hbm>>) dst(%dma_wait3A_1101 : memref<1x50xf32, #tpu.memory_space<vmem>>)
    %dma_wait3A_1104 = arith.constant 18 : i32
    %dma_wait3A_1105 = arith.constant 0 : i32
    %dma_wait3A_1106 = tpu.memref_slice %arg11[%dma_wait3A_1104, %dma_wait3A_1105] : memref<32x100xf32, #tpu.memory_space<vmem>> -> memref<1x100xf32, #tpu.memory_space<vmem>>
    %dma_wait3A_1107 = arith.constant 0 : i32
    %dma_wait3A_1108 = tpu.memref_slice %arg3[%squeeze3A_435, %dma_wait3A_1107] : memref<204800x100xf32, #tpu.memory_space<hbm>> -> memref<1x100xf32, #tpu.memory_space<hbm>>
    %dma_wait3A_1109 = arith.constant 18 : i32
    %dma_wait3A_1110 = arith.constant 0 : i32
    %dma_wait3A_1111 = tpu.memref_slice %arg11[%dma_wait3A_1109, %dma_wait3A_1110] : memref<32x100xf32, #tpu.memory_space<vmem>> -> memref<1x100xf32, #tpu.memory_space<vmem>>
    %dma_wait3A_1112 = arith.constant 0 : i32
    %dma_wait3A_1113 = tpu.memref_slice %arg3[%squeeze3A_435, %dma_wait3A_1112] : memref<204800x100xf32, #tpu.memory_space<hbm>> -> memref<1x100xf32, #tpu.memory_space<hbm>>
    tpu.wait_dma2 semaphore(%arg15 : memref<!tpu.dma_semaphore, #tpu.memory_space<semaphore_mem>>) src(%dma_wait3A_1113 : memref<1x100xf32, #tpu.memory_space<hbm>>) dst(%dma_wait3A_1111 : memref<1x100xf32, #tpu.memory_space<vmem>>)
    %dma_wait3A_1114 = arith.constant 18 : i32
    %dma_wait3A_1115 = arith.constant 0 : i32
    %dma_wait3A_1116 = tpu.memref_slice %arg13[%dma_wait3A_1114, %dma_wait3A_1115] : memref<32x50xf32, #tpu.memory_space<vmem>> -> memref<1x50xf32, #tpu.memory_space<vmem>>
    %dma_wait3A_1117 = arith.constant 0 : i32
    %dma_wait3A_1118 = tpu.memref_slice %arg5[%squeeze3A_435, %dma_wait3A_1117] : memref<204800x50xf32, #tpu.memory_space<hbm>> -> memref<1x50xf32, #tpu.memory_space<hbm>>
    %dma_wait3A_1119 = arith.constant 18 : i32
    %dma_wait3A_1120 = arith.constant 0 : i32
    %dma_wait3A_1121 = tpu.memref_slice %arg13[%dma_wait3A_1119, %dma_wait3A_1120] : memref<32x50xf32, #tpu.memory_space<vmem>> -> memref<1x50xf32, #tpu.memory_space<vmem>>
    %dma_wait3A_1122 = arith.constant 0 : i32
    %dma_wait3A_1123 = tpu.memref_slice %arg5[%squeeze3A_435, %dma_wait3A_1122] : memref<204800x50xf32, #tpu.memory_space<hbm>> -> memref<1x50xf32, #tpu.memory_space<hbm>>
    tpu.wait_dma2 semaphore(%arg15 : memref<!tpu.dma_semaphore, #tpu.memory_space<semaphore_mem>>) src(%dma_wait3A_1123 : memref<1x50xf32, #tpu.memory_space<hbm>>) dst(%dma_wait3A_1121 : memref<1x50xf32, #tpu.memory_space<vmem>>)
    %dma_wait3A_1124 = arith.constant 19 : i32
    %dma_wait3A_1125 = arith.constant 0 : i32
    %dma_wait3A_1126 = tpu.memref_slice %arg11[%dma_wait3A_1124, %dma_wait3A_1125] : memref<32x100xf32, #tpu.memory_space<vmem>> -> memref<1x100xf32, #tpu.memory_space<vmem>>
    %dma_wait3A_1127 = arith.constant 0 : i32
    %dma_wait3A_1128 = tpu.memref_slice %arg3[%squeeze3A_457, %dma_wait3A_1127] : memref<204800x100xf32, #tpu.memory_space<hbm>> -> memref<1x100xf32, #tpu.memory_space<hbm>>
    %dma_wait3A_1129 = arith.constant 19 : i32
    %dma_wait3A_1130 = arith.constant 0 : i32
    %dma_wait3A_1131 = tpu.memref_slice %arg11[%dma_wait3A_1129, %dma_wait3A_1130] : memref<32x100xf32, #tpu.memory_space<vmem>> -> memref<1x100xf32, #tpu.memory_space<vmem>>
    %dma_wait3A_1132 = arith.constant 0 : i32
    %dma_wait3A_1133 = tpu.memref_slice %arg3[%squeeze3A_457, %dma_wait3A_1132] : memref<204800x100xf32, #tpu.memory_space<hbm>> -> memref<1x100xf32, #tpu.memory_space<hbm>>
    tpu.wait_dma2 semaphore(%arg15 : memref<!tpu.dma_semaphore, #tpu.memory_space<semaphore_mem>>) src(%dma_wait3A_1133 : memref<1x100xf32, #tpu.memory_space<hbm>>) dst(%dma_wait3A_1131 : memref<1x100xf32, #tpu.memory_space<vmem>>)
    %dma_wait3A_1134 = arith.constant 19 : i32
    %dma_wait3A_1135 = arith.constant 0 : i32
    %dma_wait3A_1136 = tpu.memref_slice %arg13[%dma_wait3A_1134, %dma_wait3A_1135] : memref<32x50xf32, #tpu.memory_space<vmem>> -> memref<1x50xf32, #tpu.memory_space<vmem>>
    %dma_wait3A_1137 = arith.constant 0 : i32
    %dma_wait3A_1138 = tpu.memref_slice %arg5[%squeeze3A_457, %dma_wait3A_1137] : memref<204800x50xf32, #tpu.memory_space<hbm>> -> memref<1x50xf32, #tpu.memory_space<hbm>>
    %dma_wait3A_1139 = arith.constant 19 : i32
    %dma_wait3A_1140 = arith.constant 0 : i32
    %dma_wait3A_1141 = tpu.memref_slice %arg13[%dma_wait3A_1139, %dma_wait3A_1140] : memref<32x50xf32, #tpu.memory_space<vmem>> -> memref<1x50xf32, #tpu.memory_space<vmem>>
    %dma_wait3A_1142 = arith.constant 0 : i32
    %dma_wait3A_1143 = tpu.memref_slice %arg5[%squeeze3A_457, %dma_wait3A_1142] : memref<204800x50xf32, #tpu.memory_space<hbm>> -> memref<1x50xf32, #tpu.memory_space<hbm>>
    tpu.wait_dma2 semaphore(%arg15 : memref<!tpu.dma_semaphore, #tpu.memory_space<semaphore_mem>>) src(%dma_wait3A_1143 : memref<1x50xf32, #tpu.memory_space<hbm>>) dst(%dma_wait3A_1141 : memref<1x50xf32, #tpu.memory_space<vmem>>)
    %dma_wait3A_1144 = arith.constant 20 : i32
    %dma_wait3A_1145 = arith.constant 0 : i32
    %dma_wait3A_1146 = tpu.memref_slice %arg11[%dma_wait3A_1144, %dma_wait3A_1145] : memref<32x100xf32, #tpu.memory_space<vmem>> -> memref<1x100xf32, #tpu.memory_space<vmem>>
    %dma_wait3A_1147 = arith.constant 0 : i32
    %dma_wait3A_1148 = tpu.memref_slice %arg3[%squeeze3A_479, %dma_wait3A_1147] : memref<204800x100xf32, #tpu.memory_space<hbm>> -> memref<1x100xf32, #tpu.memory_space<hbm>>
    %dma_wait3A_1149 = arith.constant 20 : i32
    %dma_wait3A_1150 = arith.constant 0 : i32
    %dma_wait3A_1151 = tpu.memref_slice %arg11[%dma_wait3A_1149, %dma_wait3A_1150] : memref<32x100xf32, #tpu.memory_space<vmem>> -> memref<1x100xf32, #tpu.memory_space<vmem>>
    %dma_wait3A_1152 = arith.constant 0 : i32
    %dma_wait3A_1153 = tpu.memref_slice %arg3[%squeeze3A_479, %dma_wait3A_1152] : memref<204800x100xf32, #tpu.memory_space<hbm>> -> memref<1x100xf32, #tpu.memory_space<hbm>>
    tpu.wait_dma2 semaphore(%arg15 : memref<!tpu.dma_semaphore, #tpu.memory_space<semaphore_mem>>) src(%dma_wait3A_1153 : memref<1x100xf32, #tpu.memory_space<hbm>>) dst(%dma_wait3A_1151 : memref<1x100xf32, #tpu.memory_space<vmem>>)
    %dma_wait3A_1154 = arith.constant 20 : i32
    %dma_wait3A_1155 = arith.constant 0 : i32
    %dma_wait3A_1156 = tpu.memref_slice %arg13[%dma_wait3A_1154, %dma_wait3A_1155] : memref<32x50xf32, #tpu.memory_space<vmem>> -> memref<1x50xf32, #tpu.memory_space<vmem>>
    %dma_wait3A_1157 = arith.constant 0 : i32
    %dma_wait3A_1158 = tpu.memref_slice %arg5[%squeeze3A_479, %dma_wait3A_1157] : memref<204800x50xf32, #tpu.memory_space<hbm>> -> memref<1x50xf32, #tpu.memory_space<hbm>>
    %dma_wait3A_1159 = arith.constant 20 : i32
    %dma_wait3A_1160 = arith.constant 0 : i32
    %dma_wait3A_1161 = tpu.memref_slice %arg13[%dma_wait3A_1159, %dma_wait3A_1160] : memref<32x50xf32, #tpu.memory_space<vmem>> -> memref<1x50xf32, #tpu.memory_space<vmem>>
    %dma_wait3A_1162 = arith.constant 0 : i32
    %dma_wait3A_1163 = tpu.memref_slice %arg5[%squeeze3A_479, %dma_wait3A_1162] : memref<204800x50xf32, #tpu.memory_space<hbm>> -> memref<1x50xf32, #tpu.memory_space<hbm>>
    tpu.wait_dma2 semaphore(%arg15 : memref<!tpu.dma_semaphore, #tpu.memory_space<semaphore_mem>>) src(%dma_wait3A_1163 : memref<1x50xf32, #tpu.memory_space<hbm>>) dst(%dma_wait3A_1161 : memref<1x50xf32, #tpu.memory_space<vmem>>)
    %dma_wait3A_1164 = arith.constant 21 : i32
    %dma_wait3A_1165 = arith.constant 0 : i32
    %dma_wait3A_1166 = tpu.memref_slice %arg11[%dma_wait3A_1164, %dma_wait3A_1165] : memref<32x100xf32, #tpu.memory_space<vmem>> -> memref<1x100xf32, #tpu.memory_space<vmem>>
    %dma_wait3A_1167 = arith.constant 0 : i32
    %dma_wait3A_1168 = tpu.memref_slice %arg3[%squeeze3A_501, %dma_wait3A_1167] : memref<204800x100xf32, #tpu.memory_space<hbm>> -> memref<1x100xf32, #tpu.memory_space<hbm>>
    %dma_wait3A_1169 = arith.constant 21 : i32
    %dma_wait3A_1170 = arith.constant 0 : i32
    %dma_wait3A_1171 = tpu.memref_slice %arg11[%dma_wait3A_1169, %dma_wait3A_1170] : memref<32x100xf32, #tpu.memory_space<vmem>> -> memref<1x100xf32, #tpu.memory_space<vmem>>
    %dma_wait3A_1172 = arith.constant 0 : i32
    %dma_wait3A_1173 = tpu.memref_slice %arg3[%squeeze3A_501, %dma_wait3A_1172] : memref<204800x100xf32, #tpu.memory_space<hbm>> -> memref<1x100xf32, #tpu.memory_space<hbm>>
    tpu.wait_dma2 semaphore(%arg15 : memref<!tpu.dma_semaphore, #tpu.memory_space<semaphore_mem>>) src(%dma_wait3A_1173 : memref<1x100xf32, #tpu.memory_space<hbm>>) dst(%dma_wait3A_1171 : memref<1x100xf32, #tpu.memory_space<vmem>>)
    %dma_wait3A_1174 = arith.constant 21 : i32
    %dma_wait3A_1175 = arith.constant 0 : i32
    %dma_wait3A_1176 = tpu.memref_slice %arg13[%dma_wait3A_1174, %dma_wait3A_1175] : memref<32x50xf32, #tpu.memory_space<vmem>> -> memref<1x50xf32, #tpu.memory_space<vmem>>
    %dma_wait3A_1177 = arith.constant 0 : i32
    %dma_wait3A_1178 = tpu.memref_slice %arg5[%squeeze3A_501, %dma_wait3A_1177] : memref<204800x50xf32, #tpu.memory_space<hbm>> -> memref<1x50xf32, #tpu.memory_space<hbm>>
    %dma_wait3A_1179 = arith.constant 21 : i32
    %dma_wait3A_1180 = arith.constant 0 : i32
    %dma_wait3A_1181 = tpu.memref_slice %arg13[%dma_wait3A_1179, %dma_wait3A_1180] : memref<32x50xf32, #tpu.memory_space<vmem>> -> memref<1x50xf32, #tpu.memory_space<vmem>>
    %dma_wait3A_1182 = arith.constant 0 : i32
    %dma_wait3A_1183 = tpu.memref_slice %arg5[%squeeze3A_501, %dma_wait3A_1182] : memref<204800x50xf32, #tpu.memory_space<hbm>> -> memref<1x50xf32, #tpu.memory_space<hbm>>
    tpu.wait_dma2 semaphore(%arg15 : memref<!tpu.dma_semaphore, #tpu.memory_space<semaphore_mem>>) src(%dma_wait3A_1183 : memref<1x50xf32, #tpu.memory_space<hbm>>) dst(%dma_wait3A_1181 : memref<1x50xf32, #tpu.memory_space<vmem>>)
    %dma_wait3A_1184 = arith.constant 22 : i32
    %dma_wait3A_1185 = arith.constant 0 : i32
    %dma_wait3A_1186 = tpu.memref_slice %arg11[%dma_wait3A_1184, %dma_wait3A_1185] : memref<32x100xf32, #tpu.memory_space<vmem>> -> memref<1x100xf32, #tpu.memory_space<vmem>>
    %dma_wait3A_1187 = arith.constant 0 : i32
    %dma_wait3A_1188 = tpu.memref_slice %arg3[%squeeze3A_523, %dma_wait3A_1187] : memref<204800x100xf32, #tpu.memory_space<hbm>> -> memref<1x100xf32, #tpu.memory_space<hbm>>
    %dma_wait3A_1189 = arith.constant 22 : i32
    %dma_wait3A_1190 = arith.constant 0 : i32
    %dma_wait3A_1191 = tpu.memref_slice %arg11[%dma_wait3A_1189, %dma_wait3A_1190] : memref<32x100xf32, #tpu.memory_space<vmem>> -> memref<1x100xf32, #tpu.memory_space<vmem>>
    %dma_wait3A_1192 = arith.constant 0 : i32
    %dma_wait3A_1193 = tpu.memref_slice %arg3[%squeeze3A_523, %dma_wait3A_1192] : memref<204800x100xf32, #tpu.memory_space<hbm>> -> memref<1x100xf32, #tpu.memory_space<hbm>>
    tpu.wait_dma2 semaphore(%arg15 : memref<!tpu.dma_semaphore, #tpu.memory_space<semaphore_mem>>) src(%dma_wait3A_1193 : memref<1x100xf32, #tpu.memory_space<hbm>>) dst(%dma_wait3A_1191 : memref<1x100xf32, #tpu.memory_space<vmem>>)
    %dma_wait3A_1194 = arith.constant 22 : i32
    %dma_wait3A_1195 = arith.constant 0 : i32
    %dma_wait3A_1196 = tpu.memref_slice %arg13[%dma_wait3A_1194, %dma_wait3A_1195] : memref<32x50xf32, #tpu.memory_space<vmem>> -> memref<1x50xf32, #tpu.memory_space<vmem>>
    %dma_wait3A_1197 = arith.constant 0 : i32
    %dma_wait3A_1198 = tpu.memref_slice %arg5[%squeeze3A_523, %dma_wait3A_1197] : memref<204800x50xf32, #tpu.memory_space<hbm>> -> memref<1x50xf32, #tpu.memory_space<hbm>>
    %dma_wait3A_1199 = arith.constant 22 : i32
    %dma_wait3A_1200 = arith.constant 0 : i32
    %dma_wait3A_1201 = tpu.memref_slice %arg13[%dma_wait3A_1199, %dma_wait3A_1200] : memref<32x50xf32, #tpu.memory_space<vmem>> -> memref<1x50xf32, #tpu.memory_space<vmem>>
    %dma_wait3A_1202 = arith.constant 0 : i32
    %dma_wait3A_1203 = tpu.memref_slice %arg5[%squeeze3A_523, %dma_wait3A_1202] : memref<204800x50xf32, #tpu.memory_space<hbm>> -> memref<1x50xf32, #tpu.memory_space<hbm>>
    tpu.wait_dma2 semaphore(%arg15 : memref<!tpu.dma_semaphore, #tpu.memory_space<semaphore_mem>>) src(%dma_wait3A_1203 : memref<1x50xf32, #tpu.memory_space<hbm>>) dst(%dma_wait3A_1201 : memref<1x50xf32, #tpu.memory_space<vmem>>)
    %dma_wait3A_1204 = arith.constant 23 : i32
    %dma_wait3A_1205 = arith.constant 0 : i32
    %dma_wait3A_1206 = tpu.memref_slice %arg11[%dma_wait3A_1204, %dma_wait3A_1205] : memref<32x100xf32, #tpu.memory_space<vmem>> -> memref<1x100xf32, #tpu.memory_space<vmem>>
    %dma_wait3A_1207 = arith.constant 0 : i32
    %dma_wait3A_1208 = tpu.memref_slice %arg3[%squeeze3A_545, %dma_wait3A_1207] : memref<204800x100xf32, #tpu.memory_space<hbm>> -> memref<1x100xf32, #tpu.memory_space<hbm>>
    %dma_wait3A_1209 = arith.constant 23 : i32
    %dma_wait3A_1210 = arith.constant 0 : i32
    %dma_wait3A_1211 = tpu.memref_slice %arg11[%dma_wait3A_1209, %dma_wait3A_1210] : memref<32x100xf32, #tpu.memory_space<vmem>> -> memref<1x100xf32, #tpu.memory_space<vmem>>
    %dma_wait3A_1212 = arith.constant 0 : i32
    %dma_wait3A_1213 = tpu.memref_slice %arg3[%squeeze3A_545, %dma_wait3A_1212] : memref<204800x100xf32, #tpu.memory_space<hbm>> -> memref<1x100xf32, #tpu.memory_space<hbm>>
    tpu.wait_dma2 semaphore(%arg15 : memref<!tpu.dma_semaphore, #tpu.memory_space<semaphore_mem>>) src(%dma_wait3A_1213 : memref<1x100xf32, #tpu.memory_space<hbm>>) dst(%dma_wait3A_1211 : memref<1x100xf32, #tpu.memory_space<vmem>>)
    %dma_wait3A_1214 = arith.constant 23 : i32
    %dma_wait3A_1215 = arith.constant 0 : i32
    %dma_wait3A_1216 = tpu.memref_slice %arg13[%dma_wait3A_1214, %dma_wait3A_1215] : memref<32x50xf32, #tpu.memory_space<vmem>> -> memref<1x50xf32, #tpu.memory_space<vmem>>
    %dma_wait3A_1217 = arith.constant 0 : i32
    %dma_wait3A_1218 = tpu.memref_slice %arg5[%squeeze3A_545, %dma_wait3A_1217] : memref<204800x50xf32, #tpu.memory_space<hbm>> -> memref<1x50xf32, #tpu.memory_space<hbm>>
    %dma_wait3A_1219 = arith.constant 23 : i32
    %dma_wait3A_1220 = arith.constant 0 : i32
    %dma_wait3A_1221 = tpu.memref_slice %arg13[%dma_wait3A_1219, %dma_wait3A_1220] : memref<32x50xf32, #tpu.memory_space<vmem>> -> memref<1x50xf32, #tpu.memory_space<vmem>>
    %dma_wait3A_1222 = arith.constant 0 : i32
    %dma_wait3A_1223 = tpu.memref_slice %arg5[%squeeze3A_545, %dma_wait3A_1222] : memref<204800x50xf32, #tpu.memory_space<hbm>> -> memref<1x50xf32, #tpu.memory_space<hbm>>
    tpu.wait_dma2 semaphore(%arg15 : memref<!tpu.dma_semaphore, #tpu.memory_space<semaphore_mem>>) src(%dma_wait3A_1223 : memref<1x50xf32, #tpu.memory_space<hbm>>) dst(%dma_wait3A_1221 : memref<1x50xf32, #tpu.memory_space<vmem>>)
    %dma_wait3A_1224 = arith.constant 24 : i32
    %dma_wait3A_1225 = arith.constant 0 : i32
    %dma_wait3A_1226 = tpu.memref_slice %arg11[%dma_wait3A_1224, %dma_wait3A_1225] : memref<32x100xf32, #tpu.memory_space<vmem>> -> memref<1x100xf32, #tpu.memory_space<vmem>>
    %dma_wait3A_1227 = arith.constant 0 : i32
    %dma_wait3A_1228 = tpu.memref_slice %arg3[%squeeze3A_567, %dma_wait3A_1227] : memref<204800x100xf32, #tpu.memory_space<hbm>> -> memref<1x100xf32, #tpu.memory_space<hbm>>
    %dma_wait3A_1229 = arith.constant 24 : i32
    %dma_wait3A_1230 = arith.constant 0 : i32
    %dma_wait3A_1231 = tpu.memref_slice %arg11[%dma_wait3A_1229, %dma_wait3A_1230] : memref<32x100xf32, #tpu.memory_space<vmem>> -> memref<1x100xf32, #tpu.memory_space<vmem>>
    %dma_wait3A_1232 = arith.constant 0 : i32
    %dma_wait3A_1233 = tpu.memref_slice %arg3[%squeeze3A_567, %dma_wait3A_1232] : memref<204800x100xf32, #tpu.memory_space<hbm>> -> memref<1x100xf32, #tpu.memory_space<hbm>>
    tpu.wait_dma2 semaphore(%arg15 : memref<!tpu.dma_semaphore, #tpu.memory_space<semaphore_mem>>) src(%dma_wait3A_1233 : memref<1x100xf32, #tpu.memory_space<hbm>>) dst(%dma_wait3A_1231 : memref<1x100xf32, #tpu.memory_space<vmem>>)
    %dma_wait3A_1234 = arith.constant 24 : i32
    %dma_wait3A_1235 = arith.constant 0 : i32
    %dma_wait3A_1236 = tpu.memref_slice %arg13[%dma_wait3A_1234, %dma_wait3A_1235] : memref<32x50xf32, #tpu.memory_space<vmem>> -> memref<1x50xf32, #tpu.memory_space<vmem>>
    %dma_wait3A_1237 = arith.constant 0 : i32
    %dma_wait3A_1238 = tpu.memref_slice %arg5[%squeeze3A_567, %dma_wait3A_1237] : memref<204800x50xf32, #tpu.memory_space<hbm>> -> memref<1x50xf32, #tpu.memory_space<hbm>>
    %dma_wait3A_1239 = arith.constant 24 : i32
    %dma_wait3A_1240 = arith.constant 0 : i32
    %dma_wait3A_1241 = tpu.memref_slice %arg13[%dma_wait3A_1239, %dma_wait3A_1240] : memref<32x50xf32, #tpu.memory_space<vmem>> -> memref<1x50xf32, #tpu.memory_space<vmem>>
    %dma_wait3A_1242 = arith.constant 0 : i32
    %dma_wait3A_1243 = tpu.memref_slice %arg5[%squeeze3A_567, %dma_wait3A_1242] : memref<204800x50xf32, #tpu.memory_space<hbm>> -> memref<1x50xf32, #tpu.memory_space<hbm>>
    tpu.wait_dma2 semaphore(%arg15 : memref<!tpu.dma_semaphore, #tpu.memory_space<semaphore_mem>>) src(%dma_wait3A_1243 : memref<1x50xf32, #tpu.memory_space<hbm>>) dst(%dma_wait3A_1241 : memref<1x50xf32, #tpu.memory_space<vmem>>)
    %dma_wait3A_1244 = arith.constant 25 : i32
    %dma_wait3A_1245 = arith.constant 0 : i32
    %dma_wait3A_1246 = tpu.memref_slice %arg11[%dma_wait3A_1244, %dma_wait3A_1245] : memref<32x100xf32, #tpu.memory_space<vmem>> -> memref<1x100xf32, #tpu.memory_space<vmem>>
    %dma_wait3A_1247 = arith.constant 0 : i32
    %dma_wait3A_1248 = tpu.memref_slice %arg3[%squeeze3A_589, %dma_wait3A_1247] : memref<204800x100xf32, #tpu.memory_space<hbm>> -> memref<1x100xf32, #tpu.memory_space<hbm>>
    %dma_wait3A_1249 = arith.constant 25 : i32
    %dma_wait3A_1250 = arith.constant 0 : i32
    %dma_wait3A_1251 = tpu.memref_slice %arg11[%dma_wait3A_1249, %dma_wait3A_1250] : memref<32x100xf32, #tpu.memory_space<vmem>> -> memref<1x100xf32, #tpu.memory_space<vmem>>
    %dma_wait3A_1252 = arith.constant 0 : i32
    %dma_wait3A_1253 = tpu.memref_slice %arg3[%squeeze3A_589, %dma_wait3A_1252] : memref<204800x100xf32, #tpu.memory_space<hbm>> -> memref<1x100xf32, #tpu.memory_space<hbm>>
    tpu.wait_dma2 semaphore(%arg15 : memref<!tpu.dma_semaphore, #tpu.memory_space<semaphore_mem>>) src(%dma_wait3A_1253 : memref<1x100xf32, #tpu.memory_space<hbm>>) dst(%dma_wait3A_1251 : memref<1x100xf32, #tpu.memory_space<vmem>>)
    %dma_wait3A_1254 = arith.constant 25 : i32
    %dma_wait3A_1255 = arith.constant 0 : i32
    %dma_wait3A_1256 = tpu.memref_slice %arg13[%dma_wait3A_1254, %dma_wait3A_1255] : memref<32x50xf32, #tpu.memory_space<vmem>> -> memref<1x50xf32, #tpu.memory_space<vmem>>
    %dma_wait3A_1257 = arith.constant 0 : i32
    %dma_wait3A_1258 = tpu.memref_slice %arg5[%squeeze3A_589, %dma_wait3A_1257] : memref<204800x50xf32, #tpu.memory_space<hbm>> -> memref<1x50xf32, #tpu.memory_space<hbm>>
    %dma_wait3A_1259 = arith.constant 25 : i32
    %dma_wait3A_1260 = arith.constant 0 : i32
    %dma_wait3A_1261 = tpu.memref_slice %arg13[%dma_wait3A_1259, %dma_wait3A_1260] : memref<32x50xf32, #tpu.memory_space<vmem>> -> memref<1x50xf32, #tpu.memory_space<vmem>>
    %dma_wait3A_1262 = arith.constant 0 : i32
    %dma_wait3A_1263 = tpu.memref_slice %arg5[%squeeze3A_589, %dma_wait3A_1262] : memref<204800x50xf32, #tpu.memory_space<hbm>> -> memref<1x50xf32, #tpu.memory_space<hbm>>
    tpu.wait_dma2 semaphore(%arg15 : memref<!tpu.dma_semaphore, #tpu.memory_space<semaphore_mem>>) src(%dma_wait3A_1263 : memref<1x50xf32, #tpu.memory_space<hbm>>) dst(%dma_wait3A_1261 : memref<1x50xf32, #tpu.memory_space<vmem>>)
    %dma_wait3A_1264 = arith.constant 26 : i32
    %dma_wait3A_1265 = arith.constant 0 : i32
    %dma_wait3A_1266 = tpu.memref_slice %arg11[%dma_wait3A_1264, %dma_wait3A_1265] : memref<32x100xf32, #tpu.memory_space<vmem>> -> memref<1x100xf32, #tpu.memory_space<vmem>>
    %dma_wait3A_1267 = arith.constant 0 : i32
    %dma_wait3A_1268 = tpu.memref_slice %arg3[%squeeze3A_611, %dma_wait3A_1267] : memref<204800x100xf32, #tpu.memory_space<hbm>> -> memref<1x100xf32, #tpu.memory_space<hbm>>
    %dma_wait3A_1269 = arith.constant 26 : i32
    %dma_wait3A_1270 = arith.constant 0 : i32
    %dma_wait3A_1271 = tpu.memref_slice %arg11[%dma_wait3A_1269, %dma_wait3A_1270] : memref<32x100xf32, #tpu.memory_space<vmem>> -> memref<1x100xf32, #tpu.memory_space<vmem>>
    %dma_wait3A_1272 = arith.constant 0 : i32
    %dma_wait3A_1273 = tpu.memref_slice %arg3[%squeeze3A_611, %dma_wait3A_1272] : memref<204800x100xf32, #tpu.memory_space<hbm>> -> memref<1x100xf32, #tpu.memory_space<hbm>>
    tpu.wait_dma2 semaphore(%arg15 : memref<!tpu.dma_semaphore, #tpu.memory_space<semaphore_mem>>) src(%dma_wait3A_1273 : memref<1x100xf32, #tpu.memory_space<hbm>>) dst(%dma_wait3A_1271 : memref<1x100xf32, #tpu.memory_space<vmem>>)
    %dma_wait3A_1274 = arith.constant 26 : i32
    %dma_wait3A_1275 = arith.constant 0 : i32
    %dma_wait3A_1276 = tpu.memref_slice %arg13[%dma_wait3A_1274, %dma_wait3A_1275] : memref<32x50xf32, #tpu.memory_space<vmem>> -> memref<1x50xf32, #tpu.memory_space<vmem>>
    %dma_wait3A_1277 = arith.constant 0 : i32
    %dma_wait3A_1278 = tpu.memref_slice %arg5[%squeeze3A_611, %dma_wait3A_1277] : memref<204800x50xf32, #tpu.memory_space<hbm>> -> memref<1x50xf32, #tpu.memory_space<hbm>>
    %dma_wait3A_1279 = arith.constant 26 : i32
    %dma_wait3A_1280 = arith.constant 0 : i32
    %dma_wait3A_1281 = tpu.memref_slice %arg13[%dma_wait3A_1279, %dma_wait3A_1280] : memref<32x50xf32, #tpu.memory_space<vmem>> -> memref<1x50xf32, #tpu.memory_space<vmem>>
    %dma_wait3A_1282 = arith.constant 0 : i32
    %dma_wait3A_1283 = tpu.memref_slice %arg5[%squeeze3A_611, %dma_wait3A_1282] : memref<204800x50xf32, #tpu.memory_space<hbm>> -> memref<1x50xf32, #tpu.memory_space<hbm>>
    tpu.wait_dma2 semaphore(%arg15 : memref<!tpu.dma_semaphore, #tpu.memory_space<semaphore_mem>>) src(%dma_wait3A_1283 : memref<1x50xf32, #tpu.memory_space<hbm>>) dst(%dma_wait3A_1281 : memref<1x50xf32, #tpu.memory_space<vmem>>)
    %dma_wait3A_1284 = arith.constant 27 : i32
    %dma_wait3A_1285 = arith.constant 0 : i32
    %dma_wait3A_1286 = tpu.memref_slice %arg11[%dma_wait3A_1284, %dma_wait3A_1285] : memref<32x100xf32, #tpu.memory_space<vmem>> -> memref<1x100xf32, #tpu.memory_space<vmem>>
    %dma_wait3A_1287 = arith.constant 0 : i32
    %dma_wait3A_1288 = tpu.memref_slice %arg3[%squeeze3A_633, %dma_wait3A_1287] : memref<204800x100xf32, #tpu.memory_space<hbm>> -> memref<1x100xf32, #tpu.memory_space<hbm>>
    %dma_wait3A_1289 = arith.constant 27 : i32
    %dma_wait3A_1290 = arith.constant 0 : i32
    %dma_wait3A_1291 = tpu.memref_slice %arg11[%dma_wait3A_1289, %dma_wait3A_1290] : memref<32x100xf32, #tpu.memory_space<vmem>> -> memref<1x100xf32, #tpu.memory_space<vmem>>
    %dma_wait3A_1292 = arith.constant 0 : i32
    %dma_wait3A_1293 = tpu.memref_slice %arg3[%squeeze3A_633, %dma_wait3A_1292] : memref<204800x100xf32, #tpu.memory_space<hbm>> -> memref<1x100xf32, #tpu.memory_space<hbm>>
    tpu.wait_dma2 semaphore(%arg15 : memref<!tpu.dma_semaphore, #tpu.memory_space<semaphore_mem>>) src(%dma_wait3A_1293 : memref<1x100xf32, #tpu.memory_space<hbm>>) dst(%dma_wait3A_1291 : memref<1x100xf32, #tpu.memory_space<vmem>>)
    %dma_wait3A_1294 = arith.constant 27 : i32
    %dma_wait3A_1295 = arith.constant 0 : i32
    %dma_wait3A_1296 = tpu.memref_slice %arg13[%dma_wait3A_1294, %dma_wait3A_1295] : memref<32x50xf32, #tpu.memory_space<vmem>> -> memref<1x50xf32, #tpu.memory_space<vmem>>
    %dma_wait3A_1297 = arith.constant 0 : i32
    %dma_wait3A_1298 = tpu.memref_slice %arg5[%squeeze3A_633, %dma_wait3A_1297] : memref<204800x50xf32, #tpu.memory_space<hbm>> -> memref<1x50xf32, #tpu.memory_space<hbm>>
    %dma_wait3A_1299 = arith.constant 27 : i32
    %dma_wait3A_1300 = arith.constant 0 : i32
    %dma_wait3A_1301 = tpu.memref_slice %arg13[%dma_wait3A_1299, %dma_wait3A_1300] : memref<32x50xf32, #tpu.memory_space<vmem>> -> memref<1x50xf32, #tpu.memory_space<vmem>>
    %dma_wait3A_1302 = arith.constant 0 : i32
    %dma_wait3A_1303 = tpu.memref_slice %arg5[%squeeze3A_633, %dma_wait3A_1302] : memref<204800x50xf32, #tpu.memory_space<hbm>> -> memref<1x50xf32, #tpu.memory_space<hbm>>
    tpu.wait_dma2 semaphore(%arg15 : memref<!tpu.dma_semaphore, #tpu.memory_space<semaphore_mem>>) src(%dma_wait3A_1303 : memref<1x50xf32, #tpu.memory_space<hbm>>) dst(%dma_wait3A_1301 : memref<1x50xf32, #tpu.memory_space<vmem>>)
    %dma_wait3A_1304 = arith.constant 28 : i32
    %dma_wait3A_1305 = arith.constant 0 : i32
    %dma_wait3A_1306 = tpu.memref_slice %arg11[%dma_wait3A_1304, %dma_wait3A_1305] : memref<32x100xf32, #tpu.memory_space<vmem>> -> memref<1x100xf32, #tpu.memory_space<vmem>>
    %dma_wait3A_1307 = arith.constant 0 : i32
    %dma_wait3A_1308 = tpu.memref_slice %arg3[%squeeze3A_655, %dma_wait3A_1307] : memref<204800x100xf32, #tpu.memory_space<hbm>> -> memref<1x100xf32, #tpu.memory_space<hbm>>
    %dma_wait3A_1309 = arith.constant 28 : i32
    %dma_wait3A_1310 = arith.constant 0 : i32
    %dma_wait3A_1311 = tpu.memref_slice %arg11[%dma_wait3A_1309, %dma_wait3A_1310] : memref<32x100xf32, #tpu.memory_space<vmem>> -> memref<1x100xf32, #tpu.memory_space<vmem>>
    %dma_wait3A_1312 = arith.constant 0 : i32
    %dma_wait3A_1313 = tpu.memref_slice %arg3[%squeeze3A_655, %dma_wait3A_1312] : memref<204800x100xf32, #tpu.memory_space<hbm>> -> memref<1x100xf32, #tpu.memory_space<hbm>>
    tpu.wait_dma2 semaphore(%arg15 : memref<!tpu.dma_semaphore, #tpu.memory_space<semaphore_mem>>) src(%dma_wait3A_1313 : memref<1x100xf32, #tpu.memory_space<hbm>>) dst(%dma_wait3A_1311 : memref<1x100xf32, #tpu.memory_space<vmem>>)
    %dma_wait3A_1314 = arith.constant 28 : i32
    %dma_wait3A_1315 = arith.constant 0 : i32
    %dma_wait3A_1316 = tpu.memref_slice %arg13[%dma_wait3A_1314, %dma_wait3A_1315] : memref<32x50xf32, #tpu.memory_space<vmem>> -> memref<1x50xf32, #tpu.memory_space<vmem>>
    %dma_wait3A_1317 = arith.constant 0 : i32
    %dma_wait3A_1318 = tpu.memref_slice %arg5[%squeeze3A_655, %dma_wait3A_1317] : memref<204800x50xf32, #tpu.memory_space<hbm>> -> memref<1x50xf32, #tpu.memory_space<hbm>>
    %dma_wait3A_1319 = arith.constant 28 : i32
    %dma_wait3A_1320 = arith.constant 0 : i32
    %dma_wait3A_1321 = tpu.memref_slice %arg13[%dma_wait3A_1319, %dma_wait3A_1320] : memref<32x50xf32, #tpu.memory_space<vmem>> -> memref<1x50xf32, #tpu.memory_space<vmem>>
    %dma_wait3A_1322 = arith.constant 0 : i32
    %dma_wait3A_1323 = tpu.memref_slice %arg5[%squeeze3A_655, %dma_wait3A_1322] : memref<204800x50xf32, #tpu.memory_space<hbm>> -> memref<1x50xf32, #tpu.memory_space<hbm>>
    tpu.wait_dma2 semaphore(%arg15 : memref<!tpu.dma_semaphore, #tpu.memory_space<semaphore_mem>>) src(%dma_wait3A_1323 : memref<1x50xf32, #tpu.memory_space<hbm>>) dst(%dma_wait3A_1321 : memref<1x50xf32, #tpu.memory_space<vmem>>)
    %dma_wait3A_1324 = arith.constant 29 : i32
    %dma_wait3A_1325 = arith.constant 0 : i32
    %dma_wait3A_1326 = tpu.memref_slice %arg11[%dma_wait3A_1324, %dma_wait3A_1325] : memref<32x100xf32, #tpu.memory_space<vmem>> -> memref<1x100xf32, #tpu.memory_space<vmem>>
    %dma_wait3A_1327 = arith.constant 0 : i32
    %dma_wait3A_1328 = tpu.memref_slice %arg3[%squeeze3A_677, %dma_wait3A_1327] : memref<204800x100xf32, #tpu.memory_space<hbm>> -> memref<1x100xf32, #tpu.memory_space<hbm>>
    %dma_wait3A_1329 = arith.constant 29 : i32
    %dma_wait3A_1330 = arith.constant 0 : i32
    %dma_wait3A_1331 = tpu.memref_slice %arg11[%dma_wait3A_1329, %dma_wait3A_1330] : memref<32x100xf32, #tpu.memory_space<vmem>> -> memref<1x100xf32, #tpu.memory_space<vmem>>
    %dma_wait3A_1332 = arith.constant 0 : i32
    %dma_wait3A_1333 = tpu.memref_slice %arg3[%squeeze3A_677, %dma_wait3A_1332] : memref<204800x100xf32, #tpu.memory_space<hbm>> -> memref<1x100xf32, #tpu.memory_space<hbm>>
    tpu.wait_dma2 semaphore(%arg15 : memref<!tpu.dma_semaphore, #tpu.memory_space<semaphore_mem>>) src(%dma_wait3A_1333 : memref<1x100xf32, #tpu.memory_space<hbm>>) dst(%dma_wait3A_1331 : memref<1x100xf32, #tpu.memory_space<vmem>>)
    %dma_wait3A_1334 = arith.constant 29 : i32
    %dma_wait3A_1335 = arith.constant 0 : i32
    %dma_wait3A_1336 = tpu.memref_slice %arg13[%dma_wait3A_1334, %dma_wait3A_1335] : memref<32x50xf32, #tpu.memory_space<vmem>> -> memref<1x50xf32, #tpu.memory_space<vmem>>
    %dma_wait3A_1337 = arith.constant 0 : i32
    %dma_wait3A_1338 = tpu.memref_slice %arg5[%squeeze3A_677, %dma_wait3A_1337] : memref<204800x50xf32, #tpu.memory_space<hbm>> -> memref<1x50xf32, #tpu.memory_space<hbm>>
    %dma_wait3A_1339 = arith.constant 29 : i32
    %dma_wait3A_1340 = arith.constant 0 : i32
    %dma_wait3A_1341 = tpu.memref_slice %arg13[%dma_wait3A_1339, %dma_wait3A_1340] : memref<32x50xf32, #tpu.memory_space<vmem>> -> memref<1x50xf32, #tpu.memory_space<vmem>>
    %dma_wait3A_1342 = arith.constant 0 : i32
    %dma_wait3A_1343 = tpu.memref_slice %arg5[%squeeze3A_677, %dma_wait3A_1342] : memref<204800x50xf32, #tpu.memory_space<hbm>> -> memref<1x50xf32, #tpu.memory_space<hbm>>
    tpu.wait_dma2 semaphore(%arg15 : memref<!tpu.dma_semaphore, #tpu.memory_space<semaphore_mem>>) src(%dma_wait3A_1343 : memref<1x50xf32, #tpu.memory_space<hbm>>) dst(%dma_wait3A_1341 : memref<1x50xf32, #tpu.memory_space<vmem>>)
    %dma_wait3A_1344 = arith.constant 30 : i32
    %dma_wait3A_1345 = arith.constant 0 : i32
    %dma_wait3A_1346 = tpu.memref_slice %arg11[%dma_wait3A_1344, %dma_wait3A_1345] : memref<32x100xf32, #tpu.memory_space<vmem>> -> memref<1x100xf32, #tpu.memory_space<vmem>>
    %dma_wait3A_1347 = arith.constant 0 : i32
    %dma_wait3A_1348 = tpu.memref_slice %arg3[%squeeze3A_699, %dma_wait3A_1347] : memref<204800x100xf32, #tpu.memory_space<hbm>> -> memref<1x100xf32, #tpu.memory_space<hbm>>
    %dma_wait3A_1349 = arith.constant 30 : i32
    %dma_wait3A_1350 = arith.constant 0 : i32
    %dma_wait3A_1351 = tpu.memref_slice %arg11[%dma_wait3A_1349, %dma_wait3A_1350] : memref<32x100xf32, #tpu.memory_space<vmem>> -> memref<1x100xf32, #tpu.memory_space<vmem>>
    %dma_wait3A_1352 = arith.constant 0 : i32
    %dma_wait3A_1353 = tpu.memref_slice %arg3[%squeeze3A_699, %dma_wait3A_1352] : memref<204800x100xf32, #tpu.memory_space<hbm>> -> memref<1x100xf32, #tpu.memory_space<hbm>>
    tpu.wait_dma2 semaphore(%arg15 : memref<!tpu.dma_semaphore, #tpu.memory_space<semaphore_mem>>) src(%dma_wait3A_1353 : memref<1x100xf32, #tpu.memory_space<hbm>>) dst(%dma_wait3A_1351 : memref<1x100xf32, #tpu.memory_space<vmem>>)
    %dma_wait3A_1354 = arith.constant 30 : i32
    %dma_wait3A_1355 = arith.constant 0 : i32
    %dma_wait3A_1356 = tpu.memref_slice %arg13[%dma_wait3A_1354, %dma_wait3A_1355] : memref<32x50xf32, #tpu.memory_space<vmem>> -> memref<1x50xf32, #tpu.memory_space<vmem>>
    %dma_wait3A_1357 = arith.constant 0 : i32
    %dma_wait3A_1358 = tpu.memref_slice %arg5[%squeeze3A_699, %dma_wait3A_1357] : memref<204800x50xf32, #tpu.memory_space<hbm>> -> memref<1x50xf32, #tpu.memory_space<hbm>>
    %dma_wait3A_1359 = arith.constant 30 : i32
    %dma_wait3A_1360 = arith.constant 0 : i32
    %dma_wait3A_1361 = tpu.memref_slice %arg13[%dma_wait3A_1359, %dma_wait3A_1360] : memref<32x50xf32, #tpu.memory_space<vmem>> -> memref<1x50xf32, #tpu.memory_space<vmem>>
    %dma_wait3A_1362 = arith.constant 0 : i32
    %dma_wait3A_1363 = tpu.memref_slice %arg5[%squeeze3A_699, %dma_wait3A_1362] : memref<204800x50xf32, #tpu.memory_space<hbm>> -> memref<1x50xf32, #tpu.memory_space<hbm>>
    tpu.wait_dma2 semaphore(%arg15 : memref<!tpu.dma_semaphore, #tpu.memory_space<semaphore_mem>>) src(%dma_wait3A_1363 : memref<1x50xf32, #tpu.memory_space<hbm>>) dst(%dma_wait3A_1361 : memref<1x50xf32, #tpu.memory_space<vmem>>)
    %dma_wait3A_1364 = arith.constant 31 : i32
    %dma_wait3A_1365 = arith.constant 0 : i32
    %dma_wait3A_1366 = tpu.memref_slice %arg11[%dma_wait3A_1364, %dma_wait3A_1365] : memref<32x100xf32, #tpu.memory_space<vmem>> -> memref<1x100xf32, #tpu.memory_space<vmem>>
    %dma_wait3A_1367 = arith.constant 0 : i32
    %dma_wait3A_1368 = tpu.memref_slice %arg3[%squeeze3A_721, %dma_wait3A_1367] : memref<204800x100xf32, #tpu.memory_space<hbm>> -> memref<1x100xf32, #tpu.memory_space<hbm>>
    %dma_wait3A_1369 = arith.constant 31 : i32
    %dma_wait3A_1370 = arith.constant 0 : i32
    %dma_wait3A_1371 = tpu.memref_slice %arg11[%dma_wait3A_1369, %dma_wait3A_1370] : memref<32x100xf32, #tpu.memory_space<vmem>> -> memref<1x100xf32, #tpu.memory_space<vmem>>
    %dma_wait3A_1372 = arith.constant 0 : i32
    %dma_wait3A_1373 = tpu.memref_slice %arg3[%squeeze3A_721, %dma_wait3A_1372] : memref<204800x100xf32, #tpu.memory_space<hbm>> -> memref<1x100xf32, #tpu.memory_space<hbm>>
    tpu.wait_dma2 semaphore(%arg15 : memref<!tpu.dma_semaphore, #tpu.memory_space<semaphore_mem>>) src(%dma_wait3A_1373 : memref<1x100xf32, #tpu.memory_space<hbm>>) dst(%dma_wait3A_1371 : memref<1x100xf32, #tpu.memory_space<vmem>>)
    %dma_wait3A_1374 = arith.constant 31 : i32
    %dma_wait3A_1375 = arith.constant 0 : i32
    %dma_wait3A_1376 = tpu.memref_slice %arg13[%dma_wait3A_1374, %dma_wait3A_1375] : memref<32x50xf32, #tpu.memory_space<vmem>> -> memref<1x50xf32, #tpu.memory_space<vmem>>
    %dma_wait3A_1377 = arith.constant 0 : i32
    %dma_wait3A_1378 = tpu.memref_slice %arg5[%squeeze3A_721, %dma_wait3A_1377] : memref<204800x50xf32, #tpu.memory_space<hbm>> -> memref<1x50xf32, #tpu.memory_space<hbm>>
    %dma_wait3A_1379 = arith.constant 31 : i32
    %dma_wait3A_1380 = arith.constant 0 : i32
    %dma_wait3A_1381 = tpu.memref_slice %arg13[%dma_wait3A_1379, %dma_wait3A_1380] : memref<32x50xf32, #tpu.memory_space<vmem>> -> memref<1x50xf32, #tpu.memory_space<vmem>>
    %dma_wait3A_1382 = arith.constant 0 : i32
    %dma_wait3A_1383 = tpu.memref_slice %arg5[%squeeze3A_721, %dma_wait3A_1382] : memref<204800x50xf32, #tpu.memory_space<hbm>> -> memref<1x50xf32, #tpu.memory_space<hbm>>
    tpu.wait_dma2 semaphore(%arg15 : memref<!tpu.dma_semaphore, #tpu.memory_space<semaphore_mem>>) src(%dma_wait3A_1383 : memref<1x50xf32, #tpu.memory_space<hbm>>) dst(%dma_wait3A_1381 : memref<1x50xf32, #tpu.memory_space<vmem>>)
    "tpu.region"() ({
      %run_scoped3A = tpu.sem_alloc : memref<!tpu.dma_semaphore, #tpu.memory_space<semaphore_mem>>
      %dma_start3A_1384 = arith.constant 0 : i32
      %dma_start3A_1385 = tpu.memref_slice %arg6[%mul3A_2, %dma_start3A_1384] : memref<1024x100xf32, #tpu.memory_space<hbm>> -> memref<32x100xf32, #tpu.memory_space<hbm>>
      %dma_start3A_1386 = arith.constant 0 : i32
      %dma_start3A_1387 = tpu.memref_slice %arg6[%mul3A_2, %dma_start3A_1386] : memref<1024x100xf32, #tpu.memory_space<hbm>> -> memref<32x100xf32, #tpu.memory_space<hbm>>
      tpu.enqueue_dma source(%arg11 : memref<32x100xf32, #tpu.memory_space<vmem>>) target(%dma_start3A_1387 : memref<32x100xf32, #tpu.memory_space<hbm>>) target_semaphore(%run_scoped3A : memref<!tpu.dma_semaphore, #tpu.memory_space<semaphore_mem>>)
      %dma_wait3A_1388 = arith.constant 0 : i32
      %dma_wait3A_1389 = tpu.memref_slice %arg6[%mul3A_2, %dma_wait3A_1388] : memref<1024x100xf32, #tpu.memory_space<hbm>> -> memref<32x100xf32, #tpu.memory_space<hbm>>
      %dma_wait3A_1390 = arith.constant 0 : i32
      %dma_wait3A_1391 = tpu.memref_slice %arg6[%mul3A_2, %dma_wait3A_1390] : memref<1024x100xf32, #tpu.memory_space<hbm>> -> memref<32x100xf32, #tpu.memory_space<hbm>>
      tpu.wait_dma2 semaphore(%run_scoped3A : memref<!tpu.dma_semaphore, #tpu.memory_space<semaphore_mem>>) src(%arg11 : memref<32x100xf32, #tpu.memory_space<vmem>>) dst(%dma_wait3A_1391 : memref<32x100xf32, #tpu.memory_space<hbm>>)
      tpu.yield
    }) : () -> ()
    "tpu.region"() ({
      %run_scoped3A = tpu.sem_alloc : memref<!tpu.dma_semaphore, #tpu.memory_space<semaphore_mem>>
      %dma_start3A_1384 = arith.constant 0 : i32
      %dma_start3A_1385 = tpu.memref_slice %arg7[%mul3A_2, %dma_start3A_1384] : memref<1024x128xf32, #tpu.memory_space<hbm>> -> memref<32x128xf32, #tpu.memory_space<hbm>>
      %dma_start3A_1386 = arith.constant 0 : i32
      %dma_start3A_1387 = tpu.memref_slice %arg7[%mul3A_2, %dma_start3A_1386] : memref<1024x128xf32, #tpu.memory_space<hbm>> -> memref<32x128xf32, #tpu.memory_space<hbm>>
      tpu.enqueue_dma source(%arg12 : memref<32x128xf32, #tpu.memory_space<vmem>>) target(%dma_start3A_1387 : memref<32x128xf32, #tpu.memory_space<hbm>>) target_semaphore(%run_scoped3A : memref<!tpu.dma_semaphore, #tpu.memory_space<semaphore_mem>>)
      %dma_wait3A_1388 = arith.constant 0 : i32
      %dma_wait3A_1389 = tpu.memref_slice %arg7[%mul3A_2, %dma_wait3A_1388] : memref<1024x128xf32, #tpu.memory_space<hbm>> -> memref<32x128xf32, #tpu.memory_space<hbm>>
      %dma_wait3A_1390 = arith.constant 0 : i32
      %dma_wait3A_1391 = tpu.memref_slice %arg7[%mul3A_2, %dma_wait3A_1390] : memref<1024x128xf32, #tpu.memory_space<hbm>> -> memref<32x128xf32, #tpu.memory_space<hbm>>
      tpu.wait_dma2 semaphore(%run_scoped3A : memref<!tpu.dma_semaphore, #tpu.memory_space<semaphore_mem>>) src(%arg12 : memref<32x128xf32, #tpu.memory_space<vmem>>) dst(%dma_wait3A_1391 : memref<32x128xf32, #tpu.memory_space<hbm>>)
      tpu.yield
    }) : () -> ()
    "tpu.region"() ({
      %run_scoped3A = tpu.sem_alloc : memref<!tpu.dma_semaphore, #tpu.memory_space<semaphore_mem>>
      %dma_start3A_1384 = arith.constant 0 : i32
      %dma_start3A_1385 = tpu.memref_slice %arg8[%mul3A_2, %dma_start3A_1384] : memref<1024x50xf32, #tpu.memory_space<hbm>> -> memref<32x50xf32, #tpu.memory_space<hbm>>
      %dma_start3A_1386 = arith.constant 0 : i32
      %dma_start3A_1387 = tpu.memref_slice %arg8[%mul3A_2, %dma_start3A_1386] : memref<1024x50xf32, #tpu.memory_space<hbm>> -> memref<32x50xf32, #tpu.memory_space<hbm>>
      tpu.enqueue_dma source(%arg13 : memref<32x50xf32, #tpu.memory_space<vmem>>) target(%dma_start3A_1387 : memref<32x50xf32, #tpu.memory_space<hbm>>) target_semaphore(%run_scoped3A : memref<!tpu.dma_semaphore, #tpu.memory_space<semaphore_mem>>)
      %dma_wait3A_1388 = arith.constant 0 : i32
      %dma_wait3A_1389 = tpu.memref_slice %arg8[%mul3A_2, %dma_wait3A_1388] : memref<1024x50xf32, #tpu.memory_space<hbm>> -> memref<32x50xf32, #tpu.memory_space<hbm>>
      %dma_wait3A_1390 = arith.constant 0 : i32
      %dma_wait3A_1391 = tpu.memref_slice %arg8[%mul3A_2, %dma_wait3A_1390] : memref<1024x50xf32, #tpu.memory_space<hbm>> -> memref<32x50xf32, #tpu.memory_space<hbm>>
      tpu.wait_dma2 semaphore(%run_scoped3A : memref<!tpu.dma_semaphore, #tpu.memory_space<semaphore_mem>>) src(%arg13 : memref<32x50xf32, #tpu.memory_space<vmem>>) dst(%dma_wait3A_1391 : memref<32x50xf32, #tpu.memory_space<hbm>>)
      tpu.yield
    }) : () -> ()
    return
  }
}

module attributes {stable_mosaic.version = 14 : i64} {
  func.func @_tc_body(%arg0: i32, %arg1: memref<1024xi32, #tpu.memory_space<smem>>, %arg2: memref<1024xi32, #tpu.memory_space<smem>>, %arg3: memref<16x128x200xf32, #tpu.memory_space<vmem>>, %arg4: memref<16x128x200xf32, #tpu.memory_space<vmem>>, %arg5: memref<16x129x200xf32, #tpu.memory_space<vmem>>, %arg6: memref<16x129x200xf32, #tpu.memory_space<vmem>>, %arg7: memref<16x128x1xf32, #tpu.memory_space<vmem>>, %arg8: memref<16x128x1xf32, #tpu.memory_space<vmem>>) attributes {dimension_semantics = [#tpu.dimension_semantics<arbitrary>], iteration_bounds = array<i64: 64>, scalar_prefetch = 2 : i64, scratch_operands = 0 : i64, tpu.core_type = #tpu.core_type<tc>, window_params = [{transform_indices = @transform_0, window_bounds = array<i64: 16, 128, 200>}, {transform_indices = @transform_1, window_bounds = array<i64: 16, 128, 200>}, {transform_indices = @transform_2, window_bounds = array<i64: 16, 129, 200>}, {transform_indices = @transform_3, window_bounds = array<i64: 16, 129, 200>}, {transform_indices = @transform_4, window_bounds = array<i64: 16, 128, 1>}, {transform_indices = @transform_5, window_bounds = array<i64: 16, 128, 1>}]} {
    %get3A = arith.constant 0 : index
    %get3A_0 = arith.constant 0 : index
    %get3A_1 = arith.constant 0 : index
    %get3A_2 = vector.load %arg3[%get3A, %get3A_0, %get3A_1] : memref<16x128x200xf32, #tpu.memory_space<vmem>>, vector<16x128x200xf32>
    %swap3A = arith.constant 0 : index
    %swap3A_3 = arith.constant 0 : index
    %swap3A_4 = arith.constant 0 : index
    %swap3A_5 = vector.load %arg5[%swap3A, %swap3A_3, %swap3A_4] : memref<16x129x200xf32, #tpu.memory_space<vmem>>, vector<16x128x200xf32>
    tpu.vector_store %arg5[%swap3A, %swap3A_3, %swap3A_4], %get3A_2 {strides = array<i32>} : memref<16x129x200xf32, #tpu.memory_space<vmem>>, vector<16x128x200xf32>,
    %get3A_6 = arith.constant 0 : index
    %get3A_7 = arith.constant 0 : index
    %get3A_8 = arith.constant 0 : index
    %get3A_9 = vector.load %arg4[%get3A_6, %get3A_7, %get3A_8] : memref<16x128x200xf32, #tpu.memory_space<vmem>>, vector<16x128x200xf32>
    %swap3A_10 = arith.constant 0 : index
    %swap3A_11 = arith.constant 0 : index
    %swap3A_12 = arith.constant 0 : index
    %swap3A_13 = vector.load %arg6[%swap3A_10, %swap3A_11, %swap3A_12] : memref<16x129x200xf32, #tpu.memory_space<vmem>>, vector<16x128x200xf32>
    tpu.vector_store %arg6[%swap3A_10, %swap3A_11, %swap3A_12], %get3A_9 {strides = array<i32>} : memref<16x129x200xf32, #tpu.memory_space<vmem>>, vector<16x128x200xf32>,
    %iota3A = tpu.iota {dimensions = array<i32: 1>} : vector<1x200xi32>
    %iota3A_14 = tpu.iota {dimensions = array<i32: 0>} : vector<200x1xi32>
    %mul3A = arith.constant 16 : i32
    %mul3A_15 = arith.muli %arg0, %mul3A : i32
    %add3A = arith.constant 0 : i32
    %add3A_16 = arith.addi %mul3A_15, %add3A : i32
    %get3A_17 = arith.index_cast %add3A_16 : i32 to index
    %get3A_18 = memref.load %arg1[%get3A_17] : memref<1024xi32, #tpu.memory_space<smem>>
    %get3A_19 = arith.index_cast %add3A_16 : i32 to index
    %get3A_20 = memref.load %arg2[%get3A_19] : memref<1024xi32, #tpu.memory_space<smem>>
    %convert_element_type3A = arith.sitofp %get3A_20 : i32 to f32
    %eq3A = vector.broadcast %get3A_18 : i32 to vector<1x200xi32>
    %eq3A_21 = arith.cmpi eq, %iota3A, %eq3A : vector<1x200xi32>
    %jit3A = arith.constant 0.000000e+00 : f32
    %broadcast_in_dim3A = vector.broadcast %convert_element_type3A : f32 to vector<1x200xf32>
    %broadcast_in_dim3A_22 = vector.broadcast %jit3A : f32 to vector<1x200xf32>
    %select_n3A = arith.select %eq3A_21, %broadcast_in_dim3A, %broadcast_in_dim3A_22 : vector<1x200xi1>, vector<1x200xf32>
    %swap3A_23 = arith.constant 0 : index
    %swap3A_24 = arith.constant 128 : index
    %swap3A_25 = arith.constant 0 : index
    %swap3A_26 = vector.load %arg5[%swap3A_23, %swap3A_24, %swap3A_25] : memref<16x129x200xf32, #tpu.memory_space<vmem>>, vector<1x1x200xf32>
    %swap3A_27 = vector.shape_cast %swap3A_26 : vector<1x1x200xf32> to vector<1x200xf32>
    %swap3A_28 = vector.shape_cast %select_n3A : vector<1x200xf32> to vector<1x1x200xf32>
    tpu.vector_store %arg5[%swap3A_23, %swap3A_24, %swap3A_25], %swap3A_28 {strides = array<i32>} : memref<16x129x200xf32, #tpu.memory_space<vmem>>, vector<1x1x200xf32>,
    %jit3A_29 = arith.constant 0.000000e+00 : f32
    %jit3A_30 = arith.constant 0xFF800000 : f32
    %broadcast_in_dim3A_31 = vector.broadcast %jit3A_29 : f32 to vector<1x200xf32>
    %broadcast_in_dim3A_32 = vector.broadcast %jit3A_30 : f32 to vector<1x200xf32>
    %select_n3A_33 = arith.select %eq3A_21, %broadcast_in_dim3A_31, %broadcast_in_dim3A_32 : vector<1x200xi1>, vector<1x200xf32>
    %swap3A_34 = arith.constant 0 : index
    %swap3A_35 = arith.constant 128 : index
    %swap3A_36 = arith.constant 0 : index
    %swap3A_37 = vector.load %arg6[%swap3A_34, %swap3A_35, %swap3A_36] : memref<16x129x200xf32, #tpu.memory_space<vmem>>, vector<1x1x200xf32>
    %swap3A_38 = vector.shape_cast %swap3A_37 : vector<1x1x200xf32> to vector<1x200xf32>
    %swap3A_39 = vector.shape_cast %select_n3A_33 : vector<1x200xf32> to vector<1x1x200xf32>
    tpu.vector_store %arg6[%swap3A_34, %swap3A_35, %swap3A_36], %swap3A_39 {strides = array<i32>} : memref<16x129x200xf32, #tpu.memory_space<vmem>>, vector<1x1x200xf32>,
    %eq3A_40 = vector.broadcast %get3A_18 : i32 to vector<200x1xi32>
    %eq3A_41 = arith.cmpi eq, %iota3A_14, %eq3A_40 : vector<200x1xi32>
    %convert_element_type3A_42 = arith.extui %eq3A_41 : vector<200x1xi1> to vector<200x1xi32>
    %convert_element_type3A_43 = arith.sitofp %convert_element_type3A_42 : vector<200x1xi32> to vector<200x1xf32>
    %get3A_44 = arith.constant 0 : index
    %get3A_45 = arith.constant 0 : index
    %get3A_46 = arith.constant 0 : index
    %get3A_47 = vector.load %arg3[%get3A_44, %get3A_45, %get3A_46] : memref<16x128x200xf32, #tpu.memory_space<vmem>>, vector<1x128x200xf32>
    %get3A_48 = vector.shape_cast %get3A_47 : vector<1x128x200xf32> to vector<128x200xf32>
    %dot_general3A = arith.constant dense<0.000000e+00> : vector<128x1xf32>
    %dot_general3A_49 = tpu.matmul %get3A_48, %convert_element_type3A_43, %dot_general3A {dimension_numbers = #tpu.dot_dimension_numbers<[1], [0], [0], [1], [0, 0, 1, 1], [], []>, precision = #tpu.contract_precision<fp32>, transpose_lhs_hint = false} : vector<128x200xf32>, vector<200x1xf32>, vector<128x1xf32> -> vector<128x1xf32>
    %swap3A_50 = arith.constant 0 : index
    %swap3A_51 = arith.constant 0 : index
    %swap3A_52 = arith.constant 0 : index
    %swap3A_53 = vector.load %arg7[%swap3A_50, %swap3A_51, %swap3A_52] : memref<16x128x1xf32, #tpu.memory_space<vmem>>, vector<1x128x1xf32>
    %swap3A_54 = vector.shape_cast %swap3A_53 : vector<1x128x1xf32> to vector<128x1xf32>
    %swap3A_55 = vector.shape_cast %dot_general3A_49 : vector<128x1xf32> to vector<1x128x1xf32>
    tpu.vector_store %arg7[%swap3A_50, %swap3A_51, %swap3A_52], %swap3A_55 {strides = array<i32>} : memref<16x128x1xf32, #tpu.memory_space<vmem>>, vector<1x128x1xf32>,
    %get3A_56 = arith.constant 0 : index
    %get3A_57 = arith.constant 0 : index
    %get3A_58 = arith.constant 0 : index
    %get3A_59 = vector.load %arg4[%get3A_56, %get3A_57, %get3A_58] : memref<16x128x200xf32, #tpu.memory_space<vmem>>, vector<1x128x200xf32>
    %get3A_60 = vector.shape_cast %get3A_59 : vector<1x128x200xf32> to vector<128x200xf32>
    %dot_general3A_61 = arith.constant dense<0.000000e+00> : vector<128x1xf32>
    %dot_general3A_62 = tpu.matmul %get3A_60, %convert_element_type3A_43, %dot_general3A_61 {dimension_numbers = #tpu.dot_dimension_numbers<[1], [0], [0], [1], [0, 0, 1, 1], [], []>, precision = #tpu.contract_precision<fp32>, transpose_lhs_hint = false} : vector<128x200xf32>, vector<200x1xf32>, vector<128x1xf32> -> vector<128x1xf32>
    %swap3A_63 = arith.constant 0 : index
    %swap3A_64 = arith.constant 0 : index
    %swap3A_65 = arith.constant 0 : index
    %swap3A_66 = vector.load %arg8[%swap3A_63, %swap3A_64, %swap3A_65] : memref<16x128x1xf32, #tpu.memory_space<vmem>>, vector<1x128x1xf32>
    %swap3A_67 = vector.shape_cast %swap3A_66 : vector<1x128x1xf32> to vector<128x1xf32>
    %swap3A_68 = vector.shape_cast %dot_general3A_62 : vector<128x1xf32> to vector<1x128x1xf32>
    tpu.vector_store %arg8[%swap3A_63, %swap3A_64, %swap3A_65], %swap3A_68 {strides = array<i32>} : memref<16x128x1xf32, #tpu.memory_space<vmem>>, vector<1x128x1xf32>,
    %mul3A_69 = arith.constant 16 : i32
    %mul3A_70 = arith.muli %arg0, %mul3A_69 : i32
    %add3A_71 = arith.constant 1 : i32
    %add3A_72 = arith.addi %mul3A_70, %add3A_71 : i32
    %get3A_73 = arith.index_cast %add3A_72 : i32 to index
    %get3A_74 = memref.load %arg1[%get3A_73] : memref<1024xi32, #tpu.memory_space<smem>>
    %get3A_75 = arith.index_cast %add3A_72 : i32 to index
    %get3A_76 = memref.load %arg2[%get3A_75] : memref<1024xi32, #tpu.memory_space<smem>>
    %convert_element_type3A_77 = arith.sitofp %get3A_76 : i32 to f32
    %eq3A_78 = vector.broadcast %get3A_74 : i32 to vector<1x200xi32>
    %eq3A_79 = arith.cmpi eq, %iota3A, %eq3A_78 : vector<1x200xi32>
    %jit3A_80 = arith.constant 0.000000e+00 : f32
    %broadcast_in_dim3A_81 = vector.broadcast %convert_element_type3A_77 : f32 to vector<1x200xf32>
    %broadcast_in_dim3A_82 = vector.broadcast %jit3A_80 : f32 to vector<1x200xf32>
    %select_n3A_83 = arith.select %eq3A_79, %broadcast_in_dim3A_81, %broadcast_in_dim3A_82 : vector<1x200xi1>, vector<1x200xf32>
    %swap3A_84 = arith.constant 1 : index
    %swap3A_85 = arith.constant 128 : index
    %swap3A_86 = arith.constant 0 : index
    %swap3A_87 = vector.load %arg5[%swap3A_84, %swap3A_85, %swap3A_86] : memref<16x129x200xf32, #tpu.memory_space<vmem>>, vector<1x1x200xf32>
    %swap3A_88 = vector.shape_cast %swap3A_87 : vector<1x1x200xf32> to vector<1x200xf32>
    %swap3A_89 = vector.shape_cast %select_n3A_83 : vector<1x200xf32> to vector<1x1x200xf32>
    tpu.vector_store %arg5[%swap3A_84, %swap3A_85, %swap3A_86], %swap3A_89 {strides = array<i32>} : memref<16x129x200xf32, #tpu.memory_space<vmem>>, vector<1x1x200xf32>,
    %jit3A_90 = arith.constant 0.000000e+00 : f32
    %jit3A_91 = arith.constant 0xFF800000 : f32
    %broadcast_in_dim3A_92 = vector.broadcast %jit3A_90 : f32 to vector<1x200xf32>
    %broadcast_in_dim3A_93 = vector.broadcast %jit3A_91 : f32 to vector<1x200xf32>
    %select_n3A_94 = arith.select %eq3A_79, %broadcast_in_dim3A_92, %broadcast_in_dim3A_93 : vector<1x200xi1>, vector<1x200xf32>
    %swap3A_95 = arith.constant 1 : index
    %swap3A_96 = arith.constant 128 : index
    %swap3A_97 = arith.constant 0 : index
    %swap3A_98 = vector.load %arg6[%swap3A_95, %swap3A_96, %swap3A_97] : memref<16x129x200xf32, #tpu.memory_space<vmem>>, vector<1x1x200xf32>
    %swap3A_99 = vector.shape_cast %swap3A_98 : vector<1x1x200xf32> to vector<1x200xf32>
    %swap3A_100 = vector.shape_cast %select_n3A_94 : vector<1x200xf32> to vector<1x1x200xf32>
    tpu.vector_store %arg6[%swap3A_95, %swap3A_96, %swap3A_97], %swap3A_100 {strides = array<i32>} : memref<16x129x200xf32, #tpu.memory_space<vmem>>, vector<1x1x200xf32>,
    %eq3A_101 = vector.broadcast %get3A_74 : i32 to vector<200x1xi32>
    %eq3A_102 = arith.cmpi eq, %iota3A_14, %eq3A_101 : vector<200x1xi32>
    %convert_element_type3A_103 = arith.extui %eq3A_102 : vector<200x1xi1> to vector<200x1xi32>
    %convert_element_type3A_104 = arith.sitofp %convert_element_type3A_103 : vector<200x1xi32> to vector<200x1xf32>
    %get3A_105 = arith.constant 1 : index
    %get3A_106 = arith.constant 0 : index
    %get3A_107 = arith.constant 0 : index
    %get3A_108 = vector.load %arg3[%get3A_105, %get3A_106, %get3A_107] : memref<16x128x200xf32, #tpu.memory_space<vmem>>, vector<1x128x200xf32>
    %get3A_109 = vector.shape_cast %get3A_108 : vector<1x128x200xf32> to vector<128x200xf32>
    %dot_general3A_110 = arith.constant dense<0.000000e+00> : vector<128x1xf32>
    %dot_general3A_111 = tpu.matmul %get3A_109, %convert_element_type3A_104, %dot_general3A_110 {dimension_numbers = #tpu.dot_dimension_numbers<[1], [0], [0], [1], [0, 0, 1, 1], [], []>, precision = #tpu.contract_precision<fp32>, transpose_lhs_hint = false} : vector<128x200xf32>, vector<200x1xf32>, vector<128x1xf32> -> vector<128x1xf32>
    %swap3A_112 = arith.constant 1 : index
    %swap3A_113 = arith.constant 0 : index
    %swap3A_114 = arith.constant 0 : index
    %swap3A_115 = vector.load %arg7[%swap3A_112, %swap3A_113, %swap3A_114] : memref<16x128x1xf32, #tpu.memory_space<vmem>>, vector<1x128x1xf32>
    %swap3A_116 = vector.shape_cast %swap3A_115 : vector<1x128x1xf32> to vector<128x1xf32>
    %swap3A_117 = vector.shape_cast %dot_general3A_111 : vector<128x1xf32> to vector<1x128x1xf32>
    tpu.vector_store %arg7[%swap3A_112, %swap3A_113, %swap3A_114], %swap3A_117 {strides = array<i32>} : memref<16x128x1xf32, #tpu.memory_space<vmem>>, vector<1x128x1xf32>,
    %get3A_118 = arith.constant 1 : index
    %get3A_119 = arith.constant 0 : index
    %get3A_120 = arith.constant 0 : index
    %get3A_121 = vector.load %arg4[%get3A_118, %get3A_119, %get3A_120] : memref<16x128x200xf32, #tpu.memory_space<vmem>>, vector<1x128x200xf32>
    %get3A_122 = vector.shape_cast %get3A_121 : vector<1x128x200xf32> to vector<128x200xf32>
    %dot_general3A_123 = arith.constant dense<0.000000e+00> : vector<128x1xf32>
    %dot_general3A_124 = tpu.matmul %get3A_122, %convert_element_type3A_104, %dot_general3A_123 {dimension_numbers = #tpu.dot_dimension_numbers<[1], [0], [0], [1], [0, 0, 1, 1], [], []>, precision = #tpu.contract_precision<fp32>, transpose_lhs_hint = false} : vector<128x200xf32>, vector<200x1xf32>, vector<128x1xf32> -> vector<128x1xf32>
    %swap3A_125 = arith.constant 1 : index
    %swap3A_126 = arith.constant 0 : index
    %swap3A_127 = arith.constant 0 : index
    %swap3A_128 = vector.load %arg8[%swap3A_125, %swap3A_126, %swap3A_127] : memref<16x128x1xf32, #tpu.memory_space<vmem>>, vector<1x128x1xf32>
    %swap3A_129 = vector.shape_cast %swap3A_128 : vector<1x128x1xf32> to vector<128x1xf32>
    %swap3A_130 = vector.shape_cast %dot_general3A_124 : vector<128x1xf32> to vector<1x128x1xf32>
    tpu.vector_store %arg8[%swap3A_125, %swap3A_126, %swap3A_127], %swap3A_130 {strides = array<i32>} : memref<16x128x1xf32, #tpu.memory_space<vmem>>, vector<1x128x1xf32>,
    %mul3A_131 = arith.constant 16 : i32
    %mul3A_132 = arith.muli %arg0, %mul3A_131 : i32
    %add3A_133 = arith.constant 2 : i32
    %add3A_134 = arith.addi %mul3A_132, %add3A_133 : i32
    %get3A_135 = arith.index_cast %add3A_134 : i32 to index
    %get3A_136 = memref.load %arg1[%get3A_135] : memref<1024xi32, #tpu.memory_space<smem>>
    %get3A_137 = arith.index_cast %add3A_134 : i32 to index
    %get3A_138 = memref.load %arg2[%get3A_137] : memref<1024xi32, #tpu.memory_space<smem>>
    %convert_element_type3A_139 = arith.sitofp %get3A_138 : i32 to f32
    %eq3A_140 = vector.broadcast %get3A_136 : i32 to vector<1x200xi32>
    %eq3A_141 = arith.cmpi eq, %iota3A, %eq3A_140 : vector<1x200xi32>
    %jit3A_142 = arith.constant 0.000000e+00 : f32
    %broadcast_in_dim3A_143 = vector.broadcast %convert_element_type3A_139 : f32 to vector<1x200xf32>
    %broadcast_in_dim3A_144 = vector.broadcast %jit3A_142 : f32 to vector<1x200xf32>
    %select_n3A_145 = arith.select %eq3A_141, %broadcast_in_dim3A_143, %broadcast_in_dim3A_144 : vector<1x200xi1>, vector<1x200xf32>
    %swap3A_146 = arith.constant 2 : index
    %swap3A_147 = arith.constant 128 : index
    %swap3A_148 = arith.constant 0 : index
    %swap3A_149 = vector.load %arg5[%swap3A_146, %swap3A_147, %swap3A_148] : memref<16x129x200xf32, #tpu.memory_space<vmem>>, vector<1x1x200xf32>
    %swap3A_150 = vector.shape_cast %swap3A_149 : vector<1x1x200xf32> to vector<1x200xf32>
    %swap3A_151 = vector.shape_cast %select_n3A_145 : vector<1x200xf32> to vector<1x1x200xf32>
    tpu.vector_store %arg5[%swap3A_146, %swap3A_147, %swap3A_148], %swap3A_151 {strides = array<i32>} : memref<16x129x200xf32, #tpu.memory_space<vmem>>, vector<1x1x200xf32>,
    %jit3A_152 = arith.constant 0.000000e+00 : f32
    %jit3A_153 = arith.constant 0xFF800000 : f32
    %broadcast_in_dim3A_154 = vector.broadcast %jit3A_152 : f32 to vector<1x200xf32>
    %broadcast_in_dim3A_155 = vector.broadcast %jit3A_153 : f32 to vector<1x200xf32>
    %select_n3A_156 = arith.select %eq3A_141, %broadcast_in_dim3A_154, %broadcast_in_dim3A_155 : vector<1x200xi1>, vector<1x200xf32>
    %swap3A_157 = arith.constant 2 : index
    %swap3A_158 = arith.constant 128 : index
    %swap3A_159 = arith.constant 0 : index
    %swap3A_160 = vector.load %arg6[%swap3A_157, %swap3A_158, %swap3A_159] : memref<16x129x200xf32, #tpu.memory_space<vmem>>, vector<1x1x200xf32>
    %swap3A_161 = vector.shape_cast %swap3A_160 : vector<1x1x200xf32> to vector<1x200xf32>
    %swap3A_162 = vector.shape_cast %select_n3A_156 : vector<1x200xf32> to vector<1x1x200xf32>
    tpu.vector_store %arg6[%swap3A_157, %swap3A_158, %swap3A_159], %swap3A_162 {strides = array<i32>} : memref<16x129x200xf32, #tpu.memory_space<vmem>>, vector<1x1x200xf32>,
    %eq3A_163 = vector.broadcast %get3A_136 : i32 to vector<200x1xi32>
    %eq3A_164 = arith.cmpi eq, %iota3A_14, %eq3A_163 : vector<200x1xi32>
    %convert_element_type3A_165 = arith.extui %eq3A_164 : vector<200x1xi1> to vector<200x1xi32>
    %convert_element_type3A_166 = arith.sitofp %convert_element_type3A_165 : vector<200x1xi32> to vector<200x1xf32>
    %get3A_167 = arith.constant 2 : index
    %get3A_168 = arith.constant 0 : index
    %get3A_169 = arith.constant 0 : index
    %get3A_170 = vector.load %arg3[%get3A_167, %get3A_168, %get3A_169] : memref<16x128x200xf32, #tpu.memory_space<vmem>>, vector<1x128x200xf32>
    %get3A_171 = vector.shape_cast %get3A_170 : vector<1x128x200xf32> to vector<128x200xf32>
    %dot_general3A_172 = arith.constant dense<0.000000e+00> : vector<128x1xf32>
    %dot_general3A_173 = tpu.matmul %get3A_171, %convert_element_type3A_166, %dot_general3A_172 {dimension_numbers = #tpu.dot_dimension_numbers<[1], [0], [0], [1], [0, 0, 1, 1], [], []>, precision = #tpu.contract_precision<fp32>, transpose_lhs_hint = false} : vector<128x200xf32>, vector<200x1xf32>, vector<128x1xf32> -> vector<128x1xf32>
    %swap3A_174 = arith.constant 2 : index
    %swap3A_175 = arith.constant 0 : index
    %swap3A_176 = arith.constant 0 : index
    %swap3A_177 = vector.load %arg7[%swap3A_174, %swap3A_175, %swap3A_176] : memref<16x128x1xf32, #tpu.memory_space<vmem>>, vector<1x128x1xf32>
    %swap3A_178 = vector.shape_cast %swap3A_177 : vector<1x128x1xf32> to vector<128x1xf32>
    %swap3A_179 = vector.shape_cast %dot_general3A_173 : vector<128x1xf32> to vector<1x128x1xf32>
    tpu.vector_store %arg7[%swap3A_174, %swap3A_175, %swap3A_176], %swap3A_179 {strides = array<i32>} : memref<16x128x1xf32, #tpu.memory_space<vmem>>, vector<1x128x1xf32>,
    %get3A_180 = arith.constant 2 : index
    %get3A_181 = arith.constant 0 : index
    %get3A_182 = arith.constant 0 : index
    %get3A_183 = vector.load %arg4[%get3A_180, %get3A_181, %get3A_182] : memref<16x128x200xf32, #tpu.memory_space<vmem>>, vector<1x128x200xf32>
    %get3A_184 = vector.shape_cast %get3A_183 : vector<1x128x200xf32> to vector<128x200xf32>
    %dot_general3A_185 = arith.constant dense<0.000000e+00> : vector<128x1xf32>
    %dot_general3A_186 = tpu.matmul %get3A_184, %convert_element_type3A_166, %dot_general3A_185 {dimension_numbers = #tpu.dot_dimension_numbers<[1], [0], [0], [1], [0, 0, 1, 1], [], []>, precision = #tpu.contract_precision<fp32>, transpose_lhs_hint = false} : vector<128x200xf32>, vector<200x1xf32>, vector<128x1xf32> -> vector<128x1xf32>
    %swap3A_187 = arith.constant 2 : index
    %swap3A_188 = arith.constant 0 : index
    %swap3A_189 = arith.constant 0 : index
    %swap3A_190 = vector.load %arg8[%swap3A_187, %swap3A_188, %swap3A_189] : memref<16x128x1xf32, #tpu.memory_space<vmem>>, vector<1x128x1xf32>
    %swap3A_191 = vector.shape_cast %swap3A_190 : vector<1x128x1xf32> to vector<128x1xf32>
    %swap3A_192 = vector.shape_cast %dot_general3A_186 : vector<128x1xf32> to vector<1x128x1xf32>
    tpu.vector_store %arg8[%swap3A_187, %swap3A_188, %swap3A_189], %swap3A_192 {strides = array<i32>} : memref<16x128x1xf32, #tpu.memory_space<vmem>>, vector<1x128x1xf32>,
    %mul3A_193 = arith.constant 16 : i32
    %mul3A_194 = arith.muli %arg0, %mul3A_193 : i32
    %add3A_195 = arith.constant 3 : i32
    %add3A_196 = arith.addi %mul3A_194, %add3A_195 : i32
    %get3A_197 = arith.index_cast %add3A_196 : i32 to index
    %get3A_198 = memref.load %arg1[%get3A_197] : memref<1024xi32, #tpu.memory_space<smem>>
    %get3A_199 = arith.index_cast %add3A_196 : i32 to index
    %get3A_200 = memref.load %arg2[%get3A_199] : memref<1024xi32, #tpu.memory_space<smem>>
    %convert_element_type3A_201 = arith.sitofp %get3A_200 : i32 to f32
    %eq3A_202 = vector.broadcast %get3A_198 : i32 to vector<1x200xi32>
    %eq3A_203 = arith.cmpi eq, %iota3A, %eq3A_202 : vector<1x200xi32>
    %jit3A_204 = arith.constant 0.000000e+00 : f32
    %broadcast_in_dim3A_205 = vector.broadcast %convert_element_type3A_201 : f32 to vector<1x200xf32>
    %broadcast_in_dim3A_206 = vector.broadcast %jit3A_204 : f32 to vector<1x200xf32>
    %select_n3A_207 = arith.select %eq3A_203, %broadcast_in_dim3A_205, %broadcast_in_dim3A_206 : vector<1x200xi1>, vector<1x200xf32>
    %swap3A_208 = arith.constant 3 : index
    %swap3A_209 = arith.constant 128 : index
    %swap3A_210 = arith.constant 0 : index
    %swap3A_211 = vector.load %arg5[%swap3A_208, %swap3A_209, %swap3A_210] : memref<16x129x200xf32, #tpu.memory_space<vmem>>, vector<1x1x200xf32>
    %swap3A_212 = vector.shape_cast %swap3A_211 : vector<1x1x200xf32> to vector<1x200xf32>
    %swap3A_213 = vector.shape_cast %select_n3A_207 : vector<1x200xf32> to vector<1x1x200xf32>
    tpu.vector_store %arg5[%swap3A_208, %swap3A_209, %swap3A_210], %swap3A_213 {strides = array<i32>} : memref<16x129x200xf32, #tpu.memory_space<vmem>>, vector<1x1x200xf32>,
    %jit3A_214 = arith.constant 0.000000e+00 : f32
    %jit3A_215 = arith.constant 0xFF800000 : f32
    %broadcast_in_dim3A_216 = vector.broadcast %jit3A_214 : f32 to vector<1x200xf32>
    %broadcast_in_dim3A_217 = vector.broadcast %jit3A_215 : f32 to vector<1x200xf32>
    %select_n3A_218 = arith.select %eq3A_203, %broadcast_in_dim3A_216, %broadcast_in_dim3A_217 : vector<1x200xi1>, vector<1x200xf32>
    %swap3A_219 = arith.constant 3 : index
    %swap3A_220 = arith.constant 128 : index
    %swap3A_221 = arith.constant 0 : index
    %swap3A_222 = vector.load %arg6[%swap3A_219, %swap3A_220, %swap3A_221] : memref<16x129x200xf32, #tpu.memory_space<vmem>>, vector<1x1x200xf32>
    %swap3A_223 = vector.shape_cast %swap3A_222 : vector<1x1x200xf32> to vector<1x200xf32>
    %swap3A_224 = vector.shape_cast %select_n3A_218 : vector<1x200xf32> to vector<1x1x200xf32>
    tpu.vector_store %arg6[%swap3A_219, %swap3A_220, %swap3A_221], %swap3A_224 {strides = array<i32>} : memref<16x129x200xf32, #tpu.memory_space<vmem>>, vector<1x1x200xf32>,
    %eq3A_225 = vector.broadcast %get3A_198 : i32 to vector<200x1xi32>
    %eq3A_226 = arith.cmpi eq, %iota3A_14, %eq3A_225 : vector<200x1xi32>
    %convert_element_type3A_227 = arith.extui %eq3A_226 : vector<200x1xi1> to vector<200x1xi32>
    %convert_element_type3A_228 = arith.sitofp %convert_element_type3A_227 : vector<200x1xi32> to vector<200x1xf32>
    %get3A_229 = arith.constant 3 : index
    %get3A_230 = arith.constant 0 : index
    %get3A_231 = arith.constant 0 : index
    %get3A_232 = vector.load %arg3[%get3A_229, %get3A_230, %get3A_231] : memref<16x128x200xf32, #tpu.memory_space<vmem>>, vector<1x128x200xf32>
    %get3A_233 = vector.shape_cast %get3A_232 : vector<1x128x200xf32> to vector<128x200xf32>
    %dot_general3A_234 = arith.constant dense<0.000000e+00> : vector<128x1xf32>
    %dot_general3A_235 = tpu.matmul %get3A_233, %convert_element_type3A_228, %dot_general3A_234 {dimension_numbers = #tpu.dot_dimension_numbers<[1], [0], [0], [1], [0, 0, 1, 1], [], []>, precision = #tpu.contract_precision<fp32>, transpose_lhs_hint = false} : vector<128x200xf32>, vector<200x1xf32>, vector<128x1xf32> -> vector<128x1xf32>
    %swap3A_236 = arith.constant 3 : index
    %swap3A_237 = arith.constant 0 : index
    %swap3A_238 = arith.constant 0 : index
    %swap3A_239 = vector.load %arg7[%swap3A_236, %swap3A_237, %swap3A_238] : memref<16x128x1xf32, #tpu.memory_space<vmem>>, vector<1x128x1xf32>
    %swap3A_240 = vector.shape_cast %swap3A_239 : vector<1x128x1xf32> to vector<128x1xf32>
    %swap3A_241 = vector.shape_cast %dot_general3A_235 : vector<128x1xf32> to vector<1x128x1xf32>
    tpu.vector_store %arg7[%swap3A_236, %swap3A_237, %swap3A_238], %swap3A_241 {strides = array<i32>} : memref<16x128x1xf32, #tpu.memory_space<vmem>>, vector<1x128x1xf32>,
    %get3A_242 = arith.constant 3 : index
    %get3A_243 = arith.constant 0 : index
    %get3A_244 = arith.constant 0 : index
    %get3A_245 = vector.load %arg4[%get3A_242, %get3A_243, %get3A_244] : memref<16x128x200xf32, #tpu.memory_space<vmem>>, vector<1x128x200xf32>
    %get3A_246 = vector.shape_cast %get3A_245 : vector<1x128x200xf32> to vector<128x200xf32>
    %dot_general3A_247 = arith.constant dense<0.000000e+00> : vector<128x1xf32>
    %dot_general3A_248 = tpu.matmul %get3A_246, %convert_element_type3A_228, %dot_general3A_247 {dimension_numbers = #tpu.dot_dimension_numbers<[1], [0], [0], [1], [0, 0, 1, 1], [], []>, precision = #tpu.contract_precision<fp32>, transpose_lhs_hint = false} : vector<128x200xf32>, vector<200x1xf32>, vector<128x1xf32> -> vector<128x1xf32>
    %swap3A_249 = arith.constant 3 : index
    %swap3A_250 = arith.constant 0 : index
    %swap3A_251 = arith.constant 0 : index
    %swap3A_252 = vector.load %arg8[%swap3A_249, %swap3A_250, %swap3A_251] : memref<16x128x1xf32, #tpu.memory_space<vmem>>, vector<1x128x1xf32>
    %swap3A_253 = vector.shape_cast %swap3A_252 : vector<1x128x1xf32> to vector<128x1xf32>
    %swap3A_254 = vector.shape_cast %dot_general3A_248 : vector<128x1xf32> to vector<1x128x1xf32>
    tpu.vector_store %arg8[%swap3A_249, %swap3A_250, %swap3A_251], %swap3A_254 {strides = array<i32>} : memref<16x128x1xf32, #tpu.memory_space<vmem>>, vector<1x128x1xf32>,
    %mul3A_255 = arith.constant 16 : i32
    %mul3A_256 = arith.muli %arg0, %mul3A_255 : i32
    %add3A_257 = arith.constant 4 : i32
    %add3A_258 = arith.addi %mul3A_256, %add3A_257 : i32
    %get3A_259 = arith.index_cast %add3A_258 : i32 to index
    %get3A_260 = memref.load %arg1[%get3A_259] : memref<1024xi32, #tpu.memory_space<smem>>
    %get3A_261 = arith.index_cast %add3A_258 : i32 to index
    %get3A_262 = memref.load %arg2[%get3A_261] : memref<1024xi32, #tpu.memory_space<smem>>
    %convert_element_type3A_263 = arith.sitofp %get3A_262 : i32 to f32
    %eq3A_264 = vector.broadcast %get3A_260 : i32 to vector<1x200xi32>
    %eq3A_265 = arith.cmpi eq, %iota3A, %eq3A_264 : vector<1x200xi32>
    %jit3A_266 = arith.constant 0.000000e+00 : f32
    %broadcast_in_dim3A_267 = vector.broadcast %convert_element_type3A_263 : f32 to vector<1x200xf32>
    %broadcast_in_dim3A_268 = vector.broadcast %jit3A_266 : f32 to vector<1x200xf32>
    %select_n3A_269 = arith.select %eq3A_265, %broadcast_in_dim3A_267, %broadcast_in_dim3A_268 : vector<1x200xi1>, vector<1x200xf32>
    %swap3A_270 = arith.constant 4 : index
    %swap3A_271 = arith.constant 128 : index
    %swap3A_272 = arith.constant 0 : index
    %swap3A_273 = vector.load %arg5[%swap3A_270, %swap3A_271, %swap3A_272] : memref<16x129x200xf32, #tpu.memory_space<vmem>>, vector<1x1x200xf32>
    %swap3A_274 = vector.shape_cast %swap3A_273 : vector<1x1x200xf32> to vector<1x200xf32>
    %swap3A_275 = vector.shape_cast %select_n3A_269 : vector<1x200xf32> to vector<1x1x200xf32>
    tpu.vector_store %arg5[%swap3A_270, %swap3A_271, %swap3A_272], %swap3A_275 {strides = array<i32>} : memref<16x129x200xf32, #tpu.memory_space<vmem>>, vector<1x1x200xf32>,
    %jit3A_276 = arith.constant 0.000000e+00 : f32
    %jit3A_277 = arith.constant 0xFF800000 : f32
    %broadcast_in_dim3A_278 = vector.broadcast %jit3A_276 : f32 to vector<1x200xf32>
    %broadcast_in_dim3A_279 = vector.broadcast %jit3A_277 : f32 to vector<1x200xf32>
    %select_n3A_280 = arith.select %eq3A_265, %broadcast_in_dim3A_278, %broadcast_in_dim3A_279 : vector<1x200xi1>, vector<1x200xf32>
    %swap3A_281 = arith.constant 4 : index
    %swap3A_282 = arith.constant 128 : index
    %swap3A_283 = arith.constant 0 : index
    %swap3A_284 = vector.load %arg6[%swap3A_281, %swap3A_282, %swap3A_283] : memref<16x129x200xf32, #tpu.memory_space<vmem>>, vector<1x1x200xf32>
    %swap3A_285 = vector.shape_cast %swap3A_284 : vector<1x1x200xf32> to vector<1x200xf32>
    %swap3A_286 = vector.shape_cast %select_n3A_280 : vector<1x200xf32> to vector<1x1x200xf32>
    tpu.vector_store %arg6[%swap3A_281, %swap3A_282, %swap3A_283], %swap3A_286 {strides = array<i32>} : memref<16x129x200xf32, #tpu.memory_space<vmem>>, vector<1x1x200xf32>,
    %eq3A_287 = vector.broadcast %get3A_260 : i32 to vector<200x1xi32>
    %eq3A_288 = arith.cmpi eq, %iota3A_14, %eq3A_287 : vector<200x1xi32>
    %convert_element_type3A_289 = arith.extui %eq3A_288 : vector<200x1xi1> to vector<200x1xi32>
    %convert_element_type3A_290 = arith.sitofp %convert_element_type3A_289 : vector<200x1xi32> to vector<200x1xf32>
    %get3A_291 = arith.constant 4 : index
    %get3A_292 = arith.constant 0 : index
    %get3A_293 = arith.constant 0 : index
    %get3A_294 = vector.load %arg3[%get3A_291, %get3A_292, %get3A_293] : memref<16x128x200xf32, #tpu.memory_space<vmem>>, vector<1x128x200xf32>
    %get3A_295 = vector.shape_cast %get3A_294 : vector<1x128x200xf32> to vector<128x200xf32>
    %dot_general3A_296 = arith.constant dense<0.000000e+00> : vector<128x1xf32>
    %dot_general3A_297 = tpu.matmul %get3A_295, %convert_element_type3A_290, %dot_general3A_296 {dimension_numbers = #tpu.dot_dimension_numbers<[1], [0], [0], [1], [0, 0, 1, 1], [], []>, precision = #tpu.contract_precision<fp32>, transpose_lhs_hint = false} : vector<128x200xf32>, vector<200x1xf32>, vector<128x1xf32> -> vector<128x1xf32>
    %swap3A_298 = arith.constant 4 : index
    %swap3A_299 = arith.constant 0 : index
    %swap3A_300 = arith.constant 0 : index
    %swap3A_301 = vector.load %arg7[%swap3A_298, %swap3A_299, %swap3A_300] : memref<16x128x1xf32, #tpu.memory_space<vmem>>, vector<1x128x1xf32>
    %swap3A_302 = vector.shape_cast %swap3A_301 : vector<1x128x1xf32> to vector<128x1xf32>
    %swap3A_303 = vector.shape_cast %dot_general3A_297 : vector<128x1xf32> to vector<1x128x1xf32>
    tpu.vector_store %arg7[%swap3A_298, %swap3A_299, %swap3A_300], %swap3A_303 {strides = array<i32>} : memref<16x128x1xf32, #tpu.memory_space<vmem>>, vector<1x128x1xf32>,
    %get3A_304 = arith.constant 4 : index
    %get3A_305 = arith.constant 0 : index
    %get3A_306 = arith.constant 0 : index
    %get3A_307 = vector.load %arg4[%get3A_304, %get3A_305, %get3A_306] : memref<16x128x200xf32, #tpu.memory_space<vmem>>, vector<1x128x200xf32>
    %get3A_308 = vector.shape_cast %get3A_307 : vector<1x128x200xf32> to vector<128x200xf32>
    %dot_general3A_309 = arith.constant dense<0.000000e+00> : vector<128x1xf32>
    %dot_general3A_310 = tpu.matmul %get3A_308, %convert_element_type3A_290, %dot_general3A_309 {dimension_numbers = #tpu.dot_dimension_numbers<[1], [0], [0], [1], [0, 0, 1, 1], [], []>, precision = #tpu.contract_precision<fp32>, transpose_lhs_hint = false} : vector<128x200xf32>, vector<200x1xf32>, vector<128x1xf32> -> vector<128x1xf32>
    %swap3A_311 = arith.constant 4 : index
    %swap3A_312 = arith.constant 0 : index
    %swap3A_313 = arith.constant 0 : index
    %swap3A_314 = vector.load %arg8[%swap3A_311, %swap3A_312, %swap3A_313] : memref<16x128x1xf32, #tpu.memory_space<vmem>>, vector<1x128x1xf32>
    %swap3A_315 = vector.shape_cast %swap3A_314 : vector<1x128x1xf32> to vector<128x1xf32>
    %swap3A_316 = vector.shape_cast %dot_general3A_310 : vector<128x1xf32> to vector<1x128x1xf32>
    tpu.vector_store %arg8[%swap3A_311, %swap3A_312, %swap3A_313], %swap3A_316 {strides = array<i32>} : memref<16x128x1xf32, #tpu.memory_space<vmem>>, vector<1x128x1xf32>,
    %mul3A_317 = arith.constant 16 : i32
    %mul3A_318 = arith.muli %arg0, %mul3A_317 : i32
    %add3A_319 = arith.constant 5 : i32
    %add3A_320 = arith.addi %mul3A_318, %add3A_319 : i32
    %get3A_321 = arith.index_cast %add3A_320 : i32 to index
    %get3A_322 = memref.load %arg1[%get3A_321] : memref<1024xi32, #tpu.memory_space<smem>>
    %get3A_323 = arith.index_cast %add3A_320 : i32 to index
    %get3A_324 = memref.load %arg2[%get3A_323] : memref<1024xi32, #tpu.memory_space<smem>>
    %convert_element_type3A_325 = arith.sitofp %get3A_324 : i32 to f32
    %eq3A_326 = vector.broadcast %get3A_322 : i32 to vector<1x200xi32>
    %eq3A_327 = arith.cmpi eq, %iota3A, %eq3A_326 : vector<1x200xi32>
    %jit3A_328 = arith.constant 0.000000e+00 : f32
    %broadcast_in_dim3A_329 = vector.broadcast %convert_element_type3A_325 : f32 to vector<1x200xf32>
    %broadcast_in_dim3A_330 = vector.broadcast %jit3A_328 : f32 to vector<1x200xf32>
    %select_n3A_331 = arith.select %eq3A_327, %broadcast_in_dim3A_329, %broadcast_in_dim3A_330 : vector<1x200xi1>, vector<1x200xf32>
    %swap3A_332 = arith.constant 5 : index
    %swap3A_333 = arith.constant 128 : index
    %swap3A_334 = arith.constant 0 : index
    %swap3A_335 = vector.load %arg5[%swap3A_332, %swap3A_333, %swap3A_334] : memref<16x129x200xf32, #tpu.memory_space<vmem>>, vector<1x1x200xf32>
    %swap3A_336 = vector.shape_cast %swap3A_335 : vector<1x1x200xf32> to vector<1x200xf32>
    %swap3A_337 = vector.shape_cast %select_n3A_331 : vector<1x200xf32> to vector<1x1x200xf32>
    tpu.vector_store %arg5[%swap3A_332, %swap3A_333, %swap3A_334], %swap3A_337 {strides = array<i32>} : memref<16x129x200xf32, #tpu.memory_space<vmem>>, vector<1x1x200xf32>,
    %jit3A_338 = arith.constant 0.000000e+00 : f32
    %jit3A_339 = arith.constant 0xFF800000 : f32
    %broadcast_in_dim3A_340 = vector.broadcast %jit3A_338 : f32 to vector<1x200xf32>
    %broadcast_in_dim3A_341 = vector.broadcast %jit3A_339 : f32 to vector<1x200xf32>
    %select_n3A_342 = arith.select %eq3A_327, %broadcast_in_dim3A_340, %broadcast_in_dim3A_341 : vector<1x200xi1>, vector<1x200xf32>
    %swap3A_343 = arith.constant 5 : index
    %swap3A_344 = arith.constant 128 : index
    %swap3A_345 = arith.constant 0 : index
    %swap3A_346 = vector.load %arg6[%swap3A_343, %swap3A_344, %swap3A_345] : memref<16x129x200xf32, #tpu.memory_space<vmem>>, vector<1x1x200xf32>
    %swap3A_347 = vector.shape_cast %swap3A_346 : vector<1x1x200xf32> to vector<1x200xf32>
    %swap3A_348 = vector.shape_cast %select_n3A_342 : vector<1x200xf32> to vector<1x1x200xf32>
    tpu.vector_store %arg6[%swap3A_343, %swap3A_344, %swap3A_345], %swap3A_348 {strides = array<i32>} : memref<16x129x200xf32, #tpu.memory_space<vmem>>, vector<1x1x200xf32>,
    %eq3A_349 = vector.broadcast %get3A_322 : i32 to vector<200x1xi32>
    %eq3A_350 = arith.cmpi eq, %iota3A_14, %eq3A_349 : vector<200x1xi32>
    %convert_element_type3A_351 = arith.extui %eq3A_350 : vector<200x1xi1> to vector<200x1xi32>
    %convert_element_type3A_352 = arith.sitofp %convert_element_type3A_351 : vector<200x1xi32> to vector<200x1xf32>
    %get3A_353 = arith.constant 5 : index
    %get3A_354 = arith.constant 0 : index
    %get3A_355 = arith.constant 0 : index
    %get3A_356 = vector.load %arg3[%get3A_353, %get3A_354, %get3A_355] : memref<16x128x200xf32, #tpu.memory_space<vmem>>, vector<1x128x200xf32>
    %get3A_357 = vector.shape_cast %get3A_356 : vector<1x128x200xf32> to vector<128x200xf32>
    %dot_general3A_358 = arith.constant dense<0.000000e+00> : vector<128x1xf32>
    %dot_general3A_359 = tpu.matmul %get3A_357, %convert_element_type3A_352, %dot_general3A_358 {dimension_numbers = #tpu.dot_dimension_numbers<[1], [0], [0], [1], [0, 0, 1, 1], [], []>, precision = #tpu.contract_precision<fp32>, transpose_lhs_hint = false} : vector<128x200xf32>, vector<200x1xf32>, vector<128x1xf32> -> vector<128x1xf32>
    %swap3A_360 = arith.constant 5 : index
    %swap3A_361 = arith.constant 0 : index
    %swap3A_362 = arith.constant 0 : index
    %swap3A_363 = vector.load %arg7[%swap3A_360, %swap3A_361, %swap3A_362] : memref<16x128x1xf32, #tpu.memory_space<vmem>>, vector<1x128x1xf32>
    %swap3A_364 = vector.shape_cast %swap3A_363 : vector<1x128x1xf32> to vector<128x1xf32>
    %swap3A_365 = vector.shape_cast %dot_general3A_359 : vector<128x1xf32> to vector<1x128x1xf32>
    tpu.vector_store %arg7[%swap3A_360, %swap3A_361, %swap3A_362], %swap3A_365 {strides = array<i32>} : memref<16x128x1xf32, #tpu.memory_space<vmem>>, vector<1x128x1xf32>,
    %get3A_366 = arith.constant 5 : index
    %get3A_367 = arith.constant 0 : index
    %get3A_368 = arith.constant 0 : index
    %get3A_369 = vector.load %arg4[%get3A_366, %get3A_367, %get3A_368] : memref<16x128x200xf32, #tpu.memory_space<vmem>>, vector<1x128x200xf32>
    %get3A_370 = vector.shape_cast %get3A_369 : vector<1x128x200xf32> to vector<128x200xf32>
    %dot_general3A_371 = arith.constant dense<0.000000e+00> : vector<128x1xf32>
    %dot_general3A_372 = tpu.matmul %get3A_370, %convert_element_type3A_352, %dot_general3A_371 {dimension_numbers = #tpu.dot_dimension_numbers<[1], [0], [0], [1], [0, 0, 1, 1], [], []>, precision = #tpu.contract_precision<fp32>, transpose_lhs_hint = false} : vector<128x200xf32>, vector<200x1xf32>, vector<128x1xf32> -> vector<128x1xf32>
    %swap3A_373 = arith.constant 5 : index
    %swap3A_374 = arith.constant 0 : index
    %swap3A_375 = arith.constant 0 : index
    %swap3A_376 = vector.load %arg8[%swap3A_373, %swap3A_374, %swap3A_375] : memref<16x128x1xf32, #tpu.memory_space<vmem>>, vector<1x128x1xf32>
    %swap3A_377 = vector.shape_cast %swap3A_376 : vector<1x128x1xf32> to vector<128x1xf32>
    %swap3A_378 = vector.shape_cast %dot_general3A_372 : vector<128x1xf32> to vector<1x128x1xf32>
    tpu.vector_store %arg8[%swap3A_373, %swap3A_374, %swap3A_375], %swap3A_378 {strides = array<i32>} : memref<16x128x1xf32, #tpu.memory_space<vmem>>, vector<1x128x1xf32>,
    %mul3A_379 = arith.constant 16 : i32
    %mul3A_380 = arith.muli %arg0, %mul3A_379 : i32
    %add3A_381 = arith.constant 6 : i32
    %add3A_382 = arith.addi %mul3A_380, %add3A_381 : i32
    %get3A_383 = arith.index_cast %add3A_382 : i32 to index
    %get3A_384 = memref.load %arg1[%get3A_383] : memref<1024xi32, #tpu.memory_space<smem>>
    %get3A_385 = arith.index_cast %add3A_382 : i32 to index
    %get3A_386 = memref.load %arg2[%get3A_385] : memref<1024xi32, #tpu.memory_space<smem>>
    %convert_element_type3A_387 = arith.sitofp %get3A_386 : i32 to f32
    %eq3A_388 = vector.broadcast %get3A_384 : i32 to vector<1x200xi32>
    %eq3A_389 = arith.cmpi eq, %iota3A, %eq3A_388 : vector<1x200xi32>
    %jit3A_390 = arith.constant 0.000000e+00 : f32
    %broadcast_in_dim3A_391 = vector.broadcast %convert_element_type3A_387 : f32 to vector<1x200xf32>
    %broadcast_in_dim3A_392 = vector.broadcast %jit3A_390 : f32 to vector<1x200xf32>
    %select_n3A_393 = arith.select %eq3A_389, %broadcast_in_dim3A_391, %broadcast_in_dim3A_392 : vector<1x200xi1>, vector<1x200xf32>
    %swap3A_394 = arith.constant 6 : index
    %swap3A_395 = arith.constant 128 : index
    %swap3A_396 = arith.constant 0 : index
    %swap3A_397 = vector.load %arg5[%swap3A_394, %swap3A_395, %swap3A_396] : memref<16x129x200xf32, #tpu.memory_space<vmem>>, vector<1x1x200xf32>
    %swap3A_398 = vector.shape_cast %swap3A_397 : vector<1x1x200xf32> to vector<1x200xf32>
    %swap3A_399 = vector.shape_cast %select_n3A_393 : vector<1x200xf32> to vector<1x1x200xf32>
    tpu.vector_store %arg5[%swap3A_394, %swap3A_395, %swap3A_396], %swap3A_399 {strides = array<i32>} : memref<16x129x200xf32, #tpu.memory_space<vmem>>, vector<1x1x200xf32>,
    %jit3A_400 = arith.constant 0.000000e+00 : f32
    %jit3A_401 = arith.constant 0xFF800000 : f32
    %broadcast_in_dim3A_402 = vector.broadcast %jit3A_400 : f32 to vector<1x200xf32>
    %broadcast_in_dim3A_403 = vector.broadcast %jit3A_401 : f32 to vector<1x200xf32>
    %select_n3A_404 = arith.select %eq3A_389, %broadcast_in_dim3A_402, %broadcast_in_dim3A_403 : vector<1x200xi1>, vector<1x200xf32>
    %swap3A_405 = arith.constant 6 : index
    %swap3A_406 = arith.constant 128 : index
    %swap3A_407 = arith.constant 0 : index
    %swap3A_408 = vector.load %arg6[%swap3A_405, %swap3A_406, %swap3A_407] : memref<16x129x200xf32, #tpu.memory_space<vmem>>, vector<1x1x200xf32>
    %swap3A_409 = vector.shape_cast %swap3A_408 : vector<1x1x200xf32> to vector<1x200xf32>
    %swap3A_410 = vector.shape_cast %select_n3A_404 : vector<1x200xf32> to vector<1x1x200xf32>
    tpu.vector_store %arg6[%swap3A_405, %swap3A_406, %swap3A_407], %swap3A_410 {strides = array<i32>} : memref<16x129x200xf32, #tpu.memory_space<vmem>>, vector<1x1x200xf32>,
    %eq3A_411 = vector.broadcast %get3A_384 : i32 to vector<200x1xi32>
    %eq3A_412 = arith.cmpi eq, %iota3A_14, %eq3A_411 : vector<200x1xi32>
    %convert_element_type3A_413 = arith.extui %eq3A_412 : vector<200x1xi1> to vector<200x1xi32>
    %convert_element_type3A_414 = arith.sitofp %convert_element_type3A_413 : vector<200x1xi32> to vector<200x1xf32>
    %get3A_415 = arith.constant 6 : index
    %get3A_416 = arith.constant 0 : index
    %get3A_417 = arith.constant 0 : index
    %get3A_418 = vector.load %arg3[%get3A_415, %get3A_416, %get3A_417] : memref<16x128x200xf32, #tpu.memory_space<vmem>>, vector<1x128x200xf32>
    %get3A_419 = vector.shape_cast %get3A_418 : vector<1x128x200xf32> to vector<128x200xf32>
    %dot_general3A_420 = arith.constant dense<0.000000e+00> : vector<128x1xf32>
    %dot_general3A_421 = tpu.matmul %get3A_419, %convert_element_type3A_414, %dot_general3A_420 {dimension_numbers = #tpu.dot_dimension_numbers<[1], [0], [0], [1], [0, 0, 1, 1], [], []>, precision = #tpu.contract_precision<fp32>, transpose_lhs_hint = false} : vector<128x200xf32>, vector<200x1xf32>, vector<128x1xf32> -> vector<128x1xf32>
    %swap3A_422 = arith.constant 6 : index
    %swap3A_423 = arith.constant 0 : index
    %swap3A_424 = arith.constant 0 : index
    %swap3A_425 = vector.load %arg7[%swap3A_422, %swap3A_423, %swap3A_424] : memref<16x128x1xf32, #tpu.memory_space<vmem>>, vector<1x128x1xf32>
    %swap3A_426 = vector.shape_cast %swap3A_425 : vector<1x128x1xf32> to vector<128x1xf32>
    %swap3A_427 = vector.shape_cast %dot_general3A_421 : vector<128x1xf32> to vector<1x128x1xf32>
    tpu.vector_store %arg7[%swap3A_422, %swap3A_423, %swap3A_424], %swap3A_427 {strides = array<i32>} : memref<16x128x1xf32, #tpu.memory_space<vmem>>, vector<1x128x1xf32>,
    %get3A_428 = arith.constant 6 : index
    %get3A_429 = arith.constant 0 : index
    %get3A_430 = arith.constant 0 : index
    %get3A_431 = vector.load %arg4[%get3A_428, %get3A_429, %get3A_430] : memref<16x128x200xf32, #tpu.memory_space<vmem>>, vector<1x128x200xf32>
    %get3A_432 = vector.shape_cast %get3A_431 : vector<1x128x200xf32> to vector<128x200xf32>
    %dot_general3A_433 = arith.constant dense<0.000000e+00> : vector<128x1xf32>
    %dot_general3A_434 = tpu.matmul %get3A_432, %convert_element_type3A_414, %dot_general3A_433 {dimension_numbers = #tpu.dot_dimension_numbers<[1], [0], [0], [1], [0, 0, 1, 1], [], []>, precision = #tpu.contract_precision<fp32>, transpose_lhs_hint = false} : vector<128x200xf32>, vector<200x1xf32>, vector<128x1xf32> -> vector<128x1xf32>
    %swap3A_435 = arith.constant 6 : index
    %swap3A_436 = arith.constant 0 : index
    %swap3A_437 = arith.constant 0 : index
    %swap3A_438 = vector.load %arg8[%swap3A_435, %swap3A_436, %swap3A_437] : memref<16x128x1xf32, #tpu.memory_space<vmem>>, vector<1x128x1xf32>
    %swap3A_439 = vector.shape_cast %swap3A_438 : vector<1x128x1xf32> to vector<128x1xf32>
    %swap3A_440 = vector.shape_cast %dot_general3A_434 : vector<128x1xf32> to vector<1x128x1xf32>
    tpu.vector_store %arg8[%swap3A_435, %swap3A_436, %swap3A_437], %swap3A_440 {strides = array<i32>} : memref<16x128x1xf32, #tpu.memory_space<vmem>>, vector<1x128x1xf32>,
    %mul3A_441 = arith.constant 16 : i32
    %mul3A_442 = arith.muli %arg0, %mul3A_441 : i32
    %add3A_443 = arith.constant 7 : i32
    %add3A_444 = arith.addi %mul3A_442, %add3A_443 : i32
    %get3A_445 = arith.index_cast %add3A_444 : i32 to index
    %get3A_446 = memref.load %arg1[%get3A_445] : memref<1024xi32, #tpu.memory_space<smem>>
    %get3A_447 = arith.index_cast %add3A_444 : i32 to index
    %get3A_448 = memref.load %arg2[%get3A_447] : memref<1024xi32, #tpu.memory_space<smem>>
    %convert_element_type3A_449 = arith.sitofp %get3A_448 : i32 to f32
    %eq3A_450 = vector.broadcast %get3A_446 : i32 to vector<1x200xi32>
    %eq3A_451 = arith.cmpi eq, %iota3A, %eq3A_450 : vector<1x200xi32>
    %jit3A_452 = arith.constant 0.000000e+00 : f32
    %broadcast_in_dim3A_453 = vector.broadcast %convert_element_type3A_449 : f32 to vector<1x200xf32>
    %broadcast_in_dim3A_454 = vector.broadcast %jit3A_452 : f32 to vector<1x200xf32>
    %select_n3A_455 = arith.select %eq3A_451, %broadcast_in_dim3A_453, %broadcast_in_dim3A_454 : vector<1x200xi1>, vector<1x200xf32>
    %swap3A_456 = arith.constant 7 : index
    %swap3A_457 = arith.constant 128 : index
    %swap3A_458 = arith.constant 0 : index
    %swap3A_459 = vector.load %arg5[%swap3A_456, %swap3A_457, %swap3A_458] : memref<16x129x200xf32, #tpu.memory_space<vmem>>, vector<1x1x200xf32>
    %swap3A_460 = vector.shape_cast %swap3A_459 : vector<1x1x200xf32> to vector<1x200xf32>
    %swap3A_461 = vector.shape_cast %select_n3A_455 : vector<1x200xf32> to vector<1x1x200xf32>
    tpu.vector_store %arg5[%swap3A_456, %swap3A_457, %swap3A_458], %swap3A_461 {strides = array<i32>} : memref<16x129x200xf32, #tpu.memory_space<vmem>>, vector<1x1x200xf32>,
    %jit3A_462 = arith.constant 0.000000e+00 : f32
    %jit3A_463 = arith.constant 0xFF800000 : f32
    %broadcast_in_dim3A_464 = vector.broadcast %jit3A_462 : f32 to vector<1x200xf32>
    %broadcast_in_dim3A_465 = vector.broadcast %jit3A_463 : f32 to vector<1x200xf32>
    %select_n3A_466 = arith.select %eq3A_451, %broadcast_in_dim3A_464, %broadcast_in_dim3A_465 : vector<1x200xi1>, vector<1x200xf32>
    %swap3A_467 = arith.constant 7 : index
    %swap3A_468 = arith.constant 128 : index
    %swap3A_469 = arith.constant 0 : index
    %swap3A_470 = vector.load %arg6[%swap3A_467, %swap3A_468, %swap3A_469] : memref<16x129x200xf32, #tpu.memory_space<vmem>>, vector<1x1x200xf32>
    %swap3A_471 = vector.shape_cast %swap3A_470 : vector<1x1x200xf32> to vector<1x200xf32>
    %swap3A_472 = vector.shape_cast %select_n3A_466 : vector<1x200xf32> to vector<1x1x200xf32>
    tpu.vector_store %arg6[%swap3A_467, %swap3A_468, %swap3A_469], %swap3A_472 {strides = array<i32>} : memref<16x129x200xf32, #tpu.memory_space<vmem>>, vector<1x1x200xf32>,
    %eq3A_473 = vector.broadcast %get3A_446 : i32 to vector<200x1xi32>
    %eq3A_474 = arith.cmpi eq, %iota3A_14, %eq3A_473 : vector<200x1xi32>
    %convert_element_type3A_475 = arith.extui %eq3A_474 : vector<200x1xi1> to vector<200x1xi32>
    %convert_element_type3A_476 = arith.sitofp %convert_element_type3A_475 : vector<200x1xi32> to vector<200x1xf32>
    %get3A_477 = arith.constant 7 : index
    %get3A_478 = arith.constant 0 : index
    %get3A_479 = arith.constant 0 : index
    %get3A_480 = vector.load %arg3[%get3A_477, %get3A_478, %get3A_479] : memref<16x128x200xf32, #tpu.memory_space<vmem>>, vector<1x128x200xf32>
    %get3A_481 = vector.shape_cast %get3A_480 : vector<1x128x200xf32> to vector<128x200xf32>
    %dot_general3A_482 = arith.constant dense<0.000000e+00> : vector<128x1xf32>
    %dot_general3A_483 = tpu.matmul %get3A_481, %convert_element_type3A_476, %dot_general3A_482 {dimension_numbers = #tpu.dot_dimension_numbers<[1], [0], [0], [1], [0, 0, 1, 1], [], []>, precision = #tpu.contract_precision<fp32>, transpose_lhs_hint = false} : vector<128x200xf32>, vector<200x1xf32>, vector<128x1xf32> -> vector<128x1xf32>
    %swap3A_484 = arith.constant 7 : index
    %swap3A_485 = arith.constant 0 : index
    %swap3A_486 = arith.constant 0 : index
    %swap3A_487 = vector.load %arg7[%swap3A_484, %swap3A_485, %swap3A_486] : memref<16x128x1xf32, #tpu.memory_space<vmem>>, vector<1x128x1xf32>
    %swap3A_488 = vector.shape_cast %swap3A_487 : vector<1x128x1xf32> to vector<128x1xf32>
    %swap3A_489 = vector.shape_cast %dot_general3A_483 : vector<128x1xf32> to vector<1x128x1xf32>
    tpu.vector_store %arg7[%swap3A_484, %swap3A_485, %swap3A_486], %swap3A_489 {strides = array<i32>} : memref<16x128x1xf32, #tpu.memory_space<vmem>>, vector<1x128x1xf32>,
    %get3A_490 = arith.constant 7 : index
    %get3A_491 = arith.constant 0 : index
    %get3A_492 = arith.constant 0 : index
    %get3A_493 = vector.load %arg4[%get3A_490, %get3A_491, %get3A_492] : memref<16x128x200xf32, #tpu.memory_space<vmem>>, vector<1x128x200xf32>
    %get3A_494 = vector.shape_cast %get3A_493 : vector<1x128x200xf32> to vector<128x200xf32>
    %dot_general3A_495 = arith.constant dense<0.000000e+00> : vector<128x1xf32>
    %dot_general3A_496 = tpu.matmul %get3A_494, %convert_element_type3A_476, %dot_general3A_495 {dimension_numbers = #tpu.dot_dimension_numbers<[1], [0], [0], [1], [0, 0, 1, 1], [], []>, precision = #tpu.contract_precision<fp32>, transpose_lhs_hint = false} : vector<128x200xf32>, vector<200x1xf32>, vector<128x1xf32> -> vector<128x1xf32>
    %swap3A_497 = arith.constant 7 : index
    %swap3A_498 = arith.constant 0 : index
    %swap3A_499 = arith.constant 0 : index
    %swap3A_500 = vector.load %arg8[%swap3A_497, %swap3A_498, %swap3A_499] : memref<16x128x1xf32, #tpu.memory_space<vmem>>, vector<1x128x1xf32>
    %swap3A_501 = vector.shape_cast %swap3A_500 : vector<1x128x1xf32> to vector<128x1xf32>
    %swap3A_502 = vector.shape_cast %dot_general3A_496 : vector<128x1xf32> to vector<1x128x1xf32>
    tpu.vector_store %arg8[%swap3A_497, %swap3A_498, %swap3A_499], %swap3A_502 {strides = array<i32>} : memref<16x128x1xf32, #tpu.memory_space<vmem>>, vector<1x128x1xf32>,
    %mul3A_503 = arith.constant 16 : i32
    %mul3A_504 = arith.muli %arg0, %mul3A_503 : i32
    %add3A_505 = arith.constant 8 : i32
    %add3A_506 = arith.addi %mul3A_504, %add3A_505 : i32
    %get3A_507 = arith.index_cast %add3A_506 : i32 to index
    %get3A_508 = memref.load %arg1[%get3A_507] : memref<1024xi32, #tpu.memory_space<smem>>
    %get3A_509 = arith.index_cast %add3A_506 : i32 to index
    %get3A_510 = memref.load %arg2[%get3A_509] : memref<1024xi32, #tpu.memory_space<smem>>
    %convert_element_type3A_511 = arith.sitofp %get3A_510 : i32 to f32
    %eq3A_512 = vector.broadcast %get3A_508 : i32 to vector<1x200xi32>
    %eq3A_513 = arith.cmpi eq, %iota3A, %eq3A_512 : vector<1x200xi32>
    %jit3A_514 = arith.constant 0.000000e+00 : f32
    %broadcast_in_dim3A_515 = vector.broadcast %convert_element_type3A_511 : f32 to vector<1x200xf32>
    %broadcast_in_dim3A_516 = vector.broadcast %jit3A_514 : f32 to vector<1x200xf32>
    %select_n3A_517 = arith.select %eq3A_513, %broadcast_in_dim3A_515, %broadcast_in_dim3A_516 : vector<1x200xi1>, vector<1x200xf32>
    %swap3A_518 = arith.constant 8 : index
    %swap3A_519 = arith.constant 128 : index
    %swap3A_520 = arith.constant 0 : index
    %swap3A_521 = vector.load %arg5[%swap3A_518, %swap3A_519, %swap3A_520] : memref<16x129x200xf32, #tpu.memory_space<vmem>>, vector<1x1x200xf32>
    %swap3A_522 = vector.shape_cast %swap3A_521 : vector<1x1x200xf32> to vector<1x200xf32>
    %swap3A_523 = vector.shape_cast %select_n3A_517 : vector<1x200xf32> to vector<1x1x200xf32>
    tpu.vector_store %arg5[%swap3A_518, %swap3A_519, %swap3A_520], %swap3A_523 {strides = array<i32>} : memref<16x129x200xf32, #tpu.memory_space<vmem>>, vector<1x1x200xf32>,
    %jit3A_524 = arith.constant 0.000000e+00 : f32
    %jit3A_525 = arith.constant 0xFF800000 : f32
    %broadcast_in_dim3A_526 = vector.broadcast %jit3A_524 : f32 to vector<1x200xf32>
    %broadcast_in_dim3A_527 = vector.broadcast %jit3A_525 : f32 to vector<1x200xf32>
    %select_n3A_528 = arith.select %eq3A_513, %broadcast_in_dim3A_526, %broadcast_in_dim3A_527 : vector<1x200xi1>, vector<1x200xf32>
    %swap3A_529 = arith.constant 8 : index
    %swap3A_530 = arith.constant 128 : index
    %swap3A_531 = arith.constant 0 : index
    %swap3A_532 = vector.load %arg6[%swap3A_529, %swap3A_530, %swap3A_531] : memref<16x129x200xf32, #tpu.memory_space<vmem>>, vector<1x1x200xf32>
    %swap3A_533 = vector.shape_cast %swap3A_532 : vector<1x1x200xf32> to vector<1x200xf32>
    %swap3A_534 = vector.shape_cast %select_n3A_528 : vector<1x200xf32> to vector<1x1x200xf32>
    tpu.vector_store %arg6[%swap3A_529, %swap3A_530, %swap3A_531], %swap3A_534 {strides = array<i32>} : memref<16x129x200xf32, #tpu.memory_space<vmem>>, vector<1x1x200xf32>,
    %eq3A_535 = vector.broadcast %get3A_508 : i32 to vector<200x1xi32>
    %eq3A_536 = arith.cmpi eq, %iota3A_14, %eq3A_535 : vector<200x1xi32>
    %convert_element_type3A_537 = arith.extui %eq3A_536 : vector<200x1xi1> to vector<200x1xi32>
    %convert_element_type3A_538 = arith.sitofp %convert_element_type3A_537 : vector<200x1xi32> to vector<200x1xf32>
    %get3A_539 = arith.constant 8 : index
    %get3A_540 = arith.constant 0 : index
    %get3A_541 = arith.constant 0 : index
    %get3A_542 = vector.load %arg3[%get3A_539, %get3A_540, %get3A_541] : memref<16x128x200xf32, #tpu.memory_space<vmem>>, vector<1x128x200xf32>
    %get3A_543 = vector.shape_cast %get3A_542 : vector<1x128x200xf32> to vector<128x200xf32>
    %dot_general3A_544 = arith.constant dense<0.000000e+00> : vector<128x1xf32>
    %dot_general3A_545 = tpu.matmul %get3A_543, %convert_element_type3A_538, %dot_general3A_544 {dimension_numbers = #tpu.dot_dimension_numbers<[1], [0], [0], [1], [0, 0, 1, 1], [], []>, precision = #tpu.contract_precision<fp32>, transpose_lhs_hint = false} : vector<128x200xf32>, vector<200x1xf32>, vector<128x1xf32> -> vector<128x1xf32>
    %swap3A_546 = arith.constant 8 : index
    %swap3A_547 = arith.constant 0 : index
    %swap3A_548 = arith.constant 0 : index
    %swap3A_549 = vector.load %arg7[%swap3A_546, %swap3A_547, %swap3A_548] : memref<16x128x1xf32, #tpu.memory_space<vmem>>, vector<1x128x1xf32>
    %swap3A_550 = vector.shape_cast %swap3A_549 : vector<1x128x1xf32> to vector<128x1xf32>
    %swap3A_551 = vector.shape_cast %dot_general3A_545 : vector<128x1xf32> to vector<1x128x1xf32>
    tpu.vector_store %arg7[%swap3A_546, %swap3A_547, %swap3A_548], %swap3A_551 {strides = array<i32>} : memref<16x128x1xf32, #tpu.memory_space<vmem>>, vector<1x128x1xf32>,
    %get3A_552 = arith.constant 8 : index
    %get3A_553 = arith.constant 0 : index
    %get3A_554 = arith.constant 0 : index
    %get3A_555 = vector.load %arg4[%get3A_552, %get3A_553, %get3A_554] : memref<16x128x200xf32, #tpu.memory_space<vmem>>, vector<1x128x200xf32>
    %get3A_556 = vector.shape_cast %get3A_555 : vector<1x128x200xf32> to vector<128x200xf32>
    %dot_general3A_557 = arith.constant dense<0.000000e+00> : vector<128x1xf32>
    %dot_general3A_558 = tpu.matmul %get3A_556, %convert_element_type3A_538, %dot_general3A_557 {dimension_numbers = #tpu.dot_dimension_numbers<[1], [0], [0], [1], [0, 0, 1, 1], [], []>, precision = #tpu.contract_precision<fp32>, transpose_lhs_hint = false} : vector<128x200xf32>, vector<200x1xf32>, vector<128x1xf32> -> vector<128x1xf32>
    %swap3A_559 = arith.constant 8 : index
    %swap3A_560 = arith.constant 0 : index
    %swap3A_561 = arith.constant 0 : index
    %swap3A_562 = vector.load %arg8[%swap3A_559, %swap3A_560, %swap3A_561] : memref<16x128x1xf32, #tpu.memory_space<vmem>>, vector<1x128x1xf32>
    %swap3A_563 = vector.shape_cast %swap3A_562 : vector<1x128x1xf32> to vector<128x1xf32>
    %swap3A_564 = vector.shape_cast %dot_general3A_558 : vector<128x1xf32> to vector<1x128x1xf32>
    tpu.vector_store %arg8[%swap3A_559, %swap3A_560, %swap3A_561], %swap3A_564 {strides = array<i32>} : memref<16x128x1xf32, #tpu.memory_space<vmem>>, vector<1x128x1xf32>,
    %mul3A_565 = arith.constant 16 : i32
    %mul3A_566 = arith.muli %arg0, %mul3A_565 : i32
    %add3A_567 = arith.constant 9 : i32
    %add3A_568 = arith.addi %mul3A_566, %add3A_567 : i32
    %get3A_569 = arith.index_cast %add3A_568 : i32 to index
    %get3A_570 = memref.load %arg1[%get3A_569] : memref<1024xi32, #tpu.memory_space<smem>>
    %get3A_571 = arith.index_cast %add3A_568 : i32 to index
    %get3A_572 = memref.load %arg2[%get3A_571] : memref<1024xi32, #tpu.memory_space<smem>>
    %convert_element_type3A_573 = arith.sitofp %get3A_572 : i32 to f32
    %eq3A_574 = vector.broadcast %get3A_570 : i32 to vector<1x200xi32>
    %eq3A_575 = arith.cmpi eq, %iota3A, %eq3A_574 : vector<1x200xi32>
    %jit3A_576 = arith.constant 0.000000e+00 : f32
    %broadcast_in_dim3A_577 = vector.broadcast %convert_element_type3A_573 : f32 to vector<1x200xf32>
    %broadcast_in_dim3A_578 = vector.broadcast %jit3A_576 : f32 to vector<1x200xf32>
    %select_n3A_579 = arith.select %eq3A_575, %broadcast_in_dim3A_577, %broadcast_in_dim3A_578 : vector<1x200xi1>, vector<1x200xf32>
    %swap3A_580 = arith.constant 9 : index
    %swap3A_581 = arith.constant 128 : index
    %swap3A_582 = arith.constant 0 : index
    %swap3A_583 = vector.load %arg5[%swap3A_580, %swap3A_581, %swap3A_582] : memref<16x129x200xf32, #tpu.memory_space<vmem>>, vector<1x1x200xf32>
    %swap3A_584 = vector.shape_cast %swap3A_583 : vector<1x1x200xf32> to vector<1x200xf32>
    %swap3A_585 = vector.shape_cast %select_n3A_579 : vector<1x200xf32> to vector<1x1x200xf32>
    tpu.vector_store %arg5[%swap3A_580, %swap3A_581, %swap3A_582], %swap3A_585 {strides = array<i32>} : memref<16x129x200xf32, #tpu.memory_space<vmem>>, vector<1x1x200xf32>,
    %jit3A_586 = arith.constant 0.000000e+00 : f32
    %jit3A_587 = arith.constant 0xFF800000 : f32
    %broadcast_in_dim3A_588 = vector.broadcast %jit3A_586 : f32 to vector<1x200xf32>
    %broadcast_in_dim3A_589 = vector.broadcast %jit3A_587 : f32 to vector<1x200xf32>
    %select_n3A_590 = arith.select %eq3A_575, %broadcast_in_dim3A_588, %broadcast_in_dim3A_589 : vector<1x200xi1>, vector<1x200xf32>
    %swap3A_591 = arith.constant 9 : index
    %swap3A_592 = arith.constant 128 : index
    %swap3A_593 = arith.constant 0 : index
    %swap3A_594 = vector.load %arg6[%swap3A_591, %swap3A_592, %swap3A_593] : memref<16x129x200xf32, #tpu.memory_space<vmem>>, vector<1x1x200xf32>
    %swap3A_595 = vector.shape_cast %swap3A_594 : vector<1x1x200xf32> to vector<1x200xf32>
    %swap3A_596 = vector.shape_cast %select_n3A_590 : vector<1x200xf32> to vector<1x1x200xf32>
    tpu.vector_store %arg6[%swap3A_591, %swap3A_592, %swap3A_593], %swap3A_596 {strides = array<i32>} : memref<16x129x200xf32, #tpu.memory_space<vmem>>, vector<1x1x200xf32>,
    %eq3A_597 = vector.broadcast %get3A_570 : i32 to vector<200x1xi32>
    %eq3A_598 = arith.cmpi eq, %iota3A_14, %eq3A_597 : vector<200x1xi32>
    %convert_element_type3A_599 = arith.extui %eq3A_598 : vector<200x1xi1> to vector<200x1xi32>
    %convert_element_type3A_600 = arith.sitofp %convert_element_type3A_599 : vector<200x1xi32> to vector<200x1xf32>
    %get3A_601 = arith.constant 9 : index
    %get3A_602 = arith.constant 0 : index
    %get3A_603 = arith.constant 0 : index
    %get3A_604 = vector.load %arg3[%get3A_601, %get3A_602, %get3A_603] : memref<16x128x200xf32, #tpu.memory_space<vmem>>, vector<1x128x200xf32>
    %get3A_605 = vector.shape_cast %get3A_604 : vector<1x128x200xf32> to vector<128x200xf32>
    %dot_general3A_606 = arith.constant dense<0.000000e+00> : vector<128x1xf32>
    %dot_general3A_607 = tpu.matmul %get3A_605, %convert_element_type3A_600, %dot_general3A_606 {dimension_numbers = #tpu.dot_dimension_numbers<[1], [0], [0], [1], [0, 0, 1, 1], [], []>, precision = #tpu.contract_precision<fp32>, transpose_lhs_hint = false} : vector<128x200xf32>, vector<200x1xf32>, vector<128x1xf32> -> vector<128x1xf32>
    %swap3A_608 = arith.constant 9 : index
    %swap3A_609 = arith.constant 0 : index
    %swap3A_610 = arith.constant 0 : index
    %swap3A_611 = vector.load %arg7[%swap3A_608, %swap3A_609, %swap3A_610] : memref<16x128x1xf32, #tpu.memory_space<vmem>>, vector<1x128x1xf32>
    %swap3A_612 = vector.shape_cast %swap3A_611 : vector<1x128x1xf32> to vector<128x1xf32>
    %swap3A_613 = vector.shape_cast %dot_general3A_607 : vector<128x1xf32> to vector<1x128x1xf32>
    tpu.vector_store %arg7[%swap3A_608, %swap3A_609, %swap3A_610], %swap3A_613 {strides = array<i32>} : memref<16x128x1xf32, #tpu.memory_space<vmem>>, vector<1x128x1xf32>,
    %get3A_614 = arith.constant 9 : index
    %get3A_615 = arith.constant 0 : index
    %get3A_616 = arith.constant 0 : index
    %get3A_617 = vector.load %arg4[%get3A_614, %get3A_615, %get3A_616] : memref<16x128x200xf32, #tpu.memory_space<vmem>>, vector<1x128x200xf32>
    %get3A_618 = vector.shape_cast %get3A_617 : vector<1x128x200xf32> to vector<128x200xf32>
    %dot_general3A_619 = arith.constant dense<0.000000e+00> : vector<128x1xf32>
    %dot_general3A_620 = tpu.matmul %get3A_618, %convert_element_type3A_600, %dot_general3A_619 {dimension_numbers = #tpu.dot_dimension_numbers<[1], [0], [0], [1], [0, 0, 1, 1], [], []>, precision = #tpu.contract_precision<fp32>, transpose_lhs_hint = false} : vector<128x200xf32>, vector<200x1xf32>, vector<128x1xf32> -> vector<128x1xf32>
    %swap3A_621 = arith.constant 9 : index
    %swap3A_622 = arith.constant 0 : index
    %swap3A_623 = arith.constant 0 : index
    %swap3A_624 = vector.load %arg8[%swap3A_621, %swap3A_622, %swap3A_623] : memref<16x128x1xf32, #tpu.memory_space<vmem>>, vector<1x128x1xf32>
    %swap3A_625 = vector.shape_cast %swap3A_624 : vector<1x128x1xf32> to vector<128x1xf32>
    %swap3A_626 = vector.shape_cast %dot_general3A_620 : vector<128x1xf32> to vector<1x128x1xf32>
    tpu.vector_store %arg8[%swap3A_621, %swap3A_622, %swap3A_623], %swap3A_626 {strides = array<i32>} : memref<16x128x1xf32, #tpu.memory_space<vmem>>, vector<1x128x1xf32>,
    %mul3A_627 = arith.constant 16 : i32
    %mul3A_628 = arith.muli %arg0, %mul3A_627 : i32
    %add3A_629 = arith.constant 10 : i32
    %add3A_630 = arith.addi %mul3A_628, %add3A_629 : i32
    %get3A_631 = arith.index_cast %add3A_630 : i32 to index
    %get3A_632 = memref.load %arg1[%get3A_631] : memref<1024xi32, #tpu.memory_space<smem>>
    %get3A_633 = arith.index_cast %add3A_630 : i32 to index
    %get3A_634 = memref.load %arg2[%get3A_633] : memref<1024xi32, #tpu.memory_space<smem>>
    %convert_element_type3A_635 = arith.sitofp %get3A_634 : i32 to f32
    %eq3A_636 = vector.broadcast %get3A_632 : i32 to vector<1x200xi32>
    %eq3A_637 = arith.cmpi eq, %iota3A, %eq3A_636 : vector<1x200xi32>
    %jit3A_638 = arith.constant 0.000000e+00 : f32
    %broadcast_in_dim3A_639 = vector.broadcast %convert_element_type3A_635 : f32 to vector<1x200xf32>
    %broadcast_in_dim3A_640 = vector.broadcast %jit3A_638 : f32 to vector<1x200xf32>
    %select_n3A_641 = arith.select %eq3A_637, %broadcast_in_dim3A_639, %broadcast_in_dim3A_640 : vector<1x200xi1>, vector<1x200xf32>
    %swap3A_642 = arith.constant 10 : index
    %swap3A_643 = arith.constant 128 : index
    %swap3A_644 = arith.constant 0 : index
    %swap3A_645 = vector.load %arg5[%swap3A_642, %swap3A_643, %swap3A_644] : memref<16x129x200xf32, #tpu.memory_space<vmem>>, vector<1x1x200xf32>
    %swap3A_646 = vector.shape_cast %swap3A_645 : vector<1x1x200xf32> to vector<1x200xf32>
    %swap3A_647 = vector.shape_cast %select_n3A_641 : vector<1x200xf32> to vector<1x1x200xf32>
    tpu.vector_store %arg5[%swap3A_642, %swap3A_643, %swap3A_644], %swap3A_647 {strides = array<i32>} : memref<16x129x200xf32, #tpu.memory_space<vmem>>, vector<1x1x200xf32>,
    %jit3A_648 = arith.constant 0.000000e+00 : f32
    %jit3A_649 = arith.constant 0xFF800000 : f32
    %broadcast_in_dim3A_650 = vector.broadcast %jit3A_648 : f32 to vector<1x200xf32>
    %broadcast_in_dim3A_651 = vector.broadcast %jit3A_649 : f32 to vector<1x200xf32>
    %select_n3A_652 = arith.select %eq3A_637, %broadcast_in_dim3A_650, %broadcast_in_dim3A_651 : vector<1x200xi1>, vector<1x200xf32>
    %swap3A_653 = arith.constant 10 : index
    %swap3A_654 = arith.constant 128 : index
    %swap3A_655 = arith.constant 0 : index
    %swap3A_656 = vector.load %arg6[%swap3A_653, %swap3A_654, %swap3A_655] : memref<16x129x200xf32, #tpu.memory_space<vmem>>, vector<1x1x200xf32>
    %swap3A_657 = vector.shape_cast %swap3A_656 : vector<1x1x200xf32> to vector<1x200xf32>
    %swap3A_658 = vector.shape_cast %select_n3A_652 : vector<1x200xf32> to vector<1x1x200xf32>
    tpu.vector_store %arg6[%swap3A_653, %swap3A_654, %swap3A_655], %swap3A_658 {strides = array<i32>} : memref<16x129x200xf32, #tpu.memory_space<vmem>>, vector<1x1x200xf32>,
    %eq3A_659 = vector.broadcast %get3A_632 : i32 to vector<200x1xi32>
    %eq3A_660 = arith.cmpi eq, %iota3A_14, %eq3A_659 : vector<200x1xi32>
    %convert_element_type3A_661 = arith.extui %eq3A_660 : vector<200x1xi1> to vector<200x1xi32>
    %convert_element_type3A_662 = arith.sitofp %convert_element_type3A_661 : vector<200x1xi32> to vector<200x1xf32>
    %get3A_663 = arith.constant 10 : index
    %get3A_664 = arith.constant 0 : index
    %get3A_665 = arith.constant 0 : index
    %get3A_666 = vector.load %arg3[%get3A_663, %get3A_664, %get3A_665] : memref<16x128x200xf32, #tpu.memory_space<vmem>>, vector<1x128x200xf32>
    %get3A_667 = vector.shape_cast %get3A_666 : vector<1x128x200xf32> to vector<128x200xf32>
    %dot_general3A_668 = arith.constant dense<0.000000e+00> : vector<128x1xf32>
    %dot_general3A_669 = tpu.matmul %get3A_667, %convert_element_type3A_662, %dot_general3A_668 {dimension_numbers = #tpu.dot_dimension_numbers<[1], [0], [0], [1], [0, 0, 1, 1], [], []>, precision = #tpu.contract_precision<fp32>, transpose_lhs_hint = false} : vector<128x200xf32>, vector<200x1xf32>, vector<128x1xf32> -> vector<128x1xf32>
    %swap3A_670 = arith.constant 10 : index
    %swap3A_671 = arith.constant 0 : index
    %swap3A_672 = arith.constant 0 : index
    %swap3A_673 = vector.load %arg7[%swap3A_670, %swap3A_671, %swap3A_672] : memref<16x128x1xf32, #tpu.memory_space<vmem>>, vector<1x128x1xf32>
    %swap3A_674 = vector.shape_cast %swap3A_673 : vector<1x128x1xf32> to vector<128x1xf32>
    %swap3A_675 = vector.shape_cast %dot_general3A_669 : vector<128x1xf32> to vector<1x128x1xf32>
    tpu.vector_store %arg7[%swap3A_670, %swap3A_671, %swap3A_672], %swap3A_675 {strides = array<i32>} : memref<16x128x1xf32, #tpu.memory_space<vmem>>, vector<1x128x1xf32>,
    %get3A_676 = arith.constant 10 : index
    %get3A_677 = arith.constant 0 : index
    %get3A_678 = arith.constant 0 : index
    %get3A_679 = vector.load %arg4[%get3A_676, %get3A_677, %get3A_678] : memref<16x128x200xf32, #tpu.memory_space<vmem>>, vector<1x128x200xf32>
    %get3A_680 = vector.shape_cast %get3A_679 : vector<1x128x200xf32> to vector<128x200xf32>
    %dot_general3A_681 = arith.constant dense<0.000000e+00> : vector<128x1xf32>
    %dot_general3A_682 = tpu.matmul %get3A_680, %convert_element_type3A_662, %dot_general3A_681 {dimension_numbers = #tpu.dot_dimension_numbers<[1], [0], [0], [1], [0, 0, 1, 1], [], []>, precision = #tpu.contract_precision<fp32>, transpose_lhs_hint = false} : vector<128x200xf32>, vector<200x1xf32>, vector<128x1xf32> -> vector<128x1xf32>
    %swap3A_683 = arith.constant 10 : index
    %swap3A_684 = arith.constant 0 : index
    %swap3A_685 = arith.constant 0 : index
    %swap3A_686 = vector.load %arg8[%swap3A_683, %swap3A_684, %swap3A_685] : memref<16x128x1xf32, #tpu.memory_space<vmem>>, vector<1x128x1xf32>
    %swap3A_687 = vector.shape_cast %swap3A_686 : vector<1x128x1xf32> to vector<128x1xf32>
    %swap3A_688 = vector.shape_cast %dot_general3A_682 : vector<128x1xf32> to vector<1x128x1xf32>
    tpu.vector_store %arg8[%swap3A_683, %swap3A_684, %swap3A_685], %swap3A_688 {strides = array<i32>} : memref<16x128x1xf32, #tpu.memory_space<vmem>>, vector<1x128x1xf32>,
    %mul3A_689 = arith.constant 16 : i32
    %mul3A_690 = arith.muli %arg0, %mul3A_689 : i32
    %add3A_691 = arith.constant 11 : i32
    %add3A_692 = arith.addi %mul3A_690, %add3A_691 : i32
    %get3A_693 = arith.index_cast %add3A_692 : i32 to index
    %get3A_694 = memref.load %arg1[%get3A_693] : memref<1024xi32, #tpu.memory_space<smem>>
    %get3A_695 = arith.index_cast %add3A_692 : i32 to index
    %get3A_696 = memref.load %arg2[%get3A_695] : memref<1024xi32, #tpu.memory_space<smem>>
    %convert_element_type3A_697 = arith.sitofp %get3A_696 : i32 to f32
    %eq3A_698 = vector.broadcast %get3A_694 : i32 to vector<1x200xi32>
    %eq3A_699 = arith.cmpi eq, %iota3A, %eq3A_698 : vector<1x200xi32>
    %jit3A_700 = arith.constant 0.000000e+00 : f32
    %broadcast_in_dim3A_701 = vector.broadcast %convert_element_type3A_697 : f32 to vector<1x200xf32>
    %broadcast_in_dim3A_702 = vector.broadcast %jit3A_700 : f32 to vector<1x200xf32>
    %select_n3A_703 = arith.select %eq3A_699, %broadcast_in_dim3A_701, %broadcast_in_dim3A_702 : vector<1x200xi1>, vector<1x200xf32>
    %swap3A_704 = arith.constant 11 : index
    %swap3A_705 = arith.constant 128 : index
    %swap3A_706 = arith.constant 0 : index
    %swap3A_707 = vector.load %arg5[%swap3A_704, %swap3A_705, %swap3A_706] : memref<16x129x200xf32, #tpu.memory_space<vmem>>, vector<1x1x200xf32>
    %swap3A_708 = vector.shape_cast %swap3A_707 : vector<1x1x200xf32> to vector<1x200xf32>
    %swap3A_709 = vector.shape_cast %select_n3A_703 : vector<1x200xf32> to vector<1x1x200xf32>
    tpu.vector_store %arg5[%swap3A_704, %swap3A_705, %swap3A_706], %swap3A_709 {strides = array<i32>} : memref<16x129x200xf32, #tpu.memory_space<vmem>>, vector<1x1x200xf32>,
    %jit3A_710 = arith.constant 0.000000e+00 : f32
    %jit3A_711 = arith.constant 0xFF800000 : f32
    %broadcast_in_dim3A_712 = vector.broadcast %jit3A_710 : f32 to vector<1x200xf32>
    %broadcast_in_dim3A_713 = vector.broadcast %jit3A_711 : f32 to vector<1x200xf32>
    %select_n3A_714 = arith.select %eq3A_699, %broadcast_in_dim3A_712, %broadcast_in_dim3A_713 : vector<1x200xi1>, vector<1x200xf32>
    %swap3A_715 = arith.constant 11 : index
    %swap3A_716 = arith.constant 128 : index
    %swap3A_717 = arith.constant 0 : index
    %swap3A_718 = vector.load %arg6[%swap3A_715, %swap3A_716, %swap3A_717] : memref<16x129x200xf32, #tpu.memory_space<vmem>>, vector<1x1x200xf32>
    %swap3A_719 = vector.shape_cast %swap3A_718 : vector<1x1x200xf32> to vector<1x200xf32>
    %swap3A_720 = vector.shape_cast %select_n3A_714 : vector<1x200xf32> to vector<1x1x200xf32>
    tpu.vector_store %arg6[%swap3A_715, %swap3A_716, %swap3A_717], %swap3A_720 {strides = array<i32>} : memref<16x129x200xf32, #tpu.memory_space<vmem>>, vector<1x1x200xf32>,
    %eq3A_721 = vector.broadcast %get3A_694 : i32 to vector<200x1xi32>
    %eq3A_722 = arith.cmpi eq, %iota3A_14, %eq3A_721 : vector<200x1xi32>
    %convert_element_type3A_723 = arith.extui %eq3A_722 : vector<200x1xi1> to vector<200x1xi32>
    %convert_element_type3A_724 = arith.sitofp %convert_element_type3A_723 : vector<200x1xi32> to vector<200x1xf32>
    %get3A_725 = arith.constant 11 : index
    %get3A_726 = arith.constant 0 : index
    %get3A_727 = arith.constant 0 : index
    %get3A_728 = vector.load %arg3[%get3A_725, %get3A_726, %get3A_727] : memref<16x128x200xf32, #tpu.memory_space<vmem>>, vector<1x128x200xf32>
    %get3A_729 = vector.shape_cast %get3A_728 : vector<1x128x200xf32> to vector<128x200xf32>
    %dot_general3A_730 = arith.constant dense<0.000000e+00> : vector<128x1xf32>
    %dot_general3A_731 = tpu.matmul %get3A_729, %convert_element_type3A_724, %dot_general3A_730 {dimension_numbers = #tpu.dot_dimension_numbers<[1], [0], [0], [1], [0, 0, 1, 1], [], []>, precision = #tpu.contract_precision<fp32>, transpose_lhs_hint = false} : vector<128x200xf32>, vector<200x1xf32>, vector<128x1xf32> -> vector<128x1xf32>
    %swap3A_732 = arith.constant 11 : index
    %swap3A_733 = arith.constant 0 : index
    %swap3A_734 = arith.constant 0 : index
    %swap3A_735 = vector.load %arg7[%swap3A_732, %swap3A_733, %swap3A_734] : memref<16x128x1xf32, #tpu.memory_space<vmem>>, vector<1x128x1xf32>
    %swap3A_736 = vector.shape_cast %swap3A_735 : vector<1x128x1xf32> to vector<128x1xf32>
    %swap3A_737 = vector.shape_cast %dot_general3A_731 : vector<128x1xf32> to vector<1x128x1xf32>
    tpu.vector_store %arg7[%swap3A_732, %swap3A_733, %swap3A_734], %swap3A_737 {strides = array<i32>} : memref<16x128x1xf32, #tpu.memory_space<vmem>>, vector<1x128x1xf32>,
    %get3A_738 = arith.constant 11 : index
    %get3A_739 = arith.constant 0 : index
    %get3A_740 = arith.constant 0 : index
    %get3A_741 = vector.load %arg4[%get3A_738, %get3A_739, %get3A_740] : memref<16x128x200xf32, #tpu.memory_space<vmem>>, vector<1x128x200xf32>
    %get3A_742 = vector.shape_cast %get3A_741 : vector<1x128x200xf32> to vector<128x200xf32>
    %dot_general3A_743 = arith.constant dense<0.000000e+00> : vector<128x1xf32>
    %dot_general3A_744 = tpu.matmul %get3A_742, %convert_element_type3A_724, %dot_general3A_743 {dimension_numbers = #tpu.dot_dimension_numbers<[1], [0], [0], [1], [0, 0, 1, 1], [], []>, precision = #tpu.contract_precision<fp32>, transpose_lhs_hint = false} : vector<128x200xf32>, vector<200x1xf32>, vector<128x1xf32> -> vector<128x1xf32>
    %swap3A_745 = arith.constant 11 : index
    %swap3A_746 = arith.constant 0 : index
    %swap3A_747 = arith.constant 0 : index
    %swap3A_748 = vector.load %arg8[%swap3A_745, %swap3A_746, %swap3A_747] : memref<16x128x1xf32, #tpu.memory_space<vmem>>, vector<1x128x1xf32>
    %swap3A_749 = vector.shape_cast %swap3A_748 : vector<1x128x1xf32> to vector<128x1xf32>
    %swap3A_750 = vector.shape_cast %dot_general3A_744 : vector<128x1xf32> to vector<1x128x1xf32>
    tpu.vector_store %arg8[%swap3A_745, %swap3A_746, %swap3A_747], %swap3A_750 {strides = array<i32>} : memref<16x128x1xf32, #tpu.memory_space<vmem>>, vector<1x128x1xf32>,
    %mul3A_751 = arith.constant 16 : i32
    %mul3A_752 = arith.muli %arg0, %mul3A_751 : i32
    %add3A_753 = arith.constant 12 : i32
    %add3A_754 = arith.addi %mul3A_752, %add3A_753 : i32
    %get3A_755 = arith.index_cast %add3A_754 : i32 to index
    %get3A_756 = memref.load %arg1[%get3A_755] : memref<1024xi32, #tpu.memory_space<smem>>
    %get3A_757 = arith.index_cast %add3A_754 : i32 to index
    %get3A_758 = memref.load %arg2[%get3A_757] : memref<1024xi32, #tpu.memory_space<smem>>
    %convert_element_type3A_759 = arith.sitofp %get3A_758 : i32 to f32
    %eq3A_760 = vector.broadcast %get3A_756 : i32 to vector<1x200xi32>
    %eq3A_761 = arith.cmpi eq, %iota3A, %eq3A_760 : vector<1x200xi32>
    %jit3A_762 = arith.constant 0.000000e+00 : f32
    %broadcast_in_dim3A_763 = vector.broadcast %convert_element_type3A_759 : f32 to vector<1x200xf32>
    %broadcast_in_dim3A_764 = vector.broadcast %jit3A_762 : f32 to vector<1x200xf32>
    %select_n3A_765 = arith.select %eq3A_761, %broadcast_in_dim3A_763, %broadcast_in_dim3A_764 : vector<1x200xi1>, vector<1x200xf32>
    %swap3A_766 = arith.constant 12 : index
    %swap3A_767 = arith.constant 128 : index
    %swap3A_768 = arith.constant 0 : index
    %swap3A_769 = vector.load %arg5[%swap3A_766, %swap3A_767, %swap3A_768] : memref<16x129x200xf32, #tpu.memory_space<vmem>>, vector<1x1x200xf32>
    %swap3A_770 = vector.shape_cast %swap3A_769 : vector<1x1x200xf32> to vector<1x200xf32>
    %swap3A_771 = vector.shape_cast %select_n3A_765 : vector<1x200xf32> to vector<1x1x200xf32>
    tpu.vector_store %arg5[%swap3A_766, %swap3A_767, %swap3A_768], %swap3A_771 {strides = array<i32>} : memref<16x129x200xf32, #tpu.memory_space<vmem>>, vector<1x1x200xf32>,
    %jit3A_772 = arith.constant 0.000000e+00 : f32
    %jit3A_773 = arith.constant 0xFF800000 : f32
    %broadcast_in_dim3A_774 = vector.broadcast %jit3A_772 : f32 to vector<1x200xf32>
    %broadcast_in_dim3A_775 = vector.broadcast %jit3A_773 : f32 to vector<1x200xf32>
    %select_n3A_776 = arith.select %eq3A_761, %broadcast_in_dim3A_774, %broadcast_in_dim3A_775 : vector<1x200xi1>, vector<1x200xf32>
    %swap3A_777 = arith.constant 12 : index
    %swap3A_778 = arith.constant 128 : index
    %swap3A_779 = arith.constant 0 : index
    %swap3A_780 = vector.load %arg6[%swap3A_777, %swap3A_778, %swap3A_779] : memref<16x129x200xf32, #tpu.memory_space<vmem>>, vector<1x1x200xf32>
    %swap3A_781 = vector.shape_cast %swap3A_780 : vector<1x1x200xf32> to vector<1x200xf32>
    %swap3A_782 = vector.shape_cast %select_n3A_776 : vector<1x200xf32> to vector<1x1x200xf32>
    tpu.vector_store %arg6[%swap3A_777, %swap3A_778, %swap3A_779], %swap3A_782 {strides = array<i32>} : memref<16x129x200xf32, #tpu.memory_space<vmem>>, vector<1x1x200xf32>,
    %eq3A_783 = vector.broadcast %get3A_756 : i32 to vector<200x1xi32>
    %eq3A_784 = arith.cmpi eq, %iota3A_14, %eq3A_783 : vector<200x1xi32>
    %convert_element_type3A_785 = arith.extui %eq3A_784 : vector<200x1xi1> to vector<200x1xi32>
    %convert_element_type3A_786 = arith.sitofp %convert_element_type3A_785 : vector<200x1xi32> to vector<200x1xf32>
    %get3A_787 = arith.constant 12 : index
    %get3A_788 = arith.constant 0 : index
    %get3A_789 = arith.constant 0 : index
    %get3A_790 = vector.load %arg3[%get3A_787, %get3A_788, %get3A_789] : memref<16x128x200xf32, #tpu.memory_space<vmem>>, vector<1x128x200xf32>
    %get3A_791 = vector.shape_cast %get3A_790 : vector<1x128x200xf32> to vector<128x200xf32>
    %dot_general3A_792 = arith.constant dense<0.000000e+00> : vector<128x1xf32>
    %dot_general3A_793 = tpu.matmul %get3A_791, %convert_element_type3A_786, %dot_general3A_792 {dimension_numbers = #tpu.dot_dimension_numbers<[1], [0], [0], [1], [0, 0, 1, 1], [], []>, precision = #tpu.contract_precision<fp32>, transpose_lhs_hint = false} : vector<128x200xf32>, vector<200x1xf32>, vector<128x1xf32> -> vector<128x1xf32>
    %swap3A_794 = arith.constant 12 : index
    %swap3A_795 = arith.constant 0 : index
    %swap3A_796 = arith.constant 0 : index
    %swap3A_797 = vector.load %arg7[%swap3A_794, %swap3A_795, %swap3A_796] : memref<16x128x1xf32, #tpu.memory_space<vmem>>, vector<1x128x1xf32>
    %swap3A_798 = vector.shape_cast %swap3A_797 : vector<1x128x1xf32> to vector<128x1xf32>
    %swap3A_799 = vector.shape_cast %dot_general3A_793 : vector<128x1xf32> to vector<1x128x1xf32>
    tpu.vector_store %arg7[%swap3A_794, %swap3A_795, %swap3A_796], %swap3A_799 {strides = array<i32>} : memref<16x128x1xf32, #tpu.memory_space<vmem>>, vector<1x128x1xf32>,
    %get3A_800 = arith.constant 12 : index
    %get3A_801 = arith.constant 0 : index
    %get3A_802 = arith.constant 0 : index
    %get3A_803 = vector.load %arg4[%get3A_800, %get3A_801, %get3A_802] : memref<16x128x200xf32, #tpu.memory_space<vmem>>, vector<1x128x200xf32>
    %get3A_804 = vector.shape_cast %get3A_803 : vector<1x128x200xf32> to vector<128x200xf32>
    %dot_general3A_805 = arith.constant dense<0.000000e+00> : vector<128x1xf32>
    %dot_general3A_806 = tpu.matmul %get3A_804, %convert_element_type3A_786, %dot_general3A_805 {dimension_numbers = #tpu.dot_dimension_numbers<[1], [0], [0], [1], [0, 0, 1, 1], [], []>, precision = #tpu.contract_precision<fp32>, transpose_lhs_hint = false} : vector<128x200xf32>, vector<200x1xf32>, vector<128x1xf32> -> vector<128x1xf32>
    %swap3A_807 = arith.constant 12 : index
    %swap3A_808 = arith.constant 0 : index
    %swap3A_809 = arith.constant 0 : index
    %swap3A_810 = vector.load %arg8[%swap3A_807, %swap3A_808, %swap3A_809] : memref<16x128x1xf32, #tpu.memory_space<vmem>>, vector<1x128x1xf32>
    %swap3A_811 = vector.shape_cast %swap3A_810 : vector<1x128x1xf32> to vector<128x1xf32>
    %swap3A_812 = vector.shape_cast %dot_general3A_806 : vector<128x1xf32> to vector<1x128x1xf32>
    tpu.vector_store %arg8[%swap3A_807, %swap3A_808, %swap3A_809], %swap3A_812 {strides = array<i32>} : memref<16x128x1xf32, #tpu.memory_space<vmem>>, vector<1x128x1xf32>,
    %mul3A_813 = arith.constant 16 : i32
    %mul3A_814 = arith.muli %arg0, %mul3A_813 : i32
    %add3A_815 = arith.constant 13 : i32
    %add3A_816 = arith.addi %mul3A_814, %add3A_815 : i32
    %get3A_817 = arith.index_cast %add3A_816 : i32 to index
    %get3A_818 = memref.load %arg1[%get3A_817] : memref<1024xi32, #tpu.memory_space<smem>>
    %get3A_819 = arith.index_cast %add3A_816 : i32 to index
    %get3A_820 = memref.load %arg2[%get3A_819] : memref<1024xi32, #tpu.memory_space<smem>>
    %convert_element_type3A_821 = arith.sitofp %get3A_820 : i32 to f32
    %eq3A_822 = vector.broadcast %get3A_818 : i32 to vector<1x200xi32>
    %eq3A_823 = arith.cmpi eq, %iota3A, %eq3A_822 : vector<1x200xi32>
    %jit3A_824 = arith.constant 0.000000e+00 : f32
    %broadcast_in_dim3A_825 = vector.broadcast %convert_element_type3A_821 : f32 to vector<1x200xf32>
    %broadcast_in_dim3A_826 = vector.broadcast %jit3A_824 : f32 to vector<1x200xf32>
    %select_n3A_827 = arith.select %eq3A_823, %broadcast_in_dim3A_825, %broadcast_in_dim3A_826 : vector<1x200xi1>, vector<1x200xf32>
    %swap3A_828 = arith.constant 13 : index
    %swap3A_829 = arith.constant 128 : index
    %swap3A_830 = arith.constant 0 : index
    %swap3A_831 = vector.load %arg5[%swap3A_828, %swap3A_829, %swap3A_830] : memref<16x129x200xf32, #tpu.memory_space<vmem>>, vector<1x1x200xf32>
    %swap3A_832 = vector.shape_cast %swap3A_831 : vector<1x1x200xf32> to vector<1x200xf32>
    %swap3A_833 = vector.shape_cast %select_n3A_827 : vector<1x200xf32> to vector<1x1x200xf32>
    tpu.vector_store %arg5[%swap3A_828, %swap3A_829, %swap3A_830], %swap3A_833 {strides = array<i32>} : memref<16x129x200xf32, #tpu.memory_space<vmem>>, vector<1x1x200xf32>,
    %jit3A_834 = arith.constant 0.000000e+00 : f32
    %jit3A_835 = arith.constant 0xFF800000 : f32
    %broadcast_in_dim3A_836 = vector.broadcast %jit3A_834 : f32 to vector<1x200xf32>
    %broadcast_in_dim3A_837 = vector.broadcast %jit3A_835 : f32 to vector<1x200xf32>
    %select_n3A_838 = arith.select %eq3A_823, %broadcast_in_dim3A_836, %broadcast_in_dim3A_837 : vector<1x200xi1>, vector<1x200xf32>
    %swap3A_839 = arith.constant 13 : index
    %swap3A_840 = arith.constant 128 : index
    %swap3A_841 = arith.constant 0 : index
    %swap3A_842 = vector.load %arg6[%swap3A_839, %swap3A_840, %swap3A_841] : memref<16x129x200xf32, #tpu.memory_space<vmem>>, vector<1x1x200xf32>
    %swap3A_843 = vector.shape_cast %swap3A_842 : vector<1x1x200xf32> to vector<1x200xf32>
    %swap3A_844 = vector.shape_cast %select_n3A_838 : vector<1x200xf32> to vector<1x1x200xf32>
    tpu.vector_store %arg6[%swap3A_839, %swap3A_840, %swap3A_841], %swap3A_844 {strides = array<i32>} : memref<16x129x200xf32, #tpu.memory_space<vmem>>, vector<1x1x200xf32>,
    %eq3A_845 = vector.broadcast %get3A_818 : i32 to vector<200x1xi32>
    %eq3A_846 = arith.cmpi eq, %iota3A_14, %eq3A_845 : vector<200x1xi32>
    %convert_element_type3A_847 = arith.extui %eq3A_846 : vector<200x1xi1> to vector<200x1xi32>
    %convert_element_type3A_848 = arith.sitofp %convert_element_type3A_847 : vector<200x1xi32> to vector<200x1xf32>
    %get3A_849 = arith.constant 13 : index
    %get3A_850 = arith.constant 0 : index
    %get3A_851 = arith.constant 0 : index
    %get3A_852 = vector.load %arg3[%get3A_849, %get3A_850, %get3A_851] : memref<16x128x200xf32, #tpu.memory_space<vmem>>, vector<1x128x200xf32>
    %get3A_853 = vector.shape_cast %get3A_852 : vector<1x128x200xf32> to vector<128x200xf32>
    %dot_general3A_854 = arith.constant dense<0.000000e+00> : vector<128x1xf32>
    %dot_general3A_855 = tpu.matmul %get3A_853, %convert_element_type3A_848, %dot_general3A_854 {dimension_numbers = #tpu.dot_dimension_numbers<[1], [0], [0], [1], [0, 0, 1, 1], [], []>, precision = #tpu.contract_precision<fp32>, transpose_lhs_hint = false} : vector<128x200xf32>, vector<200x1xf32>, vector<128x1xf32> -> vector<128x1xf32>
    %swap3A_856 = arith.constant 13 : index
    %swap3A_857 = arith.constant 0 : index
    %swap3A_858 = arith.constant 0 : index
    %swap3A_859 = vector.load %arg7[%swap3A_856, %swap3A_857, %swap3A_858] : memref<16x128x1xf32, #tpu.memory_space<vmem>>, vector<1x128x1xf32>
    %swap3A_860 = vector.shape_cast %swap3A_859 : vector<1x128x1xf32> to vector<128x1xf32>
    %swap3A_861 = vector.shape_cast %dot_general3A_855 : vector<128x1xf32> to vector<1x128x1xf32>
    tpu.vector_store %arg7[%swap3A_856, %swap3A_857, %swap3A_858], %swap3A_861 {strides = array<i32>} : memref<16x128x1xf32, #tpu.memory_space<vmem>>, vector<1x128x1xf32>,
    %get3A_862 = arith.constant 13 : index
    %get3A_863 = arith.constant 0 : index
    %get3A_864 = arith.constant 0 : index
    %get3A_865 = vector.load %arg4[%get3A_862, %get3A_863, %get3A_864] : memref<16x128x200xf32, #tpu.memory_space<vmem>>, vector<1x128x200xf32>
    %get3A_866 = vector.shape_cast %get3A_865 : vector<1x128x200xf32> to vector<128x200xf32>
    %dot_general3A_867 = arith.constant dense<0.000000e+00> : vector<128x1xf32>
    %dot_general3A_868 = tpu.matmul %get3A_866, %convert_element_type3A_848, %dot_general3A_867 {dimension_numbers = #tpu.dot_dimension_numbers<[1], [0], [0], [1], [0, 0, 1, 1], [], []>, precision = #tpu.contract_precision<fp32>, transpose_lhs_hint = false} : vector<128x200xf32>, vector<200x1xf32>, vector<128x1xf32> -> vector<128x1xf32>
    %swap3A_869 = arith.constant 13 : index
    %swap3A_870 = arith.constant 0 : index
    %swap3A_871 = arith.constant 0 : index
    %swap3A_872 = vector.load %arg8[%swap3A_869, %swap3A_870, %swap3A_871] : memref<16x128x1xf32, #tpu.memory_space<vmem>>, vector<1x128x1xf32>
    %swap3A_873 = vector.shape_cast %swap3A_872 : vector<1x128x1xf32> to vector<128x1xf32>
    %swap3A_874 = vector.shape_cast %dot_general3A_868 : vector<128x1xf32> to vector<1x128x1xf32>
    tpu.vector_store %arg8[%swap3A_869, %swap3A_870, %swap3A_871], %swap3A_874 {strides = array<i32>} : memref<16x128x1xf32, #tpu.memory_space<vmem>>, vector<1x128x1xf32>,
    %mul3A_875 = arith.constant 16 : i32
    %mul3A_876 = arith.muli %arg0, %mul3A_875 : i32
    %add3A_877 = arith.constant 14 : i32
    %add3A_878 = arith.addi %mul3A_876, %add3A_877 : i32
    %get3A_879 = arith.index_cast %add3A_878 : i32 to index
    %get3A_880 = memref.load %arg1[%get3A_879] : memref<1024xi32, #tpu.memory_space<smem>>
    %get3A_881 = arith.index_cast %add3A_878 : i32 to index
    %get3A_882 = memref.load %arg2[%get3A_881] : memref<1024xi32, #tpu.memory_space<smem>>
    %convert_element_type3A_883 = arith.sitofp %get3A_882 : i32 to f32
    %eq3A_884 = vector.broadcast %get3A_880 : i32 to vector<1x200xi32>
    %eq3A_885 = arith.cmpi eq, %iota3A, %eq3A_884 : vector<1x200xi32>
    %jit3A_886 = arith.constant 0.000000e+00 : f32
    %broadcast_in_dim3A_887 = vector.broadcast %convert_element_type3A_883 : f32 to vector<1x200xf32>
    %broadcast_in_dim3A_888 = vector.broadcast %jit3A_886 : f32 to vector<1x200xf32>
    %select_n3A_889 = arith.select %eq3A_885, %broadcast_in_dim3A_887, %broadcast_in_dim3A_888 : vector<1x200xi1>, vector<1x200xf32>
    %swap3A_890 = arith.constant 14 : index
    %swap3A_891 = arith.constant 128 : index
    %swap3A_892 = arith.constant 0 : index
    %swap3A_893 = vector.load %arg5[%swap3A_890, %swap3A_891, %swap3A_892] : memref<16x129x200xf32, #tpu.memory_space<vmem>>, vector<1x1x200xf32>
    %swap3A_894 = vector.shape_cast %swap3A_893 : vector<1x1x200xf32> to vector<1x200xf32>
    %swap3A_895 = vector.shape_cast %select_n3A_889 : vector<1x200xf32> to vector<1x1x200xf32>
    tpu.vector_store %arg5[%swap3A_890, %swap3A_891, %swap3A_892], %swap3A_895 {strides = array<i32>} : memref<16x129x200xf32, #tpu.memory_space<vmem>>, vector<1x1x200xf32>,
    %jit3A_896 = arith.constant 0.000000e+00 : f32
    %jit3A_897 = arith.constant 0xFF800000 : f32
    %broadcast_in_dim3A_898 = vector.broadcast %jit3A_896 : f32 to vector<1x200xf32>
    %broadcast_in_dim3A_899 = vector.broadcast %jit3A_897 : f32 to vector<1x200xf32>
    %select_n3A_900 = arith.select %eq3A_885, %broadcast_in_dim3A_898, %broadcast_in_dim3A_899 : vector<1x200xi1>, vector<1x200xf32>
    %swap3A_901 = arith.constant 14 : index
    %swap3A_902 = arith.constant 128 : index
    %swap3A_903 = arith.constant 0 : index
    %swap3A_904 = vector.load %arg6[%swap3A_901, %swap3A_902, %swap3A_903] : memref<16x129x200xf32, #tpu.memory_space<vmem>>, vector<1x1x200xf32>
    %swap3A_905 = vector.shape_cast %swap3A_904 : vector<1x1x200xf32> to vector<1x200xf32>
    %swap3A_906 = vector.shape_cast %select_n3A_900 : vector<1x200xf32> to vector<1x1x200xf32>
    tpu.vector_store %arg6[%swap3A_901, %swap3A_902, %swap3A_903], %swap3A_906 {strides = array<i32>} : memref<16x129x200xf32, #tpu.memory_space<vmem>>, vector<1x1x200xf32>,
    %eq3A_907 = vector.broadcast %get3A_880 : i32 to vector<200x1xi32>
    %eq3A_908 = arith.cmpi eq, %iota3A_14, %eq3A_907 : vector<200x1xi32>
    %convert_element_type3A_909 = arith.extui %eq3A_908 : vector<200x1xi1> to vector<200x1xi32>
    %convert_element_type3A_910 = arith.sitofp %convert_element_type3A_909 : vector<200x1xi32> to vector<200x1xf32>
    %get3A_911 = arith.constant 14 : index
    %get3A_912 = arith.constant 0 : index
    %get3A_913 = arith.constant 0 : index
    %get3A_914 = vector.load %arg3[%get3A_911, %get3A_912, %get3A_913] : memref<16x128x200xf32, #tpu.memory_space<vmem>>, vector<1x128x200xf32>
    %get3A_915 = vector.shape_cast %get3A_914 : vector<1x128x200xf32> to vector<128x200xf32>
    %dot_general3A_916 = arith.constant dense<0.000000e+00> : vector<128x1xf32>
    %dot_general3A_917 = tpu.matmul %get3A_915, %convert_element_type3A_910, %dot_general3A_916 {dimension_numbers = #tpu.dot_dimension_numbers<[1], [0], [0], [1], [0, 0, 1, 1], [], []>, precision = #tpu.contract_precision<fp32>, transpose_lhs_hint = false} : vector<128x200xf32>, vector<200x1xf32>, vector<128x1xf32> -> vector<128x1xf32>
    %swap3A_918 = arith.constant 14 : index
    %swap3A_919 = arith.constant 0 : index
    %swap3A_920 = arith.constant 0 : index
    %swap3A_921 = vector.load %arg7[%swap3A_918, %swap3A_919, %swap3A_920] : memref<16x128x1xf32, #tpu.memory_space<vmem>>, vector<1x128x1xf32>
    %swap3A_922 = vector.shape_cast %swap3A_921 : vector<1x128x1xf32> to vector<128x1xf32>
    %swap3A_923 = vector.shape_cast %dot_general3A_917 : vector<128x1xf32> to vector<1x128x1xf32>
    tpu.vector_store %arg7[%swap3A_918, %swap3A_919, %swap3A_920], %swap3A_923 {strides = array<i32>} : memref<16x128x1xf32, #tpu.memory_space<vmem>>, vector<1x128x1xf32>,
    %get3A_924 = arith.constant 14 : index
    %get3A_925 = arith.constant 0 : index
    %get3A_926 = arith.constant 0 : index
    %get3A_927 = vector.load %arg4[%get3A_924, %get3A_925, %get3A_926] : memref<16x128x200xf32, #tpu.memory_space<vmem>>, vector<1x128x200xf32>
    %get3A_928 = vector.shape_cast %get3A_927 : vector<1x128x200xf32> to vector<128x200xf32>
    %dot_general3A_929 = arith.constant dense<0.000000e+00> : vector<128x1xf32>
    %dot_general3A_930 = tpu.matmul %get3A_928, %convert_element_type3A_910, %dot_general3A_929 {dimension_numbers = #tpu.dot_dimension_numbers<[1], [0], [0], [1], [0, 0, 1, 1], [], []>, precision = #tpu.contract_precision<fp32>, transpose_lhs_hint = false} : vector<128x200xf32>, vector<200x1xf32>, vector<128x1xf32> -> vector<128x1xf32>
    %swap3A_931 = arith.constant 14 : index
    %swap3A_932 = arith.constant 0 : index
    %swap3A_933 = arith.constant 0 : index
    %swap3A_934 = vector.load %arg8[%swap3A_931, %swap3A_932, %swap3A_933] : memref<16x128x1xf32, #tpu.memory_space<vmem>>, vector<1x128x1xf32>
    %swap3A_935 = vector.shape_cast %swap3A_934 : vector<1x128x1xf32> to vector<128x1xf32>
    %swap3A_936 = vector.shape_cast %dot_general3A_930 : vector<128x1xf32> to vector<1x128x1xf32>
    tpu.vector_store %arg8[%swap3A_931, %swap3A_932, %swap3A_933], %swap3A_936 {strides = array<i32>} : memref<16x128x1xf32, #tpu.memory_space<vmem>>, vector<1x128x1xf32>,
    %mul3A_937 = arith.constant 16 : i32
    %mul3A_938 = arith.muli %arg0, %mul3A_937 : i32
    %add3A_939 = arith.constant 15 : i32
    %add3A_940 = arith.addi %mul3A_938, %add3A_939 : i32
    %get3A_941 = arith.index_cast %add3A_940 : i32 to index
    %get3A_942 = memref.load %arg1[%get3A_941] : memref<1024xi32, #tpu.memory_space<smem>>
    %get3A_943 = arith.index_cast %add3A_940 : i32 to index
    %get3A_944 = memref.load %arg2[%get3A_943] : memref<1024xi32, #tpu.memory_space<smem>>
    %convert_element_type3A_945 = arith.sitofp %get3A_944 : i32 to f32
    %eq3A_946 = vector.broadcast %get3A_942 : i32 to vector<1x200xi32>
    %eq3A_947 = arith.cmpi eq, %iota3A, %eq3A_946 : vector<1x200xi32>
    %jit3A_948 = arith.constant 0.000000e+00 : f32
    %broadcast_in_dim3A_949 = vector.broadcast %convert_element_type3A_945 : f32 to vector<1x200xf32>
    %broadcast_in_dim3A_950 = vector.broadcast %jit3A_948 : f32 to vector<1x200xf32>
    %select_n3A_951 = arith.select %eq3A_947, %broadcast_in_dim3A_949, %broadcast_in_dim3A_950 : vector<1x200xi1>, vector<1x200xf32>
    %swap3A_952 = arith.constant 15 : index
    %swap3A_953 = arith.constant 128 : index
    %swap3A_954 = arith.constant 0 : index
    %swap3A_955 = vector.load %arg5[%swap3A_952, %swap3A_953, %swap3A_954] : memref<16x129x200xf32, #tpu.memory_space<vmem>>, vector<1x1x200xf32>
    %swap3A_956 = vector.shape_cast %swap3A_955 : vector<1x1x200xf32> to vector<1x200xf32>
    %swap3A_957 = vector.shape_cast %select_n3A_951 : vector<1x200xf32> to vector<1x1x200xf32>
    tpu.vector_store %arg5[%swap3A_952, %swap3A_953, %swap3A_954], %swap3A_957 {strides = array<i32>} : memref<16x129x200xf32, #tpu.memory_space<vmem>>, vector<1x1x200xf32>,
    %jit3A_958 = arith.constant 0.000000e+00 : f32
    %jit3A_959 = arith.constant 0xFF800000 : f32
    %broadcast_in_dim3A_960 = vector.broadcast %jit3A_958 : f32 to vector<1x200xf32>
    %broadcast_in_dim3A_961 = vector.broadcast %jit3A_959 : f32 to vector<1x200xf32>
    %select_n3A_962 = arith.select %eq3A_947, %broadcast_in_dim3A_960, %broadcast_in_dim3A_961 : vector<1x200xi1>, vector<1x200xf32>
    %swap3A_963 = arith.constant 15 : index
    %swap3A_964 = arith.constant 128 : index
    %swap3A_965 = arith.constant 0 : index
    %swap3A_966 = vector.load %arg6[%swap3A_963, %swap3A_964, %swap3A_965] : memref<16x129x200xf32, #tpu.memory_space<vmem>>, vector<1x1x200xf32>
    %swap3A_967 = vector.shape_cast %swap3A_966 : vector<1x1x200xf32> to vector<1x200xf32>
    %swap3A_968 = vector.shape_cast %select_n3A_962 : vector<1x200xf32> to vector<1x1x200xf32>
    tpu.vector_store %arg6[%swap3A_963, %swap3A_964, %swap3A_965], %swap3A_968 {strides = array<i32>} : memref<16x129x200xf32, #tpu.memory_space<vmem>>, vector<1x1x200xf32>,
    %eq3A_969 = vector.broadcast %get3A_942 : i32 to vector<200x1xi32>
    %eq3A_970 = arith.cmpi eq, %iota3A_14, %eq3A_969 : vector<200x1xi32>
    %convert_element_type3A_971 = arith.extui %eq3A_970 : vector<200x1xi1> to vector<200x1xi32>
    %convert_element_type3A_972 = arith.sitofp %convert_element_type3A_971 : vector<200x1xi32> to vector<200x1xf32>
    %get3A_973 = arith.constant 15 : index
    %get3A_974 = arith.constant 0 : index
    %get3A_975 = arith.constant 0 : index
    %get3A_976 = vector.load %arg3[%get3A_973, %get3A_974, %get3A_975] : memref<16x128x200xf32, #tpu.memory_space<vmem>>, vector<1x128x200xf32>
    %get3A_977 = vector.shape_cast %get3A_976 : vector<1x128x200xf32> to vector<128x200xf32>
    %dot_general3A_978 = arith.constant dense<0.000000e+00> : vector<128x1xf32>
    %dot_general3A_979 = tpu.matmul %get3A_977, %convert_element_type3A_972, %dot_general3A_978 {dimension_numbers = #tpu.dot_dimension_numbers<[1], [0], [0], [1], [0, 0, 1, 1], [], []>, precision = #tpu.contract_precision<fp32>, transpose_lhs_hint = false} : vector<128x200xf32>, vector<200x1xf32>, vector<128x1xf32> -> vector<128x1xf32>
    %swap3A_980 = arith.constant 15 : index
    %swap3A_981 = arith.constant 0 : index
    %swap3A_982 = arith.constant 0 : index
    %swap3A_983 = vector.load %arg7[%swap3A_980, %swap3A_981, %swap3A_982] : memref<16x128x1xf32, #tpu.memory_space<vmem>>, vector<1x128x1xf32>
    %swap3A_984 = vector.shape_cast %swap3A_983 : vector<1x128x1xf32> to vector<128x1xf32>
    %swap3A_985 = vector.shape_cast %dot_general3A_979 : vector<128x1xf32> to vector<1x128x1xf32>
    tpu.vector_store %arg7[%swap3A_980, %swap3A_981, %swap3A_982], %swap3A_985 {strides = array<i32>} : memref<16x128x1xf32, #tpu.memory_space<vmem>>, vector<1x128x1xf32>,
    %get3A_986 = arith.constant 15 : index
    %get3A_987 = arith.constant 0 : index
    %get3A_988 = arith.constant 0 : index
    %get3A_989 = vector.load %arg4[%get3A_986, %get3A_987, %get3A_988] : memref<16x128x200xf32, #tpu.memory_space<vmem>>, vector<1x128x200xf32>
    %get3A_990 = vector.shape_cast %get3A_989 : vector<1x128x200xf32> to vector<128x200xf32>
    %dot_general3A_991 = arith.constant dense<0.000000e+00> : vector<128x1xf32>
    %dot_general3A_992 = tpu.matmul %get3A_990, %convert_element_type3A_972, %dot_general3A_991 {dimension_numbers = #tpu.dot_dimension_numbers<[1], [0], [0], [1], [0, 0, 1, 1], [], []>, precision = #tpu.contract_precision<fp32>, transpose_lhs_hint = false} : vector<128x200xf32>, vector<200x1xf32>, vector<128x1xf32> -> vector<128x1xf32>
    %swap3A_993 = arith.constant 15 : index
    %swap3A_994 = arith.constant 0 : index
    %swap3A_995 = arith.constant 0 : index
    %swap3A_996 = vector.load %arg8[%swap3A_993, %swap3A_994, %swap3A_995] : memref<16x128x1xf32, #tpu.memory_space<vmem>>, vector<1x128x1xf32>
    %swap3A_997 = vector.shape_cast %swap3A_996 : vector<1x128x1xf32> to vector<128x1xf32>
    %swap3A_998 = vector.shape_cast %dot_general3A_992 : vector<128x1xf32> to vector<1x128x1xf32>
    tpu.vector_store %arg8[%swap3A_993, %swap3A_994, %swap3A_995], %swap3A_998 {strides = array<i32>} : memref<16x128x1xf32, #tpu.memory_space<vmem>>, vector<1x128x1xf32>,
    return
  }
  func.func @transform_0(%arg0: i32, %arg1: memref<1024xi32, #tpu.memory_space<smem>>, %arg2: memref<1024xi32, #tpu.memory_space<smem>>) -> (i32, i32, i32) {
    %c0_i32 = arith.constant 0 : i32
    %c0_i32_0 = arith.constant 0 : i32
    %c0_i32_1 = arith.constant 0 : i32
    return %arg0, %c0_i32, %c0_i32_0 : i32, i32, i32
  }
  func.func @transform_1(%arg0: i32, %arg1: memref<1024xi32, #tpu.memory_space<smem>>, %arg2: memref<1024xi32, #tpu.memory_space<smem>>) -> (i32, i32, i32) {
    %c0_i32 = arith.constant 0 : i32
    %c0_i32_0 = arith.constant 0 : i32
    %c0_i32_1 = arith.constant 0 : i32
    return %arg0, %c0_i32, %c0_i32_0 : i32, i32, i32
  }
  func.func @transform_2(%arg0: i32, %arg1: memref<1024xi32, #tpu.memory_space<smem>>, %arg2: memref<1024xi32, #tpu.memory_space<smem>>) -> (i32, i32, i32) {
    %c0_i32 = arith.constant 0 : i32
    %c0_i32_0 = arith.constant 0 : i32
    %c0_i32_1 = arith.constant 0 : i32
    return %arg0, %c0_i32, %c0_i32_0 : i32, i32, i32
  }
  func.func @transform_3(%arg0: i32, %arg1: memref<1024xi32, #tpu.memory_space<smem>>, %arg2: memref<1024xi32, #tpu.memory_space<smem>>) -> (i32, i32, i32) {
    %c0_i32 = arith.constant 0 : i32
    %c0_i32_0 = arith.constant 0 : i32
    %c0_i32_1 = arith.constant 0 : i32
    return %arg0, %c0_i32, %c0_i32_0 : i32, i32, i32
  }
  func.func @transform_4(%arg0: i32, %arg1: memref<1024xi32, #tpu.memory_space<smem>>, %arg2: memref<1024xi32, #tpu.memory_space<smem>>) -> (i32, i32, i32) {
    %c0_i32 = arith.constant 0 : i32
    %c0_i32_0 = arith.constant 0 : i32
    %c0_i32_1 = arith.constant 0 : i32
    return %arg0, %c0_i32, %c0_i32_0 : i32, i32, i32
  }
  func.func @transform_5(%arg0: i32, %arg1: memref<1024xi32, #tpu.memory_space<smem>>, %arg2: memref<1024xi32, #tpu.memory_space<smem>>) -> (i32, i32, i32) {
    %c0_i32 = arith.constant 0 : i32
    %c0_i32_0 = arith.constant 0 : i32
    %c0_i32_1 = arith.constant 0 : i32
    return %arg0, %c0_i32, %c0_i32_0 : i32, i32, i32
  }
}

</mosaic_0001>

<sc_bundles>
// kernel: kernel.4.cloned.1.call-start
scs
__scs_entry_jumppad:
0x0: {  	(pc) =	sbr.rel $0x88, $3  }
0x1: {  	(tag) =	ssettag $0x0;
	lr =	simm.s32 $0x1  }
0x2: {  	[smem:$0x3F9A] =	sst lr;
	_ =	strace $0xD0000000  }
0x3: {  	_ = 	snop  }
0x4: {  	_ = 	snop  }
0x5: {  	_ = 	snop  }
0x6: {  	_ = 	snop  }
0x7: {  	_ = 	snop  }
__scs_overlays_trampoline_lowered:
0x8: {  	[smem:$0x3FA9] =	sst s0  }
0x9: {  	[smem:$0x3FAA] =	sst s1  }
0xa: {  	[smem:$0x3FAB] =	sst s2  }
0xb: {  	[smem:$0x3FAC] =	sst s3  }
0xc: {  	[smem:$0x3FAD] =	sst s4  }
0xd: {  	[smem:$0x3FAE] =	sst s5  }
0xe: {  	[smem:$0x3FAF] =	sst s6  }
0xf: {  	[smem:$0x3FB0] =	sst s7  }
0x10: {  	[smem:$0x3FB1] =	sst s8  }
0x11: {  	[smem:$0x3FB2] =	sst s9;
	s0 =	simm.s32 @!p0 $0x0  }
0x12: {  	s1 =	sld [smem:$0x3F98];
	s0 =	simm.s32 @p0 $0x1  }
0x13: {  	[smem:$0x3FB3] =	sst s0;
	s0 =	simm.s32 @!p1 $0x0  }
0x14: {  	s2 =	sld [smem:$0x3F97];
	s0 =	simm.s32 @p1 $0x1  }
0x15: {  	[smem:$0x3FB4] =	sst s0;
	s0 =	simm.s32 @!p2 $0x0  }
0x16: {  	s3 =	sld [smem:$0x3FDB];
	s0 =	simm.s32 @p2 $0x1  }
0x17: {  	s4 =	simm.s32 $0x1BF5;
	[smem:$0x3FB6] =	sst s0  }
0x18: {  	s0 =	sld [smem:$0x3F99];
	_ =	swait.ge [sflag:s4], $0x0  }
0x19: {  	s7 =	sld [smem:$0x3F9A]  }
0x1a: {  	s8 =	sadd.s32 $0xFFFFE003, lr  }
0x1b: {  	s9 =	sadd.s32 $0xFFFFFEF7, lr;
	s5 =	simm.s32 $0xFFFFFFFF;
	p2 =	slt.u32 s8, $0xFFFFF086  }
0x1c: {  	p1 =	slt.u32 s9, $0xF7A;
	s5 =	simm.s32 @!p2 $0x0  }
0x1d: {  	s5 =	simm.s32 @p1 $0x1;
	p0 =	seq.s32 s7, s2  }
0x1e: {  	s7 =	smul.u32 @!p0 $0xF7A, s2;
	p2 =	seq.s32 @!p0 s5, $0x0  }
0x1f: {  	s9 =	smul.u32 $0xF7A, s1;
	s8 =	simm.s32 @!p0 $0x1BF5;
	p2 =	por !p2, p0  }
0x20: {  	[sflag:s8] =	ssyncset.s32 @!p0 $0xFFFFF086;
	s6 =	sadd.s32 @!p0 s3, s7;
	s7 =	simm.s32 @!p0 $0x108  }
0x21: {  	s3 =	sadd.s32 s3, s9;
	s6 =	sadd.s32 @!p0 $0x88, s6;
	s7 =	simm.s32 @p2 $0x1082  }
0x22: {  	[simem:s7], [sflag:s8] =	dma.local @!p0 [hbm:s6], $0xF7A  }
0x23: {  	s9 =	sor.u32 $0xD0000000, s2;
	s6 =	simm.s32 $0x108;
	_ =	swait.ge @!p0 [sflag:s8], $0x0  }
0x24: {  	s3 =	sadd.s32 $0x88, s3;
	s6 =	simm.s32 @!p1 $0x1082;
	[sflag:s4] =	ssyncset.s32 $0xFFFFF086  }
0x25: {  	[simem:s6], [sflag:s4] =	dma.local [hbm:s3], $0xF7A  }
0x26: {  	[smem:$0x3F9A] =	sst s1;
	(tag) =	ssettag s2;
	_ =	strace s9  }
0x27: {  	s1 =	sld [smem:$0x3FAA]  }
0x28: {  	s2 =	sld [smem:$0x3FAB]  }
0x29: {  	s4 =	sld [smem:$0x3FAD]  }
0x2a: {  	p0 =	seq.s32 s5, $0x0;
	s5 =	sld [smem:$0x3FAE]  }
0x2b: {  	s6 =	sld [smem:$0x3FAF]  }
0x2c: {  	s7 =	sld [smem:$0x3FB0]  }
0x2d: {  	s3 =	simm.s32 $0x108;
	s8 =	sld [smem:$0x3FB1]  }
0x2e: {  	s3 =	simm.s32 @!p0 $0x1082;
	s9 =	sld [smem:$0x3FB2]  }
0x2f: {  	lr =	sadd.s32 s0, s3;
	s0 =	sld [smem:$0x3FA9]  }
0x30: {  	s3 =	sld [smem:$0x3FAC]  }
0x31: {  	[smem:$0x3FB5] =	sst s10  }
0x32: {  	s10 =	sld [smem:$0x3FB3];
	_ =	sdelay $0x3  }
0x33: {  	p0 =	seq.s32 s10, $0x1;
	s10 =	sld [smem:$0x3FB5];
	_ =	sdelay $0x3  }
0x34: {  	[smem:$0x3FB5] =	sst s10  }
0x35: {  	s10 =	sld [smem:$0x3FB4];
	_ =	sdelay $0x3  }
0x36: {  	p1 =	seq.s32 s10, $0x1;
	s10 =	sld [smem:$0x3FB5];
	_ =	sdelay $0x3  }
0x37: {  	[smem:$0x3FB5] =	sst s10  }
0x38: {  	s10 =	sld [smem:$0x3FB6]  }
0x39: {  	_ = 	snop;
	(pc) =	sbr.ind lr, $3  }
0x3a: {  	_ = 	snop  }
0x3b: {  	_ = 	snop  }
0x3c: {  	p2 =	seq.s32 s10, $0x1;
	s10 =	sld [smem:$0x3FB5]  }
0x3d: {  	_ =	shalt  }
0x3e: {  	_ =	shalt  }
0x3f: {  	_ =	shalt  }
0x40: {  	_ =	shalt  }
0x41: {  	_ =	shalt  }
0x42: {  	_ =	shalt  }
0x43: {  	_ =	shalt  }
0x44: {  	_ =	shalt  }
0x45: {  	_ =	shalt  }
0x46: {  	_ =	shalt  }
0x47: {  	_ =	shalt  }
0x48: {  	_ =	shalt  }
0x49: {  	_ =	shalt  }
0x4a: {  	_ =	shalt  }
0x4b: {  	_ =	shalt  }
0x4c: {  	_ =	shalt  }
0x4d: {  	_ =	shalt  }
0x4e: {  	_ =	shalt  }
0x4f: {  	_ =	shalt  }
0x50: {  	_ =	shalt  }
0x51: {  	_ =	shalt  }
0x52: {  	_ =	shalt  }
0x53: {  	_ =	shalt  }
0x54: {  	_ =	shalt  }
0x55: {  	_ =	shalt  }
0x56: {  	_ =	shalt  }
0x57: {  	_ =	shalt  }
0x58: {  	_ =	shalt  }
0x59: {  	_ =	shalt  }
0x5a: {  	_ =	shalt  }
0x5b: {  	_ =	shalt  }
0x5c: {  	_ =	shalt  }
0x5d: {  	_ =	shalt  }
0x5e: {  	_ =	shalt  }
0x5f: {  	_ =	shalt  }
0x60: {  	_ =	shalt  }
0x61: {  	_ =	shalt  }
0x62: {  	_ =	shalt  }
0x63: {  	_ =	shalt  }
0x64: {  	_ =	shalt  }
0x65: {  	_ =	shalt  }
0x66: {  	_ =	shalt  }
0x67: {  	_ =	shalt  }
0x68: {  	_ =	shalt  }
0x69: {  	_ =	shalt  }
0x6a: {  	_ =	shalt  }
0x6b: {  	_ =	shalt  }
0x6c: {  	_ =	shalt  }
0x6d: {  	_ =	shalt  }
0x6e: {  	_ =	shalt  }
0x6f: {  	_ =	shalt  }
0x70: {  	_ =	shalt  }
0x71: {  	_ =	shalt  }
0x72: {  	_ =	shalt  }
0x73: {  	_ =	shalt  }
0x74: {  	_ =	shalt  }
0x75: {  	_ =	shalt  }
0x76: {  	_ =	shalt  }
0x77: {  	_ =	shalt  }
0x78: {  	_ =	shalt  }
0x79: {  	_ =	shalt  }
0x7a: {  	_ =	shalt  }
0x7b: {  	_ =	shalt  }
0x7c: {  	_ =	shalt  }
0x7d: {  	_ =	shalt  }
0x7e: {  	_ =	shalt  }
0x7f: {  	_ =	shalt  }
0x80: {  	_ =	shalt  }
0x81: {  	_ =	shalt  }
0x82: {  	_ =	shalt  }
0x83: {  	_ =	shalt  }
0x84: {  	_ =	shalt  }
0x85: {  	_ =	shalt  }
0x86: {  	_ =	shalt  }
0x87: {  	_ =	shalt  }
.Lfunc_end0:
.L_simem_size_0:
called_computation_lowered:
.L_overlay_start_0:
0x88: {  	s2 =	sld [smem:$0x3FD9]  }
0x89: {  	s3 =	sld [smem:$0x3FFE];
	_ =	sdelay $0x1  }
0x8a: {  	s1 =	srdreg.scid  }
0x8b: {  	s0 =	sand.u32 $0x1, s1  }
0x8c: {  	s14 =	sshll.u32 s0, $0xA;
	s2 =	sadd.s32 s3, s2  }
0x8d: {  	s2 =	sadd.s32 s2, s14  }
0x8e: {  	[smem:$0x3FC1] =	sst s2  }
0x8f: {  	_ = 	snop  }
0x90: {  	s2 =	sld [smem:$0x3FD0];
	_ =	sdelay $0x1  }
0x91: {  	s15 =	sld [smem:$0x3FC8]  }
0x92: {  	s5 =	simm.s32 $0xA;
	s6 =	simm.s32 $0x10;
	s4 =	sld [smem:$0x3FC4]  }
0x93: {  	[smem:s6], [sflag:s5] =	dma.local [hbm:s2], $0x1  }
0x94: {  	_ =	swait.eq [sflag:s5], $0x1  }
0x95: {  	[sflag:s5] =	ssyncset.done $0x0  }
0x96: {  	[sflag:s5] =	ssyncadd.s32 $0xFFFFFFFF  }
0x97: {  	s16 =	sld [smem:$0x11];
	(tm) =	ssettm $0x1  }
0x98: {  	s17 =	sld [smem:$0x3FFB];
	_ =	sdelay $0x3  }
0x99: {  	_ =	strace s17  }
0x9a: {  	s5 =	sld [smem:$0x3FFC];
	_ =	sdelay $0x3  }
0x9b: {  	_ =	strace s5  }
0x9c: {  	s5 =	sld [smem:$0x3FFD];
	_ =	sdelay $0x3  }
0x9d: {  	_ =	strace s5  }
0x9e: {  	_ =	strace $0x8FFFFFFF  }
0x9f: {  	s18 =	sld [smem:$0x3FDB];
	_ =	sdelay $0x1  }
0xa0: {  	s19 =	simm.s32 $_scs_section_size  }
0xa1: {  	s7 =	simm.s32 $_size__tile_overlayer_lowered;
	s8 =	simm.s32 $_tile_overlayer_lowered  }
0xa2: {  	s22 =	simm.s32 $0x1BFF;
	s21 =	sshll.u32 s8, $0x1;
	s5 =	sadd.s32 s19, s18  }
0xa3: {  	s9 =	simm.s32 $0x0;
	s20 =	sshll.u32 s7, $0x1;
	s7 =	sadd.s32 s21, s5  }
0xa4: {  	[timem:s9], [sflag:s22] =	dma.local [hbm:s7], s20  }
0xa5: {  	_ =	swait.ge [sflag:s22], s20  }
0xa6: {  	s6 =	ssub.s32 $0x0, s20;
	[sflag:s22] =	ssyncset.done $0x0  }
0xa7: {  	[sflag:s22] =	ssyncadd.s32 s6;
	_ =	sdelay $0x1  }
0xa8: {  	s23 =	simm.s32 $0x1B8B  }
0xa9: {  	_ =	swait.ge [sflag:s23], $0x1  }
0xaa: {  	[sflag:s23] =	ssyncset.done $0x0  }
0xab: {  	s25 =	simm.s32 $0x1B8E;
	s24 =	sld [smem:$0x3FFE];
	[sflag:s23] =	ssyncadd.s32 $0xFFFFFFFF  }
0xac: {  	s26 =	simm.s32 $execute0_lowered;
	[smem:$0x3FD2] =	sst s25  }
0xad: {  	s7 =	sshll.u32 s26, $0x1;
	_ =	strace $0x80000046;
	[dreg:$0x1] =	wrdreg $0xFFFFFFFF  }
0xae: {  	s28 =	simm.s32 $_size_execute0_lowered;
	s5 =	sadd.s32 s5, s7;
	[dreg:$0x0] =	wrdreg $0x0  }
0xaf: {  	s7 =	sshll.u32 s28, $0x1;
	[dreg:$0x2] =	wrdreg s5  }
0xb0: {  	[dreg:$0x3] =	wrdreg s7  }
0xb1: {  	[dreg:$0x4] =	wrdreg $0xC0  }
0xb2: {  	_ =	task [dreg:s9], $0x5FFFF  }
0xb3: {  	[dreg:$0x1] =	wrdreg $0xFFFFFFFF  }
0xb4: {  	[dreg:$0x0] =	wrdreg $0x60  }
0xb5: {  	[dreg:$0x2] =	wrdreg s4  }
0xb6: {  	[dreg:$0x3] =	wrdreg s24  }
0xb7: {  	[dreg:$0x4] =	wrdreg s15  }
0xb8: {  	[dreg:$0x5] =	wrdreg s16  }
0xb9: {  	[dreg:$0x6] =	wrdreg $0x9  }
0xba: {  	_ =	task.clear_ibuf [dreg:s9], $0x7FFFF;
	_ =	strace $0x90000046  }
0xbb: {  	s29 =	simm.s32 $0x9;
	_ =	strace $0x80000048  }
0xbc: {  	_ =	swait.ge [sflag:s29], $0x1  }
0xbd: {  	[sflag:s29] =	ssyncadd.s32 $0xFFFFFFFF  }
0xbe: {  	_ =	strace $0x90000048  }
0xbf: {  	_ =	sfence  }
0xc0: {  	s30 =	sld [smem:$0x0];
	_ =	sdelay $0x2  }
0xc1: {  	s31 =	sshll.u32 s1, $0xD;
	s1 =	sshrl.u32 s1, $0x2  }
0xc2: {  	s3 =	sand.u32 $0x4000, s31;
	s1 =	sadd.s32 s1, s30  }
0xc3: {  	s0 =	sor.u32 s3, s0;
	s1 =	sshll.u32 s1, $0x11  }
0xc4: {  	s0 =	sor.u32 s1, s0  }
0xc5: {  	s0 =	sadd.s32 $0x8F2B, s0  }
0xc6: {  	[sflag:s0] =	ssyncadd.remote.s32 $0x1  }
0xc7: {  	_ =	sfence.sel $0xFFFF  }
0xc8: {  	[dreg:$0x0] =	wrdreg $0xFFFFFFFF;
	(pc) =	sbr.abs _section_cstart, $3  }
0xc9: {  	[dreg:$0x1] =	wrdreg $0xFFFFFFFF  }
0xca: {  	_ =	task.clear_ibuf [dreg:s9], $0x2FFFF;
	_ =	strace $0x9FFFFFFF  }
0xcb: {  	(tm) =	ssettm $0x7FFFFFFF  }
tec
execute0_lowered:
.L_overlay_start_1:
0x0: {  	(tag) =	ssettag $0x1  }
0x1: {  	s6 =	rddreg [dreg:$0x0]  }
0x2: {  	s4 =	rddreg [dreg:$0x1]  }
0x3: {  	s0 =	rddreg [dreg:$0x2]  }
0x4: {  	s7 =	rddreg [dreg:$0x3]  }
0x5: {  	s14 =	rddreg [dreg:$0x4]  }
0x6: {  	s2 =	simm.s32 $0x0;
	[dreg:$0x5] =	wrdreg s0  }
0x7: {  	s12 =	simm.s32 $0x20;
	[smem:$0x7FF] =	sst s2  }
0x8: {  	s13 =	simm.s32 $0x80;
	_ =	strace $0x80000047;
	[dreg:$0xa] =	wrdreg s12  }
0x9: {  	s15 =	simm.s32 $0x180;
	[dreg:$0xb] =	wrdreg s13  }
0xa: {  	s16 =	simm.s32 $0x2180;
	[dreg:$0xc] =	wrdreg s15  }
0xb: {  	s17 =	simm.s32 $0x200;
	[dreg:$0xd] =	wrdreg s16  }
0xc: {  	s18 =	simm.s32 $0x2200;
	[dreg:$0xe] =	wrdreg s17  }
0xd: {  	s19 =	simm.s32 $0x280;
	[dreg:$0xf] =	wrdreg s18  }
0xe: {  	s20 =	simm.s32 $0x2280;
	[dreg:$0x10] =	wrdreg s19  }
0xf: {  	s21 =	simm.s32 $0x300;
	[dreg:$0x11] =	wrdreg s20  }
0x10: {  	s22 =	simm.s32 $0x2300;
	[dreg:$0x12] =	wrdreg s21  }
0x11: {  	s23 =	simm.s32 $0x380;
	[dreg:$0x13] =	wrdreg s22  }
0x12: {  	s24 =	simm.s32 $0x2380;
	[dreg:$0x14] =	wrdreg s23  }
0x13: {  	s25 =	simm.s32 $0x400;
	[dreg:$0x15] =	wrdreg s24  }
0x14: {  	s26 =	simm.s32 $0x2400;
	[dreg:$0x16] =	wrdreg s25  }
0x15: {  	s28 =	simm.s32 $0x480;
	[dreg:$0x17] =	wrdreg s26  }
0x16: {  	s29 =	simm.s32 $0x2480;
	[dreg:$0x18] =	wrdreg s28  }
0x17: {  	s30 =	simm.s32 $0x500;
	[dreg:$0x19] =	wrdreg s29  }
0x18: {  	s31 =	simm.s32 $0x2500;
	[dreg:$0x1a] =	wrdreg s30  }
0x19: {  	[dreg:$0x1b] =	wrdreg s31;
	s12 =	simm.s32 $0x700  }
0x1a: {  	s13 =	simm.s32 $0x2700;
	[smem:$0x7D6] =	sst s12  }
0x1b: {  	s15 =	simm.s32 $0x780;
	[smem:$0x7D7] =	sst s13  }
0x1c: {  	s16 =	simm.s32 $0x2780;
	[smem:$0x7D8] =	sst s15  }
0x1d: {  	s17 =	simm.s32 $0x800;
	[smem:$0x7D9] =	sst s16  }
0x1e: {  	s18 =	simm.s32 $0x2800;
	[smem:$0x7DA] =	sst s17  }
0x1f: {  	s19 =	simm.s32 $0x880;
	[smem:$0x7DB] =	sst s18  }
0x20: {  	s20 =	simm.s32 $0x2880;
	[smem:$0x7DC] =	sst s19  }
0x21: {  	s21 =	simm.s32 $0x900;
	[smem:$0x7DD] =	sst s20  }
0x22: {  	s22 =	simm.s32 $0x2900;
	[smem:$0x7DE] =	sst s21  }
0x23: {  	s23 =	simm.s32 $0x980;
	[smem:$0x7DF] =	sst s22  }
0x24: {  	s24 =	simm.s32 $0x2980;
	[smem:$0x7E0] =	sst s23  }
0x25: {  	s25 =	simm.s32 $0xA00;
	[smem:$0x7E1] =	sst s24  }
0x26: {  	s26 =	simm.s32 $0x2A00;
	[smem:$0x7E2] =	sst s25  }
0x27: {  	s28 =	simm.s32 $0xA80;
	[smem:$0x7E3] =	sst s26  }
0x28: {  	s29 =	simm.s32 $0x2A80;
	[smem:$0x7E4] =	sst s28  }
0x29: {  	s30 =	simm.s32 $0xB00;
	[smem:$0x7E5] =	sst s29  }
0x2a: {  	s31 =	simm.s32 $0x2B00;
	[smem:$0x7E6] =	sst s30  }
0x2b: {  	[smem:$0x7E7] =	sst s31;
	s12 =	simm.s32 $0xD00  }
0x2c: {  	s13 =	simm.s32 $0x2D00;
	[smem:$0x7EE] =	sst s12  }
0x2d: {  	s15 =	simm.s32 $0xD80;
	[smem:$0x7EF] =	sst s13  }
0x2e: {  	s16 =	simm.s32 $0x2D80;
	[smem:$0x7F0] =	sst s15  }
0x2f: {  	s17 =	simm.s32 $0xE00;
	[smem:$0x7F1] =	sst s16  }
0x30: {  	s18 =	simm.s32 $0x2E00;
	[smem:$0x7F2] =	sst s17  }
0x31: {  	s19 =	simm.s32 $0xE80;
	[smem:$0x7F3] =	sst s18  }
0x32: {  	s20 =	simm.s32 $0x2E80;
	[smem:$0x7F4] =	sst s19  }
0x33: {  	s22 =	simm.s32 $0xF00;
	[smem:$0x7F5] =	sst s20  }
0x34: {  	s1 =	srdreg.scid;
	s23 =	simm.s32 $0x2F00;
	[smem:$0x7F6] =	sst s22  }
0x35: {  	s0 =	stileid.u32;
	s25 =	simm.s32 $0xF80;
	[smem:$0x7F7] =	sst s23  }
0x36: {  	s5 =	sand.u32 $0x1, s1;
	s26 =	simm.s32 $0x2F80;
	[smem:$0x7F8] =	sst s25  }
0x37: {  	s3 =	sshll.u32 s0, $0x6;
	s28 =	simm.s32 $0x1000;
	[smem:$0x7F9] =	sst s26  }
0x38: {  	s8 =	sshll.u32 s5, $0x5;
	s29 =	simm.s32 $0x3000;
	[smem:$0x7FA] =	sst s28  }
0x39: {  	s3 =	sor.u32 s8, s3;
	s30 =	simm.s32 $0x1080;
	[smem:$0x7FB] =	sst s29  }
0x3a: {  	s31 =	simm.s32 $0x3080;
	s9 =	sshrl.u32 s3, $0x3;
	[smem:$0x7FC] =	sst s30  }
0x3b: {  	s8 =	sshll.u32 s3, $0x4;
	[smem:$0x7FD] =	sst s31;
	s6 =	sadd.s32 s6, s9  }
0x3c: {  	s9 =	sadd.s32 s7, s8;
	[dreg:$0x6] =	wrdreg s6  }
0x3d: {  	s7 =	simm.s32 $0x2580;
	[dreg:$0x8] =	wrdreg s9  }
0x3e: {  	s10 =	sadd.s32 s8, s4;
	s8 =	simm.s32 $0x600;
	[dreg:$0x1d] =	wrdreg s7  }
0x3f: {  	p0 =	por $0x0, $0x0;
	s1 =	sadd.s32 $0x640E00, s10;
	[dreg:$0x1e] =	wrdreg s8  }
0x40: {  	s5 =	ssub.s32 $0x2, s5;
	s11 =	sadd.s32 $0x644E00, s10;
	[dreg:$0x7] =	wrdreg s1  }
0x41: {  	s21 =	sshrl.u32 s5, $0x1;
	s9 =	simm.s32 $0x2600;
	[dreg:$0x9] =	wrdreg s11  }
0x42: {  	s5 =	ssub.s32 s5, s21;
	s10 =	simm.s32 $0x680;
	[dreg:$0x1f] =	wrdreg s9  }
0x43: {  	s24 =	sor.u32 $0x10, s3;
	s7 =	simm.s32 $0x2B80;
	[smem:$0x7D4] =	sst s10  }
0x44: {  	v0 =	vmov s3;
	s3 =	simm.s32 $0x3;
	s11 =	simm.s32 $0x2680;
	[smem:$0x7E9] =	sst s7  }
0x45: {  	s8 =	simm.s32 $0xC00;
	[smem:$0x7D5] =	sst s11;
	s11 =	simm.s32 $0x2C80  }
0x46: {  	s6 =	simm.s32 $0x100;
	[smem:$0x7ED] =	sst s11;
	s11 =	smax.u32 s5, $0x1  }
0x47: {  	v1 =	vmov s24;
	s1 =	simm.s32 $0x580;
	[smem:$0x7EA] =	sst s8;
	p1 =	sne.s32 s11, $0x1  }
.Ltmp0:
0x48: {  	v0 =	vmul.u32 $0xC8, v0;
	v1 =	vmul.u32 $0xC8, v1;
	s9 =	simm.s32 $0x2C00;
	[dreg:$0x1c] =	wrdreg s1;
	(pc) =	sbr.rel @!p1 .LBB2_5-.Ltmp0, $4  }
0x49: {  	v2 =	vlaneseq.u32;
	s10 =	simm.s32 $0xC80;
	s8 =	sadd.s32 $0xE00, s4;
	[smem:$0x7EB] =	sst s9  }
0x4a: {  	v2 =	vmul.u32 $0xC8, v2;
	v0 =	vbroadcast v0, $0x0;
	s7 =	simm.s32 $0x2;
	s1 =	simm.s32 $0xB80;
	[smem:$0x7EC] =	sst s10;
	v3 =	vbroadcast v1, $0x0  }
0x4b: {  	s9 =	sadd.s32 $0x320E00, s4;
	s4 =	simm.s32 $0x1100;
	s10 =	simm.s32 $0x1  }
0x4c: {  	[smem:$0x7E8] =	sst s1;
	s5 =	simm.s32 $0x2100;
	v1 =	vadd.s32 v2, v0;
	v0 =	vadd.s32 v2, v3;
	s11 =	sadd.s32 $0xFFFFFFFF, s11  }
0x4d: {  	s12 =	rddreg [dreg:$0x6]  }
0x4e: {  	[tilespmem:s2], [sflag:$0x3] =	stream.linear.gather [hbm4b:s12+s2], $0x20, $0x38;
	[tilespmem:$0x3100] =	vst v63  }
0x4f: {  	_ =	swait.ge [sflag:s3], $0x20  }
0x50: {  	[sflag:s3] =	ssyncset.done $0x0  }
0x51: {  	[sflag:s3] =	ssyncadd.s32 $0xFFFFFFE0  }
0x52: {  	v2 =	vld [tilespmem:$0x0]  }
0x53: {  	v3 =	vld [tilespmem:$0x10];
	_ =	sdelay $0x3  }
0x54: {  	s1 =	rddreg [dreg:$0xb];
	v2 =	vadd.s32 v2, v1  }
0x55: {  	s13 =	rddreg [dreg:$0xa];
	[tilespmem:$0x80] =	vst v2;
	v2 =	vadd.s32 v3, v0  }
0x56: {  	s14 =	rddreg [dreg:$0x5];
	[tilespmem:$0x90] =	vst v2  }
0x57: {  	[tilespmem:s4], [sflag:$0x1] =	stream.indirect.gather [hbm4b:s14+s13], $0x80, s1, s13, $0xb8;
	[tilespmem:$0x3100] =	vst v63  }
0x58: {  	v2 =	vld [tilespmem:$0x80];
	_ =	sdelay $0x4  }
0x59: {  	v2 =	vshll.u32 v2, $0x4  }
0x5a: {  	(v2sf) =	vpush v2, $0x0;
	_ =	sdelay $0x1  }
0x5b: {  	(v2sf) =	vpush v2, $0x1;
	_ =	sdelay $0x3  }
0x5c: {  	(v2sf) =	vpush v2, $0x2;
	_ =	sdelay $0x3  }
0x5d: {  	(v2sf) =	vpush v2, $0x3;
	_ =	sdelay $0x4  }
0x5e: {  	s15 =	spop (v2sf)  }
0x5f: {  	(v2sf) =	vpush v2, $0x4;
	s12 =	sand.u32 $0x1FFFFFF0, s15  }
0x60: {  	s16 =	spop (v2sf);
	s17 =	sadd.s32 s8, s12  }
0x61: {  	[tilespmem:s6], [sflag:$0x2] =	stream.linear.gather [hbm4b:s17+s2], $0x80, $0x38;
	[tilespmem:$0x3100] =	vst v63  }
0x62: {  	(v2sf) =	vpush v2, $0x5;
	s12 =	sadd.s32 s9, s12;
	s13 =	sand.u32 $0x1FFFFFF0, s16  }
0x63: {  	[tilespmem:s5], [sflag:$0x2] =	stream.linear.gather [hbm4b:s12+s2], $0x80, $0x38;
	[tilespmem:$0x3100] =	vst v63  }
0x64: {  	s18 =	rddreg [dreg:$0xc];
	s20 =	spop (v2sf);
	s19 =	sadd.s32 s8, s13  }
0x65: {  	[tilespmem:s18], [sflag:$0x2] =	stream.linear.gather [hbm4b:s19+s2], $0x80, $0x38;
	[tilespmem:$0x3100] =	vst v63  }
0x66: {  	s15 =	rddreg [dreg:$0xd];
	(v2sf) =	vpush v2, $0x6;
	s13 =	sadd.s32 s9, s13;
	s12 =	sand.u32 $0x1FFFFFF0, s20  }
0x67: {  	[tilespmem:s15], [sflag:$0x2] =	stream.linear.gather [hbm4b:s13+s2], $0x80, $0x38;
	[tilespmem:$0x3100] =	vst v63  }
0x68: {  	s21 =	rddreg [dreg:$0xe];
	s24 =	spop (v2sf);
	s23 =	sadd.s32 s8, s12  }
0x69: {  	[tilespmem:s21], [sflag:$0x2] =	stream.linear.gather [hbm4b:s23+s2], $0x80, $0x38;
	[tilespmem:$0x3100] =	vst v63  }
0x6a: {  	s22 =	rddreg [dreg:$0xf];
	(v2sf) =	vpush v2, $0x7;
	s14 =	sand.u32 $0x1FFFFFF0, s24;
	s12 =	sadd.s32 s9, s12  }
0x6b: {  	[tilespmem:s22], [sflag:$0x2] =	stream.linear.gather [hbm4b:s12+s2], $0x80, $0x38;
	[tilespmem:$0x3100] =	vst v63  }
0x6c: {  	s25 =	rddreg [dreg:$0x10];
	s28 =	sadd.s32 s8, s14  }
0x6d: {  	[tilespmem:s25], [sflag:$0x2] =	stream.linear.gather [hbm4b:s28+s2], $0x80, $0x38;
	[tilespmem:$0x3100] =	vst v63  }
0x6e: {  	s26 =	rddreg [dreg:$0x11];
	s29 =	spop (v2sf);
	(v2sf) =	vpush v2, $0x8  }
0x6f: {  	s30 =	rddreg [dreg:$0x12];
	s14 =	sadd.s32 s9, s14;
	s13 =	sand.u32 $0x1FFFFFF0, s29  }
0x70: {  	[tilespmem:s26], [sflag:$0x2] =	stream.linear.gather [hbm4b:s14+s2], $0x80, $0x38;
	[tilespmem:$0x3100] =	vst v63  }
0x71: {  	s31 =	rddreg [dreg:$0x13];
	s16 =	spop (v2sf);
	s1 =	sadd.s32 s8, s13  }
0x72: {  	(v2sf) =	vpush v2, $0x9;
	[tilespmem:s30], [sflag:$0x2] =	stream.linear.gather [hbm4b:s1+s2], $0x80, $0x38;
	[tilespmem:$0x3100] =	vst v63  }
0x73: {  	s17 =	rddreg [dreg:$0x14];
	s14 =	sand.u32 $0x1FFFFFF0, s16;
	s13 =	sadd.s32 s9, s13  }
0x74: {  	[tilespmem:s31], [sflag:$0x2] =	stream.linear.gather [hbm4b:s13+s2], $0x80, $0x38;
	[tilespmem:$0x3100] =	vst v63  }
0x75: {  	s18 =	rddreg [dreg:$0x15];
	s20 =	spop (v2sf);
	s19 =	sadd.s32 s8, s14  }
0x76: {  	(v2sf) =	vpush v2, $0xA;
	[tilespmem:s17], [sflag:$0x2] =	stream.linear.gather [hbm4b:s19+s2], $0x80, $0x38;
	[tilespmem:$0x3100] =	vst v63  }
0x77: {  	s21 =	rddreg [dreg:$0x16];
	s14 =	sadd.s32 s9, s14;
	s13 =	sand.u32 $0x1FFFFFF0, s20  }
0x78: {  	[tilespmem:s18], [sflag:$0x2] =	stream.linear.gather [hbm4b:s14+s2], $0x80, $0x38;
	[tilespmem:$0x3100] =	vst v63  }
0x79: {  	s22 =	rddreg [dreg:$0x17];
	s24 =	spop (v2sf);
	s23 =	sadd.s32 s8, s13  }
0x7a: {  	(v2sf) =	vpush v2, $0xB;
	[tilespmem:s21], [sflag:$0x2] =	stream.linear.gather [hbm4b:s23+s2], $0x80, $0x38;
	[tilespmem:$0x3100] =	vst v63  }
0x7b: {  	s25 =	rddreg [dreg:$0x18];
	s13 =	sadd.s32 s9, s13;
	s14 =	sand.u32 $0x1FFFFFF0, s24  }
0x7c: {  	[tilespmem:s22], [sflag:$0x2] =	stream.linear.gather [hbm4b:s13+s2], $0x80, $0x38;
	[tilespmem:$0x3100] =	vst v63  }
0x7d: {  	s26 =	rddreg [dreg:$0x19];
	s28 =	sadd.s32 s8, s14;
	s29 =	spop (v2sf)  }
0x7e: {  	(v2sf) =	vpush v2, $0xC;
	[tilespmem:s25], [sflag:$0x2] =	stream.linear.gather [hbm4b:s28+s2], $0x80, $0x38;
	[tilespmem:$0x3100] =	vst v63  }
0x7f: {  	s30 =	rddreg [dreg:$0x1a];
	s14 =	sadd.s32 s9, s14;
	s13 =	sand.u32 $0x1FFFFFF0, s29  }
0x80: {  	[tilespmem:s26], [sflag:$0x2] =	stream.linear.gather [hbm4b:s14+s2], $0x80, $0x38;
	[tilespmem:$0x3100] =	vst v63  }
0x81: {  	s1 =	rddreg [dreg:$0x1b];
	s16 =	spop (v2sf);
	s31 =	sadd.s32 s8, s13  }
0x82: {  	(v2sf) =	vpush v2, $0xD;
	[tilespmem:s30], [sflag:$0x2] =	stream.linear.gather [hbm4b:s31+s2], $0x80, $0x38;
	[tilespmem:$0x3100] =	vst v63  }
0x83: {  	s17 =	rddreg [dreg:$0x1c];
	s12 =	sand.u32 $0x1FFFFFF0, s16;
	s13 =	sadd.s32 s9, s13  }
0x84: {  	[tilespmem:s1], [sflag:$0x2] =	stream.linear.gather [hbm4b:s13+s2], $0x80, $0x38;
	[tilespmem:$0x3100] =	vst v63  }
0x85: {  	s19 =	rddreg [dreg:$0x1d];
	s20 =	spop (v2sf);
	s18 =	sadd.s32 s8, s12  }
0x86: {  	(v2sf) =	vpush v2, $0xE;
	[tilespmem:s17], [sflag:$0x2] =	stream.linear.gather [hbm4b:s18+s2], $0x80, $0x38;
	[tilespmem:$0x3100] =	vst v63  }
0x87: {  	s21 =	rddreg [dreg:$0x1e];
	s12 =	sadd.s32 s9, s12;
	s13 =	sand.u32 $0x1FFFFFF0, s20  }
0x88: {  	[tilespmem:s19], [sflag:$0x2] =	stream.linear.gather [hbm4b:s12+s2], $0x80, $0x38;
	[tilespmem:$0x3100] =	vst v63  }
0x89: {  	s23 =	rddreg [dreg:$0x1f];
	s24 =	spop (v2sf);
	s22 =	sadd.s32 s8, s13  }
0x8a: {  	(v2sf) =	vpush v2, $0xF;
	[tilespmem:s21], [sflag:$0x2] =	stream.linear.gather [hbm4b:s22+s2], $0x80, $0x38;
	[tilespmem:$0x3100] =	vst v63  }
0x8b: {  	s25 =	sld [smem:$0x7D4];
	s13 =	sadd.s32 s9, s13;
	s12 =	sand.u32 $0x1FFFFFF0, s24  }
0x8c: {  	[tilespmem:s23], [sflag:$0x2] =	stream.linear.gather [hbm4b:s13+s2], $0x80, $0x38;
	[tilespmem:$0x3100] =	vst v63  }
0x8d: {  	s28 =	sld [smem:$0x7D5];
	s26 =	sadd.s32 s8, s12;
	s29 =	spop (v2sf)  }
0x8e: {  	[tilespmem:s25], [sflag:$0x2] =	stream.linear.gather [hbm4b:s26+s2], $0x80, $0x38;
	[tilespmem:$0x3100] =	vst v63  }
0x8f: {  	s30 =	sld [smem:$0x7D6];
	s12 =	sadd.s32 s9, s12;
	s13 =	sand.u32 $0x1FFFFFF0, s29  }
0x90: {  	[tilespmem:s28], [sflag:$0x2] =	stream.linear.gather [hbm4b:s12+s2], $0x80, $0x38;
	[tilespmem:$0x3100] =	vst v63  }
0x91: {  	s1 =	sld [smem:$0x7D7];
	s16 =	spop (v2sf);
	s31 =	sadd.s32 s8, s13  }
0x92: {  	[tilespmem:s30], [sflag:$0x2] =	stream.linear.gather [hbm4b:s31+s2], $0x80, $0x38;
	[tilespmem:$0x3100] =	vst v63  }
0x93: {  	s17 =	sld [smem:$0x7D8];
	s13 =	sadd.s32 s9, s13;
	s12 =	sand.u32 $0x1FFFFFF0, s16  }
0x94: {  	[tilespmem:s1], [sflag:$0x2] =	stream.linear.gather [hbm4b:s13+s2], $0x80, $0x38;
	[tilespmem:$0x3100] =	vst v63  }
0x95: {  	s19 =	sld [smem:$0x7D9];
	s20 =	spop (v2sf);
	s18 =	sadd.s32 s8, s12  }
0x96: {  	[tilespmem:s17], [sflag:$0x2] =	stream.linear.gather [hbm4b:s18+s2], $0x80, $0x38;
	[tilespmem:$0x3100] =	vst v63  }
0x97: {  	s21 =	sld [smem:$0x7DA];
	s12 =	sadd.s32 s9, s12;
	s13 =	sand.u32 $0x1FFFFFF0, s20  }
0x98: {  	[tilespmem:s19], [sflag:$0x2] =	stream.linear.gather [hbm4b:s12+s2], $0x80, $0x38;
	[tilespmem:$0x3100] =	vst v63  }
0x99: {  	s23 =	sld [smem:$0x7DB];
	s24 =	spop (v2sf);
	s22 =	sadd.s32 s8, s13  }
0x9a: {  	[tilespmem:s21], [sflag:$0x2] =	stream.linear.gather [hbm4b:s22+s2], $0x80, $0x38;
	[tilespmem:$0x3100] =	vst v63  }
0x9b: {  	s25 =	sld [smem:$0x7DC];
	s13 =	sadd.s32 s9, s13;
	s12 =	sand.u32 $0x1FFFFFF0, s24  }
0x9c: {  	[tilespmem:s23], [sflag:$0x2] =	stream.linear.gather [hbm4b:s13+s2], $0x80, $0x38;
	[tilespmem:$0x3100] =	vst v63  }
0x9d: {  	s28 =	sld [smem:$0x7DD];
	s26 =	sadd.s32 s8, s12  }
0x9e: {  	[tilespmem:s25], [sflag:$0x2] =	stream.linear.gather [hbm4b:s26+s2], $0x80, $0x38;
	[tilespmem:$0x3100] =	vst v63  }
0x9f: {  	s12 =	sadd.s32 s9, s12  }
0xa0: {  	[tilespmem:s28], [sflag:$0x2] =	stream.linear.gather [hbm4b:s12+s2], $0x80, $0x38;
	[tilespmem:$0x3100] =	vst v63  }
0xa1: {  	v2 =	vld [tilespmem:$0x90];
	_ =	sdelay $0x4  }
0xa2: {  	v2 =	vshll.u32 v2, $0x4  }
0xa3: {  	(v2sf) =	vpush v2, $0x0;
	_ =	sdelay $0x1  }
0xa4: {  	(v2sf) =	vpush v2, $0x1;
	_ =	sdelay $0x3  }
0xa5: {  	(v2sf) =	vpush v2, $0x2;
	_ =	sdelay $0x3  }
0xa6: {  	(v2sf) =	vpush v2, $0x3;
	_ =	sdelay $0x4  }
0xa7: {  	s29 =	sld [smem:$0x7DE];
	s30 =	spop (v2sf)  }
0xa8: {  	(v2sf) =	vpush v2, $0x4;
	s13 =	sand.u32 $0x1FFFFFF0, s30  }
0xa9: {  	s31 =	sld [smem:$0x7DF];
	s16 =	spop (v2sf);
	s1 =	sadd.s32 s8, s13  }
0xaa: {  	[tilespmem:s29], [sflag:$0x2] =	stream.linear.gather [hbm4b:s1+s2], $0x80, $0x38;
	[tilespmem:$0x3100] =	vst v63  }
0xab: {  	s17 =	sld [smem:$0x7E0];
	(v2sf) =	vpush v2, $0x5;
	s13 =	sadd.s32 s9, s13;
	s12 =	sand.u32 $0x1FFFFFF0, s16  }
0xac: {  	[tilespmem:s31], [sflag:$0x2] =	stream.linear.gather [hbm4b:s13+s2], $0x80, $0x38;
	[tilespmem:$0x3100] =	vst v63  }
0xad: {  	s19 =	sld [smem:$0x7E1];
	s20 =	spop (v2sf);
	s18 =	sadd.s32 s8, s12  }
0xae: {  	[tilespmem:s17], [sflag:$0x2] =	stream.linear.gather [hbm4b:s18+s2], $0x80, $0x38;
	[tilespmem:$0x3100] =	vst v63  }
0xaf: {  	s21 =	sld [smem:$0x7E2];
	(v2sf) =	vpush v2, $0x6;
	s12 =	sadd.s32 s9, s12;
	s13 =	sand.u32 $0x1FFFFFF0, s20  }
0xb0: {  	[tilespmem:s19], [sflag:$0x2] =	stream.linear.gather [hbm4b:s12+s2], $0x80, $0x38;
	[tilespmem:$0x3100] =	vst v63  }
0xb1: {  	s22 =	sld [smem:$0x7E3];
	s24 =	spop (v2sf);
	s23 =	sadd.s32 s8, s13  }
0xb2: {  	[tilespmem:s21], [sflag:$0x2] =	stream.linear.gather [hbm4b:s23+s2], $0x80, $0x38;
	[tilespmem:$0x3100] =	vst v63  }
0xb3: {  	s25 =	sld [smem:$0x7E4];
	(v2sf) =	vpush v2, $0x7;
	s14 =	sand.u32 $0x1FFFFFF0, s24;
	s13 =	sadd.s32 s9, s13  }
0xb4: {  	[tilespmem:s22], [sflag:$0x2] =	stream.linear.gather [hbm4b:s13+s2], $0x80, $0x38;
	[tilespmem:$0x3100] =	vst v63  }
0xb5: {  	s26 =	sld [smem:$0x7E5];
	s28 =	sadd.s32 s8, s14  }
0xb6: {  	[tilespmem:s25], [sflag:$0x2] =	stream.linear.gather [hbm4b:s28+s2], $0x80, $0x38;
	[tilespmem:$0x3100] =	vst v63  }
0xb7: {  	s29 =	spop (v2sf);
	(v2sf) =	vpush v2, $0x8  }
0xb8: {  	s30 =	sld [smem:$0x7E6];
	s14 =	sadd.s32 s9, s14;
	s13 =	sand.u32 $0x1FFFFFF0, s29  }
0xb9: {  	[tilespmem:s26], [sflag:$0x2] =	stream.linear.gather [hbm4b:s14+s2], $0x80, $0x38;
	[tilespmem:$0x3100] =	vst v63  }
0xba: {  	s31 =	sld [smem:$0x7E7];
	s16 =	spop (v2sf);
	s1 =	sadd.s32 s8, s13  }
0xbb: {  	(v2sf) =	vpush v2, $0x9;
	[tilespmem:s30], [sflag:$0x2] =	stream.linear.gather [hbm4b:s1+s2], $0x80, $0x38;
	[tilespmem:$0x3100] =	vst v63  }
0xbc: {  	s17 =	sld [smem:$0x7E8];
	s14 =	sand.u32 $0x1FFFFFF0, s16;
	s13 =	sadd.s32 s9, s13  }
0xbd: {  	[tilespmem:s31], [sflag:$0x2] =	stream.linear.gather [hbm4b:s13+s2], $0x80, $0x38;
	[tilespmem:$0x3100] =	vst v63  }
0xbe: {  	s18 =	sld [smem:$0x7E9];
	s20 =	spop (v2sf);
	s19 =	sadd.s32 s8, s14  }
0xbf: {  	(v2sf) =	vpush v2, $0xA;
	[tilespmem:s17], [sflag:$0x2] =	stream.linear.gather [hbm4b:s19+s2], $0x80, $0x38;
	[tilespmem:$0x3100] =	vst v63  }
0xc0: {  	s21 =	sld [smem:$0x7EA];
	s14 =	sadd.s32 s9, s14;
	s13 =	sand.u32 $0x1FFFFFF0, s20  }
0xc1: {  	[tilespmem:s18], [sflag:$0x2] =	stream.linear.gather [hbm4b:s14+s2], $0x80, $0x38;
	[tilespmem:$0x3100] =	vst v63  }
0xc2: {  	s22 =	sld [smem:$0x7EB];
	s24 =	spop (v2sf);
	s23 =	sadd.s32 s8, s13  }
0xc3: {  	(v2sf) =	vpush v2, $0xB;
	[tilespmem:s21], [sflag:$0x2] =	stream.linear.gather [hbm4b:s23+s2], $0x80, $0x38;
	[tilespmem:$0x3100] =	vst v63  }
0xc4: {  	s25 =	sld [smem:$0x7EC];
	s13 =	sadd.s32 s9, s13;
	s14 =	sand.u32 $0x1FFFFFF0, s24  }
0xc5: {  	[tilespmem:s22], [sflag:$0x2] =	stream.linear.gather [hbm4b:s13+s2], $0x80, $0x38;
	[tilespmem:$0x3100] =	vst v63  }
0xc6: {  	s26 =	sld [smem:$0x7ED];
	s28 =	sadd.s32 s8, s14;
	s29 =	spop (v2sf)  }
0xc7: {  	(v2sf) =	vpush v2, $0xC;
	[tilespmem:s25], [sflag:$0x2] =	stream.linear.gather [hbm4b:s28+s2], $0x80, $0x38;
	[tilespmem:$0x3100] =	vst v63  }
0xc8: {  	s30 =	sld [smem:$0x7EE];
	s14 =	sadd.s32 s9, s14;
	s13 =	sand.u32 $0x1FFFFFF0, s29  }
0xc9: {  	[tilespmem:s26], [sflag:$0x2] =	stream.linear.gather [hbm4b:s14+s2], $0x80, $0x38;
	[tilespmem:$0x3100] =	vst v63  }
0xca: {  	s1 =	sld [smem:$0x7EF];
	s16 =	spop (v2sf);
	s31 =	sadd.s32 s8, s13  }
0xcb: {  	(v2sf) =	vpush v2, $0xD;
	[tilespmem:s30], [sflag:$0x2] =	stream.linear.gather [hbm4b:s31+s2], $0x80, $0x38;
	[tilespmem:$0x3100] =	vst v63  }
0xcc: {  	s17 =	sld [smem:$0x7F0];
	s12 =	sand.u32 $0x1FFFFFF0, s16;
	s13 =	sadd.s32 s9, s13  }
0xcd: {  	[tilespmem:s1], [sflag:$0x2] =	stream.linear.gather [hbm4b:s13+s2], $0x80, $0x38;
	[tilespmem:$0x3100] =	vst v63  }
0xce: {  	s19 =	sld [smem:$0x7F1];
	s20 =	spop (v2sf);
	s18 =	sadd.s32 s8, s12  }
0xcf: {  	(v2sf) =	vpush v2, $0xE;
	[tilespmem:s17], [sflag:$0x2] =	stream.linear.gather [hbm4b:s18+s2], $0x80, $0x38;
	[tilespmem:$0x3100] =	vst v63  }
0xd0: {  	s21 =	sld [smem:$0x7F2];
	s12 =	sadd.s32 s9, s12;
	s13 =	sand.u32 $0x1FFFFFF0, s20  }
0xd1: {  	[tilespmem:s19], [sflag:$0x2] =	stream.linear.gather [hbm4b:s12+s2], $0x80, $0x38;
	[tilespmem:$0x3100] =	vst v63  }
0xd2: {  	s23 =	sld [smem:$0x7F3];
	s24 =	spop (v2sf);
	s22 =	sadd.s32 s8, s13  }
0xd3: {  	(v2sf) =	vpush v2, $0xF;
	[tilespmem:s21], [sflag:$0x2] =	stream.linear.gather [hbm4b:s22+s2], $0x80, $0x38;
	[tilespmem:$0x3100] =	vst v63  }
0xd4: {  	s25 =	sld [smem:$0x7F4];
	s13 =	sadd.s32 s9, s13;
	s12 =	sand.u32 $0x1FFFFFF0, s24  }
0xd5: {  	[tilespmem:s23], [sflag:$0x2] =	stream.linear.gather [hbm4b:s13+s2], $0x80, $0x38;
	[tilespmem:$0x3100] =	vst v63  }
0xd6: {  	s28 =	sld [smem:$0x7F5];
	s26 =	sadd.s32 s8, s12;
	s29 =	spop (v2sf)  }
0xd7: {  	[tilespmem:s25], [sflag:$0x2] =	stream.linear.gather [hbm4b:s26+s2], $0x80, $0x38;
	[tilespmem:$0x3100] =	vst v63  }
0xd8: {  	s30 =	sld [smem:$0x7F6];
	s12 =	sadd.s32 s9, s12;
	s13 =	sand.u32 $0x1FFFFFF0, s29  }
0xd9: {  	[tilespmem:s28], [sflag:$0x2] =	stream.linear.gather [hbm4b:s12+s2], $0x80, $0x38;
	[tilespmem:$0x3100] =	vst v63  }
0xda: {  	s1 =	sld [smem:$0x7F7];
	s16 =	spop (v2sf);
	s31 =	sadd.s32 s8, s13  }
0xdb: {  	[tilespmem:s30], [sflag:$0x2] =	stream.linear.gather [hbm4b:s31+s2], $0x80, $0x38;
	[tilespmem:$0x3100] =	vst v63  }
0xdc: {  	s17 =	sld [smem:$0x7F8];
	s13 =	sadd.s32 s9, s13;
	s12 =	sand.u32 $0x1FFFFFF0, s16  }
0xdd: {  	[tilespmem:s1], [sflag:$0x2] =	stream.linear.gather [hbm4b:s13+s2], $0x80, $0x38;
	[tilespmem:$0x3100] =	vst v63  }
0xde: {  	s19 =	sld [smem:$0x7F9];
	s20 =	spop (v2sf);
	s18 =	sadd.s32 s8, s12  }
0xdf: {  	[tilespmem:s17], [sflag:$0x2] =	stream.linear.gather [hbm4b:s18+s2], $0x80, $0x38;
	[tilespmem:$0x3100] =	vst v63  }
0xe0: {  	s21 =	sld [smem:$0x7FA];
	s12 =	sadd.s32 s9, s12;
	s13 =	sand.u32 $0x1FFFFFF0, s20  }
0xe1: {  	[tilespmem:s19], [sflag:$0x2] =	stream.linear.gather [hbm4b:s12+s2], $0x80, $0x38;
	[tilespmem:$0x3100] =	vst v63  }
0xe2: {  	s23 =	sld [smem:$0x7FB];
	s24 =	spop (v2sf);
	s22 =	sadd.s32 s8, s13  }
0xe3: {  	[tilespmem:s21], [sflag:$0x2] =	stream.linear.gather [hbm4b:s22+s2], $0x80, $0x38;
	[tilespmem:$0x3100] =	vst v63  }
0xe4: {  	s25 =	sld [smem:$0x7FC];
	s13 =	sadd.s32 s9, s13;
	s12 =	sand.u32 $0x1FFFFFF0, s24  }
0xe5: {  	[tilespmem:s23], [sflag:$0x2] =	stream.linear.gather [hbm4b:s13+s2], $0x80, $0x38;
	[tilespmem:$0x3100] =	vst v63  }
0xe6: {  	s28 =	sld [smem:$0x7FD];
	s26 =	sadd.s32 s8, s12  }
0xe7: {  	[tilespmem:s25], [sflag:$0x2] =	stream.linear.gather [hbm4b:s26+s2], $0x80, $0x38;
	[tilespmem:$0x3100] =	vst v63  }
0xe8: {  	s12 =	sadd.s32 s9, s12  }
0xe9: {  	[tilespmem:s28], [sflag:$0x2] =	stream.linear.gather [hbm4b:s12+s2], $0x80, $0x38;
	[tilespmem:$0x3100] =	vst v63  }
0xea: {  	_ =	swait.ge [sflag:s10], $0x1000  }
0xeb: {  	[sflag:s10] =	ssyncset.done $0x0  }
0xec: {  	[sflag:s10] =	ssyncadd.s32 $0xFFFFF000  }
0xed: {  	_ =	swait.ge [sflag:s7], $0x80  }
0xee: {  	[sflag:s7] =	ssyncset.done $0x0  }
0xef: {  	[sflag:s7] =	ssyncadd.s32 $0xFFFFFF80  }
0xf0: {  	_ =	swait.ge [sflag:s7], $0x80  }
0xf1: {  	[sflag:s7] =	ssyncset.done $0x0  }
0xf2: {  	[sflag:s7] =	ssyncadd.s32 $0xFFFFFF80  }
0xf3: {  	_ =	swait.ge [sflag:s7], $0x80  }
0xf4: {  	[sflag:s7] =	ssyncset.done $0x0  }
0xf5: {  	[sflag:s7] =	ssyncadd.s32 $0xFFFFFF80  }
0xf6: {  	_ =	swait.ge [sflag:s7], $0x80  }
0xf7: {  	[sflag:s7] =	ssyncset.done $0x0  }
0xf8: {  	[sflag:s7] =	ssyncadd.s32 $0xFFFFFF80  }
0xf9: {  	_ =	swait.ge [sflag:s7], $0x80  }
0xfa: {  	[sflag:s7] =	ssyncset.done $0x0  }
0xfb: {  	[sflag:s7] =	ssyncadd.s32 $0xFFFFFF80  }
0xfc: {  	_ =	swait.ge [sflag:s7], $0x80  }
0xfd: {  	[sflag:s7] =	ssyncset.done $0x0  }
0xfe: {  	[sflag:s7] =	ssyncadd.s32 $0xFFFFFF80  }
0xff: {  	_ =	swait.ge [sflag:s7], $0x80  }
0x100: {  	[sflag:s7] =	ssyncset.done $0x0  }
0x101: {  	[sflag:s7] =	ssyncadd.s32 $0xFFFFFF80  }
0x102: {  	_ =	swait.ge [sflag:s7], $0x80  }
0x103: {  	[sflag:s7] =	ssyncset.done $0x0  }
0x104: {  	[sflag:s7] =	ssyncadd.s32 $0xFFFFFF80  }
0x105: {  	_ =	swait.ge [sflag:s7], $0x80  }
0x106: {  	[sflag:s7] =	ssyncset.done $0x0  }
0x107: {  	[sflag:s7] =	ssyncadd.s32 $0xFFFFFF80  }
0x108: {  	_ =	swait.ge [sflag:s7], $0x80  }
0x109: {  	[sflag:s7] =	ssyncset.done $0x0  }
0x10a: {  	[sflag:s7] =	ssyncadd.s32 $0xFFFFFF80  }
0x10b: {  	_ =	swait.ge [sflag:s7], $0x80  }
0x10c: {  	[sflag:s7] =	ssyncset.done $0x0  }
0x10d: {  	[sflag:s7] =	ssyncadd.s32 $0xFFFFFF80  }
0x10e: {  	_ =	swait.ge [sflag:s7], $0x80  }
0x10f: {  	[sflag:s7] =	ssyncset.done $0x0  }
0x110: {  	[sflag:s7] =	ssyncadd.s32 $0xFFFFFF80  }
0x111: {  	_ =	swait.ge [sflag:s7], $0x80  }
0x112: {  	[sflag:s7] =	ssyncset.done $0x0  }
0x113: {  	[sflag:s7] =	ssyncadd.s32 $0xFFFFFF80  }
0x114: {  	_ =	swait.ge [sflag:s7], $0x80  }
0x115: {  	[sflag:s7] =	ssyncset.done $0x0  }
0x116: {  	[sflag:s7] =	ssyncadd.s32 $0xFFFFFF80  }
0x117: {  	_ =	swait.ge [sflag:s7], $0x80  }
0x118: {  	[sflag:s7] =	ssyncset.done $0x0  }
0x119: {  	[sflag:s7] =	ssyncadd.s32 $0xFFFFFF80  }
0x11a: {  	_ =	swait.ge [sflag:s7], $0x80  }
0x11b: {  	[sflag:s7] =	ssyncset.done $0x0  }
0x11c: {  	[sflag:s7] =	ssyncadd.s32 $0xFFFFFF80  }
0x11d: {  	_ =	swait.ge [sflag:s7], $0x80  }
0x11e: {  	[sflag:s7] =	ssyncset.done $0x0  }
0x11f: {  	[sflag:s7] =	ssyncadd.s32 $0xFFFFFF80  }
0x120: {  	_ =	swait.ge [sflag:s7], $0x80  }
0x121: {  	[sflag:s7] =	ssyncset.done $0x0  }
0x122: {  	[sflag:s7] =	ssyncadd.s32 $0xFFFFFF80  }
0x123: {  	_ =	swait.ge [sflag:s7], $0x80  }
0x124: {  	[sflag:s7] =	ssyncset.done $0x0  }
0x125: {  	[sflag:s7] =	ssyncadd.s32 $0xFFFFFF80  }
0x126: {  	_ =	swait.ge [sflag:s7], $0x80  }
0x127: {  	[sflag:s7] =	ssyncset.done $0x0  }
0x128: {  	[sflag:s7] =	ssyncadd.s32 $0xFFFFFF80  }
0x129: {  	_ =	swait.ge [sflag:s7], $0x80  }
0x12a: {  	[sflag:s7] =	ssyncset.done $0x0  }
0x12b: {  	[sflag:s7] =	ssyncadd.s32 $0xFFFFFF80  }
0x12c: {  	_ =	swait.ge [sflag:s7], $0x80  }
0x12d: {  	[sflag:s7] =	ssyncset.done $0x0  }
0x12e: {  	[sflag:s7] =	ssyncadd.s32 $0xFFFFFF80  }
0x12f: {  	_ =	swait.ge [sflag:s7], $0x80  }
0x130: {  	[sflag:s7] =	ssyncset.done $0x0  }
0x131: {  	[sflag:s7] =	ssyncadd.s32 $0xFFFFFF80  }
0x132: {  	_ =	swait.ge [sflag:s7], $0x80  }
0x133: {  	[sflag:s7] =	ssyncset.done $0x0  }
0x134: {  	[sflag:s7] =	ssyncadd.s32 $0xFFFFFF80  }
0x135: {  	_ =	swait.ge [sflag:s7], $0x80  }
0x136: {  	[sflag:s7] =	ssyncset.done $0x0  }
0x137: {  	[sflag:s7] =	ssyncadd.s32 $0xFFFFFF80  }
0x138: {  	_ =	swait.ge [sflag:s7], $0x80  }
0x139: {  	[sflag:s7] =	ssyncset.done $0x0  }
0x13a: {  	[sflag:s7] =	ssyncadd.s32 $0xFFFFFF80  }
0x13b: {  	_ =	swait.ge [sflag:s7], $0x80  }
0x13c: {  	[sflag:s7] =	ssyncset.done $0x0  }
0x13d: {  	[sflag:s7] =	ssyncadd.s32 $0xFFFFFF80  }
0x13e: {  	_ =	swait.ge [sflag:s7], $0x80  }
0x13f: {  	[sflag:s7] =	ssyncset.done $0x0  }
0x140: {  	[sflag:s7] =	ssyncadd.s32 $0xFFFFFF80  }
0x141: {  	_ =	swait.ge [sflag:s7], $0x80  }
0x142: {  	[sflag:s7] =	ssyncset.done $0x0  }
0x143: {  	[sflag:s7] =	ssyncadd.s32 $0xFFFFFF80  }
0x144: {  	_ =	swait.ge [sflag:s7], $0x80  }
0x145: {  	[sflag:s7] =	ssyncset.done $0x0  }
0x146: {  	[sflag:s7] =	ssyncadd.s32 $0xFFFFFF80  }
0x147: {  	_ =	swait.ge [sflag:s7], $0x80  }
0x148: {  	[sflag:s7] =	ssyncset.done $0x0  }
0x149: {  	[sflag:s7] =	ssyncadd.s32 $0xFFFFFF80  }
0x14a: {  	_ =	swait.ge [sflag:s7], $0x80  }
0x14b: {  	[sflag:s7] =	ssyncset.done $0x0  }
0x14c: {  	[sflag:s7] =	ssyncadd.s32 $0xFFFFFF80  }
0x14d: {  	_ =	swait.ge [sflag:s7], $0x80  }
0x14e: {  	[sflag:s7] =	ssyncset.done $0x0  }
0x14f: {  	[sflag:s7] =	ssyncadd.s32 $0xFFFFFF80  }
0x150: {  	_ =	swait.ge [sflag:s7], $0x80  }
0x151: {  	[sflag:s7] =	ssyncset.done $0x0  }
0x152: {  	[sflag:s7] =	ssyncadd.s32 $0xFFFFFF80  }
0x153: {  	_ =	swait.ge [sflag:s7], $0x80  }
0x154: {  	[sflag:s7] =	ssyncset.done $0x0  }
0x155: {  	[sflag:s7] =	ssyncadd.s32 $0xFFFFFF80  }
0x156: {  	_ =	swait.ge [sflag:s7], $0x80  }
0x157: {  	[sflag:s7] =	ssyncset.done $0x0  }
0x158: {  	[sflag:s7] =	ssyncadd.s32 $0xFFFFFF80  }
0x159: {  	_ =	swait.ge [sflag:s7], $0x80  }
0x15a: {  	[sflag:s7] =	ssyncset.done $0x0  }
0x15b: {  	[sflag:s7] =	ssyncadd.s32 $0xFFFFFF80  }
0x15c: {  	_ =	swait.ge [sflag:s7], $0x80  }
0x15d: {  	[sflag:s7] =	ssyncset.done $0x0  }
0x15e: {  	[sflag:s7] =	ssyncadd.s32 $0xFFFFFF80  }
0x15f: {  	_ =	swait.ge [sflag:s7], $0x80  }
0x160: {  	[sflag:s7] =	ssyncset.done $0x0  }
0x161: {  	[sflag:s7] =	ssyncadd.s32 $0xFFFFFF80  }
0x162: {  	_ =	swait.ge [sflag:s7], $0x80  }
0x163: {  	[sflag:s7] =	ssyncset.done $0x0  }
0x164: {  	[sflag:s7] =	ssyncadd.s32 $0xFFFFFF80  }
0x165: {  	_ =	swait.ge [sflag:s7], $0x80  }
0x166: {  	[sflag:s7] =	ssyncset.done $0x0  }
0x167: {  	[sflag:s7] =	ssyncadd.s32 $0xFFFFFF80  }
0x168: {  	_ =	swait.ge [sflag:s7], $0x80  }
0x169: {  	[sflag:s7] =	ssyncset.done $0x0  }
0x16a: {  	[sflag:s7] =	ssyncadd.s32 $0xFFFFFF80  }
0x16b: {  	_ =	swait.ge [sflag:s7], $0x80  }
0x16c: {  	[sflag:s7] =	ssyncset.done $0x0  }
0x16d: {  	[sflag:s7] =	ssyncadd.s32 $0xFFFFFF80  }
0x16e: {  	_ =	swait.ge [sflag:s7], $0x80  }
0x16f: {  	[sflag:s7] =	ssyncset.done $0x0  }
0x170: {  	[sflag:s7] =	ssyncadd.s32 $0xFFFFFF80  }
0x171: {  	_ =	swait.ge [sflag:s7], $0x80  }
0x172: {  	[sflag:s7] =	ssyncset.done $0x0  }
0x173: {  	[sflag:s7] =	ssyncadd.s32 $0xFFFFFF80  }
0x174: {  	_ =	swait.ge [sflag:s7], $0x80  }
0x175: {  	[sflag:s7] =	ssyncset.done $0x0  }
0x176: {  	[sflag:s7] =	ssyncadd.s32 $0xFFFFFF80  }
0x177: {  	_ =	swait.ge [sflag:s7], $0x80  }
0x178: {  	[sflag:s7] =	ssyncset.done $0x0  }
0x179: {  	[sflag:s7] =	ssyncadd.s32 $0xFFFFFF80  }
0x17a: {  	_ =	swait.ge [sflag:s7], $0x80  }
0x17b: {  	[sflag:s7] =	ssyncset.done $0x0  }
0x17c: {  	[sflag:s7] =	ssyncadd.s32 $0xFFFFFF80  }
0x17d: {  	_ =	swait.ge [sflag:s7], $0x80  }
0x17e: {  	[sflag:s7] =	ssyncset.done $0x0  }
0x17f: {  	[sflag:s7] =	ssyncadd.s32 $0xFFFFFF80  }
0x180: {  	_ =	swait.ge [sflag:s7], $0x80  }
0x181: {  	[sflag:s7] =	ssyncset.done $0x0  }
0x182: {  	[sflag:s7] =	ssyncadd.s32 $0xFFFFFF80  }
0x183: {  	_ =	swait.ge [sflag:s7], $0x80  }
0x184: {  	[sflag:s7] =	ssyncset.done $0x0  }
0x185: {  	[sflag:s7] =	ssyncadd.s32 $0xFFFFFF80  }
0x186: {  	_ =	swait.ge [sflag:s7], $0x80  }
0x187: {  	[sflag:s7] =	ssyncset.done $0x0  }
0x188: {  	[sflag:s7] =	ssyncadd.s32 $0xFFFFFF80  }
0x189: {  	_ =	swait.ge [sflag:s7], $0x80  }
0x18a: {  	[sflag:s7] =	ssyncset.done $0x0  }
0x18b: {  	[sflag:s7] =	ssyncadd.s32 $0xFFFFFF80  }
0x18c: {  	_ =	swait.ge [sflag:s7], $0x80  }
0x18d: {  	[sflag:s7] =	ssyncset.done $0x0  }
0x18e: {  	[sflag:s7] =	ssyncadd.s32 $0xFFFFFF80  }
0x18f: {  	_ =	swait.ge [sflag:s7], $0x80  }
0x190: {  	[sflag:s7] =	ssyncset.done $0x0  }
0x191: {  	[sflag:s7] =	ssyncadd.s32 $0xFFFFFF80  }
0x192: {  	_ =	swait.ge [sflag:s7], $0x80  }
0x193: {  	[sflag:s7] =	ssyncset.done $0x0  }
0x194: {  	[sflag:s7] =	ssyncadd.s32 $0xFFFFFF80  }
0x195: {  	_ =	swait.ge [sflag:s7], $0x80  }
0x196: {  	[sflag:s7] =	ssyncset.done $0x0  }
0x197: {  	[sflag:s7] =	ssyncadd.s32 $0xFFFFFF80  }
0x198: {  	_ =	swait.ge [sflag:s7], $0x80  }
0x199: {  	[sflag:s7] =	ssyncset.done $0x0  }
0x19a: {  	[sflag:s7] =	ssyncadd.s32 $0xFFFFFF80  }
0x19b: {  	_ =	swait.ge [sflag:s7], $0x80  }
0x19c: {  	[sflag:s7] =	ssyncset.done $0x0  }
0x19d: {  	[sflag:s7] =	ssyncadd.s32 $0xFFFFFF80  }
0x19e: {  	_ =	swait.ge [sflag:s7], $0x80  }
0x19f: {  	[sflag:s7] =	ssyncset.done $0x0  }
0x1a0: {  	[sflag:s7] =	ssyncadd.s32 $0xFFFFFF80  }
0x1a1: {  	_ =	swait.ge [sflag:s7], $0x80  }
0x1a2: {  	[sflag:s7] =	ssyncset.done $0x0  }
0x1a3: {  	[sflag:s7] =	ssyncadd.s32 $0xFFFFFF80  }
0x1a4: {  	_ =	swait.ge [sflag:s7], $0x80  }
0x1a5: {  	[sflag:s7] =	ssyncset.done $0x0  }
0x1a6: {  	[sflag:s7] =	ssyncadd.s32 $0xFFFFFF80  }
0x1a7: {  	_ =	swait.ge [sflag:s7], $0x80  }
0x1a8: {  	[sflag:s7] =	ssyncset.done $0x0  }
0x1a9: {  	[sflag:s7] =	ssyncadd.s32 $0xFFFFFF80  }
0x1aa: {  	_ =	swait.ge [sflag:s7], $0x80  }
0x1ab: {  	[sflag:s7] =	ssyncset.done $0x0  }
0x1ac: {  	s29 =	rddreg [dreg:$0x7];
	[sflag:s7] =	ssyncadd.s32 $0xFFFFFF80  }
0x1ad: {  	[hbm4b:s29+s2] =	stream.linear.scatter [tilespmem:s6], [sflag:$0x3], $0x1000, $0x38;
	[tilespmem:$0x3100] =	vst v63  }
0x1ae: {  	_ =	swait.ge [sflag:s3], $0x1000  }
0x1af: {  	[sflag:s3] =	ssyncset.done $0x0  }
0x1b0: {  	p1 =	sne.s32 s11, $0x1;
	s30 =	rddreg [dreg:$0x8];
	[sflag:s3] =	ssyncadd.s32 $0xFFFFF000  }
0x1b1: {  	[hbm4b:s30+s2] =	stream.linear.scatter [tilespmem:s4], [sflag:$0x3], $0x1000, $0x38;
	[tilespmem:$0x3100] =	vst v63  }
.Ltmp1:
0x1b2: {  	_ =	swait.ge [sflag:s3], $0x1000;
	(pc) =	sbr.rel @!p1 .LBB2_2-.Ltmp1, $4  }
0x1b3: {  	[sflag:s3] =	ssyncset.done $0x0  }
0x1b4: {  	s31 =	rddreg [dreg:$0x9];
	[sflag:s3] =	ssyncadd.s32 $0xFFFFF000  }
0x1b5: {  	[hbm4b:s31+s2] =	stream.linear.scatter [tilespmem:s5], [sflag:$0x3], $0x1000, $0x38;
	[tilespmem:$0x3100] =	vst v63  }
0x1b6: {  	s11 =	sadd.s32 $0xFFFFFFFF, s11;
	p0 =	por $0x1, $0x1;
	_ =	swait.ge [sflag:s3], $0x1000  }
.LBB2_3:
0x1b7: {  	[sflag:s3] =	ssyncset.done $0x0  }
0x1b8: {  	s12 =	rddreg [dreg:$0x6];
	[sflag:s3] =	ssyncadd.s32 $0xFFFFF000  }
0x1b9: {  	[tilespmem:s2], [sflag:$0x3] =	stream.linear.gather [hbm4b:s12+s2], $0x20, $0x38;
	[tilespmem:$0x3100] =	vst v63  }
0x1ba: {  	_ =	swait.ge [sflag:s3], $0x20  }
0x1bb: {  	[sflag:s3] =	ssyncset.done $0x0  }
0x1bc: {  	[sflag:s3] =	ssyncadd.s32 $0xFFFFFFE0  }
0x1bd: {  	v2 =	vld [tilespmem:$0x0]  }
0x1be: {  	v3 =	vld [tilespmem:$0x10];
	_ =	sdelay $0x3  }
0x1bf: {  	s31 =	rddreg [dreg:$0xb];
	v2 =	vadd.s32 v2, v1  }
0x1c0: {  	s13 =	rddreg [dreg:$0xa];
	[tilespmem:$0x80] =	vst v2;
	v2 =	vadd.s32 v3, v0  }
0x1c1: {  	s14 =	rddreg [dreg:$0x5];
	[tilespmem:$0x90] =	vst v2  }
0x1c2: {  	[tilespmem:s4], [sflag:$0x1] =	stream.indirect.gather [hbm4b:s14+s13], $0x80, s31, s13, $0xb8;
	[tilespmem:$0x3100] =	vst v63  }
0x1c3: {  	v2 =	vld [tilespmem:$0x80];
	_ =	sdelay $0x4  }
0x1c4: {  	v2 =	vshll.u32 v2, $0x4  }
0x1c5: {  	(v2sf) =	vpush v2, $0x0;
	_ =	sdelay $0x1  }
0x1c6: {  	(v2sf) =	vpush v2, $0x1;
	_ =	sdelay $0x3  }
0x1c7: {  	(v2sf) =	vpush v2, $0x2;
	_ =	sdelay $0x1  }
0x1c8: {  	s12 =	rddreg [dreg:$0x1a]  }
0x1c9: {  	s15 =	rddreg [dreg:$0x17]  }
0x1ca: {  	s16 =	rddreg [dreg:$0x16];
	(v2sf) =	vpush v2, $0x3  }
0x1cb: {  	s17 =	rddreg [dreg:$0x15]  }
0x1cc: {  	s18 =	rddreg [dreg:$0x14];
	(v2sf) =	vpush v2, $0x4  }
0x1cd: {  	s19 =	rddreg [dreg:$0x13]  }
0x1ce: {  	s20 =	rddreg [dreg:$0x12];
	(v2sf) =	vpush v2, $0x5  }
0x1cf: {  	s21 =	rddreg [dreg:$0x11];
	s25 =	spop (v2sf)  }
0x1d0: {  	s22 =	rddreg [dreg:$0x10];
	(v2sf) =	vpush v2, $0x6;
	s25 =	sand.u32 $0x1FFFFFF0, s25  }
0x1d1: {  	s23 =	rddreg [dreg:$0xf];
	s28 =	spop (v2sf);
	s29 =	sadd.s32 s8, s25  }
0x1d2: {  	(v2sf) =	vpush v2, $0x7;
	[tilespmem:s6], [sflag:$0x2] =	stream.linear.gather [hbm4b:s29+s2], $0x80, $0x38;
	[tilespmem:$0x3100] =	vst v63  }
0x1d3: {  	s24 =	rddreg [dreg:$0xe];
	s25 =	sadd.s32 s9, s25;
	s28 =	sand.u32 $0x1FFFFFF0, s28  }
0x1d4: {  	(v2sf) =	vpush v2, $0x8;
	[tilespmem:s5], [sflag:$0x2] =	stream.linear.gather [hbm4b:s25+s2], $0x80, $0x38;
	[tilespmem:$0x3100] =	vst v63  }
0x1d5: {  	s26 =	rddreg [dreg:$0xc];
	s31 =	spop (v2sf);
	s29 =	sadd.s32 s8, s28  }
0x1d6: {  	(v2sf) =	vpush v2, $0x9;
	[tilespmem:s26], [sflag:$0x2] =	stream.linear.gather [hbm4b:s29+s2], $0x80, $0x38;
	[tilespmem:$0x3100] =	vst v63  }
0x1d7: {  	s30 =	rddreg [dreg:$0xd];
	s25 =	sadd.s32 s9, s28;
	s28 =	sand.u32 $0x1FFFFFF0, s31  }
0x1d8: {  	(v2sf) =	vpush v2, $0xA;
	[tilespmem:s30], [sflag:$0x2] =	stream.linear.gather [hbm4b:s25+s2], $0x80, $0x38;
	[tilespmem:$0x3100] =	vst v63  }
0x1d9: {  	s13 =	rddreg [dreg:$0x19];
	s1 =	spop (v2sf);
	s26 =	sadd.s32 s8, s28  }
0x1da: {  	(v2sf) =	vpush v2, $0xB;
	[tilespmem:s24], [sflag:$0x2] =	stream.linear.gather [hbm4b:s26+s2], $0x80, $0x38;
	[tilespmem:$0x3100] =	vst v63  }
0x1db: {  	s29 =	sand.u32 $0x1FFFFFF0, s1;
	s1 =	spop (v2sf);
	s25 =	sadd.s32 s9, s28  }
0x1dc: {  	(v2sf) =	vpush v2, $0xC;
	[tilespmem:s23], [sflag:$0x2] =	stream.linear.gather [hbm4b:s25+s2], $0x80, $0x38;
	[tilespmem:$0x3100] =	vst v63  }
0x1dd: {  	s28 =	sand.u32 $0x1FFFFFF0, s1;
	s1 =	spop (v2sf);
	s24 =	sadd.s32 s8, s29  }
0x1de: {  	(v2sf) =	vpush v2, $0xD;
	[tilespmem:s22], [sflag:$0x2] =	stream.linear.gather [hbm4b:s24+s2], $0x80, $0x38;
	[tilespmem:$0x3100] =	vst v63  }
0x1df: {  	s31 =	spop (v2sf);
	s30 =	sadd.s32 s8, s28;
	s23 =	sadd.s32 s9, s29  }
0x1e0: {  	(v2sf) =	vpush v2, $0xE;
	[tilespmem:s21], [sflag:$0x2] =	stream.linear.gather [hbm4b:s23+s2], $0x80, $0x38;
	[tilespmem:$0x3100] =	vst v63  }
0x1e1: {  	s26 =	sand.u32 $0x1FFFFFF0, s1;
	s1 =	spop (v2sf);
	s25 =	sand.u32 $0x1FFFFFF0, s31  }
0x1e2: {  	[tilespmem:s20], [sflag:$0x2] =	stream.linear.gather [hbm4b:s30+s2], $0x80, $0x38;
	[tilespmem:$0x3100] =	vst v63  }
0x1e3: {  	s24 =	sand.u32 $0x1FFFFFF0, s1;
	s1 =	sadd.s32 s9, s28;
	s31 =	spop (v2sf)  }
0x1e4: {  	(v2sf) =	vpush v2, $0xF;
	[tilespmem:s19], [sflag:$0x2] =	stream.linear.gather [hbm4b:s1+s2], $0x80, $0x38;
	[tilespmem:$0x3100] =	vst v63  }
0x1e5: {  	s14 =	rddreg [dreg:$0x18];
	s29 =	spop (v2sf);
	s30 =	sadd.s32 s8, s26  }
0x1e6: {  	[tilespmem:s18], [sflag:$0x2] =	stream.linear.gather [hbm4b:s30+s2], $0x80, $0x38;
	[tilespmem:$0x3100] =	vst v63  }
0x1e7: {  	s23 =	sand.u32 $0x1FFFFFF0, s31;
	s31 =	spop (v2sf);
	s1 =	sadd.s32 s9, s26  }
0x1e8: {  	[tilespmem:s17], [sflag:$0x2] =	stream.linear.gather [hbm4b:s1+s2], $0x80, $0x38;
	[tilespmem:$0x3100] =	vst v63  }
0x1e9: {  	s22 =	sand.u32 $0x1FFFFFF0, s29;
	s29 =	sadd.s32 s8, s25;
	s28 =	spop (v2sf)  }
0x1ea: {  	[tilespmem:s16], [sflag:$0x2] =	stream.linear.gather [hbm4b:s29+s2], $0x80, $0x38;
	[tilespmem:$0x3100] =	vst v63  }
0x1eb: {  	s21 =	sand.u32 $0x1FFFFFF0, s31;
	s31 =	sadd.s32 s9, s25;
	s30 =	spop (v2sf)  }
0x1ec: {  	[tilespmem:s15], [sflag:$0x2] =	stream.linear.gather [hbm4b:s31+s2], $0x80, $0x38;
	[tilespmem:$0x3100] =	vst v63  }
0x1ed: {  	s20 =	sand.u32 $0x1FFFFFF0, s28;
	s26 =	sadd.s32 s8, s24;
	s1 =	spop (v2sf)  }
0x1ee: {  	[tilespmem:s14], [sflag:$0x2] =	stream.linear.gather [hbm4b:s26+s2], $0x80, $0x38;
	[tilespmem:$0x3100] =	vst v63  }
0x1ef: {  	s17 =	sand.u32 $0x1FFFFFF0, s30;
	s28 =	spop (v2sf);
	s29 =	sadd.s32 s9, s24  }
0x1f0: {  	[tilespmem:s13], [sflag:$0x2] =	stream.linear.gather [hbm4b:s29+s2], $0x80, $0x38;
	[tilespmem:$0x3100] =	vst v63  }
0x1f1: {  	s16 =	sand.u32 $0x1FFFFFF0, s1;
	s1 =	rddreg [dreg:$0x1b];
	s31 =	sadd.s32 s8, s23  }
0x1f2: {  	[tilespmem:s12], [sflag:$0x2] =	stream.linear.gather [hbm4b:s31+s2], $0x80, $0x38;
	[tilespmem:$0x3100] =	vst v63  }
0x1f3: {  	s30 =	spop (v2sf);
	s24 =	rddreg [dreg:$0x1c];
	s23 =	sadd.s32 s9, s23  }
0x1f4: {  	[tilespmem:s1], [sflag:$0x2] =	stream.linear.gather [hbm4b:s23+s2], $0x80, $0x38;
	[tilespmem:$0x3100] =	vst v63  }
0x1f5: {  	s15 =	sand.u32 $0x1FFFFFF0, s28;
	s28 =	rddreg [dreg:$0x1d];
	s26 =	sadd.s32 s8, s22  }
0x1f6: {  	[tilespmem:s24], [sflag:$0x2] =	stream.linear.gather [hbm4b:s26+s2], $0x80, $0x38;
	[tilespmem:$0x3100] =	vst v63  }
0x1f7: {  	s14 =	sand.u32 $0x1FFFFFF0, s30;
	s30 =	rddreg [dreg:$0x1e];
	s29 =	sadd.s32 s9, s22  }
0x1f8: {  	[tilespmem:s28], [sflag:$0x2] =	stream.linear.gather [hbm4b:s29+s2], $0x80, $0x38;
	[tilespmem:$0x3100] =	vst v63  }
0x1f9: {  	s31 =	sadd.s32 s8, s21;
	s1 =	rddreg [dreg:$0x1f]  }
0x1fa: {  	[tilespmem:s30], [sflag:$0x2] =	stream.linear.gather [hbm4b:s31+s2], $0x80, $0x38;
	[tilespmem:$0x3100] =	vst v63  }
0x1fb: {  	s21 =	sadd.s32 s9, s21;
	s23 =	sld [smem:$0x7D4]  }
0x1fc: {  	[tilespmem:s1], [sflag:$0x2] =	stream.linear.gather [hbm4b:s21+s2], $0x80, $0x38;
	[tilespmem:$0x3100] =	vst v63  }
0x1fd: {  	s25 =	sld [smem:$0x7D5];
	s24 =	sadd.s32 s8, s20  }
0x1fe: {  	[tilespmem:s23], [sflag:$0x2] =	stream.linear.gather [hbm4b:s24+s2], $0x80, $0x38;
	[tilespmem:$0x3100] =	vst v63  }
0x1ff: {  	s26 =	sadd.s32 s9, s20;
	s28 =	sld [smem:$0x7D6]  }
0x200: {  	[tilespmem:s25], [sflag:$0x2] =	stream.linear.gather [hbm4b:s26+s2], $0x80, $0x38;
	[tilespmem:$0x3100] =	vst v63  }
0x201: {  	s29 =	sadd.s32 s8, s17;
	s30 =	sld [smem:$0x7D7]  }
0x202: {  	[tilespmem:s28], [sflag:$0x2] =	stream.linear.gather [hbm4b:s29+s2], $0x80, $0x38;
	[tilespmem:$0x3100] =	vst v63  }
0x203: {  	s31 =	sadd.s32 s9, s17;
	s1 =	sld [smem:$0x7D8]  }
0x204: {  	[tilespmem:s30], [sflag:$0x2] =	stream.linear.gather [hbm4b:s31+s2], $0x80, $0x38;
	[tilespmem:$0x3100] =	vst v63  }
0x205: {  	s19 =	sadd.s32 s8, s16;
	s20 =	sld [smem:$0x7D9]  }
0x206: {  	[tilespmem:s1], [sflag:$0x2] =	stream.linear.gather [hbm4b:s19+s2], $0x80, $0x38;
	[tilespmem:$0x3100] =	vst v63  }
0x207: {  	s22 =	sld [smem:$0x7DA];
	s21 =	sadd.s32 s9, s16  }
0x208: {  	[tilespmem:s20], [sflag:$0x2] =	stream.linear.gather [hbm4b:s21+s2], $0x80, $0x38;
	[tilespmem:$0x3100] =	vst v63  }
0x209: {  	s23 =	sadd.s32 s8, s15;
	s24 =	sld [smem:$0x7DB]  }
0x20a: {  	[tilespmem:s22], [sflag:$0x2] =	stream.linear.gather [hbm4b:s23+s2], $0x80, $0x38;
	[tilespmem:$0x3100] =	vst v63  }
0x20b: {  	s25 =	sadd.s32 s9, s15;
	s26 =	sld [smem:$0x7DC]  }
0x20c: {  	[tilespmem:s24], [sflag:$0x2] =	stream.linear.gather [hbm4b:s25+s2], $0x80, $0x38;
	[tilespmem:$0x3100] =	vst v63  }
0x20d: {  	s28 =	sadd.s32 s8, s14;
	s29 =	sld [smem:$0x7DD]  }
0x20e: {  	[tilespmem:s26], [sflag:$0x2] =	stream.linear.gather [hbm4b:s28+s2], $0x80, $0x38;
	[tilespmem:$0x3100] =	vst v63  }
0x20f: {  	s30 =	sadd.s32 s9, s14  }
0x210: {  	[tilespmem:s29], [sflag:$0x2] =	stream.linear.gather [hbm4b:s30+s2], $0x80, $0x38;
	[tilespmem:$0x3100] =	vst v63  }
0x211: {  	v2 =	vld [tilespmem:$0x90];
	_ =	sdelay $0x4  }
0x212: {  	v2 =	vshll.u32 v2, $0x4  }
0x213: {  	(v2sf) =	vpush v2, $0x0;
	_ =	sdelay $0x1  }
0x214: {  	(v2sf) =	vpush v2, $0x1;
	_ =	sdelay $0x3  }
0x215: {  	s18 =	sld [smem:$0x7E8];
	(v2sf) =	vpush v2, $0x2  }
0x216: {  	s13 =	sld [smem:$0x7ED]  }
0x217: {  	s12 =	sld [smem:$0x7EE]  }
0x218: {  	s17 =	sld [smem:$0x7E9]  }
0x219: {  	s16 =	sld [smem:$0x7EA];
	(v2sf) =	vpush v2, $0x3  }
0x21a: {  	s15 =	sld [smem:$0x7EB]  }
0x21b: {  	s19 =	sld [smem:$0x7E7];
	(v2sf) =	vpush v2, $0x4  }
0x21c: {  	s20 =	sld [smem:$0x7E6]  }
0x21d: {  	s21 =	sld [smem:$0x7E5];
	(v2sf) =	vpush v2, $0x5  }
0x21e: {  	s25 =	sld [smem:$0x7DE];
	s31 =	spop (v2sf)  }
0x21f: {  	s22 =	sld [smem:$0x7E4];
	(v2sf) =	vpush v2, $0x6;
	s28 =	sand.u32 $0x1FFFFFF0, s31  }
0x220: {  	s29 =	sld [smem:$0x7DF];
	s30 =	spop (v2sf);
	s1 =	sadd.s32 s8, s28  }
0x221: {  	(v2sf) =	vpush v2, $0x7;
	[tilespmem:s25], [sflag:$0x2] =	stream.linear.gather [hbm4b:s1+s2], $0x80, $0x38;
	[tilespmem:$0x3100] =	vst v63  }
0x222: {  	s26 =	sld [smem:$0x7E0];
	s28 =	sadd.s32 s9, s28;
	s30 =	sand.u32 $0x1FFFFFF0, s30  }
0x223: {  	(v2sf) =	vpush v2, $0x8;
	[tilespmem:s29], [sflag:$0x2] =	stream.linear.gather [hbm4b:s28+s2], $0x80, $0x38;
	[tilespmem:$0x3100] =	vst v63  }
0x224: {  	s31 =	sld [smem:$0x7E1];
	s25 =	sadd.s32 s8, s30;
	s1 =	spop (v2sf)  }
0x225: {  	(v2sf) =	vpush v2, $0x9;
	[tilespmem:s26], [sflag:$0x2] =	stream.linear.gather [hbm4b:s25+s2], $0x80, $0x38;
	[tilespmem:$0x3100] =	vst v63  }
0x226: {  	s24 =	sld [smem:$0x7E2];
	s1 =	sand.u32 $0x1FFFFFF0, s1;
	s28 =	sadd.s32 s9, s30  }
0x227: {  	(v2sf) =	vpush v2, $0xA;
	[tilespmem:s31], [sflag:$0x2] =	stream.linear.gather [hbm4b:s28+s2], $0x80, $0x38;
	[tilespmem:$0x3100] =	vst v63  }
0x228: {  	s23 =	sld [smem:$0x7E3];
	s30 =	spop (v2sf);
	s25 =	sadd.s32 s8, s1  }
0x229: {  	(v2sf) =	vpush v2, $0xB;
	[tilespmem:s24], [sflag:$0x2] =	stream.linear.gather [hbm4b:s25+s2], $0x80, $0x38;
	[tilespmem:$0x3100] =	vst v63  }
0x22a: {  	s26 =	sand.u32 $0x1FFFFFF0, s30;
	s30 =	spop (v2sf);
	s1 =	sadd.s32 s9, s1  }
0x22b: {  	(v2sf) =	vpush v2, $0xC;
	[tilespmem:s23], [sflag:$0x2] =	stream.linear.gather [hbm4b:s1+s2], $0x80, $0x38;
	[tilespmem:$0x3100] =	vst v63  }
0x22c: {  	s28 =	sand.u32 $0x1FFFFFF0, s30;
	s31 =	spop (v2sf);
	s24 =	sadd.s32 s8, s26  }
0x22d: {  	(v2sf) =	vpush v2, $0xD;
	[tilespmem:s22], [sflag:$0x2] =	stream.linear.gather [hbm4b:s24+s2], $0x80, $0x38;
	[tilespmem:$0x3100] =	vst v63  }
0x22e: {  	s30 =	spop (v2sf);
	s29 =	sadd.s32 s8, s28;
	s1 =	sadd.s32 s9, s26  }
0x22f: {  	(v2sf) =	vpush v2, $0xE;
	[tilespmem:s21], [sflag:$0x2] =	stream.linear.gather [hbm4b:s1+s2], $0x80, $0x38;
	[tilespmem:$0x3100] =	vst v63  }
0x230: {  	s25 =	sand.u32 $0x1FFFFFF0, s31;
	s31 =	spop (v2sf);
	s23 =	sand.u32 $0x1FFFFFF0, s30  }
0x231: {  	[tilespmem:s20], [sflag:$0x2] =	stream.linear.gather [hbm4b:s29+s2], $0x80, $0x38;
	[tilespmem:$0x3100] =	vst v63  }
0x232: {  	s24 =	sand.u32 $0x1FFFFFF0, s31;
	s31 =	sadd.s32 s9, s28;
	s30 =	spop (v2sf)  }
0x233: {  	(v2sf) =	vpush v2, $0xF;
	[tilespmem:s19], [sflag:$0x2] =	stream.linear.gather [hbm4b:s31+s2], $0x80, $0x38;
	[tilespmem:$0x3100] =	vst v63  }
0x234: {  	s14 =	sld [smem:$0x7EC];
	s28 =	spop (v2sf);
	s29 =	sadd.s32 s8, s25  }
0x235: {  	[tilespmem:s18], [sflag:$0x2] =	stream.linear.gather [hbm4b:s29+s2], $0x80, $0x38;
	[tilespmem:$0x3100] =	vst v63  }
0x236: {  	s21 =	sand.u32 $0x1FFFFFF0, s30;
	s30 =	spop (v2sf);
	s31 =	sadd.s32 s9, s25  }
0x237: {  	[tilespmem:s17], [sflag:$0x2] =	stream.linear.gather [hbm4b:s31+s2], $0x80, $0x38;
	[tilespmem:$0x3100] =	vst v63  }
0x238: {  	s22 =	sand.u32 $0x1FFFFFF0, s28;
	s28 =	sadd.s32 s8, s23;
	s26 =	spop (v2sf)  }
0x239: {  	[tilespmem:s16], [sflag:$0x2] =	stream.linear.gather [hbm4b:s28+s2], $0x80, $0x38;
	[tilespmem:$0x3100] =	vst v63  }
0x23a: {  	s19 =	sand.u32 $0x1FFFFFF0, s30;
	s30 =	sadd.s32 s9, s23;
	s29 =	spop (v2sf)  }
0x23b: {  	[tilespmem:s15], [sflag:$0x2] =	stream.linear.gather [hbm4b:s30+s2], $0x80, $0x38;
	[tilespmem:$0x3100] =	vst v63  }
0x23c: {  	s20 =	sand.u32 $0x1FFFFFF0, s26;
	s25 =	sadd.s32 s8, s24;
	s31 =	spop (v2sf)  }
0x23d: {  	[tilespmem:s14], [sflag:$0x2] =	stream.linear.gather [hbm4b:s25+s2], $0x80, $0x38;
	[tilespmem:$0x3100] =	vst v63  }
0x23e: {  	s23 =	sld [smem:$0x7F0];
	s26 =	spop (v2sf);
	s28 =	sadd.s32 s9, s24  }
0x23f: {  	[tilespmem:s13], [sflag:$0x2] =	stream.linear.gather [hbm4b:s28+s2], $0x80, $0x38;
	[tilespmem:$0x3100] =	vst v63  }
0x240: {  	s16 =	sand.u32 $0x1FFFFFF0, s31;
	s31 =	sld [smem:$0x7EF];
	s30 =	sadd.s32 s8, s21  }
0x241: {  	[tilespmem:s12], [sflag:$0x2] =	stream.linear.gather [hbm4b:s30+s2], $0x80, $0x38;
	[tilespmem:$0x3100] =	vst v63  }
0x242: {  	s17 =	sand.u32 $0x1FFFFFF0, s29;
	s29 =	spop (v2sf);
	s21 =	sadd.s32 s9, s21  }
0x243: {  	[tilespmem:s31], [sflag:$0x2] =	stream.linear.gather [hbm4b:s21+s2], $0x80, $0x38;
	[tilespmem:$0x3100] =	vst v63  }
0x244: {  	s15 =	sand.u32 $0x1FFFFFF0, s26;
	s26 =	sld [smem:$0x7F1];
	s25 =	sadd.s32 s8, s22  }
0x245: {  	[tilespmem:s23], [sflag:$0x2] =	stream.linear.gather [hbm4b:s25+s2], $0x80, $0x38;
	[tilespmem:$0x3100] =	vst v63  }
0x246: {  	s14 =	sand.u32 $0x1FFFFFF0, s29;
	s29 =	sld [smem:$0x7F2];
	s28 =	sadd.s32 s9, s22  }
0x247: {  	[tilespmem:s26], [sflag:$0x2] =	stream.linear.gather [hbm4b:s28+s2], $0x80, $0x38;
	[tilespmem:$0x3100] =	vst v63  }
0x248: {  	s30 =	sadd.s32 s8, s19;
	s31 =	sld [smem:$0x7F3]  }
0x249: {  	[tilespmem:s29], [sflag:$0x2] =	stream.linear.gather [hbm4b:s30+s2], $0x80, $0x38;
	[tilespmem:$0x3100] =	vst v63  }
0x24a: {  	s18 =	sadd.s32 s9, s19;
	s19 =	sld [smem:$0x7F4]  }
0x24b: {  	[tilespmem:s31], [sflag:$0x2] =	stream.linear.gather [hbm4b:s18+s2], $0x80, $0x38;
	[tilespmem:$0x3100] =	vst v63  }
0x24c: {  	s22 =	sld [smem:$0x7F5];
	s21 =	sadd.s32 s8, s20  }
0x24d: {  	[tilespmem:s19], [sflag:$0x2] =	stream.linear.gather [hbm4b:s21+s2], $0x80, $0x38;
	[tilespmem:$0x3100] =	vst v63  }
0x24e: {  	s24 =	sld [smem:$0x7F6];
	s23 =	sadd.s32 s9, s20  }
0x24f: {  	[tilespmem:s22], [sflag:$0x2] =	stream.linear.gather [hbm4b:s23+s2], $0x80, $0x38;
	[tilespmem:$0x3100] =	vst v63  }
0x250: {  	s25 =	sadd.s32 s8, s17;
	s26 =	sld [smem:$0x7F7]  }
0x251: {  	[tilespmem:s24], [sflag:$0x2] =	stream.linear.gather [hbm4b:s25+s2], $0x80, $0x38;
	[tilespmem:$0x3100] =	vst v63  }
0x252: {  	s28 =	sadd.s32 s9, s17;
	s29 =	sld [smem:$0x7F8]  }
0x253: {  	[tilespmem:s26], [sflag:$0x2] =	stream.linear.gather [hbm4b:s28+s2], $0x80, $0x38;
	[tilespmem:$0x3100] =	vst v63  }
0x254: {  	s30 =	sadd.s32 s8, s16;
	s31 =	sld [smem:$0x7F9]  }
0x255: {  	[tilespmem:s29], [sflag:$0x2] =	stream.linear.gather [hbm4b:s30+s2], $0x80, $0x38;
	[tilespmem:$0x3100] =	vst v63  }
0x256: {  	s20 =	sld [smem:$0x7FA];
	s19 =	sadd.s32 s9, s16  }
0x257: {  	[tilespmem:s31], [sflag:$0x2] =	stream.linear.gather [hbm4b:s19+s2], $0x80, $0x38;
	[tilespmem:$0x3100] =	vst v63  }
0x258: {  	s21 =	sadd.s32 s8, s15;
	s22 =	sld [smem:$0x7FB]  }
0x259: {  	[tilespmem:s20], [sflag:$0x2] =	stream.linear.gather [hbm4b:s21+s2], $0x80, $0x38;
	[tilespmem:$0x3100] =	vst v63  }
0x25a: {  	s23 =	sadd.s32 s9, s15;
	s24 =	sld [smem:$0x7FC]  }
0x25b: {  	[tilespmem:s22], [sflag:$0x2] =	stream.linear.gather [hbm4b:s23+s2], $0x80, $0x38;
	[tilespmem:$0x3100] =	vst v63  }
0x25c: {  	s25 =	sadd.s32 s8, s14;
	s26 =	sld [smem:$0x7FD]  }
0x25d: {  	[tilespmem:s24], [sflag:$0x2] =	stream.linear.gather [hbm4b:s25+s2], $0x80, $0x38;
	[tilespmem:$0x3100] =	vst v63  }
0x25e: {  	s28 =	sadd.s32 s9, s14  }
0x25f: {  	[tilespmem:s26], [sflag:$0x2] =	stream.linear.gather [hbm4b:s28+s2], $0x80, $0x38;
	[tilespmem:$0x3100] =	vst v63  }
0x260: {  	_ =	swait.ge [sflag:s10], $0x1000  }
0x261: {  	[sflag:s10] =	ssyncset.done $0x0  }
0x262: {  	[sflag:s10] =	ssyncadd.s32 $0xFFFFF000  }
0x263: {  	_ =	swait.ge [sflag:s7], $0x80  }
0x264: {  	[sflag:s7] =	ssyncset.done $0x0  }
0x265: {  	[sflag:s7] =	ssyncadd.s32 $0xFFFFFF80  }
0x266: {  	_ =	swait.ge [sflag:s7], $0x80  }
0x267: {  	[sflag:s7] =	ssyncset.done $0x0  }
0x268: {  	[sflag:s7] =	ssyncadd.s32 $0xFFFFFF80  }
0x269: {  	_ =	swait.ge [sflag:s7], $0x80  }
0x26a: {  	[sflag:s7] =	ssyncset.done $0x0  }
0x26b: {  	[sflag:s7] =	ssyncadd.s32 $0xFFFFFF80  }
0x26c: {  	_ =	swait.ge [sflag:s7], $0x80  }
0x26d: {  	[sflag:s7] =	ssyncset.done $0x0  }
0x26e: {  	[sflag:s7] =	ssyncadd.s32 $0xFFFFFF80  }
0x26f: {  	_ =	swait.ge [sflag:s7], $0x80  }
0x270: {  	[sflag:s7] =	ssyncset.done $0x0  }
0x271: {  	[sflag:s7] =	ssyncadd.s32 $0xFFFFFF80  }
0x272: {  	_ =	swait.ge [sflag:s7], $0x80  }
0x273: {  	[sflag:s7] =	ssyncset.done $0x0  }
0x274: {  	[sflag:s7] =	ssyncadd.s32 $0xFFFFFF80  }
0x275: {  	_ =	swait.ge [sflag:s7], $0x80  }
0x276: {  	[sflag:s7] =	ssyncset.done $0x0  }
0x277: {  	[sflag:s7] =	ssyncadd.s32 $0xFFFFFF80  }
0x278: {  	_ =	swait.ge [sflag:s7], $0x80  }
0x279: {  	[sflag:s7] =	ssyncset.done $0x0  }
0x27a: {  	[sflag:s7] =	ssyncadd.s32 $0xFFFFFF80  }
0x27b: {  	_ =	swait.ge [sflag:s7], $0x80  }
0x27c: {  	[sflag:s7] =	ssyncset.done $0x0  }
0x27d: {  	[sflag:s7] =	ssyncadd.s32 $0xFFFFFF80  }
0x27e: {  	_ =	swait.ge [sflag:s7], $0x80  }
0x27f: {  	[sflag:s7] =	ssyncset.done $0x0  }
0x280: {  	[sflag:s7] =	ssyncadd.s32 $0xFFFFFF80  }
0x281: {  	_ =	swait.ge [sflag:s7], $0x80  }
0x282: {  	[sflag:s7] =	ssyncset.done $0x0  }
0x283: {  	[sflag:s7] =	ssyncadd.s32 $0xFFFFFF80  }
0x284: {  	_ =	swait.ge [sflag:s7], $0x80  }
0x285: {  	[sflag:s7] =	ssyncset.done $0x0  }
0x286: {  	[sflag:s7] =	ssyncadd.s32 $0xFFFFFF80  }
0x287: {  	_ =	swait.ge [sflag:s7], $0x80  }
0x288: {  	[sflag:s7] =	ssyncset.done $0x0  }
0x289: {  	[sflag:s7] =	ssyncadd.s32 $0xFFFFFF80  }
0x28a: {  	_ =	swait.ge [sflag:s7], $0x80  }
0x28b: {  	[sflag:s7] =	ssyncset.done $0x0  }
0x28c: {  	[sflag:s7] =	ssyncadd.s32 $0xFFFFFF80  }
0x28d: {  	_ =	swait.ge [sflag:s7], $0x80  }
0x28e: {  	[sflag:s7] =	ssyncset.done $0x0  }
0x28f: {  	[sflag:s7] =	ssyncadd.s32 $0xFFFFFF80  }
0x290: {  	_ =	swait.ge [sflag:s7], $0x80  }
0x291: {  	[sflag:s7] =	ssyncset.done $0x0  }
0x292: {  	[sflag:s7] =	ssyncadd.s32 $0xFFFFFF80  }
0x293: {  	_ =	swait.ge [sflag:s7], $0x80  }
0x294: {  	[sflag:s7] =	ssyncset.done $0x0  }
0x295: {  	[sflag:s7] =	ssyncadd.s32 $0xFFFFFF80  }
0x296: {  	_ =	swait.ge [sflag:s7], $0x80  }
0x297: {  	[sflag:s7] =	ssyncset.done $0x0  }
0x298: {  	[sflag:s7] =	ssyncadd.s32 $0xFFFFFF80  }
0x299: {  	_ =	swait.ge [sflag:s7], $0x80  }
0x29a: {  	[sflag:s7] =	ssyncset.done $0x0  }
0x29b: {  	[sflag:s7] =	ssyncadd.s32 $0xFFFFFF80  }
0x29c: {  	_ =	swait.ge [sflag:s7], $0x80  }
0x29d: {  	[sflag:s7] =	ssyncset.done $0x0  }
0x29e: {  	[sflag:s7] =	ssyncadd.s32 $0xFFFFFF80  }
0x29f: {  	_ =	swait.ge [sflag:s7], $0x80  }
0x2a0: {  	[sflag:s7] =	ssyncset.done $0x0  }
0x2a1: {  	[sflag:s7] =	ssyncadd.s32 $0xFFFFFF80  }
0x2a2: {  	_ =	swait.ge [sflag:s7], $0x80  }
0x2a3: {  	[sflag:s7] =	ssyncset.done $0x0  }
0x2a4: {  	[sflag:s7] =	ssyncadd.s32 $0xFFFFFF80  }
0x2a5: {  	_ =	swait.ge [sflag:s7], $0x80  }
0x2a6: {  	[sflag:s7] =	ssyncset.done $0x0  }
0x2a7: {  	[sflag:s7] =	ssyncadd.s32 $0xFFFFFF80  }
0x2a8: {  	_ =	swait.ge [sflag:s7], $0x80  }
0x2a9: {  	[sflag:s7] =	ssyncset.done $0x0  }
0x2aa: {  	[sflag:s7] =	ssyncadd.s32 $0xFFFFFF80  }
0x2ab: {  	_ =	swait.ge [sflag:s7], $0x80  }
0x2ac: {  	[sflag:s7] =	ssyncset.done $0x0  }
0x2ad: {  	[sflag:s7] =	ssyncadd.s32 $0xFFFFFF80  }
0x2ae: {  	_ =	swait.ge [sflag:s7], $0x80  }
0x2af: {  	[sflag:s7] =	ssyncset.done $0x0  }
0x2b0: {  	[sflag:s7] =	ssyncadd.s32 $0xFFFFFF80  }
0x2b1: {  	_ =	swait.ge [sflag:s7], $0x80  }
0x2b2: {  	[sflag:s7] =	ssyncset.done $0x0  }
0x2b3: {  	[sflag:s7] =	ssyncadd.s32 $0xFFFFFF80  }
0x2b4: {  	_ =	swait.ge [sflag:s7], $0x80  }
0x2b5: {  	[sflag:s7] =	ssyncset.done $0x0  }
0x2b6: {  	[sflag:s7] =	ssyncadd.s32 $0xFFFFFF80  }
0x2b7: {  	_ =	swait.ge [sflag:s7], $0x80  }
0x2b8: {  	[sflag:s7] =	ssyncset.done $0x0  }
0x2b9: {  	[sflag:s7] =	ssyncadd.s32 $0xFFFFFF80  }
0x2ba: {  	_ =	swait.ge [sflag:s7], $0x80  }
0x2bb: {  	[sflag:s7] =	ssyncset.done $0x0  }
0x2bc: {  	[sflag:s7] =	ssyncadd.s32 $0xFFFFFF80  }
0x2bd: {  	_ =	swait.ge [sflag:s7], $0x80  }
0x2be: {  	[sflag:s7] =	ssyncset.done $0x0  }
0x2bf: {  	[sflag:s7] =	ssyncadd.s32 $0xFFFFFF80  }
0x2c0: {  	_ =	swait.ge [sflag:s7], $0x80  }
0x2c1: {  	[sflag:s7] =	ssyncset.done $0x0  }
0x2c2: {  	[sflag:s7] =	ssyncadd.s32 $0xFFFFFF80  }
0x2c3: {  	_ =	swait.ge [sflag:s7], $0x80  }
0x2c4: {  	[sflag:s7] =	ssyncset.done $0x0  }
0x2c5: {  	[sflag:s7] =	ssyncadd.s32 $0xFFFFFF80  }
0x2c6: {  	_ =	swait.ge [sflag:s7], $0x80  }
0x2c7: {  	[sflag:s7] =	ssyncset.done $0x0  }
0x2c8: {  	[sflag:s7] =	ssyncadd.s32 $0xFFFFFF80  }
0x2c9: {  	_ =	swait.ge [sflag:s7], $0x80  }
0x2ca: {  	[sflag:s7] =	ssyncset.done $0x0  }
0x2cb: {  	[sflag:s7] =	ssyncadd.s32 $0xFFFFFF80  }
0x2cc: {  	_ =	swait.ge [sflag:s7], $0x80  }
0x2cd: {  	[sflag:s7] =	ssyncset.done $0x0  }
0x2ce: {  	[sflag:s7] =	ssyncadd.s32 $0xFFFFFF80  }
0x2cf: {  	_ =	swait.ge [sflag:s7], $0x80  }
0x2d0: {  	[sflag:s7] =	ssyncset.done $0x0  }
0x2d1: {  	[sflag:s7] =	ssyncadd.s32 $0xFFFFFF80  }
0x2d2: {  	_ =	swait.ge [sflag:s7], $0x80  }
0x2d3: {  	[sflag:s7] =	ssyncset.done $0x0  }
0x2d4: {  	[sflag:s7] =	ssyncadd.s32 $0xFFFFFF80  }
0x2d5: {  	_ =	swait.ge [sflag:s7], $0x80  }
0x2d6: {  	[sflag:s7] =	ssyncset.done $0x0  }
0x2d7: {  	[sflag:s7] =	ssyncadd.s32 $0xFFFFFF80  }
0x2d8: {  	_ =	swait.ge [sflag:s7], $0x80  }
0x2d9: {  	[sflag:s7] =	ssyncset.done $0x0  }
0x2da: {  	[sflag:s7] =	ssyncadd.s32 $0xFFFFFF80  }
0x2db: {  	_ =	swait.ge [sflag:s7], $0x80  }
0x2dc: {  	[sflag:s7] =	ssyncset.done $0x0  }
0x2dd: {  	[sflag:s7] =	ssyncadd.s32 $0xFFFFFF80  }
0x2de: {  	_ =	swait.ge [sflag:s7], $0x80  }
0x2df: {  	[sflag:s7] =	ssyncset.done $0x0  }
0x2e0: {  	[sflag:s7] =	ssyncadd.s32 $0xFFFFFF80  }
0x2e1: {  	_ =	swait.ge [sflag:s7], $0x80  }
0x2e2: {  	[sflag:s7] =	ssyncset.done $0x0  }
0x2e3: {  	[sflag:s7] =	ssyncadd.s32 $0xFFFFFF80  }
0x2e4: {  	_ =	swait.ge [sflag:s7], $0x80  }
0x2e5: {  	[sflag:s7] =	ssyncset.done $0x0  }
0x2e6: {  	[sflag:s7] =	ssyncadd.s32 $0xFFFFFF80  }
0x2e7: {  	_ =	swait.ge [sflag:s7], $0x80  }
0x2e8: {  	[sflag:s7] =	ssyncset.done $0x0  }
0x2e9: {  	[sflag:s7] =	ssyncadd.s32 $0xFFFFFF80  }
0x2ea: {  	_ =	swait.ge [sflag:s7], $0x80  }
0x2eb: {  	[sflag:s7] =	ssyncset.done $0x0  }
0x2ec: {  	[sflag:s7] =	ssyncadd.s32 $0xFFFFFF80  }
0x2ed: {  	_ =	swait.ge [sflag:s7], $0x80  }
0x2ee: {  	[sflag:s7] =	ssyncset.done $0x0  }
0x2ef: {  	[sflag:s7] =	ssyncadd.s32 $0xFFFFFF80  }
0x2f0: {  	_ =	swait.ge [sflag:s7], $0x80  }
0x2f1: {  	[sflag:s7] =	ssyncset.done $0x0  }
0x2f2: {  	[sflag:s7] =	ssyncadd.s32 $0xFFFFFF80  }
0x2f3: {  	_ =	swait.ge [sflag:s7], $0x80  }
0x2f4: {  	[sflag:s7] =	ssyncset.done $0x0  }
0x2f5: {  	[sflag:s7] =	ssyncadd.s32 $0xFFFFFF80  }
0x2f6: {  	_ =	swait.ge [sflag:s7], $0x80  }
0x2f7: {  	[sflag:s7] =	ssyncset.done $0x0  }
0x2f8: {  	[sflag:s7] =	ssyncadd.s32 $0xFFFFFF80  }
0x2f9: {  	_ =	swait.ge [sflag:s7], $0x80  }
0x2fa: {  	[sflag:s7] =	ssyncset.done $0x0  }
0x2fb: {  	[sflag:s7] =	ssyncadd.s32 $0xFFFFFF80  }
0x2fc: {  	_ =	swait.ge [sflag:s7], $0x80  }
0x2fd: {  	[sflag:s7] =	ssyncset.done $0x0  }
0x2fe: {  	[sflag:s7] =	ssyncadd.s32 $0xFFFFFF80  }
0x2ff: {  	_ =	swait.ge [sflag:s7], $0x80  }
0x300: {  	[sflag:s7] =	ssyncset.done $0x0  }
0x301: {  	[sflag:s7] =	ssyncadd.s32 $0xFFFFFF80  }
0x302: {  	_ =	swait.ge [sflag:s7], $0x80  }
0x303: {  	[sflag:s7] =	ssyncset.done $0x0  }
0x304: {  	[sflag:s7] =	ssyncadd.s32 $0xFFFFFF80  }
0x305: {  	_ =	swait.ge [sflag:s7], $0x80  }
0x306: {  	[sflag:s7] =	ssyncset.done $0x0  }
0x307: {  	[sflag:s7] =	ssyncadd.s32 $0xFFFFFF80  }
0x308: {  	_ =	swait.ge [sflag:s7], $0x80  }
0x309: {  	[sflag:s7] =	ssyncset.done $0x0  }
0x30a: {  	[sflag:s7] =	ssyncadd.s32 $0xFFFFFF80  }
0x30b: {  	_ =	swait.ge [sflag:s7], $0x80  }
0x30c: {  	[sflag:s7] =	ssyncset.done $0x0  }
0x30d: {  	[sflag:s7] =	ssyncadd.s32 $0xFFFFFF80  }
0x30e: {  	_ =	swait.ge [sflag:s7], $0x80  }
0x30f: {  	[sflag:s7] =	ssyncset.done $0x0  }
0x310: {  	[sflag:s7] =	ssyncadd.s32 $0xFFFFFF80  }
0x311: {  	_ =	swait.ge [sflag:s7], $0x80  }
0x312: {  	[sflag:s7] =	ssyncset.done $0x0  }
0x313: {  	[sflag:s7] =	ssyncadd.s32 $0xFFFFFF80  }
0x314: {  	_ =	swait.ge [sflag:s7], $0x80  }
0x315: {  	[sflag:s7] =	ssyncset.done $0x0  }
0x316: {  	[sflag:s7] =	ssyncadd.s32 $0xFFFFFF80  }
0x317: {  	_ =	swait.ge [sflag:s7], $0x80  }
0x318: {  	[sflag:s7] =	ssyncset.done $0x0  }
0x319: {  	[sflag:s7] =	ssyncadd.s32 $0xFFFFFF80  }
0x31a: {  	_ =	swait.ge [sflag:s7], $0x80  }
0x31b: {  	[sflag:s7] =	ssyncset.done $0x0  }
0x31c: {  	[sflag:s7] =	ssyncadd.s32 $0xFFFFFF80  }
0x31d: {  	_ =	swait.ge [sflag:s7], $0x80  }
0x31e: {  	[sflag:s7] =	ssyncset.done $0x0  }
0x31f: {  	[sflag:s7] =	ssyncadd.s32 $0xFFFFFF80  }
0x320: {  	_ =	swait.ge [sflag:s7], $0x80  }
0x321: {  	[sflag:s7] =	ssyncset.done $0x0  }
0x322: {  	s29 =	rddreg [dreg:$0x7];
	[sflag:s7] =	ssyncadd.s32 $0xFFFFFF80  }
0x323: {  	[hbm4b:s29+s2] =	stream.linear.scatter [tilespmem:s6], [sflag:$0x3], $0x1000, $0x38;
	[tilespmem:$0x3100] =	vst v63  }
0x324: {  	_ =	swait.ge [sflag:s3], $0x1000  }
0x325: {  	[sflag:s3] =	ssyncset.done $0x0  }
0x326: {  	p1 =	sne.s32 s11, $0x1;
	s30 =	rddreg [dreg:$0x8];
	[sflag:s3] =	ssyncadd.s32 $0xFFFFF000  }
0x327: {  	[hbm4b:s30+s2] =	stream.linear.scatter [tilespmem:s4], [sflag:$0x3], $0x1000, $0x38;
	[tilespmem:$0x3100] =	vst v63  }
.Ltmp2:
0x328: {  	_ =	swait.ge [sflag:s3], $0x1000;
	(pc) =	sbr.rel @p1 .LBB2_3-.Ltmp2, $4  }
0x329: {  	[sflag:s3] =	ssyncset.done $0x0  }
0x32a: {  	s31 =	rddreg [dreg:$0x9];
	[sflag:s3] =	ssyncadd.s32 $0xFFFFF000  }
0x32b: {  	[hbm4b:s31+s2] =	stream.linear.scatter [tilespmem:s5], [sflag:$0x3], $0x1000, $0x38;
	[tilespmem:$0x3100] =	vst v63  }
0x32c: {  	s11 =	sadd.s32 $0xFFFFFFFF, s11;
	_ =	swait.ge [sflag:s3], $0x1000  }
0x32d: {  	s14 =	rddreg [dreg:$0x4]  }
.LBB2_5:
0x32e: {  	[sflag:s3] =	ssyncset.done @p0 $0x0  }
0x32f: {  	s1 =	rddreg [dreg:$0x6];
	[sflag:s3] =	ssyncadd.s32 @p0 $0xFFFFF000  }
0x330: {  	[tilespmem:s2], [sflag:$0x3] =	stream.linear.gather [hbm4b:s1+s2], $0x20, $0x38;
	[tilespmem:$0x3100] =	vst v63  }
0x331: {  	_ =	swait.ge [sflag:s3], $0x20  }
0x332: {  	[sflag:s3] =	ssyncset.done $0x0  }
0x333: {  	[sflag:s3] =	ssyncadd.s32 $0xFFFFFFE0  }
0x334: {  	v2 =	vld [tilespmem:$0x0]  }
0x335: {  	v3 =	vld [tilespmem:$0x10];
	_ =	sdelay $0x3  }
0x336: {  	s31 =	rddreg [dreg:$0xb];
	v1 =	vadd.s32 v2, v1  }
0x337: {  	s11 =	rddreg [dreg:$0xa];
	v0 =	vadd.s32 v3, v0;
	[tilespmem:$0x80] =	vst v1  }
0x338: {  	s12 =	rddreg [dreg:$0x5];
	[tilespmem:$0x90] =	vst v0  }
0x339: {  	[tilespmem:s4], [sflag:$0x1] =	stream.indirect.gather [hbm4b:s12+s11], $0x80, s31, s11, $0xb8;
	[tilespmem:$0x3100] =	vst v63  }
0x33a: {  	v62 =	vld [tilespmem:$0x80];
	_ =	sdelay $0x4  }
0x33b: {  	v0 =	vshll.u32 v62, $0x4  }
0x33c: {  	(v2sf) =	vpush v0, $0x0;
	_ =	sdelay $0x1  }
0x33d: {  	(v2sf) =	vpush v0, $0x1;
	_ =	sdelay $0x3  }
0x33e: {  	(v2sf) =	vpush v0, $0x2;
	_ =	sdelay $0x3  }
0x33f: {  	(v2sf) =	vpush v0, $0x3;
	_ =	sdelay $0x4  }
0x340: {  	s13 =	spop (v2sf)  }
0x341: {  	(v2sf) =	vpush v0, $0x4;
	s1 =	sand.u32 $0x1FFFFFF0, s13  }
0x342: {  	s15 =	spop (v2sf);
	s16 =	sadd.s32 s8, s1  }
0x343: {  	[tilespmem:s6], [sflag:$0x2] =	stream.linear.gather [hbm4b:s16+s2], $0x80, $0x38;
	[tilespmem:$0x3100] =	vst v63  }
0x344: {  	(v2sf) =	vpush v0, $0x5;
	s1 =	sadd.s32 s9, s1;
	s11 =	sand.u32 $0x1FFFFFF0, s15  }
0x345: {  	[tilespmem:s5], [sflag:$0x2] =	stream.linear.gather [hbm4b:s1+s2], $0x80, $0x38;
	[tilespmem:$0x3100] =	vst v63  }
0x346: {  	s17 =	rddreg [dreg:$0xc];
	s19 =	spop (v2sf);
	s18 =	sadd.s32 s8, s11  }
0x347: {  	[tilespmem:s17], [sflag:$0x2] =	stream.linear.gather [hbm4b:s18+s2], $0x80, $0x38;
	[tilespmem:$0x3100] =	vst v63  }
0x348: {  	s13 =	rddreg [dreg:$0xd];
	(v2sf) =	vpush v0, $0x6;
	s11 =	sadd.s32 s9, s11;
	s1 =	sand.u32 $0x1FFFFFF0, s19  }
0x349: {  	[tilespmem:s13], [sflag:$0x2] =	stream.linear.gather [hbm4b:s11+s2], $0x80, $0x38;
	[tilespmem:$0x3100] =	vst v63  }
0x34a: {  	s20 =	rddreg [dreg:$0xe];
	s23 =	spop (v2sf);
	s22 =	sadd.s32 s8, s1  }
0x34b: {  	[tilespmem:s20], [sflag:$0x2] =	stream.linear.gather [hbm4b:s22+s2], $0x80, $0x38;
	[tilespmem:$0x3100] =	vst v63  }
0x34c: {  	s21 =	rddreg [dreg:$0xf];
	(v2sf) =	vpush v0, $0x7;
	s12 =	sand.u32 $0x1FFFFFF0, s23;
	s1 =	sadd.s32 s9, s1  }
0x34d: {  	[tilespmem:s21], [sflag:$0x2] =	stream.linear.gather [hbm4b:s1+s2], $0x80, $0x38;
	[tilespmem:$0x3100] =	vst v63  }
0x34e: {  	s24 =	rddreg [dreg:$0x10];
	s26 =	sadd.s32 s8, s12  }
0x34f: {  	[tilespmem:s24], [sflag:$0x2] =	stream.linear.gather [hbm4b:s26+s2], $0x80, $0x38;
	[tilespmem:$0x3100] =	vst v63  }
0x350: {  	s25 =	rddreg [dreg:$0x11];
	s28 =	spop (v2sf);
	(v2sf) =	vpush v0, $0x8  }
0x351: {  	s29 =	rddreg [dreg:$0x12];
	s12 =	sadd.s32 s9, s12;
	s11 =	sand.u32 $0x1FFFFFF0, s28  }
0x352: {  	[tilespmem:s25], [sflag:$0x2] =	stream.linear.gather [hbm4b:s12+s2], $0x80, $0x38;
	[tilespmem:$0x3100] =	vst v63  }
0x353: {  	s30 =	rddreg [dreg:$0x13];
	s15 =	spop (v2sf);
	s31 =	sadd.s32 s8, s11  }
0x354: {  	(v2sf) =	vpush v0, $0x9;
	[tilespmem:s29], [sflag:$0x2] =	stream.linear.gather [hbm4b:s31+s2], $0x80, $0x38;
	[tilespmem:$0x3100] =	vst v63  }
0x355: {  	s16 =	rddreg [dreg:$0x14];
	s12 =	sand.u32 $0x1FFFFFF0, s15;
	s11 =	sadd.s32 s9, s11  }
0x356: {  	[tilespmem:s30], [sflag:$0x2] =	stream.linear.gather [hbm4b:s11+s2], $0x80, $0x38;
	[tilespmem:$0x3100] =	vst v63  }
0x357: {  	s17 =	rddreg [dreg:$0x15];
	s19 =	spop (v2sf);
	s18 =	sadd.s32 s8, s12  }
0x358: {  	(v2sf) =	vpush v0, $0xA;
	[tilespmem:s16], [sflag:$0x2] =	stream.linear.gather [hbm4b:s18+s2], $0x80, $0x38;
	[tilespmem:$0x3100] =	vst v63  }
0x359: {  	s20 =	rddreg [dreg:$0x16];
	s12 =	sadd.s32 s9, s12;
	s11 =	sand.u32 $0x1FFFFFF0, s19  }
0x35a: {  	[tilespmem:s17], [sflag:$0x2] =	stream.linear.gather [hbm4b:s12+s2], $0x80, $0x38;
	[tilespmem:$0x3100] =	vst v63  }
0x35b: {  	s21 =	rddreg [dreg:$0x17];
	s23 =	spop (v2sf);
	s22 =	sadd.s32 s8, s11  }
0x35c: {  	(v2sf) =	vpush v0, $0xB;
	[tilespmem:s20], [sflag:$0x2] =	stream.linear.gather [hbm4b:s22+s2], $0x80, $0x38;
	[tilespmem:$0x3100] =	vst v63  }
0x35d: {  	s24 =	rddreg [dreg:$0x18];
	s11 =	sadd.s32 s9, s11;
	s12 =	sand.u32 $0x1FFFFFF0, s23  }
0x35e: {  	[tilespmem:s21], [sflag:$0x2] =	stream.linear.gather [hbm4b:s11+s2], $0x80, $0x38;
	[tilespmem:$0x3100] =	vst v63  }
0x35f: {  	s25 =	rddreg [dreg:$0x19];
	s26 =	sadd.s32 s8, s12;
	s28 =	spop (v2sf)  }
0x360: {  	(v2sf) =	vpush v0, $0xC;
	[tilespmem:s24], [sflag:$0x2] =	stream.linear.gather [hbm4b:s26+s2], $0x80, $0x38;
	[tilespmem:$0x3100] =	vst v63  }
0x361: {  	s29 =	rddreg [dreg:$0x1a];
	s12 =	sadd.s32 s9, s12;
	s11 =	sand.u32 $0x1FFFFFF0, s28  }
0x362: {  	[tilespmem:s25], [sflag:$0x2] =	stream.linear.gather [hbm4b:s12+s2], $0x80, $0x38;
	[tilespmem:$0x3100] =	vst v63  }
0x363: {  	s31 =	rddreg [dreg:$0x1b];
	s15 =	spop (v2sf);
	s30 =	sadd.s32 s8, s11  }
0x364: {  	(v2sf) =	vpush v0, $0xD;
	[tilespmem:s29], [sflag:$0x2] =	stream.linear.gather [hbm4b:s30+s2], $0x80, $0x38;
	[tilespmem:$0x3100] =	vst v63  }
0x365: {  	s16 =	rddreg [dreg:$0x1c];
	s1 =	sand.u32 $0x1FFFFFF0, s15;
	s11 =	sadd.s32 s9, s11  }
0x366: {  	[tilespmem:s31], [sflag:$0x2] =	stream.linear.gather [hbm4b:s11+s2], $0x80, $0x38;
	[tilespmem:$0x3100] =	vst v63  }
0x367: {  	s18 =	rddreg [dreg:$0x1d];
	s19 =	spop (v2sf);
	s17 =	sadd.s32 s8, s1  }
0x368: {  	(v2sf) =	vpush v0, $0xE;
	[tilespmem:s16], [sflag:$0x2] =	stream.linear.gather [hbm4b:s17+s2], $0x80, $0x38;
	[tilespmem:$0x3100] =	vst v63  }
0x369: {  	s20 =	rddreg [dreg:$0x1e];
	s1 =	sadd.s32 s9, s1;
	s11 =	sand.u32 $0x1FFFFFF0, s19  }
0x36a: {  	[tilespmem:s18], [sflag:$0x2] =	stream.linear.gather [hbm4b:s1+s2], $0x80, $0x38;
	[tilespmem:$0x3100] =	vst v63  }
0x36b: {  	s22 =	rddreg [dreg:$0x1f];
	s23 =	spop (v2sf);
	s21 =	sadd.s32 s8, s11  }
0x36c: {  	(v2sf) =	vpush v0, $0xF;
	[tilespmem:s20], [sflag:$0x2] =	stream.linear.gather [hbm4b:s21+s2], $0x80, $0x38;
	[tilespmem:$0x3100] =	vst v63  }
0x36d: {  	s24 =	sld [smem:$0x7D4];
	s11 =	sadd.s32 s9, s11;
	s1 =	sand.u32 $0x1FFFFFF0, s23  }
0x36e: {  	[tilespmem:s22], [sflag:$0x2] =	stream.linear.gather [hbm4b:s11+s2], $0x80, $0x38;
	[tilespmem:$0x3100] =	vst v63  }
0x36f: {  	s26 =	sld [smem:$0x7D5];
	s25 =	sadd.s32 s8, s1;
	s28 =	spop (v2sf)  }
0x370: {  	[tilespmem:s24], [sflag:$0x2] =	stream.linear.gather [hbm4b:s25+s2], $0x80, $0x38;
	[tilespmem:$0x3100] =	vst v63  }
0x371: {  	s29 =	sld [smem:$0x7D6];
	s1 =	sadd.s32 s9, s1;
	s11 =	sand.u32 $0x1FFFFFF0, s28  }
0x372: {  	[tilespmem:s26], [sflag:$0x2] =	stream.linear.gather [hbm4b:s1+s2], $0x80, $0x38;
	[tilespmem:$0x3100] =	vst v63  }
0x373: {  	s31 =	sld [smem:$0x7D7];
	s15 =	spop (v2sf);
	s30 =	sadd.s32 s8, s11  }
0x374: {  	[tilespmem:s29], [sflag:$0x2] =	stream.linear.gather [hbm4b:s30+s2], $0x80, $0x38;
	[tilespmem:$0x3100] =	vst v63  }
0x375: {  	s16 =	sld [smem:$0x7D8];
	s11 =	sadd.s32 s9, s11;
	s1 =	sand.u32 $0x1FFFFFF0, s15  }
0x376: {  	[tilespmem:s31], [sflag:$0x2] =	stream.linear.gather [hbm4b:s11+s2], $0x80, $0x38;
	[tilespmem:$0x3100] =	vst v63  }
0x377: {  	s18 =	sld [smem:$0x7D9];
	s19 =	spop (v2sf);
	s17 =	sadd.s32 s8, s1  }
0x378: {  	[tilespmem:s16], [sflag:$0x2] =	stream.linear.gather [hbm4b:s17+s2], $0x80, $0x38;
	[tilespmem:$0x3100] =	vst v63  }
0x379: {  	s20 =	sld [smem:$0x7DA];
	s1 =	sadd.s32 s9, s1;
	s11 =	sand.u32 $0x1FFFFFF0, s19  }
0x37a: {  	[tilespmem:s18], [sflag:$0x2] =	stream.linear.gather [hbm4b:s1+s2], $0x80, $0x38;
	[tilespmem:$0x3100] =	vst v63  }
0x37b: {  	s22 =	sld [smem:$0x7DB];
	s23 =	spop (v2sf);
	s21 =	sadd.s32 s8, s11  }
0x37c: {  	[tilespmem:s20], [sflag:$0x2] =	stream.linear.gather [hbm4b:s21+s2], $0x80, $0x38;
	[tilespmem:$0x3100] =	vst v63  }
0x37d: {  	s24 =	sld [smem:$0x7DC];
	s11 =	sadd.s32 s9, s11;
	s1 =	sand.u32 $0x1FFFFFF0, s23  }
0x37e: {  	[tilespmem:s22], [sflag:$0x2] =	stream.linear.gather [hbm4b:s11+s2], $0x80, $0x38;
	[tilespmem:$0x3100] =	vst v63  }
0x37f: {  	s26 =	sld [smem:$0x7DD];
	s25 =	sadd.s32 s8, s1  }
0x380: {  	[tilespmem:s24], [sflag:$0x2] =	stream.linear.gather [hbm4b:s25+s2], $0x80, $0x38;
	[tilespmem:$0x3100] =	vst v63  }
0x381: {  	s1 =	sadd.s32 s9, s1  }
0x382: {  	[tilespmem:s26], [sflag:$0x2] =	stream.linear.gather [hbm4b:s1+s2], $0x80, $0x38;
	[tilespmem:$0x3100] =	vst v63  }
0x383: {  	v63 =	vld [tilespmem:$0x90];
	_ =	sdelay $0x4  }
0x384: {  	v0 =	vshll.u32 v63, $0x4  }
0x385: {  	(v2sf) =	vpush v0, $0x0;
	_ =	sdelay $0x1  }
0x386: {  	(v2sf) =	vpush v0, $0x1;
	_ =	sdelay $0x3  }
0x387: {  	(v2sf) =	vpush v0, $0x2;
	_ =	sdelay $0x3  }
0x388: {  	(v2sf) =	vpush v0, $0x3;
	_ =	sdelay $0x4  }
0x389: {  	s28 =	sld [smem:$0x7DE];
	s29 =	spop (v2sf)  }
0x38a: {  	(v2sf) =	vpush v0, $0x4;
	s11 =	sand.u32 $0x1FFFFFF0, s29  }
0x38b: {  	s30 =	sld [smem:$0x7DF];
	s15 =	spop (v2sf);
	s31 =	sadd.s32 s8, s11  }
0x38c: {  	[tilespmem:s28], [sflag:$0x2] =	stream.linear.gather [hbm4b:s31+s2], $0x80, $0x38;
	[tilespmem:$0x3100] =	vst v63  }
0x38d: {  	s16 =	sld [smem:$0x7E0];
	(v2sf) =	vpush v0, $0x5;
	s11 =	sadd.s32 s9, s11;
	s1 =	sand.u32 $0x1FFFFFF0, s15  }
0x38e: {  	[tilespmem:s30], [sflag:$0x2] =	stream.linear.gather [hbm4b:s11+s2], $0x80, $0x38;
	[tilespmem:$0x3100] =	vst v63  }
0x38f: {  	s18 =	sld [smem:$0x7E1];
	s19 =	spop (v2sf);
	s17 =	sadd.s32 s8, s1  }
0x390: {  	[tilespmem:s16], [sflag:$0x2] =	stream.linear.gather [hbm4b:s17+s2], $0x80, $0x38;
	[tilespmem:$0x3100] =	vst v63  }
0x391: {  	s20 =	sld [smem:$0x7E2];
	(v2sf) =	vpush v0, $0x6;
	s1 =	sadd.s32 s9, s1;
	s11 =	sand.u32 $0x1FFFFFF0, s19  }
0x392: {  	[tilespmem:s18], [sflag:$0x2] =	stream.linear.gather [hbm4b:s1+s2], $0x80, $0x38;
	[tilespmem:$0x3100] =	vst v63  }
0x393: {  	s21 =	sld [smem:$0x7E3];
	s23 =	spop (v2sf);
	s22 =	sadd.s32 s8, s11  }
0x394: {  	[tilespmem:s20], [sflag:$0x2] =	stream.linear.gather [hbm4b:s22+s2], $0x80, $0x38;
	[tilespmem:$0x3100] =	vst v63  }
0x395: {  	s24 =	sld [smem:$0x7E4];
	(v2sf) =	vpush v0, $0x7;
	s12 =	sand.u32 $0x1FFFFFF0, s23;
	s11 =	sadd.s32 s9, s11  }
0x396: {  	[tilespmem:s21], [sflag:$0x2] =	stream.linear.gather [hbm4b:s11+s2], $0x80, $0x38;
	[tilespmem:$0x3100] =	vst v63  }
0x397: {  	s25 =	sld [smem:$0x7E5];
	s26 =	sadd.s32 s8, s12  }
0x398: {  	[tilespmem:s24], [sflag:$0x2] =	stream.linear.gather [hbm4b:s26+s2], $0x80, $0x38;
	[tilespmem:$0x3100] =	vst v63  }
0x399: {  	s28 =	spop (v2sf);
	(v2sf) =	vpush v0, $0x8  }
0x39a: {  	s29 =	sld [smem:$0x7E6];
	s12 =	sadd.s32 s9, s12;
	s11 =	sand.u32 $0x1FFFFFF0, s28  }
0x39b: {  	[tilespmem:s25], [sflag:$0x2] =	stream.linear.gather [hbm4b:s12+s2], $0x80, $0x38;
	[tilespmem:$0x3100] =	vst v63  }
0x39c: {  	s30 =	sld [smem:$0x7E7];
	s15 =	spop (v2sf);
	s31 =	sadd.s32 s8, s11  }
0x39d: {  	(v2sf) =	vpush v0, $0x9;
	[tilespmem:s29], [sflag:$0x2] =	stream.linear.gather [hbm4b:s31+s2], $0x80, $0x38;
	[tilespmem:$0x3100] =	vst v63  }
0x39e: {  	s16 =	sld [smem:$0x7E8];
	s12 =	sand.u32 $0x1FFFFFF0, s15;
	s11 =	sadd.s32 s9, s11  }
0x39f: {  	[tilespmem:s30], [sflag:$0x2] =	stream.linear.gather [hbm4b:s11+s2], $0x80, $0x38;
	[tilespmem:$0x3100] =	vst v63  }
0x3a0: {  	s17 =	sld [smem:$0x7E9];
	s19 =	spop (v2sf);
	s18 =	sadd.s32 s8, s12  }
0x3a1: {  	(v2sf) =	vpush v0, $0xA;
	[tilespmem:s16], [sflag:$0x2] =	stream.linear.gather [hbm4b:s18+s2], $0x80, $0x38;
	[tilespmem:$0x3100] =	vst v63  }
0x3a2: {  	s20 =	sld [smem:$0x7EA];
	s12 =	sadd.s32 s9, s12;
	s11 =	sand.u32 $0x1FFFFFF0, s19  }
0x3a3: {  	[tilespmem:s17], [sflag:$0x2] =	stream.linear.gather [hbm4b:s12+s2], $0x80, $0x38;
	[tilespmem:$0x3100] =	vst v63  }
0x3a4: {  	s21 =	sld [smem:$0x7EB];
	s23 =	spop (v2sf);
	s22 =	sadd.s32 s8, s11  }
0x3a5: {  	[tilespmem:s20], [sflag:$0x2] =	stream.linear.gather [hbm4b:s22+s2], $0x80, $0x38;
	[tilespmem:$0x3100] =	vst v63  }
0x3a6: {  	s24 =	sld [smem:$0x7EC];
	s11 =	sadd.s32 s9, s11;
	s12 =	sand.u32 $0x1FFFFFF0, s23  }
0x3a7: {  	(v2sf) =	vpush v0, $0xB;
	[tilespmem:s21], [sflag:$0x2] =	stream.linear.gather [hbm4b:s11+s2], $0x80, $0x38;
	[tilespmem:$0x3100] =	vst v63  }
0x3a8: {  	s25 =	sld [smem:$0x7ED];
	s26 =	sadd.s32 s8, s12;
	s28 =	spop (v2sf)  }
0x3a9: {  	(v2sf) =	vpush v0, $0xC;
	[tilespmem:s24], [sflag:$0x2] =	stream.linear.gather [hbm4b:s26+s2], $0x80, $0x38;
	[tilespmem:$0x3100] =	vst v63  }
0x3aa: {  	s29 =	sld [smem:$0x7EE];
	s12 =	sadd.s32 s9, s12;
	s11 =	sand.u32 $0x1FFFFFF0, s28  }
0x3ab: {  	[tilespmem:s25], [sflag:$0x2] =	stream.linear.gather [hbm4b:s12+s2], $0x80, $0x38;
	[tilespmem:$0x3100] =	vst v63  }
0x3ac: {  	s31 =	sld [smem:$0x7EF];
	s15 =	spop (v2sf);
	s30 =	sadd.s32 s8, s11  }
0x3ad: {  	[tilespmem:s29], [sflag:$0x2] =	stream.linear.gather [hbm4b:s30+s2], $0x80, $0x38;
	[tilespmem:$0x3100] =	vst v63  }
0x3ae: {  	s16 =	sld [smem:$0x7F0];
	(v2sf) =	vpush v0, $0xD;
	s1 =	sand.u32 $0x1FFFFFF0, s15;
	s11 =	sadd.s32 s9, s11  }
0x3af: {  	[tilespmem:s31], [sflag:$0x2] =	stream.linear.gather [hbm4b:s11+s2], $0x80, $0x38;
	[tilespmem:$0x3100] =	vst v63  }
0x3b0: {  	s18 =	sld [smem:$0x7F1];
	s19 =	spop (v2sf);
	s17 =	sadd.s32 s8, s1  }
0x3b1: {  	[tilespmem:s16], [sflag:$0x2] =	stream.linear.gather [hbm4b:s17+s2], $0x80, $0x38;
	[tilespmem:$0x3100] =	vst v63  }
0x3b2: {  	s20 =	sld [smem:$0x7F2];
	(v2sf) =	vpush v0, $0xE;
	s1 =	sadd.s32 s9, s1;
	s11 =	sand.u32 $0x1FFFFFF0, s19  }
0x3b3: {  	[tilespmem:s18], [sflag:$0x2] =	stream.linear.gather [hbm4b:s1+s2], $0x80, $0x38;
	[tilespmem:$0x3100] =	vst v63  }
0x3b4: {  	s22 =	sld [smem:$0x7F3];
	s21 =	sadd.s32 s8, s11  }
0x3b5: {  	[tilespmem:s20], [sflag:$0x2] =	stream.linear.gather [hbm4b:s21+s2], $0x80, $0x38;
	[tilespmem:$0x3100] =	vst v63  }
0x3b6: {  	s24 =	sld [smem:$0x7F4];
	s23 =	spop (v2sf);
	s11 =	sadd.s32 s9, s11  }
0x3b7: {  	[tilespmem:s22], [sflag:$0x2] =	stream.linear.gather [hbm4b:s11+s2], $0x80, $0x38;
	[tilespmem:$0x3100] =	vst v63  }
0x3b8: {  	s1 =	sand.u32 $0x1FFFFFF0, s23;
	s28 =	spop (v2sf);
	(v2sf) =	vpush v0, $0xF  }
0x3b9: {  	s26 =	sld [smem:$0x7F5];
	s25 =	sadd.s32 s8, s1  }
0x3ba: {  	[tilespmem:s24], [sflag:$0x2] =	stream.linear.gather [hbm4b:s25+s2], $0x80, $0x38;
	[tilespmem:$0x3100] =	vst v63  }
0x3bb: {  	s29 =	sld [smem:$0x7F6];
	s1 =	sadd.s32 s9, s1;
	s11 =	sand.u32 $0x1FFFFFF0, s28  }
0x3bc: {  	[tilespmem:s26], [sflag:$0x2] =	stream.linear.gather [hbm4b:s1+s2], $0x80, $0x38;
	[tilespmem:$0x3100] =	vst v63  }
0x3bd: {  	s31 =	sld [smem:$0x7F7];
	s15 =	spop (v2sf);
	s30 =	sadd.s32 s8, s11  }
0x3be: {  	[tilespmem:s29], [sflag:$0x2] =	stream.linear.gather [hbm4b:s30+s2], $0x80, $0x38;
	[tilespmem:$0x3100] =	vst v63  }
0x3bf: {  	s16 =	sld [smem:$0x7F8];
	s11 =	sadd.s32 s9, s11;
	s1 =	sand.u32 $0x1FFFFFF0, s15  }
0x3c0: {  	[tilespmem:s31], [sflag:$0x2] =	stream.linear.gather [hbm4b:s11+s2], $0x80, $0x38;
	[tilespmem:$0x3100] =	vst v63  }
0x3c1: {  	s18 =	sld [smem:$0x7F9];
	s19 =	spop (v2sf);
	s17 =	sadd.s32 s8, s1  }
0x3c2: {  	[tilespmem:s16], [sflag:$0x2] =	stream.linear.gather [hbm4b:s17+s2], $0x80, $0x38;
	[tilespmem:$0x3100] =	vst v63  }
0x3c3: {  	s20 =	sld [smem:$0x7FA];
	s1 =	sadd.s32 s9, s1;
	s11 =	sand.u32 $0x1FFFFFF0, s19  }
0x3c4: {  	[tilespmem:s18], [sflag:$0x2] =	stream.linear.gather [hbm4b:s1+s2], $0x80, $0x38;
	[tilespmem:$0x3100] =	vst v63  }
0x3c5: {  	s22 =	sld [smem:$0x7FB];
	s21 =	sadd.s32 s8, s11  }
0x3c6: {  	[tilespmem:s20], [sflag:$0x2] =	stream.linear.gather [hbm4b:s21+s2], $0x80, $0x38;
	[tilespmem:$0x3100] =	vst v63  }
0x3c7: {  	s25 =	sld [smem:$0x7FC];
	s23 =	sadd.s32 s9, s11;
	s24 =	spop (v2sf)  }
0x3c8: {  	[tilespmem:s22], [sflag:$0x2] =	stream.linear.gather [hbm4b:s23+s2], $0x80, $0x38;
	[tilespmem:$0x3100] =	vst v63  }
0x3c9: {  	s1 =	sand.u32 $0x1FFFFFF0, s24  }
0x3ca: {  	s28 =	sld [smem:$0x7FD];
	s26 =	sadd.s32 s8, s1  }
0x3cb: {  	[tilespmem:s25], [sflag:$0x2] =	stream.linear.gather [hbm4b:s26+s2], $0x80, $0x38;
	[tilespmem:$0x3100] =	vst v63  }
0x3cc: {  	s1 =	sadd.s32 s9, s1  }
0x3cd: {  	[tilespmem:s28], [sflag:$0x2] =	stream.linear.gather [hbm4b:s1+s2], $0x80, $0x38;
	[tilespmem:$0x3100] =	vst v63  }
0x3ce: {  	_ =	swait.ge [sflag:s10], $0x1000  }
0x3cf: {  	[sflag:s10] =	ssyncset.done $0x0  }
0x3d0: {  	[sflag:s10] =	ssyncadd.s32 $0xFFFFF000  }
0x3d1: {  	_ =	swait.ge [sflag:s7], $0x80  }
0x3d2: {  	[sflag:s7] =	ssyncset.done $0x0  }
0x3d3: {  	[sflag:s7] =	ssyncadd.s32 $0xFFFFFF80  }
0x3d4: {  	_ =	swait.ge [sflag:s7], $0x80  }
0x3d5: {  	[sflag:s7] =	ssyncset.done $0x0  }
0x3d6: {  	[sflag:s7] =	ssyncadd.s32 $0xFFFFFF80  }
0x3d7: {  	_ =	swait.ge [sflag:s7], $0x80  }
0x3d8: {  	[sflag:s7] =	ssyncset.done $0x0  }
0x3d9: {  	[sflag:s7] =	ssyncadd.s32 $0xFFFFFF80  }
0x3da: {  	_ =	swait.ge [sflag:s7], $0x80  }
0x3db: {  	[sflag:s7] =	ssyncset.done $0x0  }
0x3dc: {  	[sflag:s7] =	ssyncadd.s32 $0xFFFFFF80  }
0x3dd: {  	_ =	swait.ge [sflag:s7], $0x80  }
0x3de: {  	[sflag:s7] =	ssyncset.done $0x0  }
0x3df: {  	[sflag:s7] =	ssyncadd.s32 $0xFFFFFF80  }
0x3e0: {  	_ =	swait.ge [sflag:s7], $0x80  }
0x3e1: {  	[sflag:s7] =	ssyncset.done $0x0  }
0x3e2: {  	[sflag:s7] =	ssyncadd.s32 $0xFFFFFF80  }
0x3e3: {  	_ =	swait.ge [sflag:s7], $0x80  }
0x3e4: {  	[sflag:s7] =	ssyncset.done $0x0  }
0x3e5: {  	[sflag:s7] =	ssyncadd.s32 $0xFFFFFF80  }
0x3e6: {  	_ =	swait.ge [sflag:s7], $0x80  }
0x3e7: {  	[sflag:s7] =	ssyncset.done $0x0  }
0x3e8: {  	[sflag:s7] =	ssyncadd.s32 $0xFFFFFF80  }
0x3e9: {  	_ =	swait.ge [sflag:s7], $0x80  }
0x3ea: {  	[sflag:s7] =	ssyncset.done $0x0  }
0x3eb: {  	[sflag:s7] =	ssyncadd.s32 $0xFFFFFF80  }
0x3ec: {  	_ =	swait.ge [sflag:s7], $0x80  }
0x3ed: {  	[sflag:s7] =	ssyncset.done $0x0  }
0x3ee: {  	[sflag:s7] =	ssyncadd.s32 $0xFFFFFF80  }
0x3ef: {  	_ =	swait.ge [sflag:s7], $0x80  }
0x3f0: {  	[sflag:s7] =	ssyncset.done $0x0  }
0x3f1: {  	[sflag:s7] =	ssyncadd.s32 $0xFFFFFF80  }
0x3f2: {  	_ =	swait.ge [sflag:s7], $0x80  }
0x3f3: {  	[sflag:s7] =	ssyncset.done $0x0  }
0x3f4: {  	[sflag:s7] =	ssyncadd.s32 $0xFFFFFF80  }
0x3f5: {  	_ =	swait.ge [sflag:s7], $0x80  }
0x3f6: {  	[sflag:s7] =	ssyncset.done $0x0  }
0x3f7: {  	[sflag:s7] =	ssyncadd.s32 $0xFFFFFF80  }
0x3f8: {  	_ =	swait.ge [sflag:s7], $0x80  }
0x3f9: {  	[sflag:s7] =	ssyncset.done $0x0  }
0x3fa: {  	[sflag:s7] =	ssyncadd.s32 $0xFFFFFF80  }
0x3fb: {  	_ =	swait.ge [sflag:s7], $0x80  }
0x3fc: {  	[sflag:s7] =	ssyncset.done $0x0  }
0x3fd: {  	[sflag:s7] =	ssyncadd.s32 $0xFFFFFF80  }
0x3fe: {  	_ =	swait.ge [sflag:s7], $0x80  }
0x3ff: {  	[sflag:s7] =	ssyncset.done $0x0  }
0x400: {  	[sflag:s7] =	ssyncadd.s32 $0xFFFFFF80  }
0x401: {  	_ =	swait.ge [sflag:s7], $0x80  }
0x402: {  	[sflag:s7] =	ssyncset.done $0x0  }
0x403: {  	[sflag:s7] =	ssyncadd.s32 $0xFFFFFF80  }
0x404: {  	_ =	swait.ge [sflag:s7], $0x80  }
0x405: {  	[sflag:s7] =	ssyncset.done $0x0  }
0x406: {  	[sflag:s7] =	ssyncadd.s32 $0xFFFFFF80  }
0x407: {  	_ =	swait.ge [sflag:s7], $0x80  }
0x408: {  	[sflag:s7] =	ssyncset.done $0x0  }
0x409: {  	[sflag:s7] =	ssyncadd.s32 $0xFFFFFF80  }
0x40a: {  	_ =	swait.ge [sflag:s7], $0x80  }
0x40b: {  	[sflag:s7] =	ssyncset.done $0x0  }
0x40c: {  	[sflag:s7] =	ssyncadd.s32 $0xFFFFFF80  }
0x40d: {  	_ =	swait.ge [sflag:s7], $0x80  }
0x40e: {  	[sflag:s7] =	ssyncset.done $0x0  }
0x40f: {  	[sflag:s7] =	ssyncadd.s32 $0xFFFFFF80  }
0x410: {  	_ =	swait.ge [sflag:s7], $0x80  }
0x411: {  	[sflag:s7] =	ssyncset.done $0x0  }
0x412: {  	[sflag:s7] =	ssyncadd.s32 $0xFFFFFF80  }
0x413: {  	_ =	swait.ge [sflag:s7], $0x80  }
0x414: {  	[sflag:s7] =	ssyncset.done $0x0  }
0x415: {  	[sflag:s7] =	ssyncadd.s32 $0xFFFFFF80  }
0x416: {  	_ =	swait.ge [sflag:s7], $0x80  }
0x417: {  	[sflag:s7] =	ssyncset.done $0x0  }
0x418: {  	[sflag:s7] =	ssyncadd.s32 $0xFFFFFF80  }
0x419: {  	_ =	swait.ge [sflag:s7], $0x80  }
0x41a: {  	[sflag:s7] =	ssyncset.done $0x0  }
0x41b: {  	[sflag:s7] =	ssyncadd.s32 $0xFFFFFF80  }
0x41c: {  	_ =	swait.ge [sflag:s7], $0x80  }
0x41d: {  	[sflag:s7] =	ssyncset.done $0x0  }
0x41e: {  	[sflag:s7] =	ssyncadd.s32 $0xFFFFFF80  }
0x41f: {  	_ =	swait.ge [sflag:s7], $0x80  }
0x420: {  	[sflag:s7] =	ssyncset.done $0x0  }
0x421: {  	[sflag:s7] =	ssyncadd.s32 $0xFFFFFF80  }
0x422: {  	_ =	swait.ge [sflag:s7], $0x80  }
0x423: {  	[sflag:s7] =	ssyncset.done $0x0  }
0x424: {  	[sflag:s7] =	ssyncadd.s32 $0xFFFFFF80  }
0x425: {  	_ =	swait.ge [sflag:s7], $0x80  }
0x426: {  	[sflag:s7] =	ssyncset.done $0x0  }
0x427: {  	[sflag:s7] =	ssyncadd.s32 $0xFFFFFF80  }
0x428: {  	_ =	swait.ge [sflag:s7], $0x80  }
0x429: {  	[sflag:s7] =	ssyncset.done $0x0  }
0x42a: {  	[sflag:s7] =	ssyncadd.s32 $0xFFFFFF80  }
0x42b: {  	_ =	swait.ge [sflag:s7], $0x80  }
0x42c: {  	[sflag:s7] =	ssyncset.done $0x0  }
0x42d: {  	[sflag:s7] =	ssyncadd.s32 $0xFFFFFF80  }
0x42e: {  	_ =	swait.ge [sflag:s7], $0x80  }
0x42f: {  	[sflag:s7] =	ssyncset.done $0x0  }
0x430: {  	[sflag:s7] =	ssyncadd.s32 $0xFFFFFF80  }
0x431: {  	_ =	swait.ge [sflag:s7], $0x80  }
0x432: {  	[sflag:s7] =	ssyncset.done $0x0  }
0x433: {  	[sflag:s7] =	ssyncadd.s32 $0xFFFFFF80  }
0x434: {  	_ =	swait.ge [sflag:s7], $0x80  }
0x435: {  	[sflag:s7] =	ssyncset.done $0x0  }
0x436: {  	[sflag:s7] =	ssyncadd.s32 $0xFFFFFF80  }
0x437: {  	_ =	swait.ge [sflag:s7], $0x80  }
0x438: {  	[sflag:s7] =	ssyncset.done $0x0  }
0x439: {  	[sflag:s7] =	ssyncadd.s32 $0xFFFFFF80  }
0x43a: {  	_ =	swait.ge [sflag:s7], $0x80  }
0x43b: {  	[sflag:s7] =	ssyncset.done $0x0  }
0x43c: {  	[sflag:s7] =	ssyncadd.s32 $0xFFFFFF80  }
0x43d: {  	_ =	swait.ge [sflag:s7], $0x80  }
0x43e: {  	[sflag:s7] =	ssyncset.done $0x0  }
0x43f: {  	[sflag:s7] =	ssyncadd.s32 $0xFFFFFF80  }
0x440: {  	_ =	swait.ge [sflag:s7], $0x80  }
0x441: {  	[sflag:s7] =	ssyncset.done $0x0  }
0x442: {  	[sflag:s7] =	ssyncadd.s32 $0xFFFFFF80  }
0x443: {  	_ =	swait.ge [sflag:s7], $0x80  }
0x444: {  	[sflag:s7] =	ssyncset.done $0x0  }
0x445: {  	[sflag:s7] =	ssyncadd.s32 $0xFFFFFF80  }
0x446: {  	_ =	swait.ge [sflag:s7], $0x80  }
0x447: {  	[sflag:s7] =	ssyncset.done $0x0  }
0x448: {  	[sflag:s7] =	ssyncadd.s32 $0xFFFFFF80  }
0x449: {  	_ =	swait.ge [sflag:s7], $0x80  }
0x44a: {  	[sflag:s7] =	ssyncset.done $0x0  }
0x44b: {  	[sflag:s7] =	ssyncadd.s32 $0xFFFFFF80  }
0x44c: {  	_ =	swait.ge [sflag:s7], $0x80  }
0x44d: {  	[sflag:s7] =	ssyncset.done $0x0  }
0x44e: {  	[sflag:s7] =	ssyncadd.s32 $0xFFFFFF80  }
0x44f: {  	_ =	swait.ge [sflag:s7], $0x80  }
0x450: {  	[sflag:s7] =	ssyncset.done $0x0  }
0x451: {  	[sflag:s7] =	ssyncadd.s32 $0xFFFFFF80  }
0x452: {  	_ =	swait.ge [sflag:s7], $0x80  }
0x453: {  	[sflag:s7] =	ssyncset.done $0x0  }
0x454: {  	[sflag:s7] =	ssyncadd.s32 $0xFFFFFF80  }
0x455: {  	_ =	swait.ge [sflag:s7], $0x80  }
0x456: {  	[sflag:s7] =	ssyncset.done $0x0  }
0x457: {  	[sflag:s7] =	ssyncadd.s32 $0xFFFFFF80  }
0x458: {  	_ =	swait.ge [sflag:s7], $0x80  }
0x459: {  	[sflag:s7] =	ssyncset.done $0x0  }
0x45a: {  	[sflag:s7] =	ssyncadd.s32 $0xFFFFFF80  }
0x45b: {  	_ =	swait.ge [sflag:s7], $0x80  }
0x45c: {  	[sflag:s7] =	ssyncset.done $0x0  }
0x45d: {  	[sflag:s7] =	ssyncadd.s32 $0xFFFFFF80  }
0x45e: {  	_ =	swait.ge [sflag:s7], $0x80  }
0x45f: {  	[sflag:s7] =	ssyncset.done $0x0  }
0x460: {  	[sflag:s7] =	ssyncadd.s32 $0xFFFFFF80  }
0x461: {  	_ =	swait.ge [sflag:s7], $0x80  }
0x462: {  	[sflag:s7] =	ssyncset.done $0x0  }
0x463: {  	[sflag:s7] =	ssyncadd.s32 $0xFFFFFF80  }
0x464: {  	_ =	swait.ge [sflag:s7], $0x80  }
0x465: {  	[sflag:s7] =	ssyncset.done $0x0  }
0x466: {  	[sflag:s7] =	ssyncadd.s32 $0xFFFFFF80  }
0x467: {  	_ =	swait.ge [sflag:s7], $0x80  }
0x468: {  	[sflag:s7] =	ssyncset.done $0x0  }
0x469: {  	[sflag:s7] =	ssyncadd.s32 $0xFFFFFF80  }
0x46a: {  	_ =	swait.ge [sflag:s7], $0x80  }
0x46b: {  	[sflag:s7] =	ssyncset.done $0x0  }
0x46c: {  	[sflag:s7] =	ssyncadd.s32 $0xFFFFFF80  }
0x46d: {  	_ =	swait.ge [sflag:s7], $0x80  }
0x46e: {  	[sflag:s7] =	ssyncset.done $0x0  }
0x46f: {  	[sflag:s7] =	ssyncadd.s32 $0xFFFFFF80  }
0x470: {  	_ =	swait.ge [sflag:s7], $0x80  }
0x471: {  	[sflag:s7] =	ssyncset.done $0x0  }
0x472: {  	[sflag:s7] =	ssyncadd.s32 $0xFFFFFF80  }
0x473: {  	_ =	swait.ge [sflag:s7], $0x80  }
0x474: {  	[sflag:s7] =	ssyncset.done $0x0  }
0x475: {  	[sflag:s7] =	ssyncadd.s32 $0xFFFFFF80  }
0x476: {  	_ =	swait.ge [sflag:s7], $0x80  }
0x477: {  	[sflag:s7] =	ssyncset.done $0x0  }
0x478: {  	[sflag:s7] =	ssyncadd.s32 $0xFFFFFF80  }
0x479: {  	_ =	swait.ge [sflag:s7], $0x80  }
0x47a: {  	[sflag:s7] =	ssyncset.done $0x0  }
0x47b: {  	[sflag:s7] =	ssyncadd.s32 $0xFFFFFF80  }
0x47c: {  	_ =	swait.ge [sflag:s7], $0x80  }
0x47d: {  	[sflag:s7] =	ssyncset.done $0x0  }
0x47e: {  	[sflag:s7] =	ssyncadd.s32 $0xFFFFFF80  }
0x47f: {  	_ =	swait.ge [sflag:s7], $0x80  }
0x480: {  	[sflag:s7] =	ssyncset.done $0x0  }
0x481: {  	[sflag:s7] =	ssyncadd.s32 $0xFFFFFF80  }
0x482: {  	_ =	swait.ge [sflag:s7], $0x80  }
0x483: {  	[sflag:s7] =	ssyncset.done $0x0  }
0x484: {  	[sflag:s7] =	ssyncadd.s32 $0xFFFFFF80  }
0x485: {  	_ =	swait.ge [sflag:s7], $0x80  }
0x486: {  	[sflag:s7] =	ssyncset.done $0x0  }
0x487: {  	[sflag:s7] =	ssyncadd.s32 $0xFFFFFF80  }
0x488: {  	_ =	swait.ge [sflag:s7], $0x80  }
0x489: {  	[sflag:s7] =	ssyncset.done $0x0  }
0x48a: {  	[sflag:s7] =	ssyncadd.s32 $0xFFFFFF80  }
0x48b: {  	_ =	swait.ge [sflag:s7], $0x80  }
0x48c: {  	[sflag:s7] =	ssyncset.done $0x0  }
0x48d: {  	[sflag:s7] =	ssyncadd.s32 $0xFFFFFF80  }
0x48e: {  	_ =	swait.ge [sflag:s7], $0x80  }
0x48f: {  	[sflag:s7] =	ssyncset.done $0x0  }
0x490: {  	s29 =	rddreg [dreg:$0x7];
	[sflag:s7] =	ssyncadd.s32 $0xFFFFFF80  }
0x491: {  	[hbm4b:s29+s2] =	stream.linear.scatter [tilespmem:s6], [sflag:$0x3], $0x1000, $0x38;
	[tilespmem:$0x3100] =	vst v63  }
0x492: {  	_ =	swait.ge [sflag:s3], $0x1000  }
0x493: {  	[sflag:s3] =	ssyncset.done $0x0  }
0x494: {  	s30 =	rddreg [dreg:$0x8];
	[sflag:s3] =	ssyncadd.s32 $0xFFFFF000  }
0x495: {  	[hbm4b:s30+s2] =	stream.linear.scatter [tilespmem:s4], [sflag:$0x3], $0x1000, $0x38;
	[tilespmem:$0x3100] =	vst v63  }
0x496: {  	_ =	swait.ge [sflag:s3], $0x1000  }
0x497: {  	[sflag:s3] =	ssyncset.done $0x0  }
0x498: {  	s31 =	rddreg [dreg:$0x9];
	[sflag:s3] =	ssyncadd.s32 $0xFFFFF000  }
0x499: {  	[hbm4b:s31+s2] =	stream.linear.scatter [tilespmem:s5], [sflag:$0x3], $0x1000, $0x38;
	[tilespmem:$0x3100] =	vst v63  }
0x49a: {  	_ =	swait.ge [sflag:s3], $0x1000  }
0x49b: {  	[sflag:s3] =	ssyncset.done $0x0  }
0x49c: {  	[sflag:s3] =	ssyncadd.s32 $0xFFFFF000  }
0x49d: {  	_ =	sfence.sel $0x180000  }
0x49e: {  	[bflag:$0x0] =	sbarrier.arrive $0xFFFF  }
0x49f: {  	p0 =	sne.s32 s0, $0x0;
	_ =	strace $0x90000047  }
0x4a0: {  	s0 =	sadd.s32 @!p0 $0x100000, s14;
	[bflag:$0x2] =	sbarrier.arrive $0xFFFF  }
0x4a1: {  	[sflag:s0] =	ssyncadd.tile.s32 @!p0 $0x1;
	_ =	shalt  }
.LBB2_2:
.Ltmp3:
0x4a2: {  	(pc) =	sbr.rel .LBB2_5-.Ltmp3, $2  }
0x4a3: {  	_ =	sdelay $0x2  }
0x4a4: {  	s14 =	rddreg [dreg:$0x4]  }
.Lfunc_end2:
_tile_overlayer_lowered:
.L_overlay_start_2:
0x4a5: {  	(tag) =	ssettag $0x2  }
0x4a6: {  	s0 =	rddreg [dreg:$0x0];
	s2 =	stileid.u32  }
0x4a7: {  	s1 =	rddreg [dreg:$0x1];
	p0 =	sne.s32 s2, $0x0  }
0x4a8: {  	s3 =	rddreg [dreg:$0x2];
	[bflag:$0x3] =	sbarrier.arrive $0xFFFF;
	s2 =	simm.s32 @!p0 $0x1C03  }
0x4a9: {  	[timem:s3], [sflag:s2] =	dma.local @!p0 [hbm:s0], s1  }
0x4aa: {  	s0 =	simm.s32 @!p0 $0x3  }
0x4ab: {  	_ =	swait.ge @!p0 [sflag:s0], s1  }
0x4ac: {  	s1 =	ssub.s32 @!p0 $0x0, s1;
	[sflag:s0] =	ssyncset.done @!p0 $0x0  }
0x4ad: {  	[sflag:s0] =	ssyncadd.s32 @!p0 s1  }
0x4ae: {  	[bflag:$0x3] =	sbarrier.arrive $0xFFFF  }
0x4af: {  	_ =	shalt  }

</sc_bundles>
